<compile_context>
chip_gen: v7x
topology: tpu7x:2x2x1
jax: 0.10.2.dev20260603
libtpu: 0.0.44.dev20260713+nightly
codegen_flags: <defaults>
</compile_context>

<pallas_src>
import jax
import jax.numpy as jnp
from jax import lax
from jax.experimental import pallas as pl
from jax.experimental.pallas import tpu as pltpu
from jax.experimental.pallas import tpu_sc as plsc

N = 50000
D = 64
HALF = 32
E = 800000
NS = 16
CS = 128
NB = 3
CH = E // CS
GF = 130
G = GF + 1
NTAIL = CH - NS * GF * NB
ACC_ROWS = N
RPT = 3128
RPT_LAST = N - 15 * RPT

NROW4 = N // 4
NP4 = 12800
NPAD = NP4 * 4
BNP = 800
NBLK4 = NP4 // BNP


def _tc_body(x4_ref, w4_ref, b4_ref, out_ref):
    y = jnp.dot(x4_ref[...], w4_ref[...], preferred_element_type=jnp.float32)
    y = y + b4_ref[...]
    for k in range(out_ref.shape[0]):
        out_ref[k] = y[:, k * 128:(k + 1) * 128]


def _tc_transform(x, mats, bias):
    T = len(mats)
    K = 2 * T
    Wr = jnp.stack(mats).reshape(T, D, 2, HALF)
    eye4 = jnp.eye(4, dtype=jnp.float32)
    w4 = jnp.einsum('jJ,tkhc->jkthJc', eye4, Wr).reshape(4 * D, T * 4 * D)
    bz = jnp.zeros((T, D), jnp.float32).at[0].set(bias)
    b4 = jnp.broadcast_to(bz.reshape(T, 2, 1, HALF),
                          (T, 2, 4, HALF)).reshape(1, T * 4 * D)
    x4 = jnp.pad(x.reshape(NROW4, 4 * D), ((0, NP4 - NROW4), (0, 0)))
    out = pl.pallas_call(
        _tc_body,
        grid=(NBLK4,),
        in_specs=[
            pl.BlockSpec((BNP, 4 * D), lambda n: (n, 0)),
            pl.BlockSpec((4 * D, K * 128), lambda n: (0, 0)),
            pl.BlockSpec((1, K * 128), lambda n: (0, 0)),
        ],
        out_specs=pl.BlockSpec((K, BNP, 128), lambda n: (0, n, 0)),
        out_shape=jax.ShapeDtypeStruct((K, NP4, 128), jnp.float32),
    )(x4, w4, b4)
    return out.reshape(K, NPAD, HALF)


def _sc_phase(acc, idx_s, idx_d, rows, isem, gsem, ssem,
              init_tab, rels, out_hbm, c, s):
    row0 = s * RPT
    chunk0 = s * (GF * NB) + jnp.minimum(s, NTAIL)
    has_tail = s < NTAIL

    def live_group(g):
        return jnp.logical_or(g < GF, jnp.logical_and(g == GF, has_tail))

    def dispatch(g, fn):
        @pl.when(g < GF)
        def _():
            fn(NB)

        @pl.when(jnp.logical_and(g == GF, has_tail))
        def _():
            fn(1)

    def stripe_copy(src_of, dst_of):
        @pl.when(s < NS - 1)
        def _():
            pltpu.sync_copy(src_of(row0, RPT), dst_of(row0, RPT))

        @pl.when(s == NS - 1)
        def _():
            pltpu.sync_copy(src_of(row0, RPT_LAST), dst_of(row0, RPT_LAST))

    def run_relation(e2d, ytab):
        dst1d = e2d.at[0]
        src1d = e2d.at[1]

        def fire_idx(g):
            slot = lax.rem(g, 3)
            r0 = (chunk0 + g * NB) * CS
            pltpu.async_copy(src1d.at[pl.ds(r0, NB * CS)], idx_s.at[slot],
                             isem)
            pltpu.async_copy(dst1d.at[pl.ds(r0, NB * CS)], idx_d.at[slot],
                             isem)

        def wait_idx(g):
            slot = lax.rem(g, 3)
            r0 = (chunk0 + g * NB) * CS
            pltpu.make_async_copy(src1d.at[pl.ds(r0, NB * CS)],
                                  idx_s.at[slot], isem).wait()
            pltpu.make_async_copy(dst1d.at[pl.ds(r0, NB * CS)],
                                  idx_d.at[slot], isem).wait()

        def fire_gather(g, nb):
            islot = lax.rem(g, 3)
            rslot = lax.rem(g, 2)
            for b in range(nb):
                pltpu.async_copy(ytab.at[idx_s.at[islot, pl.ds(b * CS, CS)]],
                                 rows.at[rslot, b], gsem)

        def drain_gather_fire_scatter(g, nb):
            islot = lax.rem(g, 3)
            rslot = lax.rem(g, 2)
            for b in range(nb):
                pltpu.make_async_copy(
                    ytab.at[idx_s.at[islot, pl.ds(b * CS, CS)]],
                    rows.at[rslot, b], gsem).wait()
            for b in range(nb):
                pltpu.async_copy(
                    rows.at[rslot, b],
                    acc.at[idx_d.at[islot, pl.ds(b * CS, CS)]],
                    ssem, add=True)

        def drain_scatter(g, nb):
            islot = lax.rem(g, 3)
            rslot = lax.rem(g, 2)
            for b in range(nb):
                pltpu.make_async_copy(
                    rows.at[rslot, b],
                    acc.at[idx_d.at[islot, pl.ds(b * CS, CS)]], ssem).wait()

        fire_idx(0)

        def body(g, carry):
            @pl.when(g >= 2)
            def _():
                dispatch(g - 2, lambda nb: drain_scatter(g - 2, nb))

            @pl.when(live_group(g))
            def _():
                wait_idx(g)

                @pl.when(live_group(g + 1))
                def _():
                    fire_idx(g + 1)

                dispatch(g, lambda nb: fire_gather(g, nb))

            @pl.when(g >= 1)
            def _():
                dispatch(g - 1,
                         lambda nb: drain_gather_fire_scatter(g - 1, nb))

            return carry

        lax.fori_loop(0, G + 1, body, 0)
        dispatch(G - 1, lambda nb: drain_scatter(G - 1, nb))

    stripe_copy(lambda r, n: init_tab.at[pl.ds(r, n)],
                lambda r, n: acc.at[pl.ds(r, n)])
    plsc.subcore_barrier()
    for e3d, ytab in rels:
        run_relation(e3d, ytab)
    plsc.subcore_barrier()
    stripe_copy(lambda r, n: acc.at[pl.ds(r, n)],
                lambda r, n: out_hbm.at[pl.ds(r, n), pl.ds(c * HALF, HALF)])


def _sc_car_body(ycar, yu, e_cu, out_c, *scratch):
    c = lax.axis_index("c")
    s = lax.axis_index("s")
    _sc_phase(*scratch, ycar.at[c], [(e_cu, yu.at[2 + c])], out_c, c, s)


def _sc_uav_poi_body(yu, ycar, ypoi, e_uc, e_up, e_pu,
                     out_u, out_p, *scratch):
    c = lax.axis_index("c")
    s = lax.axis_index("s")
    _sc_phase(*scratch, yu.at[c],
              [(e_uc, ycar.at[2 + c]), (e_up, ypoi.at[2 + c])], out_u, c, s)
    _sc_phase(*scratch, ypoi.at[c], [(e_pu, yu.at[4 + c])], out_p, c, s)


_sds = jax.ShapeDtypeStruct
_SC_COMMON = dict(
    mesh=plsc.VectorSubcoreMesh(core_axis_name="c", subcore_axis_name="s"),
    compiler_params=pltpu.CompilerParams(use_tc_tiling_on_sc=False),
    scratch_types=[
        pltpu.VMEM_SHARED((ACC_ROWS, HALF), jnp.float32),
        pltpu.VMEM((3, NB * CS), jnp.int32),
        pltpu.VMEM((3, NB * CS), jnp.int32),
        pltpu.VMEM((2, NB, CS, HALF), jnp.float32),
        pltpu.SemaphoreType.DMA,
        pltpu.SemaphoreType.DMA,
        pltpu.SemaphoreType.DMA,
    ],
)

_sc_car = pl.kernel(_sc_car_body,
                    out_type=_sds((N, D), jnp.float32), **_SC_COMMON)
_sc_uav_poi = pl.kernel(_sc_uav_poi_body,
                        out_type=(_sds((N, D), jnp.float32),
                                  _sds((N, D), jnp.float32)), **_SC_COMMON)


def kernel(x_uav, x_carrier, x_poi,
           edge_uav_carrier, edge_uav_poi, edge_carrier_uav, edge_poi_uav,
           w_self_uav, W_uav_carrier, W_uav_poi,
           w_self_carrier, W_carrier_uav,
           w_self_poi, W_poi_uav,
           b_uav, b_carrier, b_poi):
    yu = _tc_transform(x_uav,
                       [w_self_uav / 3.0, W_carrier_uav / 2.0,
                        W_poi_uav / 2.0], b_uav.reshape(D))
    ycar = _tc_transform(x_carrier,
                         [w_self_carrier / 2.0, W_uav_carrier / 3.0],
                         b_carrier.reshape(D))
    out_car = _sc_car(ycar, yu, edge_carrier_uav)
    ypoi = _tc_transform(x_poi,
                         [w_self_poi / 2.0, W_uav_poi / 3.0],
                         b_poi.reshape(D))
    out_uav, out_poi = _sc_uav_poi(yu, ycar, ypoi, edge_uav_carrier,
                                   edge_uav_poi, edge_poi_uav)
    return out_uav, out_car, out_poi

# --- scband reference (transcript-rebuilt; emitter-appended) ---
"""Pipeline reference for scband-hete-gcnlayer-90005334655901 (READ-ONLY COPY).

The authoritative reference and input builder live on the scoring server;
editing this copy changes nothing except your own understanding.
"""

import jax, jax.numpy as jnp
import numpy as np

N_UAV = 50000
N_CAR = 50000
N_POI = 50000
D = 64
E = 800000


def setup_inputs(seed: int = 0) -> dict:
    key = jax.random.key(seed)
    ks = jax.random.split(key, 18)
    inp = {}
    inp['x_uav'] = jax.random.normal(ks[0], (N_UAV, D), dtype=jnp.float32)
    inp['x_carrier'] = jax.random.normal(ks[1], (N_CAR, D), dtype=jnp.float32)
    inp['x_poi'] = jax.random.normal(ks[2], (N_POI, D), dtype=jnp.float32)
    inp['edge_uav_carrier'] = jax.random.randint(ks[3], (2, E), 0, N_CAR, dtype=jnp.int64 if jax.config.jax_enable_x64 else jnp.int32).astype(jnp.int32)
    inp['edge_uav_poi'] = jax.random.randint(ks[4], (2, E), 0, N_POI, dtype=jnp.int32)
    inp['edge_carrier_uav'] = jax.random.randint(ks[5], (2, E), 0, N_UAV, dtype=jnp.int32)
    inp['edge_poi_uav'] = jax.random.randint(ks[6], (2, E), 0, N_UAV, dtype=jnp.int32)
    # learned parameters (xavier-ish init)
    s = float(np.sqrt(2.0 / (D + D)))
    inp['w_self_uav'] = jax.random.normal(ks[7], (D, D), dtype=jnp.float32) * s
    inp['W_uav_carrier'] = jax.random.normal(ks[8], (D, D), dtype=jnp.float32) * s
    inp['W_uav_poi'] = jax.random.normal(ks[9], (D, D), dtype=jnp.float32) * s
    inp['w_self_carrier'] = jax.random.normal(ks[10], (D, D), dtype=jnp.float32) * s
    inp['W_carrier_uav'] = jax.random.normal(ks[11], (D, D), dtype=jnp.float32) * s
    inp['w_self_poi'] = jax.random.normal(ks[12], (D, D), dtype=jnp.float32) * s
    inp['W_poi_uav'] = jax.random.normal(ks[13], (D, D), dtype=jnp.float32) * s
    inp['b_uav'] = jnp.zeros((1, D), dtype=jnp.float32)
    inp['b_carrier'] = jnp.zeros((1, D), dtype=jnp.float32)
    inp['b_poi'] = jnp.zeros((1, D), dtype=jnp.float32)
    return inp


def _rel_agg(x_src, W, edge, n_dst):
    # transform neighbor-type features, gather by src index, scatter-add into dst nodes
    msg = (x_src @ W)[edge[1]]
    return jax.ops.segment_sum(msg, edge[0], num_segments=n_dst)


def reference(x_uav, x_carrier, x_poi,
              edge_uav_carrier, edge_uav_poi, edge_carrier_uav, edge_poi_uav,
              w_self_uav, W_uav_carrier, W_uav_poi,
              w_self_carrier, W_carrier_uav,
              w_self_poi, W_poi_uav,
              b_uav, b_carrier, b_poi):
    # HeteGCNLayer: per node type, self-transform + per-neighbor-type relational
    # aggregation (spmm == gather + segment_sum), fused by mean, plus bias.
    # uav aggregates from carrier and poi
    self_uav = x_uav @ w_self_uav
    nb_uc = _rel_agg(x_carrier, W_uav_carrier, edge_uav_carrier, N_UAV)
    nb_up = _rel_agg(x_poi, W_uav_poi, edge_uav_poi, N_UAV)
    out_uav = (self_uav + nb_uc + nb_up) / 3.0 + b_uav
    # carrier aggregates from uav
    self_car = x_carrier @ w_self_carrier
    nb_cu = _rel_agg(x_uav, W_carrier_uav, edge_carrier_uav, N_CAR)
    out_car = (self_car + nb_cu) / 2.0 + b_carrier
    # poi aggregates from uav
    self_poi = x_poi @ w_self_poi
    nb_pu = _rel_agg(x_uav, W_poi_uav, edge_poi_uav, N_POI)
    out_poi = (self_poi + nb_pu) / 2.0 + b_poi
    return (out_uav, out_car, out_poi)

if __name__ == "__main__":
    import jax
    _d = setup_inputs()
    print(jax.jit(kernel)(*tuple(_d.values())))

</pallas_src>

<mosaic_0001>
#map = affine_map<(d0, d1) -> (0, 0, 0)>
#map1 = affine_map<(d0, d1) -> (0, 0)>
module attributes {stable_mosaic.version = 14 : i64} {
  func.func @_sc_uav_poi_body(%arg0: i32, %arg1: i32, %arg2: memref<6x51200x32xf32, #tpu.memory_space<hbm>>, %arg3: memref<4x51200x32xf32, #tpu.memory_space<hbm>>, %arg4: memref<4x51200x32xf32, #tpu.memory_space<hbm>>, %arg5: memref<2x800000xi32, #tpu.memory_space<hbm>>, %arg6: memref<2x800000xi32, #tpu.memory_space<hbm>>, %arg7: memref<2x800000xi32, #tpu.memory_space<hbm>>, %arg8: memref<50000x64xf32, #tpu.memory_space<hbm>>, %arg9: memref<50000x64xf32, #tpu.memory_space<hbm>>, %arg10: memref<50000x32xf32, #tpu.memory_space<vmem_shared>>, %arg11: memref<3x384xi32, #tpu.memory_space<vmem>>, %arg12: memref<3x384xi32, #tpu.memory_space<vmem>>, %arg13: memref<2x3x128x32xf32, #tpu.memory_space<vmem>>, %arg14: memref<!tpu.dma_semaphore, #tpu.memory_space<semaphore_mem>>, %arg15: memref<!tpu.dma_semaphore, #tpu.memory_space<semaphore_mem>>, %arg16: memref<!tpu.dma_semaphore, #tpu.memory_space<semaphore_mem>>) attributes {dimension_semantics = [#tpu.dimension_semantics<core_parallel>, #tpu.dimension_semantics<subcore_parallel>], iteration_bounds = array<i64: 2, 16>, scalar_prefetch = 0 : i64, scratch_operands = 7 : i64, tpu.core_type = #tpu.core_type<sc_vector_subcore>, window_params = [{transform_indices = #map}, {transform_indices = #map}, {transform_indices = #map}, {transform_indices = #map1}, {transform_indices = #map1}, {transform_indices = #map1}, {transform_indices = #map1}, {transform_indices = #map1}]} {
    %add3A = arith.constant 2 : i32
    %add3A_0 = arith.addi %add3A, %arg0 : i32
    %add3A_1 = arith.constant 2 : i32
    %add3A_2 = arith.addi %add3A_1, %arg0 : i32
    %mul3A = arith.constant 3128 : i32
    %mul3A_3 = arith.muli %arg1, %mul3A : i32
    %mul3A_4 = arith.constant 390 : i32
    %mul3A_5 = arith.muli %arg1, %mul3A_4 : i32
    %min3A = arith.constant 10 : i32
    %min3A_6 = arith.minsi %arg1, %min3A : i32
    %add3A_7 = arith.addi %mul3A_5, %min3A_6 : i32
    %lt3A = arith.constant 10 : i32
    %lt3A_8 = arith.cmpi slt, %arg1, %lt3A : i32
    %lt3A_9 = arith.constant 15 : i32
    %lt3A_10 = arith.cmpi slt, %arg1, %lt3A_9 : i32
    %convert_element_type3A = arith.extui %lt3A_10 : i1 to i32
    %cond3A = arith.constant 0 : i32
    %cond3A_11 = arith.cmpi ne, %convert_element_type3A, %cond3A : i32
    scf.if %cond3A_11 {
      "tpu.region"() ({
        %run_scoped3A = tpu.sem_alloc : memref<!tpu.dma_semaphore, #tpu.memory_space<semaphore_mem>>
        %dma_start3A_206 = arith.constant 0 : i32
        %dma_start3A_207 = tpu.memref_slice %arg10[%mul3A_3, %dma_start3A_206] : memref<50000x32xf32, #tpu.memory_space<vmem_shared>> -> memref<3128x32xf32, #tpu.memory_space<vmem_shared>>
        %dma_start3A_208 = arith.constant 0 : i32
        %dma_start3A_209 = arith.constant 0 : i32
        %dma_start3A_210 = tpu.memref_slice %arg2[%arg0, %dma_start3A_208, %dma_start3A_209] : memref<6x51200x32xf32, #tpu.memory_space<hbm>> -> memref<1x51200x32xf32, #tpu.memory_space<hbm>>
        %dma_start3A_211 = tpu.memref_squeeze %dma_start3A_210 : memref<1x51200x32xf32, #tpu.memory_space<hbm>> -> memref<51200x32xf32, #tpu.memory_space<hbm>>
        %dma_start3A_212 = arith.constant 0 : i32
        %dma_start3A_213 = tpu.memref_slice %dma_start3A_211[%mul3A_3, %dma_start3A_212] : memref<51200x32xf32, #tpu.memory_space<hbm>> -> memref<3128x32xf32, #tpu.memory_space<hbm>>
        tpu.enqueue_dma source(%dma_start3A_213 : memref<3128x32xf32, #tpu.memory_space<hbm>>) target(%dma_start3A_207 : memref<3128x32xf32, #tpu.memory_space<vmem_shared>>) target_semaphore(%run_scoped3A : memref<!tpu.dma_semaphore, #tpu.memory_space<semaphore_mem>>)
        %dma_wait3A = arith.constant 0 : i32
        %dma_wait3A_214 = tpu.memref_slice %arg10[%mul3A_3, %dma_wait3A] : memref<50000x32xf32, #tpu.memory_space<vmem_shared>> -> memref<3128x32xf32, #tpu.memory_space<vmem_shared>>
        %dma_wait3A_215 = arith.constant 0 : i32
        %dma_wait3A_216 = arith.constant 0 : i32
        %dma_wait3A_217 = tpu.memref_slice %arg2[%arg0, %dma_wait3A_215, %dma_wait3A_216] : memref<6x51200x32xf32, #tpu.memory_space<hbm>> -> memref<1x51200x32xf32, #tpu.memory_space<hbm>>
        %dma_wait3A_218 = tpu.memref_squeeze %dma_wait3A_217 : memref<1x51200x32xf32, #tpu.memory_space<hbm>> -> memref<51200x32xf32, #tpu.memory_space<hbm>>
        %dma_wait3A_219 = arith.constant 0 : i32
        %dma_wait3A_220 = tpu.memref_slice %dma_wait3A_218[%mul3A_3, %dma_wait3A_219] : memref<51200x32xf32, #tpu.memory_space<hbm>> -> memref<3128x32xf32, #tpu.memory_space<hbm>>
        tpu.wait_dma2 semaphore(%run_scoped3A : memref<!tpu.dma_semaphore, #tpu.memory_space<semaphore_mem>>) src(%dma_wait3A_220 : memref<3128x32xf32, #tpu.memory_space<hbm>>) dst(%dma_wait3A_214 : memref<3128x32xf32, #tpu.memory_space<vmem_shared>>)
        tpu.yield
      }) : () -> ()
    } else {
    }
    %eq3A = arith.constant 15 : i32
    %eq3A_12 = arith.cmpi eq, %arg1, %eq3A : i32
    %convert_element_type3A_13 = arith.extui %eq3A_12 : i1 to i32
    %cond3A_14 = arith.constant 0 : i32
    %cond3A_15 = arith.cmpi ne, %convert_element_type3A_13, %cond3A_14 : i32
    scf.if %cond3A_15 {
      "tpu.region"() ({
        %run_scoped3A = tpu.sem_alloc : memref<!tpu.dma_semaphore, #tpu.memory_space<semaphore_mem>>
        %dma_start3A_206 = arith.constant 0 : i32
        %dma_start3A_207 = tpu.memref_slice %arg10[%mul3A_3, %dma_start3A_206] : memref<50000x32xf32, #tpu.memory_space<vmem_shared>> -> memref<3080x32xf32, #tpu.memory_space<vmem_shared>>
        %dma_start3A_208 = arith.constant 0 : i32
        %dma_start3A_209 = arith.constant 0 : i32
        %dma_start3A_210 = tpu.memref_slice %arg2[%arg0, %dma_start3A_208, %dma_start3A_209] : memref<6x51200x32xf32, #tpu.memory_space<hbm>> -> memref<1x51200x32xf32, #tpu.memory_space<hbm>>
        %dma_start3A_211 = tpu.memref_squeeze %dma_start3A_210 : memref<1x51200x32xf32, #tpu.memory_space<hbm>> -> memref<51200x32xf32, #tpu.memory_space<hbm>>
        %dma_start3A_212 = arith.constant 0 : i32
        %dma_start3A_213 = tpu.memref_slice %dma_start3A_211[%mul3A_3, %dma_start3A_212] : memref<51200x32xf32, #tpu.memory_space<hbm>> -> memref<3080x32xf32, #tpu.memory_space<hbm>>
        tpu.enqueue_dma source(%dma_start3A_213 : memref<3080x32xf32, #tpu.memory_space<hbm>>) target(%dma_start3A_207 : memref<3080x32xf32, #tpu.memory_space<vmem_shared>>) target_semaphore(%run_scoped3A : memref<!tpu.dma_semaphore, #tpu.memory_space<semaphore_mem>>)
        %dma_wait3A = arith.constant 0 : i32
        %dma_wait3A_214 = tpu.memref_slice %arg10[%mul3A_3, %dma_wait3A] : memref<50000x32xf32, #tpu.memory_space<vmem_shared>> -> memref<3080x32xf32, #tpu.memory_space<vmem_shared>>
        %dma_wait3A_215 = arith.constant 0 : i32
        %dma_wait3A_216 = arith.constant 0 : i32
        %dma_wait3A_217 = tpu.memref_slice %arg2[%arg0, %dma_wait3A_215, %dma_wait3A_216] : memref<6x51200x32xf32, #tpu.memory_space<hbm>> -> memref<1x51200x32xf32, #tpu.memory_space<hbm>>
        %dma_wait3A_218 = tpu.memref_squeeze %dma_wait3A_217 : memref<1x51200x32xf32, #tpu.memory_space<hbm>> -> memref<51200x32xf32, #tpu.memory_space<hbm>>
        %dma_wait3A_219 = arith.constant 0 : i32
        %dma_wait3A_220 = tpu.memref_slice %dma_wait3A_218[%mul3A_3, %dma_wait3A_219] : memref<51200x32xf32, #tpu.memory_space<hbm>> -> memref<3080x32xf32, #tpu.memory_space<hbm>>
        tpu.wait_dma2 semaphore(%run_scoped3A : memref<!tpu.dma_semaphore, #tpu.memory_space<semaphore_mem>>) src(%dma_wait3A_220 : memref<3080x32xf32, #tpu.memory_space<hbm>>) dst(%dma_wait3A_214 : memref<3080x32xf32, #tpu.memory_space<vmem_shared>>)
        tpu.yield
      }) : () -> ()
    } else {
    }
    %barrier3A = arith.constant 0 : index
    tpu.barrier barrier_id(%barrier3A)
    %rem3A = arith.constant 0 : i32
    %rem3A_16 = arith.constant 3 : i32
    %rem3A_17 = arith.remsi %rem3A, %rem3A_16 : i32
    %add3A_18 = arith.constant 0 : i32
    %add3A_19 = arith.addi %add3A_7, %add3A_18 : i32
    %mul3A_20 = arith.constant 128 : i32
    %mul3A_21 = arith.muli %add3A_19, %mul3A_20 : i32
    %dma_start3A = arith.constant 1 : i32
    %dma_start3A_22 = arith.constant 0 : i32
    %dma_start3A_23 = tpu.memref_slice %arg11[%rem3A_17, %dma_start3A_22] : memref<3x384xi32, #tpu.memory_space<vmem>> -> memref<1x384xi32, #tpu.memory_space<vmem>>
    %dma_start3A_24 = tpu.memref_squeeze %dma_start3A_23 : memref<1x384xi32, #tpu.memory_space<vmem>> -> memref<384xi32, #tpu.memory_space<vmem>>
    %dma_start3A_25 = arith.constant 0 : i32
    %dma_start3A_26 = tpu.memref_slice %arg5[%dma_start3A, %dma_start3A_25] : memref<2x800000xi32, #tpu.memory_space<hbm>> -> memref<1x800000xi32, #tpu.memory_space<hbm>>
    %dma_start3A_27 = tpu.memref_squeeze %dma_start3A_26 : memref<1x800000xi32, #tpu.memory_space<hbm>> -> memref<800000xi32, #tpu.memory_space<hbm>>
    %dma_start3A_28 = tpu.memref_slice %dma_start3A_27[%mul3A_21] : memref<800000xi32, #tpu.memory_space<hbm>> -> memref<384xi32, #tpu.memory_space<hbm>>
    %dma_start3A_29 = arith.constant 0 : i32
    %dma_start3A_30 = tpu.memref_slice %arg11[%rem3A_17, %dma_start3A_29] : memref<3x384xi32, #tpu.memory_space<vmem>> -> memref<1x384xi32, #tpu.memory_space<vmem>>
    %dma_start3A_31 = tpu.memref_squeeze %dma_start3A_30 : memref<1x384xi32, #tpu.memory_space<vmem>> -> memref<384xi32, #tpu.memory_space<vmem>>
    %dma_start3A_32 = arith.constant 0 : i32
    %dma_start3A_33 = tpu.memref_slice %arg5[%dma_start3A, %dma_start3A_32] : memref<2x800000xi32, #tpu.memory_space<hbm>> -> memref<1x800000xi32, #tpu.memory_space<hbm>>
    %dma_start3A_34 = tpu.memref_squeeze %dma_start3A_33 : memref<1x800000xi32, #tpu.memory_space<hbm>> -> memref<800000xi32, #tpu.memory_space<hbm>>
    %dma_start3A_35 = tpu.memref_slice %dma_start3A_34[%mul3A_21] : memref<800000xi32, #tpu.memory_space<hbm>> -> memref<384xi32, #tpu.memory_space<hbm>>
    tpu.enqueue_dma source(%dma_start3A_35 : memref<384xi32, #tpu.memory_space<hbm>>) target(%dma_start3A_31 : memref<384xi32, #tpu.memory_space<vmem>>) target_semaphore(%arg14 : memref<!tpu.dma_semaphore, #tpu.memory_space<semaphore_mem>>)
    %dma_start3A_36 = arith.constant 0 : i32
    %dma_start3A_37 = arith.constant 0 : i32
    %dma_start3A_38 = tpu.memref_slice %arg12[%rem3A_17, %dma_start3A_37] : memref<3x384xi32, #tpu.memory_space<vmem>> -> memref<1x384xi32, #tpu.memory_space<vmem>>
    %dma_start3A_39 = tpu.memref_squeeze %dma_start3A_38 : memref<1x384xi32, #tpu.memory_space<vmem>> -> memref<384xi32, #tpu.memory_space<vmem>>
    %dma_start3A_40 = arith.constant 0 : i32
    %dma_start3A_41 = tpu.memref_slice %arg5[%dma_start3A_36, %dma_start3A_40] : memref<2x800000xi32, #tpu.memory_space<hbm>> -> memref<1x800000xi32, #tpu.memory_space<hbm>>
    %dma_start3A_42 = tpu.memref_squeeze %dma_start3A_41 : memref<1x800000xi32, #tpu.memory_space<hbm>> -> memref<800000xi32, #tpu.memory_space<hbm>>
    %dma_start3A_43 = tpu.memref_slice %dma_start3A_42[%mul3A_21] : memref<800000xi32, #tpu.memory_space<hbm>> -> memref<384xi32, #tpu.memory_space<hbm>>
    %dma_start3A_44 = arith.constant 0 : i32
    %dma_start3A_45 = tpu.memref_slice %arg12[%rem3A_17, %dma_start3A_44] : memref<3x384xi32, #tpu.memory_space<vmem>> -> memref<1x384xi32, #tpu.memory_space<vmem>>
    %dma_start3A_46 = tpu.memref_squeeze %dma_start3A_45 : memref<1x384xi32, #tpu.memory_space<vmem>> -> memref<384xi32, #tpu.memory_space<vmem>>
    %dma_start3A_47 = arith.constant 0 : i32
    %dma_start3A_48 = tpu.memref_slice %arg5[%dma_start3A_36, %dma_start3A_47] : memref<2x800000xi32, #tpu.memory_space<hbm>> -> memref<1x800000xi32, #tpu.memory_space<hbm>>
    %dma_start3A_49 = tpu.memref_squeeze %dma_start3A_48 : memref<1x800000xi32, #tpu.memory_space<hbm>> -> memref<800000xi32, #tpu.memory_space<hbm>>
    %dma_start3A_50 = tpu.memref_slice %dma_start3A_49[%mul3A_21] : memref<800000xi32, #tpu.memory_space<hbm>> -> memref<384xi32, #tpu.memory_space<hbm>>
    tpu.enqueue_dma source(%dma_start3A_50 : memref<384xi32, #tpu.memory_space<hbm>>) target(%dma_start3A_46 : memref<384xi32, #tpu.memory_space<vmem>>) target_semaphore(%arg14 : memref<!tpu.dma_semaphore, #tpu.memory_space<semaphore_mem>>)
    %scan3A = arith.constant 0 : i32
    %scan3A_51 = arith.constant 1 : i32
    %scan3A_52 = arith.constant 0 : i32
    %scan3A_53 = arith.constant 0 : i32
    %scan3A_54 = arith.constant 132 : i32
    %scan3A_55 = arith.addi %scan3A_53, %scan3A_54 : i32
    %scan3A_56 = arith.constant 1 : i32
    scf.for %scan3A_206 = %scan3A_53 to %scan3A_55 step %scan3A_56  : i32 {
      %ge3A = arith.constant 2 : i32
      %ge3A_207 = arith.cmpi sge, %scan3A_206, %ge3A : i32
      %convert_element_type3A_208 = arith.extui %ge3A_207 : i1 to i32
      %cond3A_209 = arith.constant 0 : i32
      %cond3A_210 = arith.cmpi ne, %convert_element_type3A_208, %cond3A_209 : i32
      scf.if %cond3A_210 {
        %sub3A = arith.constant 2 : i32
        %sub3A_224 = arith.subi %scan3A_206, %sub3A : i32
        %lt3A_225 = arith.constant 130 : i32
        %lt3A_226 = arith.cmpi slt, %sub3A_224, %lt3A_225 : i32
        %convert_element_type3A_227 = arith.extui %lt3A_226 : i1 to i32
        %cond3A_228 = arith.constant 0 : i32
        %cond3A_229 = arith.cmpi ne, %convert_element_type3A_227, %cond3A_228 : i32
        scf.if %cond3A_229 {
          %sub3A_236 = arith.constant 2 : i32
          %sub3A_237 = arith.subi %scan3A_206, %sub3A_236 : i32
          %rem3A_238 = arith.constant 3 : i32
          %rem3A_239 = arith.remsi %sub3A_237, %rem3A_238 : i32
          %rem3A_240 = arith.constant 2 : i32
          %rem3A_241 = arith.remsi %sub3A_237, %rem3A_240 : i32
          %dma_wait3A = arith.constant 0 : i32
          %dma_wait3A_242 = arith.constant 0 : i32
          %dma_wait3A_243 = arith.constant 0 : i32
          %dma_wait3A_244 = tpu.memref_slice %arg13[%rem3A_241, %dma_wait3A, %dma_wait3A_242, %dma_wait3A_243] : memref<2x3x128x32xf32, #tpu.memory_space<vmem>> -> memref<1x1x128x32xf32, #tpu.memory_space<vmem>>
          %dma_wait3A_245 = tpu.memref_squeeze %dma_wait3A_244 : memref<1x1x128x32xf32, #tpu.memory_space<vmem>> -> memref<128x32xf32, #tpu.memory_space<vmem>>
          %dma_wait3A_246 = arith.constant 0 : i32
          %dma_wait3A_247 = tpu.memref_slice %arg12[%rem3A_239, %dma_wait3A_246] : memref<3x384xi32, #tpu.memory_space<vmem>> -> memref<1x128xi32, #tpu.memory_space<vmem>>
          %dma_wait3A_248 = tpu.memref_squeeze %dma_wait3A_247 : memref<1x128xi32, #tpu.memory_space<vmem>> -> memref<128xi32, #tpu.memory_space<vmem>>
          %dma_wait3A_249 = arith.constant 0 : i32
          %dma_wait3A_250 = arith.constant 0 : i32
          %dma_wait3A_251 = tpu.memref_slice %arg10[%dma_wait3A_249, %dma_wait3A_250] : memref<50000x32xf32, #tpu.memory_space<vmem_shared>> -> memref<50000x32xf32, #tpu.memory_space<vmem_shared>>
          tpu.wait_indirect_dma semaphore(%arg16 : memref<!tpu.dma_semaphore, #tpu.memory_space<semaphore_mem>>) src(%dma_wait3A_245 : memref<128x32xf32, #tpu.memory_space<vmem>>) dst(%dma_wait3A_251 : memref<50000x32xf32, #tpu.memory_space<vmem_shared>>)
          %dma_wait3A_252 = arith.constant 1 : i32
          %dma_wait3A_253 = arith.constant 0 : i32
          %dma_wait3A_254 = arith.constant 0 : i32
          %dma_wait3A_255 = tpu.memref_slice %arg13[%rem3A_241, %dma_wait3A_252, %dma_wait3A_253, %dma_wait3A_254] : memref<2x3x128x32xf32, #tpu.memory_space<vmem>> -> memref<1x1x128x32xf32, #tpu.memory_space<vmem>>
          %dma_wait3A_256 = tpu.memref_squeeze %dma_wait3A_255 : memref<1x1x128x32xf32, #tpu.memory_space<vmem>> -> memref<128x32xf32, #tpu.memory_space<vmem>>
          %dma_wait3A_257 = arith.constant 128 : i32
          %dma_wait3A_258 = tpu.memref_slice %arg12[%rem3A_239, %dma_wait3A_257] : memref<3x384xi32, #tpu.memory_space<vmem>> -> memref<1x128xi32, #tpu.memory_space<vmem>>
          %dma_wait3A_259 = tpu.memref_squeeze %dma_wait3A_258 : memref<1x128xi32, #tpu.memory_space<vmem>> -> memref<128xi32, #tpu.memory_space<vmem>>
          %dma_wait3A_260 = arith.constant 0 : i32
          %dma_wait3A_261 = arith.constant 0 : i32
          %dma_wait3A_262 = tpu.memref_slice %arg10[%dma_wait3A_260, %dma_wait3A_261] : memref<50000x32xf32, #tpu.memory_space<vmem_shared>> -> memref<50000x32xf32, #tpu.memory_space<vmem_shared>>
          tpu.wait_indirect_dma semaphore(%arg16 : memref<!tpu.dma_semaphore, #tpu.memory_space<semaphore_mem>>) src(%dma_wait3A_256 : memref<128x32xf32, #tpu.memory_space<vmem>>) dst(%dma_wait3A_262 : memref<50000x32xf32, #tpu.memory_space<vmem_shared>>)
          %dma_wait3A_263 = arith.constant 2 : i32
          %dma_wait3A_264 = arith.constant 0 : i32
          %dma_wait3A_265 = arith.constant 0 : i32
          %dma_wait3A_266 = tpu.memref_slice %arg13[%rem3A_241, %dma_wait3A_263, %dma_wait3A_264, %dma_wait3A_265] : memref<2x3x128x32xf32, #tpu.memory_space<vmem>> -> memref<1x1x128x32xf32, #tpu.memory_space<vmem>>
          %dma_wait3A_267 = tpu.memref_squeeze %dma_wait3A_266 : memref<1x1x128x32xf32, #tpu.memory_space<vmem>> -> memref<128x32xf32, #tpu.memory_space<vmem>>
          %dma_wait3A_268 = arith.constant 256 : i32
          %dma_wait3A_269 = tpu.memref_slice %arg12[%rem3A_239, %dma_wait3A_268] : memref<3x384xi32, #tpu.memory_space<vmem>> -> memref<1x128xi32, #tpu.memory_space<vmem>>
          %dma_wait3A_270 = tpu.memref_squeeze %dma_wait3A_269 : memref<1x128xi32, #tpu.memory_space<vmem>> -> memref<128xi32, #tpu.memory_space<vmem>>
          %dma_wait3A_271 = arith.constant 0 : i32
          %dma_wait3A_272 = arith.constant 0 : i32
          %dma_wait3A_273 = tpu.memref_slice %arg10[%dma_wait3A_271, %dma_wait3A_272] : memref<50000x32xf32, #tpu.memory_space<vmem_shared>> -> memref<50000x32xf32, #tpu.memory_space<vmem_shared>>
          tpu.wait_indirect_dma semaphore(%arg16 : memref<!tpu.dma_semaphore, #tpu.memory_space<semaphore_mem>>) src(%dma_wait3A_267 : memref<128x32xf32, #tpu.memory_space<vmem>>) dst(%dma_wait3A_273 : memref<50000x32xf32, #tpu.memory_space<vmem_shared>>)
        } else {
        }
        %eq3A_230 = arith.constant 130 : i32
        %eq3A_231 = arith.cmpi eq, %sub3A_224, %eq3A_230 : i32
        %and3A_232 = arith.andi %eq3A_231, %lt3A_8 : i1
        %convert_element_type3A_233 = arith.extui %and3A_232 : i1 to i32
        %cond3A_234 = arith.constant 0 : i32
        %cond3A_235 = arith.cmpi ne, %convert_element_type3A_233, %cond3A_234 : i32
        scf.if %cond3A_235 {
          %sub3A_236 = arith.constant 2 : i32
          %sub3A_237 = arith.subi %scan3A_206, %sub3A_236 : i32
          %rem3A_238 = arith.constant 3 : i32
          %rem3A_239 = arith.remsi %sub3A_237, %rem3A_238 : i32
          %rem3A_240 = arith.constant 2 : i32
          %rem3A_241 = arith.remsi %sub3A_237, %rem3A_240 : i32
          %dma_wait3A = arith.constant 0 : i32
          %dma_wait3A_242 = arith.constant 0 : i32
          %dma_wait3A_243 = arith.constant 0 : i32
          %dma_wait3A_244 = tpu.memref_slice %arg13[%rem3A_241, %dma_wait3A, %dma_wait3A_242, %dma_wait3A_243] : memref<2x3x128x32xf32, #tpu.memory_space<vmem>> -> memref<1x1x128x32xf32, #tpu.memory_space<vmem>>
          %dma_wait3A_245 = tpu.memref_squeeze %dma_wait3A_244 : memref<1x1x128x32xf32, #tpu.memory_space<vmem>> -> memref<128x32xf32, #tpu.memory_space<vmem>>
          %dma_wait3A_246 = arith.constant 0 : i32
          %dma_wait3A_247 = tpu.memref_slice %arg12[%rem3A_239, %dma_wait3A_246] : memref<3x384xi32, #tpu.memory_space<vmem>> -> memref<1x128xi32, #tpu.memory_space<vmem>>
          %dma_wait3A_248 = tpu.memref_squeeze %dma_wait3A_247 : memref<1x128xi32, #tpu.memory_space<vmem>> -> memref<128xi32, #tpu.memory_space<vmem>>
          %dma_wait3A_249 = arith.constant 0 : i32
          %dma_wait3A_250 = arith.constant 0 : i32
          %dma_wait3A_251 = tpu.memref_slice %arg10[%dma_wait3A_249, %dma_wait3A_250] : memref<50000x32xf32, #tpu.memory_space<vmem_shared>> -> memref<50000x32xf32, #tpu.memory_space<vmem_shared>>
          tpu.wait_indirect_dma semaphore(%arg16 : memref<!tpu.dma_semaphore, #tpu.memory_space<semaphore_mem>>) src(%dma_wait3A_245 : memref<128x32xf32, #tpu.memory_space<vmem>>) dst(%dma_wait3A_251 : memref<50000x32xf32, #tpu.memory_space<vmem_shared>>)
        } else {
        }
      } else {
      }
      %lt3A_211 = arith.constant 130 : i32
      %lt3A_212 = arith.cmpi slt, %scan3A_206, %lt3A_211 : i32
      %eq3A_213 = arith.constant 130 : i32
      %eq3A_214 = arith.cmpi eq, %scan3A_206, %eq3A_213 : i32
      %and3A_215 = arith.andi %eq3A_214, %lt3A_8 : i1
      %or3A = arith.ori %lt3A_212, %and3A_215 : i1
      %convert_element_type3A_216 = arith.extui %or3A : i1 to i32
      %cond3A_217 = arith.constant 0 : i32
      %cond3A_218 = arith.cmpi ne, %convert_element_type3A_216, %cond3A_217 : i32
      scf.if %cond3A_218 {
        %rem3A_224 = arith.constant 3 : i32
        %rem3A_225 = arith.remsi %scan3A_206, %rem3A_224 : i32
        %mul3A_226 = arith.constant 3 : i32
        %mul3A_227 = arith.muli %scan3A_206, %mul3A_226 : i32
        %add3A_228 = arith.addi %add3A_7, %mul3A_227 : i32
        %mul3A_229 = arith.constant 128 : i32
        %mul3A_230 = arith.muli %add3A_228, %mul3A_229 : i32
        %dma_wait3A = arith.constant 0 : i32
        %dma_wait3A_231 = tpu.memref_slice %arg11[%rem3A_225, %dma_wait3A] : memref<3x384xi32, #tpu.memory_space<vmem>> -> memref<1x384xi32, #tpu.memory_space<vmem>>
        %dma_wait3A_232 = tpu.memref_squeeze %dma_wait3A_231 : memref<1x384xi32, #tpu.memory_space<vmem>> -> memref<384xi32, #tpu.memory_space<vmem>>
        %dma_wait3A_233 = arith.constant 0 : i32
        %dma_wait3A_234 = tpu.memref_slice %arg5[%scan3A_51, %dma_wait3A_233] : memref<2x800000xi32, #tpu.memory_space<hbm>> -> memref<1x800000xi32, #tpu.memory_space<hbm>>
        %dma_wait3A_235 = tpu.memref_squeeze %dma_wait3A_234 : memref<1x800000xi32, #tpu.memory_space<hbm>> -> memref<800000xi32, #tpu.memory_space<hbm>>
        %dma_wait3A_236 = tpu.memref_slice %dma_wait3A_235[%mul3A_230] : memref<800000xi32, #tpu.memory_space<hbm>> -> memref<384xi32, #tpu.memory_space<hbm>>
        %dma_wait3A_237 = arith.constant 0 : i32
        %dma_wait3A_238 = tpu.memref_slice %arg11[%rem3A_225, %dma_wait3A_237] : memref<3x384xi32, #tpu.memory_space<vmem>> -> memref<1x384xi32, #tpu.memory_space<vmem>>
        %dma_wait3A_239 = tpu.memref_squeeze %dma_wait3A_238 : memref<1x384xi32, #tpu.memory_space<vmem>> -> memref<384xi32, #tpu.memory_space<vmem>>
        %dma_wait3A_240 = arith.constant 0 : i32
        %dma_wait3A_241 = tpu.memref_slice %arg5[%scan3A_51, %dma_wait3A_240] : memref<2x800000xi32, #tpu.memory_space<hbm>> -> memref<1x800000xi32, #tpu.memory_space<hbm>>
        %dma_wait3A_242 = tpu.memref_squeeze %dma_wait3A_241 : memref<1x800000xi32, #tpu.memory_space<hbm>> -> memref<800000xi32, #tpu.memory_space<hbm>>
        %dma_wait3A_243 = tpu.memref_slice %dma_wait3A_242[%mul3A_230] : memref<800000xi32, #tpu.memory_space<hbm>> -> memref<384xi32, #tpu.memory_space<hbm>>
        tpu.wait_dma2 semaphore(%arg14 : memref<!tpu.dma_semaphore, #tpu.memory_space<semaphore_mem>>) src(%dma_wait3A_243 : memref<384xi32, #tpu.memory_space<hbm>>) dst(%dma_wait3A_239 : memref<384xi32, #tpu.memory_space<vmem>>)
        %dma_wait3A_244 = arith.constant 0 : i32
        %dma_wait3A_245 = tpu.memref_slice %arg12[%rem3A_225, %dma_wait3A_244] : memref<3x384xi32, #tpu.memory_space<vmem>> -> memref<1x384xi32, #tpu.memory_space<vmem>>
        %dma_wait3A_246 = tpu.memref_squeeze %dma_wait3A_245 : memref<1x384xi32, #tpu.memory_space<vmem>> -> memref<384xi32, #tpu.memory_space<vmem>>
        %dma_wait3A_247 = arith.constant 0 : i32
        %dma_wait3A_248 = tpu.memref_slice %arg5[%scan3A_52, %dma_wait3A_247] : memref<2x800000xi32, #tpu.memory_space<hbm>> -> memref<1x800000xi32, #tpu.memory_space<hbm>>
        %dma_wait3A_249 = tpu.memref_squeeze %dma_wait3A_248 : memref<1x800000xi32, #tpu.memory_space<hbm>> -> memref<800000xi32, #tpu.memory_space<hbm>>
        %dma_wait3A_250 = tpu.memref_slice %dma_wait3A_249[%mul3A_230] : memref<800000xi32, #tpu.memory_space<hbm>> -> memref<384xi32, #tpu.memory_space<hbm>>
        %dma_wait3A_251 = arith.constant 0 : i32
        %dma_wait3A_252 = tpu.memref_slice %arg12[%rem3A_225, %dma_wait3A_251] : memref<3x384xi32, #tpu.memory_space<vmem>> -> memref<1x384xi32, #tpu.memory_space<vmem>>
        %dma_wait3A_253 = tpu.memref_squeeze %dma_wait3A_252 : memref<1x384xi32, #tpu.memory_space<vmem>> -> memref<384xi32, #tpu.memory_space<vmem>>
        %dma_wait3A_254 = arith.constant 0 : i32
        %dma_wait3A_255 = tpu.memref_slice %arg5[%scan3A_52, %dma_wait3A_254] : memref<2x800000xi32, #tpu.memory_space<hbm>> -> memref<1x800000xi32, #tpu.memory_space<hbm>>
        %dma_wait3A_256 = tpu.memref_squeeze %dma_wait3A_255 : memref<1x800000xi32, #tpu.memory_space<hbm>> -> memref<800000xi32, #tpu.memory_space<hbm>>
        %dma_wait3A_257 = tpu.memref_slice %dma_wait3A_256[%mul3A_230] : memref<800000xi32, #tpu.memory_space<hbm>> -> memref<384xi32, #tpu.memory_space<hbm>>
        tpu.wait_dma2 semaphore(%arg14 : memref<!tpu.dma_semaphore, #tpu.memory_space<semaphore_mem>>) src(%dma_wait3A_257 : memref<384xi32, #tpu.memory_space<hbm>>) dst(%dma_wait3A_253 : memref<384xi32, #tpu.memory_space<vmem>>)
        %add3A_258 = arith.constant 1 : i32
        %add3A_259 = arith.addi %scan3A_206, %add3A_258 : i32
        %lt3A_260 = arith.constant 130 : i32
        %lt3A_261 = arith.cmpi slt, %add3A_259, %lt3A_260 : i32
        %eq3A_262 = arith.constant 130 : i32
        %eq3A_263 = arith.cmpi eq, %add3A_259, %eq3A_262 : i32
        %and3A_264 = arith.andi %eq3A_263, %lt3A_8 : i1
        %or3A_265 = arith.ori %lt3A_261, %and3A_264 : i1
        %convert_element_type3A_266 = arith.extui %or3A_265 : i1 to i32
        %cond3A_267 = arith.constant 0 : i32
        %cond3A_268 = arith.cmpi ne, %convert_element_type3A_266, %cond3A_267 : i32
        scf.if %cond3A_268 {
          %add3A_280 = arith.constant 1 : i32
          %add3A_281 = arith.addi %scan3A_206, %add3A_280 : i32
          %rem3A_282 = arith.constant 3 : i32
          %rem3A_283 = arith.remsi %add3A_281, %rem3A_282 : i32
          %mul3A_284 = arith.constant 3 : i32
          %mul3A_285 = arith.muli %add3A_281, %mul3A_284 : i32
          %add3A_286 = arith.addi %add3A_7, %mul3A_285 : i32
          %mul3A_287 = arith.constant 128 : i32
          %mul3A_288 = arith.muli %add3A_286, %mul3A_287 : i32
          %dma_start3A_289 = arith.constant 0 : i32
          %dma_start3A_290 = tpu.memref_slice %arg11[%rem3A_283, %dma_start3A_289] : memref<3x384xi32, #tpu.memory_space<vmem>> -> memref<1x384xi32, #tpu.memory_space<vmem>>
          %dma_start3A_291 = tpu.memref_squeeze %dma_start3A_290 : memref<1x384xi32, #tpu.memory_space<vmem>> -> memref<384xi32, #tpu.memory_space<vmem>>
          %dma_start3A_292 = arith.constant 0 : i32
          %dma_start3A_293 = tpu.memref_slice %arg5[%scan3A_51, %dma_start3A_292] : memref<2x800000xi32, #tpu.memory_space<hbm>> -> memref<1x800000xi32, #tpu.memory_space<hbm>>
          %dma_start3A_294 = tpu.memref_squeeze %dma_start3A_293 : memref<1x800000xi32, #tpu.memory_space<hbm>> -> memref<800000xi32, #tpu.memory_space<hbm>>
          %dma_start3A_295 = tpu.memref_slice %dma_start3A_294[%mul3A_288] : memref<800000xi32, #tpu.memory_space<hbm>> -> memref<384xi32, #tpu.memory_space<hbm>>
          %dma_start3A_296 = arith.constant 0 : i32
          %dma_start3A_297 = tpu.memref_slice %arg11[%rem3A_283, %dma_start3A_296] : memref<3x384xi32, #tpu.memory_space<vmem>> -> memref<1x384xi32, #tpu.memory_space<vmem>>
          %dma_start3A_298 = tpu.memref_squeeze %dma_start3A_297 : memref<1x384xi32, #tpu.memory_space<vmem>> -> memref<384xi32, #tpu.memory_space<vmem>>
          %dma_start3A_299 = arith.constant 0 : i32
          %dma_start3A_300 = tpu.memref_slice %arg5[%scan3A_51, %dma_start3A_299] : memref<2x800000xi32, #tpu.memory_space<hbm>> -> memref<1x800000xi32, #tpu.memory_space<hbm>>
          %dma_start3A_301 = tpu.memref_squeeze %dma_start3A_300 : memref<1x800000xi32, #tpu.memory_space<hbm>> -> memref<800000xi32, #tpu.memory_space<hbm>>
          %dma_start3A_302 = tpu.memref_slice %dma_start3A_301[%mul3A_288] : memref<800000xi32, #tpu.memory_space<hbm>> -> memref<384xi32, #tpu.memory_space<hbm>>
          tpu.enqueue_dma source(%dma_start3A_302 : memref<384xi32, #tpu.memory_space<hbm>>) target(%dma_start3A_298 : memref<384xi32, #tpu.memory_space<vmem>>) target_semaphore(%arg14 : memref<!tpu.dma_semaphore, #tpu.memory_space<semaphore_mem>>)
          %dma_start3A_303 = arith.constant 0 : i32
          %dma_start3A_304 = tpu.memref_slice %arg12[%rem3A_283, %dma_start3A_303] : memref<3x384xi32, #tpu.memory_space<vmem>> -> memref<1x384xi32, #tpu.memory_space<vmem>>
          %dma_start3A_305 = tpu.memref_squeeze %dma_start3A_304 : memref<1x384xi32, #tpu.memory_space<vmem>> -> memref<384xi32, #tpu.memory_space<vmem>>
          %dma_start3A_306 = arith.constant 0 : i32
          %dma_start3A_307 = tpu.memref_slice %arg5[%scan3A_52, %dma_start3A_306] : memref<2x800000xi32, #tpu.memory_space<hbm>> -> memref<1x800000xi32, #tpu.memory_space<hbm>>
          %dma_start3A_308 = tpu.memref_squeeze %dma_start3A_307 : memref<1x800000xi32, #tpu.memory_space<hbm>> -> memref<800000xi32, #tpu.memory_space<hbm>>
          %dma_start3A_309 = tpu.memref_slice %dma_start3A_308[%mul3A_288] : memref<800000xi32, #tpu.memory_space<hbm>> -> memref<384xi32, #tpu.memory_space<hbm>>
          %dma_start3A_310 = arith.constant 0 : i32
          %dma_start3A_311 = tpu.memref_slice %arg12[%rem3A_283, %dma_start3A_310] : memref<3x384xi32, #tpu.memory_space<vmem>> -> memref<1x384xi32, #tpu.memory_space<vmem>>
          %dma_start3A_312 = tpu.memref_squeeze %dma_start3A_311 : memref<1x384xi32, #tpu.memory_space<vmem>> -> memref<384xi32, #tpu.memory_space<vmem>>
          %dma_start3A_313 = arith.constant 0 : i32
          %dma_start3A_314 = tpu.memref_slice %arg5[%scan3A_52, %dma_start3A_313] : memref<2x800000xi32, #tpu.memory_space<hbm>> -> memref<1x800000xi32, #tpu.memory_space<hbm>>
          %dma_start3A_315 = tpu.memref_squeeze %dma_start3A_314 : memref<1x800000xi32, #tpu.memory_space<hbm>> -> memref<800000xi32, #tpu.memory_space<hbm>>
          %dma_start3A_316 = tpu.memref_slice %dma_start3A_315[%mul3A_288] : memref<800000xi32, #tpu.memory_space<hbm>> -> memref<384xi32, #tpu.memory_space<hbm>>
          tpu.enqueue_dma source(%dma_start3A_316 : memref<384xi32, #tpu.memory_space<hbm>>) target(%dma_start3A_312 : memref<384xi32, #tpu.memory_space<vmem>>) target_semaphore(%arg14 : memref<!tpu.dma_semaphore, #tpu.memory_space<semaphore_mem>>)
        } else {
        }
        %lt3A_269 = arith.constant 130 : i32
        %lt3A_270 = arith.cmpi slt, %scan3A_206, %lt3A_269 : i32
        %convert_element_type3A_271 = arith.extui %lt3A_270 : i1 to i32
        %cond3A_272 = arith.constant 0 : i32
        %cond3A_273 = arith.cmpi ne, %convert_element_type3A_271, %cond3A_272 : i32
        scf.if %cond3A_273 {
          %rem3A_280 = arith.constant 3 : i32
          %rem3A_281 = arith.remsi %scan3A_206, %rem3A_280 : i32
          %rem3A_282 = arith.constant 2 : i32
          %rem3A_283 = arith.remsi %scan3A_206, %rem3A_282 : i32
          %dma_start3A_284 = arith.constant 0 : i32
          %dma_start3A_285 = arith.constant 0 : i32
          %dma_start3A_286 = arith.constant 0 : i32
          %dma_start3A_287 = tpu.memref_slice %arg13[%rem3A_283, %dma_start3A_284, %dma_start3A_285, %dma_start3A_286] : memref<2x3x128x32xf32, #tpu.memory_space<vmem>> -> memref<1x1x128x32xf32, #tpu.memory_space<vmem>>
          %dma_start3A_288 = tpu.memref_squeeze %dma_start3A_287 : memref<1x1x128x32xf32, #tpu.memory_space<vmem>> -> memref<128x32xf32, #tpu.memory_space<vmem>>
          %dma_start3A_289 = arith.constant 0 : i32
          %dma_start3A_290 = tpu.memref_slice %arg11[%rem3A_281, %dma_start3A_289] : memref<3x384xi32, #tpu.memory_space<vmem>> -> memref<1x128xi32, #tpu.memory_space<vmem>>
          %dma_start3A_291 = tpu.memref_squeeze %dma_start3A_290 : memref<1x128xi32, #tpu.memory_space<vmem>> -> memref<128xi32, #tpu.memory_space<vmem>>
          %dma_start3A_292 = arith.constant 0 : i32
          %dma_start3A_293 = arith.constant 0 : i32
          %dma_start3A_294 = tpu.memref_slice %arg3[%add3A_0, %dma_start3A_292, %dma_start3A_293] : memref<4x51200x32xf32, #tpu.memory_space<hbm>> -> memref<1x51200x32xf32, #tpu.memory_space<hbm>>
          %dma_start3A_295 = tpu.memref_squeeze %dma_start3A_294 : memref<1x51200x32xf32, #tpu.memory_space<hbm>> -> memref<51200x32xf32, #tpu.memory_space<hbm>>
          %dma_start3A_296 = arith.constant 0 : i32
          %dma_start3A_297 = arith.constant 0 : i32
          %dma_start3A_298 = tpu.memref_slice %dma_start3A_295[%dma_start3A_296, %dma_start3A_297] : memref<51200x32xf32, #tpu.memory_space<hbm>> -> memref<51200x32xf32, #tpu.memory_space<hbm>>
          tpu.enqueue_indirect_dma source(%dma_start3A_298 : memref<51200x32xf32, #tpu.memory_space<hbm>>) target(%dma_start3A_288 : memref<128x32xf32, #tpu.memory_space<vmem>>) offsets(%dma_start3A_291 : memref<128xi32, #tpu.memory_space<vmem>>) semaphore(%arg15 : memref<!tpu.dma_semaphore, #tpu.memory_space<semaphore_mem>>)
          %dma_start3A_299 = arith.constant 1 : i32
          %dma_start3A_300 = arith.constant 0 : i32
          %dma_start3A_301 = arith.constant 0 : i32
          %dma_start3A_302 = tpu.memref_slice %arg13[%rem3A_283, %dma_start3A_299, %dma_start3A_300, %dma_start3A_301] : memref<2x3x128x32xf32, #tpu.memory_space<vmem>> -> memref<1x1x128x32xf32, #tpu.memory_space<vmem>>
          %dma_start3A_303 = tpu.memref_squeeze %dma_start3A_302 : memref<1x1x128x32xf32, #tpu.memory_space<vmem>> -> memref<128x32xf32, #tpu.memory_space<vmem>>
          %dma_start3A_304 = arith.constant 128 : i32
          %dma_start3A_305 = tpu.memref_slice %arg11[%rem3A_281, %dma_start3A_304] : memref<3x384xi32, #tpu.memory_space<vmem>> -> memref<1x128xi32, #tpu.memory_space<vmem>>
          %dma_start3A_306 = tpu.memref_squeeze %dma_start3A_305 : memref<1x128xi32, #tpu.memory_space<vmem>> -> memref<128xi32, #tpu.memory_space<vmem>>
          %dma_start3A_307 = arith.constant 0 : i32
          %dma_start3A_308 = arith.constant 0 : i32
          %dma_start3A_309 = tpu.memref_slice %arg3[%add3A_0, %dma_start3A_307, %dma_start3A_308] : memref<4x51200x32xf32, #tpu.memory_space<hbm>> -> memref<1x51200x32xf32, #tpu.memory_space<hbm>>
          %dma_start3A_310 = tpu.memref_squeeze %dma_start3A_309 : memref<1x51200x32xf32, #tpu.memory_space<hbm>> -> memref<51200x32xf32, #tpu.memory_space<hbm>>
          %dma_start3A_311 = arith.constant 0 : i32
          %dma_start3A_312 = arith.constant 0 : i32
          %dma_start3A_313 = tpu.memref_slice %dma_start3A_310[%dma_start3A_311, %dma_start3A_312] : memref<51200x32xf32, #tpu.memory_space<hbm>> -> memref<51200x32xf32, #tpu.memory_space<hbm>>
          tpu.enqueue_indirect_dma source(%dma_start3A_313 : memref<51200x32xf32, #tpu.memory_space<hbm>>) target(%dma_start3A_303 : memref<128x32xf32, #tpu.memory_space<vmem>>) offsets(%dma_start3A_306 : memref<128xi32, #tpu.memory_space<vmem>>) semaphore(%arg15 : memref<!tpu.dma_semaphore, #tpu.memory_space<semaphore_mem>>)
          %dma_start3A_314 = arith.constant 2 : i32
          %dma_start3A_315 = arith.constant 0 : i32
          %dma_start3A_316 = arith.constant 0 : i32
          %dma_start3A_317 = tpu.memref_slice %arg13[%rem3A_283, %dma_start3A_314, %dma_start3A_315, %dma_start3A_316] : memref<2x3x128x32xf32, #tpu.memory_space<vmem>> -> memref<1x1x128x32xf32, #tpu.memory_space<vmem>>
          %dma_start3A_318 = tpu.memref_squeeze %dma_start3A_317 : memref<1x1x128x32xf32, #tpu.memory_space<vmem>> -> memref<128x32xf32, #tpu.memory_space<vmem>>
          %dma_start3A_319 = arith.constant 256 : i32
          %dma_start3A_320 = tpu.memref_slice %arg11[%rem3A_281, %dma_start3A_319] : memref<3x384xi32, #tpu.memory_space<vmem>> -> memref<1x128xi32, #tpu.memory_space<vmem>>
          %dma_start3A_321 = tpu.memref_squeeze %dma_start3A_320 : memref<1x128xi32, #tpu.memory_space<vmem>> -> memref<128xi32, #tpu.memory_space<vmem>>
          %dma_start3A_322 = arith.constant 0 : i32
          %dma_start3A_323 = arith.constant 0 : i32
          %dma_start3A_324 = tpu.memref_slice %arg3[%add3A_0, %dma_start3A_322, %dma_start3A_323] : memref<4x51200x32xf32, #tpu.memory_space<hbm>> -> memref<1x51200x32xf32, #tpu.memory_space<hbm>>
          %dma_start3A_325 = tpu.memref_squeeze %dma_start3A_324 : memref<1x51200x32xf32, #tpu.memory_space<hbm>> -> memref<51200x32xf32, #tpu.memory_space<hbm>>
          %dma_start3A_326 = arith.constant 0 : i32
          %dma_start3A_327 = arith.constant 0 : i32
          %dma_start3A_328 = tpu.memref_slice %dma_start3A_325[%dma_start3A_326, %dma_start3A_327] : memref<51200x32xf32, #tpu.memory_space<hbm>> -> memref<51200x32xf32, #tpu.memory_space<hbm>>
          tpu.enqueue_indirect_dma source(%dma_start3A_328 : memref<51200x32xf32, #tpu.memory_space<hbm>>) target(%dma_start3A_318 : memref<128x32xf32, #tpu.memory_space<vmem>>) offsets(%dma_start3A_321 : memref<128xi32, #tpu.memory_space<vmem>>) semaphore(%arg15 : memref<!tpu.dma_semaphore, #tpu.memory_space<semaphore_mem>>)
        } else {
        }
        %eq3A_274 = arith.constant 130 : i32
        %eq3A_275 = arith.cmpi eq, %scan3A_206, %eq3A_274 : i32
        %and3A_276 = arith.andi %eq3A_275, %lt3A_8 : i1
        %convert_element_type3A_277 = arith.extui %and3A_276 : i1 to i32
        %cond3A_278 = arith.constant 0 : i32
        %cond3A_279 = arith.cmpi ne, %convert_element_type3A_277, %cond3A_278 : i32
        scf.if %cond3A_279 {
          %rem3A_280 = arith.constant 3 : i32
          %rem3A_281 = arith.remsi %scan3A_206, %rem3A_280 : i32
          %rem3A_282 = arith.constant 2 : i32
          %rem3A_283 = arith.remsi %scan3A_206, %rem3A_282 : i32
          %dma_start3A_284 = arith.constant 0 : i32
          %dma_start3A_285 = arith.constant 0 : i32
          %dma_start3A_286 = arith.constant 0 : i32
          %dma_start3A_287 = tpu.memref_slice %arg13[%rem3A_283, %dma_start3A_284, %dma_start3A_285, %dma_start3A_286] : memref<2x3x128x32xf32, #tpu.memory_space<vmem>> -> memref<1x1x128x32xf32, #tpu.memory_space<vmem>>
          %dma_start3A_288 = tpu.memref_squeeze %dma_start3A_287 : memref<1x1x128x32xf32, #tpu.memory_space<vmem>> -> memref<128x32xf32, #tpu.memory_space<vmem>>
          %dma_start3A_289 = arith.constant 0 : i32
          %dma_start3A_290 = tpu.memref_slice %arg11[%rem3A_281, %dma_start3A_289] : memref<3x384xi32, #tpu.memory_space<vmem>> -> memref<1x128xi32, #tpu.memory_space<vmem>>
          %dma_start3A_291 = tpu.memref_squeeze %dma_start3A_290 : memref<1x128xi32, #tpu.memory_space<vmem>> -> memref<128xi32, #tpu.memory_space<vmem>>
          %dma_start3A_292 = arith.constant 0 : i32
          %dma_start3A_293 = arith.constant 0 : i32
          %dma_start3A_294 = tpu.memref_slice %arg3[%add3A_0, %dma_start3A_292, %dma_start3A_293] : memref<4x51200x32xf32, #tpu.memory_space<hbm>> -> memref<1x51200x32xf32, #tpu.memory_space<hbm>>
          %dma_start3A_295 = tpu.memref_squeeze %dma_start3A_294 : memref<1x51200x32xf32, #tpu.memory_space<hbm>> -> memref<51200x32xf32, #tpu.memory_space<hbm>>
          %dma_start3A_296 = arith.constant 0 : i32
          %dma_start3A_297 = arith.constant 0 : i32
          %dma_start3A_298 = tpu.memref_slice %dma_start3A_295[%dma_start3A_296, %dma_start3A_297] : memref<51200x32xf32, #tpu.memory_space<hbm>> -> memref<51200x32xf32, #tpu.memory_space<hbm>>
          tpu.enqueue_indirect_dma source(%dma_start3A_298 : memref<51200x32xf32, #tpu.memory_space<hbm>>) target(%dma_start3A_288 : memref<128x32xf32, #tpu.memory_space<vmem>>) offsets(%dma_start3A_291 : memref<128xi32, #tpu.memory_space<vmem>>) semaphore(%arg15 : memref<!tpu.dma_semaphore, #tpu.memory_space<semaphore_mem>>)
        } else {
        }
      } else {
      }
      %ge3A_219 = arith.constant 1 : i32
      %ge3A_220 = arith.cmpi sge, %scan3A_206, %ge3A_219 : i32
      %convert_element_type3A_221 = arith.extui %ge3A_220 : i1 to i32
      %cond3A_222 = arith.constant 0 : i32
      %cond3A_223 = arith.cmpi ne, %convert_element_type3A_221, %cond3A_222 : i32
      scf.if %cond3A_223 {
        %sub3A = arith.constant 1 : i32
        %sub3A_224 = arith.subi %scan3A_206, %sub3A : i32
        %lt3A_225 = arith.constant 130 : i32
        %lt3A_226 = arith.cmpi slt, %sub3A_224, %lt3A_225 : i32
        %convert_element_type3A_227 = arith.extui %lt3A_226 : i1 to i32
        %cond3A_228 = arith.constant 0 : i32
        %cond3A_229 = arith.cmpi ne, %convert_element_type3A_227, %cond3A_228 : i32
        scf.if %cond3A_229 {
          %sub3A_236 = arith.constant 1 : i32
          %sub3A_237 = arith.subi %scan3A_206, %sub3A_236 : i32
          %rem3A_238 = arith.constant 3 : i32
          %rem3A_239 = arith.remsi %sub3A_237, %rem3A_238 : i32
          %rem3A_240 = arith.constant 2 : i32
          %rem3A_241 = arith.remsi %sub3A_237, %rem3A_240 : i32
          %dma_wait3A = arith.constant 0 : i32
          %dma_wait3A_242 = arith.constant 0 : i32
          %dma_wait3A_243 = arith.constant 0 : i32
          %dma_wait3A_244 = tpu.memref_slice %arg13[%rem3A_241, %dma_wait3A, %dma_wait3A_242, %dma_wait3A_243] : memref<2x3x128x32xf32, #tpu.memory_space<vmem>> -> memref<1x1x128x32xf32, #tpu.memory_space<vmem>>
          %dma_wait3A_245 = tpu.memref_squeeze %dma_wait3A_244 : memref<1x1x128x32xf32, #tpu.memory_space<vmem>> -> memref<128x32xf32, #tpu.memory_space<vmem>>
          %dma_wait3A_246 = arith.constant 0 : i32
          %dma_wait3A_247 = tpu.memref_slice %arg11[%rem3A_239, %dma_wait3A_246] : memref<3x384xi32, #tpu.memory_space<vmem>> -> memref<1x128xi32, #tpu.memory_space<vmem>>
          %dma_wait3A_248 = tpu.memref_squeeze %dma_wait3A_247 : memref<1x128xi32, #tpu.memory_space<vmem>> -> memref<128xi32, #tpu.memory_space<vmem>>
          %dma_wait3A_249 = arith.constant 0 : i32
          %dma_wait3A_250 = arith.constant 0 : i32
          %dma_wait3A_251 = tpu.memref_slice %arg3[%add3A_0, %dma_wait3A_249, %dma_wait3A_250] : memref<4x51200x32xf32, #tpu.memory_space<hbm>> -> memref<1x51200x32xf32, #tpu.memory_space<hbm>>
          %dma_wait3A_252 = tpu.memref_squeeze %dma_wait3A_251 : memref<1x51200x32xf32, #tpu.memory_space<hbm>> -> memref<51200x32xf32, #tpu.memory_space<hbm>>
          %dma_wait3A_253 = arith.constant 0 : i32
          %dma_wait3A_254 = arith.constant 0 : i32
          %dma_wait3A_255 = tpu.memref_slice %dma_wait3A_252[%dma_wait3A_253, %dma_wait3A_254] : memref<51200x32xf32, #tpu.memory_space<hbm>> -> memref<51200x32xf32, #tpu.memory_space<hbm>>
          tpu.wait_indirect_dma semaphore(%arg15 : memref<!tpu.dma_semaphore, #tpu.memory_space<semaphore_mem>>) src(%dma_wait3A_255 : memref<51200x32xf32, #tpu.memory_space<hbm>>) dst(%dma_wait3A_245 : memref<128x32xf32, #tpu.memory_space<vmem>>)
          %dma_wait3A_256 = arith.constant 1 : i32
          %dma_wait3A_257 = arith.constant 0 : i32
          %dma_wait3A_258 = arith.constant 0 : i32
          %dma_wait3A_259 = tpu.memref_slice %arg13[%rem3A_241, %dma_wait3A_256, %dma_wait3A_257, %dma_wait3A_258] : memref<2x3x128x32xf32, #tpu.memory_space<vmem>> -> memref<1x1x128x32xf32, #tpu.memory_space<vmem>>
          %dma_wait3A_260 = tpu.memref_squeeze %dma_wait3A_259 : memref<1x1x128x32xf32, #tpu.memory_space<vmem>> -> memref<128x32xf32, #tpu.memory_space<vmem>>
          %dma_wait3A_261 = arith.constant 128 : i32
          %dma_wait3A_262 = tpu.memref_slice %arg11[%rem3A_239, %dma_wait3A_261] : memref<3x384xi32, #tpu.memory_space<vmem>> -> memref<1x128xi32, #tpu.memory_space<vmem>>
          %dma_wait3A_263 = tpu.memref_squeeze %dma_wait3A_262 : memref<1x128xi32, #tpu.memory_space<vmem>> -> memref<128xi32, #tpu.memory_space<vmem>>
          %dma_wait3A_264 = arith.constant 0 : i32
          %dma_wait3A_265 = arith.constant 0 : i32
          %dma_wait3A_266 = tpu.memref_slice %arg3[%add3A_0, %dma_wait3A_264, %dma_wait3A_265] : memref<4x51200x32xf32, #tpu.memory_space<hbm>> -> memref<1x51200x32xf32, #tpu.memory_space<hbm>>
          %dma_wait3A_267 = tpu.memref_squeeze %dma_wait3A_266 : memref<1x51200x32xf32, #tpu.memory_space<hbm>> -> memref<51200x32xf32, #tpu.memory_space<hbm>>
          %dma_wait3A_268 = arith.constant 0 : i32
          %dma_wait3A_269 = arith.constant 0 : i32
          %dma_wait3A_270 = tpu.memref_slice %dma_wait3A_267[%dma_wait3A_268, %dma_wait3A_269] : memref<51200x32xf32, #tpu.memory_space<hbm>> -> memref<51200x32xf32, #tpu.memory_space<hbm>>
          tpu.wait_indirect_dma semaphore(%arg15 : memref<!tpu.dma_semaphore, #tpu.memory_space<semaphore_mem>>) src(%dma_wait3A_270 : memref<51200x32xf32, #tpu.memory_space<hbm>>) dst(%dma_wait3A_260 : memref<128x32xf32, #tpu.memory_space<vmem>>)
          %dma_wait3A_271 = arith.constant 2 : i32
          %dma_wait3A_272 = arith.constant 0 : i32
          %dma_wait3A_273 = arith.constant 0 : i32
          %dma_wait3A_274 = tpu.memref_slice %arg13[%rem3A_241, %dma_wait3A_271, %dma_wait3A_272, %dma_wait3A_273] : memref<2x3x128x32xf32, #tpu.memory_space<vmem>> -> memref<1x1x128x32xf32, #tpu.memory_space<vmem>>
          %dma_wait3A_275 = tpu.memref_squeeze %dma_wait3A_274 : memref<1x1x128x32xf32, #tpu.memory_space<vmem>> -> memref<128x32xf32, #tpu.memory_space<vmem>>
          %dma_wait3A_276 = arith.constant 256 : i32
          %dma_wait3A_277 = tpu.memref_slice %arg11[%rem3A_239, %dma_wait3A_276] : memref<3x384xi32, #tpu.memory_space<vmem>> -> memref<1x128xi32, #tpu.memory_space<vmem>>
          %dma_wait3A_278 = tpu.memref_squeeze %dma_wait3A_277 : memref<1x128xi32, #tpu.memory_space<vmem>> -> memref<128xi32, #tpu.memory_space<vmem>>
          %dma_wait3A_279 = arith.constant 0 : i32
          %dma_wait3A_280 = arith.constant 0 : i32
          %dma_wait3A_281 = tpu.memref_slice %arg3[%add3A_0, %dma_wait3A_279, %dma_wait3A_280] : memref<4x51200x32xf32, #tpu.memory_space<hbm>> -> memref<1x51200x32xf32, #tpu.memory_space<hbm>>
          %dma_wait3A_282 = tpu.memref_squeeze %dma_wait3A_281 : memref<1x51200x32xf32, #tpu.memory_space<hbm>> -> memref<51200x32xf32, #tpu.memory_space<hbm>>
          %dma_wait3A_283 = arith.constant 0 : i32
          %dma_wait3A_284 = arith.constant 0 : i32
          %dma_wait3A_285 = tpu.memref_slice %dma_wait3A_282[%dma_wait3A_283, %dma_wait3A_284] : memref<51200x32xf32, #tpu.memory_space<hbm>> -> memref<51200x32xf32, #tpu.memory_space<hbm>>
          tpu.wait_indirect_dma semaphore(%arg15 : memref<!tpu.dma_semaphore, #tpu.memory_space<semaphore_mem>>) src(%dma_wait3A_285 : memref<51200x32xf32, #tpu.memory_space<hbm>>) dst(%dma_wait3A_275 : memref<128x32xf32, #tpu.memory_space<vmem>>)
          %dma_start3A_286 = arith.constant 0 : i32
          %dma_start3A_287 = arith.constant 0 : i32
          %dma_start3A_288 = arith.constant 0 : i32
          %dma_start3A_289 = tpu.memref_slice %arg13[%rem3A_241, %dma_start3A_286, %dma_start3A_287, %dma_start3A_288] : memref<2x3x128x32xf32, #tpu.memory_space<vmem>> -> memref<1x1x128x32xf32, #tpu.memory_space<vmem>>
          %dma_start3A_290 = tpu.memref_squeeze %dma_start3A_289 : memref<1x1x128x32xf32, #tpu.memory_space<vmem>> -> memref<128x32xf32, #tpu.memory_space<vmem>>
          %dma_start3A_291 = arith.constant 0 : i32
          %dma_start3A_292 = tpu.memref_slice %arg12[%rem3A_239, %dma_start3A_291] : memref<3x384xi32, #tpu.memory_space<vmem>> -> memref<1x128xi32, #tpu.memory_space<vmem>>
          %dma_start3A_293 = tpu.memref_squeeze %dma_start3A_292 : memref<1x128xi32, #tpu.memory_space<vmem>> -> memref<128xi32, #tpu.memory_space<vmem>>
          %dma_start3A_294 = arith.constant 0 : i32
          %dma_start3A_295 = arith.constant 0 : i32
          %dma_start3A_296 = tpu.memref_slice %arg10[%dma_start3A_294, %dma_start3A_295] : memref<50000x32xf32, #tpu.memory_space<vmem_shared>> -> memref<50000x32xf32, #tpu.memory_space<vmem_shared>>
          tpu.enqueue_indirect_dma source(%dma_start3A_290 : memref<128x32xf32, #tpu.memory_space<vmem>>) target(%dma_start3A_296 : memref<50000x32xf32, #tpu.memory_space<vmem_shared>>) offsets(%dma_start3A_293 : memref<128xi32, #tpu.memory_space<vmem>>) semaphore(%arg16 : memref<!tpu.dma_semaphore, #tpu.memory_space<semaphore_mem>>) {add = true}
          %dma_start3A_297 = arith.constant 1 : i32
          %dma_start3A_298 = arith.constant 0 : i32
          %dma_start3A_299 = arith.constant 0 : i32
          %dma_start3A_300 = tpu.memref_slice %arg13[%rem3A_241, %dma_start3A_297, %dma_start3A_298, %dma_start3A_299] : memref<2x3x128x32xf32, #tpu.memory_space<vmem>> -> memref<1x1x128x32xf32, #tpu.memory_space<vmem>>
          %dma_start3A_301 = tpu.memref_squeeze %dma_start3A_300 : memref<1x1x128x32xf32, #tpu.memory_space<vmem>> -> memref<128x32xf32, #tpu.memory_space<vmem>>
          %dma_start3A_302 = arith.constant 128 : i32
          %dma_start3A_303 = tpu.memref_slice %arg12[%rem3A_239, %dma_start3A_302] : memref<3x384xi32, #tpu.memory_space<vmem>> -> memref<1x128xi32, #tpu.memory_space<vmem>>
          %dma_start3A_304 = tpu.memref_squeeze %dma_start3A_303 : memref<1x128xi32, #tpu.memory_space<vmem>> -> memref<128xi32, #tpu.memory_space<vmem>>
          %dma_start3A_305 = arith.constant 0 : i32
          %dma_start3A_306 = arith.constant 0 : i32
          %dma_start3A_307 = tpu.memref_slice %arg10[%dma_start3A_305, %dma_start3A_306] : memref<50000x32xf32, #tpu.memory_space<vmem_shared>> -> memref<50000x32xf32, #tpu.memory_space<vmem_shared>>
          tpu.enqueue_indirect_dma source(%dma_start3A_301 : memref<128x32xf32, #tpu.memory_space<vmem>>) target(%dma_start3A_307 : memref<50000x32xf32, #tpu.memory_space<vmem_shared>>) offsets(%dma_start3A_304 : memref<128xi32, #tpu.memory_space<vmem>>) semaphore(%arg16 : memref<!tpu.dma_semaphore, #tpu.memory_space<semaphore_mem>>) {add = true}
          %dma_start3A_308 = arith.constant 2 : i32
          %dma_start3A_309 = arith.constant 0 : i32
          %dma_start3A_310 = arith.constant 0 : i32
          %dma_start3A_311 = tpu.memref_slice %arg13[%rem3A_241, %dma_start3A_308, %dma_start3A_309, %dma_start3A_310] : memref<2x3x128x32xf32, #tpu.memory_space<vmem>> -> memref<1x1x128x32xf32, #tpu.memory_space<vmem>>
          %dma_start3A_312 = tpu.memref_squeeze %dma_start3A_311 : memref<1x1x128x32xf32, #tpu.memory_space<vmem>> -> memref<128x32xf32, #tpu.memory_space<vmem>>
          %dma_start3A_313 = arith.constant 256 : i32
          %dma_start3A_314 = tpu.memref_slice %arg12[%rem3A_239, %dma_start3A_313] : memref<3x384xi32, #tpu.memory_space<vmem>> -> memref<1x128xi32, #tpu.memory_space<vmem>>
          %dma_start3A_315 = tpu.memref_squeeze %dma_start3A_314 : memref<1x128xi32, #tpu.memory_space<vmem>> -> memref<128xi32, #tpu.memory_space<vmem>>
          %dma_start3A_316 = arith.constant 0 : i32
          %dma_start3A_317 = arith.constant 0 : i32
          %dma_start3A_318 = tpu.memref_slice %arg10[%dma_start3A_316, %dma_start3A_317] : memref<50000x32xf32, #tpu.memory_space<vmem_shared>> -> memref<50000x32xf32, #tpu.memory_space<vmem_shared>>
          tpu.enqueue_indirect_dma source(%dma_start3A_312 : memref<128x32xf32, #tpu.memory_space<vmem>>) target(%dma_start3A_318 : memref<50000x32xf32, #tpu.memory_space<vmem_shared>>) offsets(%dma_start3A_315 : memref<128xi32, #tpu.memory_space<vmem>>) semaphore(%arg16 : memref<!tpu.dma_semaphore, #tpu.memory_space<semaphore_mem>>) {add = true}
        } else {
        }
        %eq3A_230 = arith.constant 130 : i32
        %eq3A_231 = arith.cmpi eq, %sub3A_224, %eq3A_230 : i32
        %and3A_232 = arith.andi %eq3A_231, %lt3A_8 : i1
        %convert_element_type3A_233 = arith.extui %and3A_232 : i1 to i32
        %cond3A_234 = arith.constant 0 : i32
        %cond3A_235 = arith.cmpi ne, %convert_element_type3A_233, %cond3A_234 : i32
        scf.if %cond3A_235 {
          %sub3A_236 = arith.constant 1 : i32
          %sub3A_237 = arith.subi %scan3A_206, %sub3A_236 : i32
          %rem3A_238 = arith.constant 3 : i32
          %rem3A_239 = arith.remsi %sub3A_237, %rem3A_238 : i32
          %rem3A_240 = arith.constant 2 : i32
          %rem3A_241 = arith.remsi %sub3A_237, %rem3A_240 : i32
          %dma_wait3A = arith.constant 0 : i32
          %dma_wait3A_242 = arith.constant 0 : i32
          %dma_wait3A_243 = arith.constant 0 : i32
          %dma_wait3A_244 = tpu.memref_slice %arg13[%rem3A_241, %dma_wait3A, %dma_wait3A_242, %dma_wait3A_243] : memref<2x3x128x32xf32, #tpu.memory_space<vmem>> -> memref<1x1x128x32xf32, #tpu.memory_space<vmem>>
          %dma_wait3A_245 = tpu.memref_squeeze %dma_wait3A_244 : memref<1x1x128x32xf32, #tpu.memory_space<vmem>> -> memref<128x32xf32, #tpu.memory_space<vmem>>
          %dma_wait3A_246 = arith.constant 0 : i32
          %dma_wait3A_247 = tpu.memref_slice %arg11[%rem3A_239, %dma_wait3A_246] : memref<3x384xi32, #tpu.memory_space<vmem>> -> memref<1x128xi32, #tpu.memory_space<vmem>>
          %dma_wait3A_248 = tpu.memref_squeeze %dma_wait3A_247 : memref<1x128xi32, #tpu.memory_space<vmem>> -> memref<128xi32, #tpu.memory_space<vmem>>
          %dma_wait3A_249 = arith.constant 0 : i32
          %dma_wait3A_250 = arith.constant 0 : i32
          %dma_wait3A_251 = tpu.memref_slice %arg3[%add3A_0, %dma_wait3A_249, %dma_wait3A_250] : memref<4x51200x32xf32, #tpu.memory_space<hbm>> -> memref<1x51200x32xf32, #tpu.memory_space<hbm>>
          %dma_wait3A_252 = tpu.memref_squeeze %dma_wait3A_251 : memref<1x51200x32xf32, #tpu.memory_space<hbm>> -> memref<51200x32xf32, #tpu.memory_space<hbm>>
          %dma_wait3A_253 = arith.constant 0 : i32
          %dma_wait3A_254 = arith.constant 0 : i32
          %dma_wait3A_255 = tpu.memref_slice %dma_wait3A_252[%dma_wait3A_253, %dma_wait3A_254] : memref<51200x32xf32, #tpu.memory_space<hbm>> -> memref<51200x32xf32, #tpu.memory_space<hbm>>
          tpu.wait_indirect_dma semaphore(%arg15 : memref<!tpu.dma_semaphore, #tpu.memory_space<semaphore_mem>>) src(%dma_wait3A_255 : memref<51200x32xf32, #tpu.memory_space<hbm>>) dst(%dma_wait3A_245 : memref<128x32xf32, #tpu.memory_space<vmem>>)
          %dma_start3A_256 = arith.constant 0 : i32
          %dma_start3A_257 = arith.constant 0 : i32
          %dma_start3A_258 = arith.constant 0 : i32
          %dma_start3A_259 = tpu.memref_slice %arg13[%rem3A_241, %dma_start3A_256, %dma_start3A_257, %dma_start3A_258] : memref<2x3x128x32xf32, #tpu.memory_space<vmem>> -> memref<1x1x128x32xf32, #tpu.memory_space<vmem>>
          %dma_start3A_260 = tpu.memref_squeeze %dma_start3A_259 : memref<1x1x128x32xf32, #tpu.memory_space<vmem>> -> memref<128x32xf32, #tpu.memory_space<vmem>>
          %dma_start3A_261 = arith.constant 0 : i32
          %dma_start3A_262 = tpu.memref_slice %arg12[%rem3A_239, %dma_start3A_261] : memref<3x384xi32, #tpu.memory_space<vmem>> -> memref<1x128xi32, #tpu.memory_space<vmem>>
          %dma_start3A_263 = tpu.memref_squeeze %dma_start3A_262 : memref<1x128xi32, #tpu.memory_space<vmem>> -> memref<128xi32, #tpu.memory_space<vmem>>
          %dma_start3A_264 = arith.constant 0 : i32
          %dma_start3A_265 = arith.constant 0 : i32
          %dma_start3A_266 = tpu.memref_slice %arg10[%dma_start3A_264, %dma_start3A_265] : memref<50000x32xf32, #tpu.memory_space<vmem_shared>> -> memref<50000x32xf32, #tpu.memory_space<vmem_shared>>
          tpu.enqueue_indirect_dma source(%dma_start3A_260 : memref<128x32xf32, #tpu.memory_space<vmem>>) target(%dma_start3A_266 : memref<50000x32xf32, #tpu.memory_space<vmem_shared>>) offsets(%dma_start3A_263 : memref<128xi32, #tpu.memory_space<vmem>>) semaphore(%arg16 : memref<!tpu.dma_semaphore, #tpu.memory_space<semaphore_mem>>) {add = true}
        } else {
        }
      } else {
      }
    }
    %scan3A_57 = arith.constant 132 : i32
    %and3A = arith.constant true
    %and3A_58 = arith.andi %and3A, %lt3A_8 : i1
    %convert_element_type3A_59 = arith.extui %and3A_58 : i1 to i32
    %cond3A_60 = arith.constant 0 : i32
    %cond3A_61 = arith.cmpi ne, %convert_element_type3A_59, %cond3A_60 : i32
    scf.if %cond3A_61 {
      %rem3A_206 = arith.constant 130 : i32
      %rem3A_207 = arith.constant 3 : i32
      %rem3A_208 = arith.remsi %rem3A_206, %rem3A_207 : i32
      %rem3A_209 = arith.constant 130 : i32
      %rem3A_210 = arith.constant 2 : i32
      %rem3A_211 = arith.remsi %rem3A_209, %rem3A_210 : i32
      %dma_wait3A = arith.constant 0 : i32
      %dma_wait3A_212 = arith.constant 0 : i32
      %dma_wait3A_213 = arith.constant 0 : i32
      %dma_wait3A_214 = tpu.memref_slice %arg13[%rem3A_211, %dma_wait3A, %dma_wait3A_212, %dma_wait3A_213] : memref<2x3x128x32xf32, #tpu.memory_space<vmem>> -> memref<1x1x128x32xf32, #tpu.memory_space<vmem>>
      %dma_wait3A_215 = tpu.memref_squeeze %dma_wait3A_214 : memref<1x1x128x32xf32, #tpu.memory_space<vmem>> -> memref<128x32xf32, #tpu.memory_space<vmem>>
      %dma_wait3A_216 = arith.constant 0 : i32
      %dma_wait3A_217 = tpu.memref_slice %arg12[%rem3A_208, %dma_wait3A_216] : memref<3x384xi32, #tpu.memory_space<vmem>> -> memref<1x128xi32, #tpu.memory_space<vmem>>
      %dma_wait3A_218 = tpu.memref_squeeze %dma_wait3A_217 : memref<1x128xi32, #tpu.memory_space<vmem>> -> memref<128xi32, #tpu.memory_space<vmem>>
      %dma_wait3A_219 = arith.constant 0 : i32
      %dma_wait3A_220 = arith.constant 0 : i32
      %dma_wait3A_221 = tpu.memref_slice %arg10[%dma_wait3A_219, %dma_wait3A_220] : memref<50000x32xf32, #tpu.memory_space<vmem_shared>> -> memref<50000x32xf32, #tpu.memory_space<vmem_shared>>
      tpu.wait_indirect_dma semaphore(%arg16 : memref<!tpu.dma_semaphore, #tpu.memory_space<semaphore_mem>>) src(%dma_wait3A_215 : memref<128x32xf32, #tpu.memory_space<vmem>>) dst(%dma_wait3A_221 : memref<50000x32xf32, #tpu.memory_space<vmem_shared>>)
    } else {
    }
    %rem3A_62 = arith.constant 0 : i32
    %rem3A_63 = arith.constant 3 : i32
    %rem3A_64 = arith.remsi %rem3A_62, %rem3A_63 : i32
    %add3A_65 = arith.constant 0 : i32
    %add3A_66 = arith.addi %add3A_7, %add3A_65 : i32
    %mul3A_67 = arith.constant 128 : i32
    %mul3A_68 = arith.muli %add3A_66, %mul3A_67 : i32
    %dma_start3A_69 = arith.constant 1 : i32
    %dma_start3A_70 = arith.constant 0 : i32
    %dma_start3A_71 = tpu.memref_slice %arg11[%rem3A_64, %dma_start3A_70] : memref<3x384xi32, #tpu.memory_space<vmem>> -> memref<1x384xi32, #tpu.memory_space<vmem>>
    %dma_start3A_72 = tpu.memref_squeeze %dma_start3A_71 : memref<1x384xi32, #tpu.memory_space<vmem>> -> memref<384xi32, #tpu.memory_space<vmem>>
    %dma_start3A_73 = arith.constant 0 : i32
    %dma_start3A_74 = tpu.memref_slice %arg6[%dma_start3A_69, %dma_start3A_73] : memref<2x800000xi32, #tpu.memory_space<hbm>> -> memref<1x800000xi32, #tpu.memory_space<hbm>>
    %dma_start3A_75 = tpu.memref_squeeze %dma_start3A_74 : memref<1x800000xi32, #tpu.memory_space<hbm>> -> memref<800000xi32, #tpu.memory_space<hbm>>
    %dma_start3A_76 = tpu.memref_slice %dma_start3A_75[%mul3A_68] : memref<800000xi32, #tpu.memory_space<hbm>> -> memref<384xi32, #tpu.memory_space<hbm>>
    %dma_start3A_77 = arith.constant 0 : i32
    %dma_start3A_78 = tpu.memref_slice %arg11[%rem3A_64, %dma_start3A_77] : memref<3x384xi32, #tpu.memory_space<vmem>> -> memref<1x384xi32, #tpu.memory_space<vmem>>
    %dma_start3A_79 = tpu.memref_squeeze %dma_start3A_78 : memref<1x384xi32, #tpu.memory_space<vmem>> -> memref<384xi32, #tpu.memory_space<vmem>>
    %dma_start3A_80 = arith.constant 0 : i32
    %dma_start3A_81 = tpu.memref_slice %arg6[%dma_start3A_69, %dma_start3A_80] : memref<2x800000xi32, #tpu.memory_space<hbm>> -> memref<1x800000xi32, #tpu.memory_space<hbm>>
    %dma_start3A_82 = tpu.memref_squeeze %dma_start3A_81 : memref<1x800000xi32, #tpu.memory_space<hbm>> -> memref<800000xi32, #tpu.memory_space<hbm>>
    %dma_start3A_83 = tpu.memref_slice %dma_start3A_82[%mul3A_68] : memref<800000xi32, #tpu.memory_space<hbm>> -> memref<384xi32, #tpu.memory_space<hbm>>
    tpu.enqueue_dma source(%dma_start3A_83 : memref<384xi32, #tpu.memory_space<hbm>>) target(%dma_start3A_79 : memref<384xi32, #tpu.memory_space<vmem>>) target_semaphore(%arg14 : memref<!tpu.dma_semaphore, #tpu.memory_space<semaphore_mem>>)
    %dma_start3A_84 = arith.constant 0 : i32
    %dma_start3A_85 = arith.constant 0 : i32
    %dma_start3A_86 = tpu.memref_slice %arg12[%rem3A_64, %dma_start3A_85] : memref<3x384xi32, #tpu.memory_space<vmem>> -> memref<1x384xi32, #tpu.memory_space<vmem>>
    %dma_start3A_87 = tpu.memref_squeeze %dma_start3A_86 : memref<1x384xi32, #tpu.memory_space<vmem>> -> memref<384xi32, #tpu.memory_space<vmem>>
    %dma_start3A_88 = arith.constant 0 : i32
    %dma_start3A_89 = tpu.memref_slice %arg6[%dma_start3A_84, %dma_start3A_88] : memref<2x800000xi32, #tpu.memory_space<hbm>> -> memref<1x800000xi32, #tpu.memory_space<hbm>>
    %dma_start3A_90 = tpu.memref_squeeze %dma_start3A_89 : memref<1x800000xi32, #tpu.memory_space<hbm>> -> memref<800000xi32, #tpu.memory_space<hbm>>
    %dma_start3A_91 = tpu.memref_slice %dma_start3A_90[%mul3A_68] : memref<800000xi32, #tpu.memory_space<hbm>> -> memref<384xi32, #tpu.memory_space<hbm>>
    %dma_start3A_92 = arith.constant 0 : i32
    %dma_start3A_93 = tpu.memref_slice %arg12[%rem3A_64, %dma_start3A_92] : memref<3x384xi32, #tpu.memory_space<vmem>> -> memref<1x384xi32, #tpu.memory_space<vmem>>
    %dma_start3A_94 = tpu.memref_squeeze %dma_start3A_93 : memref<1x384xi32, #tpu.memory_space<vmem>> -> memref<384xi32, #tpu.memory_space<vmem>>
    %dma_start3A_95 = arith.constant 0 : i32
    %dma_start3A_96 = tpu.memref_slice %arg6[%dma_start3A_84, %dma_start3A_95] : memref<2x800000xi32, #tpu.memory_space<hbm>> -> memref<1x800000xi32, #tpu.memory_space<hbm>>
    %dma_start3A_97 = tpu.memref_squeeze %dma_start3A_96 : memref<1x800000xi32, #tpu.memory_space<hbm>> -> memref<800000xi32, #tpu.memory_space<hbm>>
    %dma_start3A_98 = tpu.memref_slice %dma_start3A_97[%mul3A_68] : memref<800000xi32, #tpu.memory_space<hbm>> -> memref<384xi32, #tpu.memory_space<hbm>>
    tpu.enqueue_dma source(%dma_start3A_98 : memref<384xi32, #tpu.memory_space<hbm>>) target(%dma_start3A_94 : memref<384xi32, #tpu.memory_space<vmem>>) target_semaphore(%arg14 : memref<!tpu.dma_semaphore, #tpu.memory_space<semaphore_mem>>)
    %scan3A_99 = arith.constant 0 : i32
    %scan3A_100 = arith.constant 1 : i32
    %scan3A_101 = arith.constant 0 : i32
    %scan3A_102 = arith.constant 0 : i32
    %scan3A_103 = arith.constant 132 : i32
    %scan3A_104 = arith.addi %scan3A_102, %scan3A_103 : i32
    %scan3A_105 = arith.constant 1 : i32
    scf.for %scan3A_206 = %scan3A_102 to %scan3A_104 step %scan3A_105  : i32 {
      %ge3A = arith.constant 2 : i32
      %ge3A_207 = arith.cmpi sge, %scan3A_206, %ge3A : i32
      %convert_element_type3A_208 = arith.extui %ge3A_207 : i1 to i32
      %cond3A_209 = arith.constant 0 : i32
      %cond3A_210 = arith.cmpi ne, %convert_element_type3A_208, %cond3A_209 : i32
      scf.if %cond3A_210 {
        %sub3A = arith.constant 2 : i32
        %sub3A_224 = arith.subi %scan3A_206, %sub3A : i32
        %lt3A_225 = arith.constant 130 : i32
        %lt3A_226 = arith.cmpi slt, %sub3A_224, %lt3A_225 : i32
        %convert_element_type3A_227 = arith.extui %lt3A_226 : i1 to i32
        %cond3A_228 = arith.constant 0 : i32
        %cond3A_229 = arith.cmpi ne, %convert_element_type3A_227, %cond3A_228 : i32
        scf.if %cond3A_229 {
          %sub3A_236 = arith.constant 2 : i32
          %sub3A_237 = arith.subi %scan3A_206, %sub3A_236 : i32
          %rem3A_238 = arith.constant 3 : i32
          %rem3A_239 = arith.remsi %sub3A_237, %rem3A_238 : i32
          %rem3A_240 = arith.constant 2 : i32
          %rem3A_241 = arith.remsi %sub3A_237, %rem3A_240 : i32
          %dma_wait3A = arith.constant 0 : i32
          %dma_wait3A_242 = arith.constant 0 : i32
          %dma_wait3A_243 = arith.constant 0 : i32
          %dma_wait3A_244 = tpu.memref_slice %arg13[%rem3A_241, %dma_wait3A, %dma_wait3A_242, %dma_wait3A_243] : memref<2x3x128x32xf32, #tpu.memory_space<vmem>> -> memref<1x1x128x32xf32, #tpu.memory_space<vmem>>
          %dma_wait3A_245 = tpu.memref_squeeze %dma_wait3A_244 : memref<1x1x128x32xf32, #tpu.memory_space<vmem>> -> memref<128x32xf32, #tpu.memory_space<vmem>>
          %dma_wait3A_246 = arith.constant 0 : i32
          %dma_wait3A_247 = tpu.memref_slice %arg12[%rem3A_239, %dma_wait3A_246] : memref<3x384xi32, #tpu.memory_space<vmem>> -> memref<1x128xi32, #tpu.memory_space<vmem>>
          %dma_wait3A_248 = tpu.memref_squeeze %dma_wait3A_247 : memref<1x128xi32, #tpu.memory_space<vmem>> -> memref<128xi32, #tpu.memory_space<vmem>>
          %dma_wait3A_249 = arith.constant 0 : i32
          %dma_wait3A_250 = arith.constant 0 : i32
          %dma_wait3A_251 = tpu.memref_slice %arg10[%dma_wait3A_249, %dma_wait3A_250] : memref<50000x32xf32, #tpu.memory_space<vmem_shared>> -> memref<50000x32xf32, #tpu.memory_space<vmem_shared>>
          tpu.wait_indirect_dma semaphore(%arg16 : memref<!tpu.dma_semaphore, #tpu.memory_space<semaphore_mem>>) src(%dma_wait3A_245 : memref<128x32xf32, #tpu.memory_space<vmem>>) dst(%dma_wait3A_251 : memref<50000x32xf32, #tpu.memory_space<vmem_shared>>)
          %dma_wait3A_252 = arith.constant 1 : i32
          %dma_wait3A_253 = arith.constant 0 : i32
          %dma_wait3A_254 = arith.constant 0 : i32
          %dma_wait3A_255 = tpu.memref_slice %arg13[%rem3A_241, %dma_wait3A_252, %dma_wait3A_253, %dma_wait3A_254] : memref<2x3x128x32xf32, #tpu.memory_space<vmem>> -> memref<1x1x128x32xf32, #tpu.memory_space<vmem>>
          %dma_wait3A_256 = tpu.memref_squeeze %dma_wait3A_255 : memref<1x1x128x32xf32, #tpu.memory_space<vmem>> -> memref<128x32xf32, #tpu.memory_space<vmem>>
          %dma_wait3A_257 = arith.constant 128 : i32
          %dma_wait3A_258 = tpu.memref_slice %arg12[%rem3A_239, %dma_wait3A_257] : memref<3x384xi32, #tpu.memory_space<vmem>> -> memref<1x128xi32, #tpu.memory_space<vmem>>
          %dma_wait3A_259 = tpu.memref_squeeze %dma_wait3A_258 : memref<1x128xi32, #tpu.memory_space<vmem>> -> memref<128xi32, #tpu.memory_space<vmem>>
          %dma_wait3A_260 = arith.constant 0 : i32
          %dma_wait3A_261 = arith.constant 0 : i32
          %dma_wait3A_262 = tpu.memref_slice %arg10[%dma_wait3A_260, %dma_wait3A_261] : memref<50000x32xf32, #tpu.memory_space<vmem_shared>> -> memref<50000x32xf32, #tpu.memory_space<vmem_shared>>
          tpu.wait_indirect_dma semaphore(%arg16 : memref<!tpu.dma_semaphore, #tpu.memory_space<semaphore_mem>>) src(%dma_wait3A_256 : memref<128x32xf32, #tpu.memory_space<vmem>>) dst(%dma_wait3A_262 : memref<50000x32xf32, #tpu.memory_space<vmem_shared>>)
          %dma_wait3A_263 = arith.constant 2 : i32
          %dma_wait3A_264 = arith.constant 0 : i32
          %dma_wait3A_265 = arith.constant 0 : i32
          %dma_wait3A_266 = tpu.memref_slice %arg13[%rem3A_241, %dma_wait3A_263, %dma_wait3A_264, %dma_wait3A_265] : memref<2x3x128x32xf32, #tpu.memory_space<vmem>> -> memref<1x1x128x32xf32, #tpu.memory_space<vmem>>
          %dma_wait3A_267 = tpu.memref_squeeze %dma_wait3A_266 : memref<1x1x128x32xf32, #tpu.memory_space<vmem>> -> memref<128x32xf32, #tpu.memory_space<vmem>>
          %dma_wait3A_268 = arith.constant 256 : i32
          %dma_wait3A_269 = tpu.memref_slice %arg12[%rem3A_239, %dma_wait3A_268] : memref<3x384xi32, #tpu.memory_space<vmem>> -> memref<1x128xi32, #tpu.memory_space<vmem>>
          %dma_wait3A_270 = tpu.memref_squeeze %dma_wait3A_269 : memref<1x128xi32, #tpu.memory_space<vmem>> -> memref<128xi32, #tpu.memory_space<vmem>>
          %dma_wait3A_271 = arith.constant 0 : i32
          %dma_wait3A_272 = arith.constant 0 : i32
          %dma_wait3A_273 = tpu.memref_slice %arg10[%dma_wait3A_271, %dma_wait3A_272] : memref<50000x32xf32, #tpu.memory_space<vmem_shared>> -> memref<50000x32xf32, #tpu.memory_space<vmem_shared>>
          tpu.wait_indirect_dma semaphore(%arg16 : memref<!tpu.dma_semaphore, #tpu.memory_space<semaphore_mem>>) src(%dma_wait3A_267 : memref<128x32xf32, #tpu.memory_space<vmem>>) dst(%dma_wait3A_273 : memref<50000x32xf32, #tpu.memory_space<vmem_shared>>)
        } else {
        }
        %eq3A_230 = arith.constant 130 : i32
        %eq3A_231 = arith.cmpi eq, %sub3A_224, %eq3A_230 : i32
        %and3A_232 = arith.andi %eq3A_231, %lt3A_8 : i1
        %convert_element_type3A_233 = arith.extui %and3A_232 : i1 to i32
        %cond3A_234 = arith.constant 0 : i32
        %cond3A_235 = arith.cmpi ne, %convert_element_type3A_233, %cond3A_234 : i32
        scf.if %cond3A_235 {
          %sub3A_236 = arith.constant 2 : i32
          %sub3A_237 = arith.subi %scan3A_206, %sub3A_236 : i32
          %rem3A_238 = arith.constant 3 : i32
          %rem3A_239 = arith.remsi %sub3A_237, %rem3A_238 : i32
          %rem3A_240 = arith.constant 2 : i32
          %rem3A_241 = arith.remsi %sub3A_237, %rem3A_240 : i32
          %dma_wait3A = arith.constant 0 : i32
          %dma_wait3A_242 = arith.constant 0 : i32
          %dma_wait3A_243 = arith.constant 0 : i32
          %dma_wait3A_244 = tpu.memref_slice %arg13[%rem3A_241, %dma_wait3A, %dma_wait3A_242, %dma_wait3A_243] : memref<2x3x128x32xf32, #tpu.memory_space<vmem>> -> memref<1x1x128x32xf32, #tpu.memory_space<vmem>>
          %dma_wait3A_245 = tpu.memref_squeeze %dma_wait3A_244 : memref<1x1x128x32xf32, #tpu.memory_space<vmem>> -> memref<128x32xf32, #tpu.memory_space<vmem>>
          %dma_wait3A_246 = arith.constant 0 : i32
          %dma_wait3A_247 = tpu.memref_slice %arg12[%rem3A_239, %dma_wait3A_246] : memref<3x384xi32, #tpu.memory_space<vmem>> -> memref<1x128xi32, #tpu.memory_space<vmem>>
          %dma_wait3A_248 = tpu.memref_squeeze %dma_wait3A_247 : memref<1x128xi32, #tpu.memory_space<vmem>> -> memref<128xi32, #tpu.memory_space<vmem>>
          %dma_wait3A_249 = arith.constant 0 : i32
          %dma_wait3A_250 = arith.constant 0 : i32
          %dma_wait3A_251 = tpu.memref_slice %arg10[%dma_wait3A_249, %dma_wait3A_250] : memref<50000x32xf32, #tpu.memory_space<vmem_shared>> -> memref<50000x32xf32, #tpu.memory_space<vmem_shared>>
          tpu.wait_indirect_dma semaphore(%arg16 : memref<!tpu.dma_semaphore, #tpu.memory_space<semaphore_mem>>) src(%dma_wait3A_245 : memref<128x32xf32, #tpu.memory_space<vmem>>) dst(%dma_wait3A_251 : memref<50000x32xf32, #tpu.memory_space<vmem_shared>>)
        } else {
        }
      } else {
      }
      %lt3A_211 = arith.constant 130 : i32
      %lt3A_212 = arith.cmpi slt, %scan3A_206, %lt3A_211 : i32
      %eq3A_213 = arith.constant 130 : i32
      %eq3A_214 = arith.cmpi eq, %scan3A_206, %eq3A_213 : i32
      %and3A_215 = arith.andi %eq3A_214, %lt3A_8 : i1
      %or3A = arith.ori %lt3A_212, %and3A_215 : i1
      %convert_element_type3A_216 = arith.extui %or3A : i1 to i32
      %cond3A_217 = arith.constant 0 : i32
      %cond3A_218 = arith.cmpi ne, %convert_element_type3A_216, %cond3A_217 : i32
      scf.if %cond3A_218 {
        %rem3A_224 = arith.constant 3 : i32
        %rem3A_225 = arith.remsi %scan3A_206, %rem3A_224 : i32
        %mul3A_226 = arith.constant 3 : i32
        %mul3A_227 = arith.muli %scan3A_206, %mul3A_226 : i32
        %add3A_228 = arith.addi %add3A_7, %mul3A_227 : i32
        %mul3A_229 = arith.constant 128 : i32
        %mul3A_230 = arith.muli %add3A_228, %mul3A_229 : i32
        %dma_wait3A = arith.constant 0 : i32
        %dma_wait3A_231 = tpu.memref_slice %arg11[%rem3A_225, %dma_wait3A] : memref<3x384xi32, #tpu.memory_space<vmem>> -> memref<1x384xi32, #tpu.memory_space<vmem>>
        %dma_wait3A_232 = tpu.memref_squeeze %dma_wait3A_231 : memref<1x384xi32, #tpu.memory_space<vmem>> -> memref<384xi32, #tpu.memory_space<vmem>>
        %dma_wait3A_233 = arith.constant 0 : i32
        %dma_wait3A_234 = tpu.memref_slice %arg6[%scan3A_100, %dma_wait3A_233] : memref<2x800000xi32, #tpu.memory_space<hbm>> -> memref<1x800000xi32, #tpu.memory_space<hbm>>
        %dma_wait3A_235 = tpu.memref_squeeze %dma_wait3A_234 : memref<1x800000xi32, #tpu.memory_space<hbm>> -> memref<800000xi32, #tpu.memory_space<hbm>>
        %dma_wait3A_236 = tpu.memref_slice %dma_wait3A_235[%mul3A_230] : memref<800000xi32, #tpu.memory_space<hbm>> -> memref<384xi32, #tpu.memory_space<hbm>>
        %dma_wait3A_237 = arith.constant 0 : i32
        %dma_wait3A_238 = tpu.memref_slice %arg11[%rem3A_225, %dma_wait3A_237] : memref<3x384xi32, #tpu.memory_space<vmem>> -> memref<1x384xi32, #tpu.memory_space<vmem>>
        %dma_wait3A_239 = tpu.memref_squeeze %dma_wait3A_238 : memref<1x384xi32, #tpu.memory_space<vmem>> -> memref<384xi32, #tpu.memory_space<vmem>>
        %dma_wait3A_240 = arith.constant 0 : i32
        %dma_wait3A_241 = tpu.memref_slice %arg6[%scan3A_100, %dma_wait3A_240] : memref<2x800000xi32, #tpu.memory_space<hbm>> -> memref<1x800000xi32, #tpu.memory_space<hbm>>
        %dma_wait3A_242 = tpu.memref_squeeze %dma_wait3A_241 : memref<1x800000xi32, #tpu.memory_space<hbm>> -> memref<800000xi32, #tpu.memory_space<hbm>>
        %dma_wait3A_243 = tpu.memref_slice %dma_wait3A_242[%mul3A_230] : memref<800000xi32, #tpu.memory_space<hbm>> -> memref<384xi32, #tpu.memory_space<hbm>>
        tpu.wait_dma2 semaphore(%arg14 : memref<!tpu.dma_semaphore, #tpu.memory_space<semaphore_mem>>) src(%dma_wait3A_243 : memref<384xi32, #tpu.memory_space<hbm>>) dst(%dma_wait3A_239 : memref<384xi32, #tpu.memory_space<vmem>>)
        %dma_wait3A_244 = arith.constant 0 : i32
        %dma_wait3A_245 = tpu.memref_slice %arg12[%rem3A_225, %dma_wait3A_244] : memref<3x384xi32, #tpu.memory_space<vmem>> -> memref<1x384xi32, #tpu.memory_space<vmem>>
        %dma_wait3A_246 = tpu.memref_squeeze %dma_wait3A_245 : memref<1x384xi32, #tpu.memory_space<vmem>> -> memref<384xi32, #tpu.memory_space<vmem>>
        %dma_wait3A_247 = arith.constant 0 : i32
        %dma_wait3A_248 = tpu.memref_slice %arg6[%scan3A_101, %dma_wait3A_247] : memref<2x800000xi32, #tpu.memory_space<hbm>> -> memref<1x800000xi32, #tpu.memory_space<hbm>>
        %dma_wait3A_249 = tpu.memref_squeeze %dma_wait3A_248 : memref<1x800000xi32, #tpu.memory_space<hbm>> -> memref<800000xi32, #tpu.memory_space<hbm>>
        %dma_wait3A_250 = tpu.memref_slice %dma_wait3A_249[%mul3A_230] : memref<800000xi32, #tpu.memory_space<hbm>> -> memref<384xi32, #tpu.memory_space<hbm>>
        %dma_wait3A_251 = arith.constant 0 : i32
        %dma_wait3A_252 = tpu.memref_slice %arg12[%rem3A_225, %dma_wait3A_251] : memref<3x384xi32, #tpu.memory_space<vmem>> -> memref<1x384xi32, #tpu.memory_space<vmem>>
        %dma_wait3A_253 = tpu.memref_squeeze %dma_wait3A_252 : memref<1x384xi32, #tpu.memory_space<vmem>> -> memref<384xi32, #tpu.memory_space<vmem>>
        %dma_wait3A_254 = arith.constant 0 : i32
        %dma_wait3A_255 = tpu.memref_slice %arg6[%scan3A_101, %dma_wait3A_254] : memref<2x800000xi32, #tpu.memory_space<hbm>> -> memref<1x800000xi32, #tpu.memory_space<hbm>>
        %dma_wait3A_256 = tpu.memref_squeeze %dma_wait3A_255 : memref<1x800000xi32, #tpu.memory_space<hbm>> -> memref<800000xi32, #tpu.memory_space<hbm>>
        %dma_wait3A_257 = tpu.memref_slice %dma_wait3A_256[%mul3A_230] : memref<800000xi32, #tpu.memory_space<hbm>> -> memref<384xi32, #tpu.memory_space<hbm>>
        tpu.wait_dma2 semaphore(%arg14 : memref<!tpu.dma_semaphore, #tpu.memory_space<semaphore_mem>>) src(%dma_wait3A_257 : memref<384xi32, #tpu.memory_space<hbm>>) dst(%dma_wait3A_253 : memref<384xi32, #tpu.memory_space<vmem>>)
        %add3A_258 = arith.constant 1 : i32
        %add3A_259 = arith.addi %scan3A_206, %add3A_258 : i32
        %lt3A_260 = arith.constant 130 : i32
        %lt3A_261 = arith.cmpi slt, %add3A_259, %lt3A_260 : i32
        %eq3A_262 = arith.constant 130 : i32
        %eq3A_263 = arith.cmpi eq, %add3A_259, %eq3A_262 : i32
        %and3A_264 = arith.andi %eq3A_263, %lt3A_8 : i1
        %or3A_265 = arith.ori %lt3A_261, %and3A_264 : i1
        %convert_element_type3A_266 = arith.extui %or3A_265 : i1 to i32
        %cond3A_267 = arith.constant 0 : i32
        %cond3A_268 = arith.cmpi ne, %convert_element_type3A_266, %cond3A_267 : i32
        scf.if %cond3A_268 {
          %add3A_280 = arith.constant 1 : i32
          %add3A_281 = arith.addi %scan3A_206, %add3A_280 : i32
          %rem3A_282 = arith.constant 3 : i32
          %rem3A_283 = arith.remsi %add3A_281, %rem3A_282 : i32
          %mul3A_284 = arith.constant 3 : i32
          %mul3A_285 = arith.muli %add3A_281, %mul3A_284 : i32
          %add3A_286 = arith.addi %add3A_7, %mul3A_285 : i32
          %mul3A_287 = arith.constant 128 : i32
          %mul3A_288 = arith.muli %add3A_286, %mul3A_287 : i32
          %dma_start3A_289 = arith.constant 0 : i32
          %dma_start3A_290 = tpu.memref_slice %arg11[%rem3A_283, %dma_start3A_289] : memref<3x384xi32, #tpu.memory_space<vmem>> -> memref<1x384xi32, #tpu.memory_space<vmem>>
          %dma_start3A_291 = tpu.memref_squeeze %dma_start3A_290 : memref<1x384xi32, #tpu.memory_space<vmem>> -> memref<384xi32, #tpu.memory_space<vmem>>
          %dma_start3A_292 = arith.constant 0 : i32
          %dma_start3A_293 = tpu.memref_slice %arg6[%scan3A_100, %dma_start3A_292] : memref<2x800000xi32, #tpu.memory_space<hbm>> -> memref<1x800000xi32, #tpu.memory_space<hbm>>
          %dma_start3A_294 = tpu.memref_squeeze %dma_start3A_293 : memref<1x800000xi32, #tpu.memory_space<hbm>> -> memref<800000xi32, #tpu.memory_space<hbm>>
          %dma_start3A_295 = tpu.memref_slice %dma_start3A_294[%mul3A_288] : memref<800000xi32, #tpu.memory_space<hbm>> -> memref<384xi32, #tpu.memory_space<hbm>>
          %dma_start3A_296 = arith.constant 0 : i32
          %dma_start3A_297 = tpu.memref_slice %arg11[%rem3A_283, %dma_start3A_296] : memref<3x384xi32, #tpu.memory_space<vmem>> -> memref<1x384xi32, #tpu.memory_space<vmem>>
          %dma_start3A_298 = tpu.memref_squeeze %dma_start3A_297 : memref<1x384xi32, #tpu.memory_space<vmem>> -> memref<384xi32, #tpu.memory_space<vmem>>
          %dma_start3A_299 = arith.constant 0 : i32
          %dma_start3A_300 = tpu.memref_slice %arg6[%scan3A_100, %dma_start3A_299] : memref<2x800000xi32, #tpu.memory_space<hbm>> -> memref<1x800000xi32, #tpu.memory_space<hbm>>
          %dma_start3A_301 = tpu.memref_squeeze %dma_start3A_300 : memref<1x800000xi32, #tpu.memory_space<hbm>> -> memref<800000xi32, #tpu.memory_space<hbm>>
          %dma_start3A_302 = tpu.memref_slice %dma_start3A_301[%mul3A_288] : memref<800000xi32, #tpu.memory_space<hbm>> -> memref<384xi32, #tpu.memory_space<hbm>>
          tpu.enqueue_dma source(%dma_start3A_302 : memref<384xi32, #tpu.memory_space<hbm>>) target(%dma_start3A_298 : memref<384xi32, #tpu.memory_space<vmem>>) target_semaphore(%arg14 : memref<!tpu.dma_semaphore, #tpu.memory_space<semaphore_mem>>)
          %dma_start3A_303 = arith.constant 0 : i32
          %dma_start3A_304 = tpu.memref_slice %arg12[%rem3A_283, %dma_start3A_303] : memref<3x384xi32, #tpu.memory_space<vmem>> -> memref<1x384xi32, #tpu.memory_space<vmem>>
          %dma_start3A_305 = tpu.memref_squeeze %dma_start3A_304 : memref<1x384xi32, #tpu.memory_space<vmem>> -> memref<384xi32, #tpu.memory_space<vmem>>
          %dma_start3A_306 = arith.constant 0 : i32
          %dma_start3A_307 = tpu.memref_slice %arg6[%scan3A_101, %dma_start3A_306] : memref<2x800000xi32, #tpu.memory_space<hbm>> -> memref<1x800000xi32, #tpu.memory_space<hbm>>
          %dma_start3A_308 = tpu.memref_squeeze %dma_start3A_307 : memref<1x800000xi32, #tpu.memory_space<hbm>> -> memref<800000xi32, #tpu.memory_space<hbm>>
          %dma_start3A_309 = tpu.memref_slice %dma_start3A_308[%mul3A_288] : memref<800000xi32, #tpu.memory_space<hbm>> -> memref<384xi32, #tpu.memory_space<hbm>>
          %dma_start3A_310 = arith.constant 0 : i32
          %dma_start3A_311 = tpu.memref_slice %arg12[%rem3A_283, %dma_start3A_310] : memref<3x384xi32, #tpu.memory_space<vmem>> -> memref<1x384xi32, #tpu.memory_space<vmem>>
          %dma_start3A_312 = tpu.memref_squeeze %dma_start3A_311 : memref<1x384xi32, #tpu.memory_space<vmem>> -> memref<384xi32, #tpu.memory_space<vmem>>
          %dma_start3A_313 = arith.constant 0 : i32
          %dma_start3A_314 = tpu.memref_slice %arg6[%scan3A_101, %dma_start3A_313] : memref<2x800000xi32, #tpu.memory_space<hbm>> -> memref<1x800000xi32, #tpu.memory_space<hbm>>
          %dma_start3A_315 = tpu.memref_squeeze %dma_start3A_314 : memref<1x800000xi32, #tpu.memory_space<hbm>> -> memref<800000xi32, #tpu.memory_space<hbm>>
          %dma_start3A_316 = tpu.memref_slice %dma_start3A_315[%mul3A_288] : memref<800000xi32, #tpu.memory_space<hbm>> -> memref<384xi32, #tpu.memory_space<hbm>>
          tpu.enqueue_dma source(%dma_start3A_316 : memref<384xi32, #tpu.memory_space<hbm>>) target(%dma_start3A_312 : memref<384xi32, #tpu.memory_space<vmem>>) target_semaphore(%arg14 : memref<!tpu.dma_semaphore, #tpu.memory_space<semaphore_mem>>)
        } else {
        }
        %lt3A_269 = arith.constant 130 : i32
        %lt3A_270 = arith.cmpi slt, %scan3A_206, %lt3A_269 : i32
        %convert_element_type3A_271 = arith.extui %lt3A_270 : i1 to i32
        %cond3A_272 = arith.constant 0 : i32
        %cond3A_273 = arith.cmpi ne, %convert_element_type3A_271, %cond3A_272 : i32
        scf.if %cond3A_273 {
          %rem3A_280 = arith.constant 3 : i32
          %rem3A_281 = arith.remsi %scan3A_206, %rem3A_280 : i32
          %rem3A_282 = arith.constant 2 : i32
          %rem3A_283 = arith.remsi %scan3A_206, %rem3A_282 : i32
          %dma_start3A_284 = arith.constant 0 : i32
          %dma_start3A_285 = arith.constant 0 : i32
          %dma_start3A_286 = arith.constant 0 : i32
          %dma_start3A_287 = tpu.memref_slice %arg13[%rem3A_283, %dma_start3A_284, %dma_start3A_285, %dma_start3A_286] : memref<2x3x128x32xf32, #tpu.memory_space<vmem>> -> memref<1x1x128x32xf32, #tpu.memory_space<vmem>>
          %dma_start3A_288 = tpu.memref_squeeze %dma_start3A_287 : memref<1x1x128x32xf32, #tpu.memory_space<vmem>> -> memref<128x32xf32, #tpu.memory_space<vmem>>
          %dma_start3A_289 = arith.constant 0 : i32
          %dma_start3A_290 = tpu.memref_slice %arg11[%rem3A_281, %dma_start3A_289] : memref<3x384xi32, #tpu.memory_space<vmem>> -> memref<1x128xi32, #tpu.memory_space<vmem>>
          %dma_start3A_291 = tpu.memref_squeeze %dma_start3A_290 : memref<1x128xi32, #tpu.memory_space<vmem>> -> memref<128xi32, #tpu.memory_space<vmem>>
          %dma_start3A_292 = arith.constant 0 : i32
          %dma_start3A_293 = arith.constant 0 : i32
          %dma_start3A_294 = tpu.memref_slice %arg4[%add3A_2, %dma_start3A_292, %dma_start3A_293] : memref<4x51200x32xf32, #tpu.memory_space<hbm>> -> memref<1x51200x32xf32, #tpu.memory_space<hbm>>
          %dma_start3A_295 = tpu.memref_squeeze %dma_start3A_294 : memref<1x51200x32xf32, #tpu.memory_space<hbm>> -> memref<51200x32xf32, #tpu.memory_space<hbm>>
          %dma_start3A_296 = arith.constant 0 : i32
          %dma_start3A_297 = arith.constant 0 : i32
          %dma_start3A_298 = tpu.memref_slice %dma_start3A_295[%dma_start3A_296, %dma_start3A_297] : memref<51200x32xf32, #tpu.memory_space<hbm>> -> memref<51200x32xf32, #tpu.memory_space<hbm>>
          tpu.enqueue_indirect_dma source(%dma_start3A_298 : memref<51200x32xf32, #tpu.memory_space<hbm>>) target(%dma_start3A_288 : memref<128x32xf32, #tpu.memory_space<vmem>>) offsets(%dma_start3A_291 : memref<128xi32, #tpu.memory_space<vmem>>) semaphore(%arg15 : memref<!tpu.dma_semaphore, #tpu.memory_space<semaphore_mem>>)
          %dma_start3A_299 = arith.constant 1 : i32
          %dma_start3A_300 = arith.constant 0 : i32
          %dma_start3A_301 = arith.constant 0 : i32
          %dma_start3A_302 = tpu.memref_slice %arg13[%rem3A_283, %dma_start3A_299, %dma_start3A_300, %dma_start3A_301] : memref<2x3x128x32xf32, #tpu.memory_space<vmem>> -> memref<1x1x128x32xf32, #tpu.memory_space<vmem>>
          %dma_start3A_303 = tpu.memref_squeeze %dma_start3A_302 : memref<1x1x128x32xf32, #tpu.memory_space<vmem>> -> memref<128x32xf32, #tpu.memory_space<vmem>>
          %dma_start3A_304 = arith.constant 128 : i32
          %dma_start3A_305 = tpu.memref_slice %arg11[%rem3A_281, %dma_start3A_304] : memref<3x384xi32, #tpu.memory_space<vmem>> -> memref<1x128xi32, #tpu.memory_space<vmem>>
          %dma_start3A_306 = tpu.memref_squeeze %dma_start3A_305 : memref<1x128xi32, #tpu.memory_space<vmem>> -> memref<128xi32, #tpu.memory_space<vmem>>
          %dma_start3A_307 = arith.constant 0 : i32
          %dma_start3A_308 = arith.constant 0 : i32
          %dma_start3A_309 = tpu.memref_slice %arg4[%add3A_2, %dma_start3A_307, %dma_start3A_308] : memref<4x51200x32xf32, #tpu.memory_space<hbm>> -> memref<1x51200x32xf32, #tpu.memory_space<hbm>>
          %dma_start3A_310 = tpu.memref_squeeze %dma_start3A_309 : memref<1x51200x32xf32, #tpu.memory_space<hbm>> -> memref<51200x32xf32, #tpu.memory_space<hbm>>
          %dma_start3A_311 = arith.constant 0 : i32
          %dma_start3A_312 = arith.constant 0 : i32
          %dma_start3A_313 = tpu.memref_slice %dma_start3A_310[%dma_start3A_311, %dma_start3A_312] : memref<51200x32xf32, #tpu.memory_space<hbm>> -> memref<51200x32xf32, #tpu.memory_space<hbm>>
          tpu.enqueue_indirect_dma source(%dma_start3A_313 : memref<51200x32xf32, #tpu.memory_space<hbm>>) target(%dma_start3A_303 : memref<128x32xf32, #tpu.memory_space<vmem>>) offsets(%dma_start3A_306 : memref<128xi32, #tpu.memory_space<vmem>>) semaphore(%arg15 : memref<!tpu.dma_semaphore, #tpu.memory_space<semaphore_mem>>)
          %dma_start3A_314 = arith.constant 2 : i32
          %dma_start3A_315 = arith.constant 0 : i32
          %dma_start3A_316 = arith.constant 0 : i32
          %dma_start3A_317 = tpu.memref_slice %arg13[%rem3A_283, %dma_start3A_314, %dma_start3A_315, %dma_start3A_316] : memref<2x3x128x32xf32, #tpu.memory_space<vmem>> -> memref<1x1x128x32xf32, #tpu.memory_space<vmem>>
          %dma_start3A_318 = tpu.memref_squeeze %dma_start3A_317 : memref<1x1x128x32xf32, #tpu.memory_space<vmem>> -> memref<128x32xf32, #tpu.memory_space<vmem>>
          %dma_start3A_319 = arith.constant 256 : i32
          %dma_start3A_320 = tpu.memref_slice %arg11[%rem3A_281, %dma_start3A_319] : memref<3x384xi32, #tpu.memory_space<vmem>> -> memref<1x128xi32, #tpu.memory_space<vmem>>
          %dma_start3A_321 = tpu.memref_squeeze %dma_start3A_320 : memref<1x128xi32, #tpu.memory_space<vmem>> -> memref<128xi32, #tpu.memory_space<vmem>>
          %dma_start3A_322 = arith.constant 0 : i32
          %dma_start3A_323 = arith.constant 0 : i32
          %dma_start3A_324 = tpu.memref_slice %arg4[%add3A_2, %dma_start3A_322, %dma_start3A_323] : memref<4x51200x32xf32, #tpu.memory_space<hbm>> -> memref<1x51200x32xf32, #tpu.memory_space<hbm>>
          %dma_start3A_325 = tpu.memref_squeeze %dma_start3A_324 : memref<1x51200x32xf32, #tpu.memory_space<hbm>> -> memref<51200x32xf32, #tpu.memory_space<hbm>>
          %dma_start3A_326 = arith.constant 0 : i32
          %dma_start3A_327 = arith.constant 0 : i32
          %dma_start3A_328 = tpu.memref_slice %dma_start3A_325[%dma_start3A_326, %dma_start3A_327] : memref<51200x32xf32, #tpu.memory_space<hbm>> -> memref<51200x32xf32, #tpu.memory_space<hbm>>
          tpu.enqueue_indirect_dma source(%dma_start3A_328 : memref<51200x32xf32, #tpu.memory_space<hbm>>) target(%dma_start3A_318 : memref<128x32xf32, #tpu.memory_space<vmem>>) offsets(%dma_start3A_321 : memref<128xi32, #tpu.memory_space<vmem>>) semaphore(%arg15 : memref<!tpu.dma_semaphore, #tpu.memory_space<semaphore_mem>>)
        } else {
        }
        %eq3A_274 = arith.constant 130 : i32
        %eq3A_275 = arith.cmpi eq, %scan3A_206, %eq3A_274 : i32
        %and3A_276 = arith.andi %eq3A_275, %lt3A_8 : i1
        %convert_element_type3A_277 = arith.extui %and3A_276 : i1 to i32
        %cond3A_278 = arith.constant 0 : i32
        %cond3A_279 = arith.cmpi ne, %convert_element_type3A_277, %cond3A_278 : i32
        scf.if %cond3A_279 {
          %rem3A_280 = arith.constant 3 : i32
          %rem3A_281 = arith.remsi %scan3A_206, %rem3A_280 : i32
          %rem3A_282 = arith.constant 2 : i32
          %rem3A_283 = arith.remsi %scan3A_206, %rem3A_282 : i32
          %dma_start3A_284 = arith.constant 0 : i32
          %dma_start3A_285 = arith.constant 0 : i32
          %dma_start3A_286 = arith.constant 0 : i32
          %dma_start3A_287 = tpu.memref_slice %arg13[%rem3A_283, %dma_start3A_284, %dma_start3A_285, %dma_start3A_286] : memref<2x3x128x32xf32, #tpu.memory_space<vmem>> -> memref<1x1x128x32xf32, #tpu.memory_space<vmem>>
          %dma_start3A_288 = tpu.memref_squeeze %dma_start3A_287 : memref<1x1x128x32xf32, #tpu.memory_space<vmem>> -> memref<128x32xf32, #tpu.memory_space<vmem>>
          %dma_start3A_289 = arith.constant 0 : i32
          %dma_start3A_290 = tpu.memref_slice %arg11[%rem3A_281, %dma_start3A_289] : memref<3x384xi32, #tpu.memory_space<vmem>> -> memref<1x128xi32, #tpu.memory_space<vmem>>
          %dma_start3A_291 = tpu.memref_squeeze %dma_start3A_290 : memref<1x128xi32, #tpu.memory_space<vmem>> -> memref<128xi32, #tpu.memory_space<vmem>>
          %dma_start3A_292 = arith.constant 0 : i32
          %dma_start3A_293 = arith.constant 0 : i32
          %dma_start3A_294 = tpu.memref_slice %arg4[%add3A_2, %dma_start3A_292, %dma_start3A_293] : memref<4x51200x32xf32, #tpu.memory_space<hbm>> -> memref<1x51200x32xf32, #tpu.memory_space<hbm>>
          %dma_start3A_295 = tpu.memref_squeeze %dma_start3A_294 : memref<1x51200x32xf32, #tpu.memory_space<hbm>> -> memref<51200x32xf32, #tpu.memory_space<hbm>>
          %dma_start3A_296 = arith.constant 0 : i32
          %dma_start3A_297 = arith.constant 0 : i32
          %dma_start3A_298 = tpu.memref_slice %dma_start3A_295[%dma_start3A_296, %dma_start3A_297] : memref<51200x32xf32, #tpu.memory_space<hbm>> -> memref<51200x32xf32, #tpu.memory_space<hbm>>
          tpu.enqueue_indirect_dma source(%dma_start3A_298 : memref<51200x32xf32, #tpu.memory_space<hbm>>) target(%dma_start3A_288 : memref<128x32xf32, #tpu.memory_space<vmem>>) offsets(%dma_start3A_291 : memref<128xi32, #tpu.memory_space<vmem>>) semaphore(%arg15 : memref<!tpu.dma_semaphore, #tpu.memory_space<semaphore_mem>>)
        } else {
        }
      } else {
      }
      %ge3A_219 = arith.constant 1 : i32
      %ge3A_220 = arith.cmpi sge, %scan3A_206, %ge3A_219 : i32
      %convert_element_type3A_221 = arith.extui %ge3A_220 : i1 to i32
      %cond3A_222 = arith.constant 0 : i32
      %cond3A_223 = arith.cmpi ne, %convert_element_type3A_221, %cond3A_222 : i32
      scf.if %cond3A_223 {
        %sub3A = arith.constant 1 : i32
        %sub3A_224 = arith.subi %scan3A_206, %sub3A : i32
        %lt3A_225 = arith.constant 130 : i32
        %lt3A_226 = arith.cmpi slt, %sub3A_224, %lt3A_225 : i32
        %convert_element_type3A_227 = arith.extui %lt3A_226 : i1 to i32
        %cond3A_228 = arith.constant 0 : i32
        %cond3A_229 = arith.cmpi ne, %convert_element_type3A_227, %cond3A_228 : i32
        scf.if %cond3A_229 {
          %sub3A_236 = arith.constant 1 : i32
          %sub3A_237 = arith.subi %scan3A_206, %sub3A_236 : i32
          %rem3A_238 = arith.constant 3 : i32
          %rem3A_239 = arith.remsi %sub3A_237, %rem3A_238 : i32
          %rem3A_240 = arith.constant 2 : i32
          %rem3A_241 = arith.remsi %sub3A_237, %rem3A_240 : i32
          %dma_wait3A = arith.constant 0 : i32
          %dma_wait3A_242 = arith.constant 0 : i32
          %dma_wait3A_243 = arith.constant 0 : i32
          %dma_wait3A_244 = tpu.memref_slice %arg13[%rem3A_241, %dma_wait3A, %dma_wait3A_242, %dma_wait3A_243] : memref<2x3x128x32xf32, #tpu.memory_space<vmem>> -> memref<1x1x128x32xf32, #tpu.memory_space<vmem>>
          %dma_wait3A_245 = tpu.memref_squeeze %dma_wait3A_244 : memref<1x1x128x32xf32, #tpu.memory_space<vmem>> -> memref<128x32xf32, #tpu.memory_space<vmem>>
          %dma_wait3A_246 = arith.constant 0 : i32
          %dma_wait3A_247 = tpu.memref_slice %arg11[%rem3A_239, %dma_wait3A_246] : memref<3x384xi32, #tpu.memory_space<vmem>> -> memref<1x128xi32, #tpu.memory_space<vmem>>
          %dma_wait3A_248 = tpu.memref_squeeze %dma_wait3A_247 : memref<1x128xi32, #tpu.memory_space<vmem>> -> memref<128xi32, #tpu.memory_space<vmem>>
          %dma_wait3A_249 = arith.constant 0 : i32
          %dma_wait3A_250 = arith.constant 0 : i32
          %dma_wait3A_251 = tpu.memref_slice %arg4[%add3A_2, %dma_wait3A_249, %dma_wait3A_250] : memref<4x51200x32xf32, #tpu.memory_space<hbm>> -> memref<1x51200x32xf32, #tpu.memory_space<hbm>>
          %dma_wait3A_252 = tpu.memref_squeeze %dma_wait3A_251 : memref<1x51200x32xf32, #tpu.memory_space<hbm>> -> memref<51200x32xf32, #tpu.memory_space<hbm>>
          %dma_wait3A_253 = arith.constant 0 : i32
          %dma_wait3A_254 = arith.constant 0 : i32
          %dma_wait3A_255 = tpu.memref_slice %dma_wait3A_252[%dma_wait3A_253, %dma_wait3A_254] : memref<51200x32xf32, #tpu.memory_space<hbm>> -> memref<51200x32xf32, #tpu.memory_space<hbm>>
          tpu.wait_indirect_dma semaphore(%arg15 : memref<!tpu.dma_semaphore, #tpu.memory_space<semaphore_mem>>) src(%dma_wait3A_255 : memref<51200x32xf32, #tpu.memory_space<hbm>>) dst(%dma_wait3A_245 : memref<128x32xf32, #tpu.memory_space<vmem>>)
          %dma_wait3A_256 = arith.constant 1 : i32
          %dma_wait3A_257 = arith.constant 0 : i32
          %dma_wait3A_258 = arith.constant 0 : i32
          %dma_wait3A_259 = tpu.memref_slice %arg13[%rem3A_241, %dma_wait3A_256, %dma_wait3A_257, %dma_wait3A_258] : memref<2x3x128x32xf32, #tpu.memory_space<vmem>> -> memref<1x1x128x32xf32, #tpu.memory_space<vmem>>
          %dma_wait3A_260 = tpu.memref_squeeze %dma_wait3A_259 : memref<1x1x128x32xf32, #tpu.memory_space<vmem>> -> memref<128x32xf32, #tpu.memory_space<vmem>>
          %dma_wait3A_261 = arith.constant 128 : i32
          %dma_wait3A_262 = tpu.memref_slice %arg11[%rem3A_239, %dma_wait3A_261] : memref<3x384xi32, #tpu.memory_space<vmem>> -> memref<1x128xi32, #tpu.memory_space<vmem>>
          %dma_wait3A_263 = tpu.memref_squeeze %dma_wait3A_262 : memref<1x128xi32, #tpu.memory_space<vmem>> -> memref<128xi32, #tpu.memory_space<vmem>>
          %dma_wait3A_264 = arith.constant 0 : i32
          %dma_wait3A_265 = arith.constant 0 : i32
          %dma_wait3A_266 = tpu.memref_slice %arg4[%add3A_2, %dma_wait3A_264, %dma_wait3A_265] : memref<4x51200x32xf32, #tpu.memory_space<hbm>> -> memref<1x51200x32xf32, #tpu.memory_space<hbm>>
          %dma_wait3A_267 = tpu.memref_squeeze %dma_wait3A_266 : memref<1x51200x32xf32, #tpu.memory_space<hbm>> -> memref<51200x32xf32, #tpu.memory_space<hbm>>
          %dma_wait3A_268 = arith.constant 0 : i32
          %dma_wait3A_269 = arith.constant 0 : i32
          %dma_wait3A_270 = tpu.memref_slice %dma_wait3A_267[%dma_wait3A_268, %dma_wait3A_269] : memref<51200x32xf32, #tpu.memory_space<hbm>> -> memref<51200x32xf32, #tpu.memory_space<hbm>>
          tpu.wait_indirect_dma semaphore(%arg15 : memref<!tpu.dma_semaphore, #tpu.memory_space<semaphore_mem>>) src(%dma_wait3A_270 : memref<51200x32xf32, #tpu.memory_space<hbm>>) dst(%dma_wait3A_260 : memref<128x32xf32, #tpu.memory_space<vmem>>)
          %dma_wait3A_271 = arith.constant 2 : i32
          %dma_wait3A_272 = arith.constant 0 : i32
          %dma_wait3A_273 = arith.constant 0 : i32
          %dma_wait3A_274 = tpu.memref_slice %arg13[%rem3A_241, %dma_wait3A_271, %dma_wait3A_272, %dma_wait3A_273] : memref<2x3x128x32xf32, #tpu.memory_space<vmem>> -> memref<1x1x128x32xf32, #tpu.memory_space<vmem>>
          %dma_wait3A_275 = tpu.memref_squeeze %dma_wait3A_274 : memref<1x1x128x32xf32, #tpu.memory_space<vmem>> -> memref<128x32xf32, #tpu.memory_space<vmem>>
          %dma_wait3A_276 = arith.constant 256 : i32
          %dma_wait3A_277 = tpu.memref_slice %arg11[%rem3A_239, %dma_wait3A_276] : memref<3x384xi32, #tpu.memory_space<vmem>> -> memref<1x128xi32, #tpu.memory_space<vmem>>
          %dma_wait3A_278 = tpu.memref_squeeze %dma_wait3A_277 : memref<1x128xi32, #tpu.memory_space<vmem>> -> memref<128xi32, #tpu.memory_space<vmem>>
          %dma_wait3A_279 = arith.constant 0 : i32
          %dma_wait3A_280 = arith.constant 0 : i32
          %dma_wait3A_281 = tpu.memref_slice %arg4[%add3A_2, %dma_wait3A_279, %dma_wait3A_280] : memref<4x51200x32xf32, #tpu.memory_space<hbm>> -> memref<1x51200x32xf32, #tpu.memory_space<hbm>>
          %dma_wait3A_282 = tpu.memref_squeeze %dma_wait3A_281 : memref<1x51200x32xf32, #tpu.memory_space<hbm>> -> memref<51200x32xf32, #tpu.memory_space<hbm>>
          %dma_wait3A_283 = arith.constant 0 : i32
          %dma_wait3A_284 = arith.constant 0 : i32
          %dma_wait3A_285 = tpu.memref_slice %dma_wait3A_282[%dma_wait3A_283, %dma_wait3A_284] : memref<51200x32xf32, #tpu.memory_space<hbm>> -> memref<51200x32xf32, #tpu.memory_space<hbm>>
          tpu.wait_indirect_dma semaphore(%arg15 : memref<!tpu.dma_semaphore, #tpu.memory_space<semaphore_mem>>) src(%dma_wait3A_285 : memref<51200x32xf32, #tpu.memory_space<hbm>>) dst(%dma_wait3A_275 : memref<128x32xf32, #tpu.memory_space<vmem>>)
          %dma_start3A_286 = arith.constant 0 : i32
          %dma_start3A_287 = arith.constant 0 : i32
          %dma_start3A_288 = arith.constant 0 : i32
          %dma_start3A_289 = tpu.memref_slice %arg13[%rem3A_241, %dma_start3A_286, %dma_start3A_287, %dma_start3A_288] : memref<2x3x128x32xf32, #tpu.memory_space<vmem>> -> memref<1x1x128x32xf32, #tpu.memory_space<vmem>>
          %dma_start3A_290 = tpu.memref_squeeze %dma_start3A_289 : memref<1x1x128x32xf32, #tpu.memory_space<vmem>> -> memref<128x32xf32, #tpu.memory_space<vmem>>
          %dma_start3A_291 = arith.constant 0 : i32
          %dma_start3A_292 = tpu.memref_slice %arg12[%rem3A_239, %dma_start3A_291] : memref<3x384xi32, #tpu.memory_space<vmem>> -> memref<1x128xi32, #tpu.memory_space<vmem>>
          %dma_start3A_293 = tpu.memref_squeeze %dma_start3A_292 : memref<1x128xi32, #tpu.memory_space<vmem>> -> memref<128xi32, #tpu.memory_space<vmem>>
          %dma_start3A_294 = arith.constant 0 : i32
          %dma_start3A_295 = arith.constant 0 : i32
          %dma_start3A_296 = tpu.memref_slice %arg10[%dma_start3A_294, %dma_start3A_295] : memref<50000x32xf32, #tpu.memory_space<vmem_shared>> -> memref<50000x32xf32, #tpu.memory_space<vmem_shared>>
          tpu.enqueue_indirect_dma source(%dma_start3A_290 : memref<128x32xf32, #tpu.memory_space<vmem>>) target(%dma_start3A_296 : memref<50000x32xf32, #tpu.memory_space<vmem_shared>>) offsets(%dma_start3A_293 : memref<128xi32, #tpu.memory_space<vmem>>) semaphore(%arg16 : memref<!tpu.dma_semaphore, #tpu.memory_space<semaphore_mem>>) {add = true}
          %dma_start3A_297 = arith.constant 1 : i32
          %dma_start3A_298 = arith.constant 0 : i32
          %dma_start3A_299 = arith.constant 0 : i32
          %dma_start3A_300 = tpu.memref_slice %arg13[%rem3A_241, %dma_start3A_297, %dma_start3A_298, %dma_start3A_299] : memref<2x3x128x32xf32, #tpu.memory_space<vmem>> -> memref<1x1x128x32xf32, #tpu.memory_space<vmem>>
          %dma_start3A_301 = tpu.memref_squeeze %dma_start3A_300 : memref<1x1x128x32xf32, #tpu.memory_space<vmem>> -> memref<128x32xf32, #tpu.memory_space<vmem>>
          %dma_start3A_302 = arith.constant 128 : i32
          %dma_start3A_303 = tpu.memref_slice %arg12[%rem3A_239, %dma_start3A_302] : memref<3x384xi32, #tpu.memory_space<vmem>> -> memref<1x128xi32, #tpu.memory_space<vmem>>
          %dma_start3A_304 = tpu.memref_squeeze %dma_start3A_303 : memref<1x128xi32, #tpu.memory_space<vmem>> -> memref<128xi32, #tpu.memory_space<vmem>>
          %dma_start3A_305 = arith.constant 0 : i32
          %dma_start3A_306 = arith.constant 0 : i32
          %dma_start3A_307 = tpu.memref_slice %arg10[%dma_start3A_305, %dma_start3A_306] : memref<50000x32xf32, #tpu.memory_space<vmem_shared>> -> memref<50000x32xf32, #tpu.memory_space<vmem_shared>>
          tpu.enqueue_indirect_dma source(%dma_start3A_301 : memref<128x32xf32, #tpu.memory_space<vmem>>) target(%dma_start3A_307 : memref<50000x32xf32, #tpu.memory_space<vmem_shared>>) offsets(%dma_start3A_304 : memref<128xi32, #tpu.memory_space<vmem>>) semaphore(%arg16 : memref<!tpu.dma_semaphore, #tpu.memory_space<semaphore_mem>>) {add = true}
          %dma_start3A_308 = arith.constant 2 : i32
          %dma_start3A_309 = arith.constant 0 : i32
          %dma_start3A_310 = arith.constant 0 : i32
          %dma_start3A_311 = tpu.memref_slice %arg13[%rem3A_241, %dma_start3A_308, %dma_start3A_309, %dma_start3A_310] : memref<2x3x128x32xf32, #tpu.memory_space<vmem>> -> memref<1x1x128x32xf32, #tpu.memory_space<vmem>>
          %dma_start3A_312 = tpu.memref_squeeze %dma_start3A_311 : memref<1x1x128x32xf32, #tpu.memory_space<vmem>> -> memref<128x32xf32, #tpu.memory_space<vmem>>
          %dma_start3A_313 = arith.constant 256 : i32
          %dma_start3A_314 = tpu.memref_slice %arg12[%rem3A_239, %dma_start3A_313] : memref<3x384xi32, #tpu.memory_space<vmem>> -> memref<1x128xi32, #tpu.memory_space<vmem>>
          %dma_start3A_315 = tpu.memref_squeeze %dma_start3A_314 : memref<1x128xi32, #tpu.memory_space<vmem>> -> memref<128xi32, #tpu.memory_space<vmem>>
          %dma_start3A_316 = arith.constant 0 : i32
          %dma_start3A_317 = arith.constant 0 : i32
          %dma_start3A_318 = tpu.memref_slice %arg10[%dma_start3A_316, %dma_start3A_317] : memref<50000x32xf32, #tpu.memory_space<vmem_shared>> -> memref<50000x32xf32, #tpu.memory_space<vmem_shared>>
          tpu.enqueue_indirect_dma source(%dma_start3A_312 : memref<128x32xf32, #tpu.memory_space<vmem>>) target(%dma_start3A_318 : memref<50000x32xf32, #tpu.memory_space<vmem_shared>>) offsets(%dma_start3A_315 : memref<128xi32, #tpu.memory_space<vmem>>) semaphore(%arg16 : memref<!tpu.dma_semaphore, #tpu.memory_space<semaphore_mem>>) {add = true}
        } else {
        }
        %eq3A_230 = arith.constant 130 : i32
        %eq3A_231 = arith.cmpi eq, %sub3A_224, %eq3A_230 : i32
        %and3A_232 = arith.andi %eq3A_231, %lt3A_8 : i1
        %convert_element_type3A_233 = arith.extui %and3A_232 : i1 to i32
        %cond3A_234 = arith.constant 0 : i32
        %cond3A_235 = arith.cmpi ne, %convert_element_type3A_233, %cond3A_234 : i32
        scf.if %cond3A_235 {
          %sub3A_236 = arith.constant 1 : i32
          %sub3A_237 = arith.subi %scan3A_206, %sub3A_236 : i32
          %rem3A_238 = arith.constant 3 : i32
          %rem3A_239 = arith.remsi %sub3A_237, %rem3A_238 : i32
          %rem3A_240 = arith.constant 2 : i32
          %rem3A_241 = arith.remsi %sub3A_237, %rem3A_240 : i32
          %dma_wait3A = arith.constant 0 : i32
          %dma_wait3A_242 = arith.constant 0 : i32
          %dma_wait3A_243 = arith.constant 0 : i32
          %dma_wait3A_244 = tpu.memref_slice %arg13[%rem3A_241, %dma_wait3A, %dma_wait3A_242, %dma_wait3A_243] : memref<2x3x128x32xf32, #tpu.memory_space<vmem>> -> memref<1x1x128x32xf32, #tpu.memory_space<vmem>>
          %dma_wait3A_245 = tpu.memref_squeeze %dma_wait3A_244 : memref<1x1x128x32xf32, #tpu.memory_space<vmem>> -> memref<128x32xf32, #tpu.memory_space<vmem>>
          %dma_wait3A_246 = arith.constant 0 : i32
          %dma_wait3A_247 = tpu.memref_slice %arg11[%rem3A_239, %dma_wait3A_246] : memref<3x384xi32, #tpu.memory_space<vmem>> -> memref<1x128xi32, #tpu.memory_space<vmem>>
          %dma_wait3A_248 = tpu.memref_squeeze %dma_wait3A_247 : memref<1x128xi32, #tpu.memory_space<vmem>> -> memref<128xi32, #tpu.memory_space<vmem>>
          %dma_wait3A_249 = arith.constant 0 : i32
          %dma_wait3A_250 = arith.constant 0 : i32
          %dma_wait3A_251 = tpu.memref_slice %arg4[%add3A_2, %dma_wait3A_249, %dma_wait3A_250] : memref<4x51200x32xf32, #tpu.memory_space<hbm>> -> memref<1x51200x32xf32, #tpu.memory_space<hbm>>
          %dma_wait3A_252 = tpu.memref_squeeze %dma_wait3A_251 : memref<1x51200x32xf32, #tpu.memory_space<hbm>> -> memref<51200x32xf32, #tpu.memory_space<hbm>>
          %dma_wait3A_253 = arith.constant 0 : i32
          %dma_wait3A_254 = arith.constant 0 : i32
          %dma_wait3A_255 = tpu.memref_slice %dma_wait3A_252[%dma_wait3A_253, %dma_wait3A_254] : memref<51200x32xf32, #tpu.memory_space<hbm>> -> memref<51200x32xf32, #tpu.memory_space<hbm>>
          tpu.wait_indirect_dma semaphore(%arg15 : memref<!tpu.dma_semaphore, #tpu.memory_space<semaphore_mem>>) src(%dma_wait3A_255 : memref<51200x32xf32, #tpu.memory_space<hbm>>) dst(%dma_wait3A_245 : memref<128x32xf32, #tpu.memory_space<vmem>>)
          %dma_start3A_256 = arith.constant 0 : i32
          %dma_start3A_257 = arith.constant 0 : i32
          %dma_start3A_258 = arith.constant 0 : i32
          %dma_start3A_259 = tpu.memref_slice %arg13[%rem3A_241, %dma_start3A_256, %dma_start3A_257, %dma_start3A_258] : memref<2x3x128x32xf32, #tpu.memory_space<vmem>> -> memref<1x1x128x32xf32, #tpu.memory_space<vmem>>
          %dma_start3A_260 = tpu.memref_squeeze %dma_start3A_259 : memref<1x1x128x32xf32, #tpu.memory_space<vmem>> -> memref<128x32xf32, #tpu.memory_space<vmem>>
          %dma_start3A_261 = arith.constant 0 : i32
          %dma_start3A_262 = tpu.memref_slice %arg12[%rem3A_239, %dma_start3A_261] : memref<3x384xi32, #tpu.memory_space<vmem>> -> memref<1x128xi32, #tpu.memory_space<vmem>>
          %dma_start3A_263 = tpu.memref_squeeze %dma_start3A_262 : memref<1x128xi32, #tpu.memory_space<vmem>> -> memref<128xi32, #tpu.memory_space<vmem>>
          %dma_start3A_264 = arith.constant 0 : i32
          %dma_start3A_265 = arith.constant 0 : i32
          %dma_start3A_266 = tpu.memref_slice %arg10[%dma_start3A_264, %dma_start3A_265] : memref<50000x32xf32, #tpu.memory_space<vmem_shared>> -> memref<50000x32xf32, #tpu.memory_space<vmem_shared>>
          tpu.enqueue_indirect_dma source(%dma_start3A_260 : memref<128x32xf32, #tpu.memory_space<vmem>>) target(%dma_start3A_266 : memref<50000x32xf32, #tpu.memory_space<vmem_shared>>) offsets(%dma_start3A_263 : memref<128xi32, #tpu.memory_space<vmem>>) semaphore(%arg16 : memref<!tpu.dma_semaphore, #tpu.memory_space<semaphore_mem>>) {add = true}
        } else {
        }
      } else {
      }
    }
    %scan3A_106 = arith.constant 132 : i32
    %and3A_107 = arith.constant true
    %and3A_108 = arith.andi %and3A_107, %lt3A_8 : i1
    %convert_element_type3A_109 = arith.extui %and3A_108 : i1 to i32
    %cond3A_110 = arith.constant 0 : i32
    %cond3A_111 = arith.cmpi ne, %convert_element_type3A_109, %cond3A_110 : i32
    scf.if %cond3A_111 {
      %rem3A_206 = arith.constant 130 : i32
      %rem3A_207 = arith.constant 3 : i32
      %rem3A_208 = arith.remsi %rem3A_206, %rem3A_207 : i32
      %rem3A_209 = arith.constant 130 : i32
      %rem3A_210 = arith.constant 2 : i32
      %rem3A_211 = arith.remsi %rem3A_209, %rem3A_210 : i32
      %dma_wait3A = arith.constant 0 : i32
      %dma_wait3A_212 = arith.constant 0 : i32
      %dma_wait3A_213 = arith.constant 0 : i32
      %dma_wait3A_214 = tpu.memref_slice %arg13[%rem3A_211, %dma_wait3A, %dma_wait3A_212, %dma_wait3A_213] : memref<2x3x128x32xf32, #tpu.memory_space<vmem>> -> memref<1x1x128x32xf32, #tpu.memory_space<vmem>>
      %dma_wait3A_215 = tpu.memref_squeeze %dma_wait3A_214 : memref<1x1x128x32xf32, #tpu.memory_space<vmem>> -> memref<128x32xf32, #tpu.memory_space<vmem>>
      %dma_wait3A_216 = arith.constant 0 : i32
      %dma_wait3A_217 = tpu.memref_slice %arg12[%rem3A_208, %dma_wait3A_216] : memref<3x384xi32, #tpu.memory_space<vmem>> -> memref<1x128xi32, #tpu.memory_space<vmem>>
      %dma_wait3A_218 = tpu.memref_squeeze %dma_wait3A_217 : memref<1x128xi32, #tpu.memory_space<vmem>> -> memref<128xi32, #tpu.memory_space<vmem>>
      %dma_wait3A_219 = arith.constant 0 : i32
      %dma_wait3A_220 = arith.constant 0 : i32
      %dma_wait3A_221 = tpu.memref_slice %arg10[%dma_wait3A_219, %dma_wait3A_220] : memref<50000x32xf32, #tpu.memory_space<vmem_shared>> -> memref<50000x32xf32, #tpu.memory_space<vmem_shared>>
      tpu.wait_indirect_dma semaphore(%arg16 : memref<!tpu.dma_semaphore, #tpu.memory_space<semaphore_mem>>) src(%dma_wait3A_215 : memref<128x32xf32, #tpu.memory_space<vmem>>) dst(%dma_wait3A_221 : memref<50000x32xf32, #tpu.memory_space<vmem_shared>>)
    } else {
    }
    %barrier3A_112 = arith.constant 0 : index
    tpu.barrier barrier_id(%barrier3A_112)
    %lt3A_113 = arith.constant 15 : i32
    %lt3A_114 = arith.cmpi slt, %arg1, %lt3A_113 : i32
    %convert_element_type3A_115 = arith.extui %lt3A_114 : i1 to i32
    %cond3A_116 = arith.constant 0 : i32
    %cond3A_117 = arith.cmpi ne, %convert_element_type3A_115, %cond3A_116 : i32
    scf.if %cond3A_117 {
      %mul3A_206 = arith.constant 32 : i32
      %mul3A_207 = arith.muli %arg0, %mul3A_206 : i32
      "tpu.region"() ({
        %run_scoped3A = tpu.sem_alloc : memref<!tpu.dma_semaphore, #tpu.memory_space<semaphore_mem>>
        %dma_start3A_208 = tpu.memref_slice %arg8[%mul3A_3, %mul3A_207] : memref<50000x64xf32, #tpu.memory_space<hbm>> -> memref<3128x32xf32, #tpu.memory_space<hbm>>
        %dma_start3A_209 = arith.constant 0 : i32
        %dma_start3A_210 = tpu.memref_slice %arg10[%mul3A_3, %dma_start3A_209] : memref<50000x32xf32, #tpu.memory_space<vmem_shared>> -> memref<3128x32xf32, #tpu.memory_space<vmem_shared>>
        tpu.enqueue_dma source(%dma_start3A_210 : memref<3128x32xf32, #tpu.memory_space<vmem_shared>>) target(%dma_start3A_208 : memref<3128x32xf32, #tpu.memory_space<hbm>>) target_semaphore(%run_scoped3A : memref<!tpu.dma_semaphore, #tpu.memory_space<semaphore_mem>>)
        %dma_wait3A = tpu.memref_slice %arg8[%mul3A_3, %mul3A_207] : memref<50000x64xf32, #tpu.memory_space<hbm>> -> memref<3128x32xf32, #tpu.memory_space<hbm>>
        %dma_wait3A_211 = arith.constant 0 : i32
        %dma_wait3A_212 = tpu.memref_slice %arg10[%mul3A_3, %dma_wait3A_211] : memref<50000x32xf32, #tpu.memory_space<vmem_shared>> -> memref<3128x32xf32, #tpu.memory_space<vmem_shared>>
        tpu.wait_dma2 semaphore(%run_scoped3A : memref<!tpu.dma_semaphore, #tpu.memory_space<semaphore_mem>>) src(%dma_wait3A_212 : memref<3128x32xf32, #tpu.memory_space<vmem_shared>>) dst(%dma_wait3A : memref<3128x32xf32, #tpu.memory_space<hbm>>)
        tpu.yield
      }) : () -> ()
    } else {
    }
    %eq3A_118 = arith.constant 15 : i32
    %eq3A_119 = arith.cmpi eq, %arg1, %eq3A_118 : i32
    %convert_element_type3A_120 = arith.extui %eq3A_119 : i1 to i32
    %cond3A_121 = arith.constant 0 : i32
    %cond3A_122 = arith.cmpi ne, %convert_element_type3A_120, %cond3A_121 : i32
    scf.if %cond3A_122 {
      %mul3A_206 = arith.constant 32 : i32
      %mul3A_207 = arith.muli %arg0, %mul3A_206 : i32
      "tpu.region"() ({
        %run_scoped3A = tpu.sem_alloc : memref<!tpu.dma_semaphore, #tpu.memory_space<semaphore_mem>>
        %dma_start3A_208 = tpu.memref_slice %arg8[%mul3A_3, %mul3A_207] : memref<50000x64xf32, #tpu.memory_space<hbm>> -> memref<3080x32xf32, #tpu.memory_space<hbm>>
        %dma_start3A_209 = arith.constant 0 : i32
        %dma_start3A_210 = tpu.memref_slice %arg10[%mul3A_3, %dma_start3A_209] : memref<50000x32xf32, #tpu.memory_space<vmem_shared>> -> memref<3080x32xf32, #tpu.memory_space<vmem_shared>>
        tpu.enqueue_dma source(%dma_start3A_210 : memref<3080x32xf32, #tpu.memory_space<vmem_shared>>) target(%dma_start3A_208 : memref<3080x32xf32, #tpu.memory_space<hbm>>) target_semaphore(%run_scoped3A : memref<!tpu.dma_semaphore, #tpu.memory_space<semaphore_mem>>)
        %dma_wait3A = tpu.memref_slice %arg8[%mul3A_3, %mul3A_207] : memref<50000x64xf32, #tpu.memory_space<hbm>> -> memref<3080x32xf32, #tpu.memory_space<hbm>>
        %dma_wait3A_211 = arith.constant 0 : i32
        %dma_wait3A_212 = tpu.memref_slice %arg10[%mul3A_3, %dma_wait3A_211] : memref<50000x32xf32, #tpu.memory_space<vmem_shared>> -> memref<3080x32xf32, #tpu.memory_space<vmem_shared>>
        tpu.wait_dma2 semaphore(%run_scoped3A : memref<!tpu.dma_semaphore, #tpu.memory_space<semaphore_mem>>) src(%dma_wait3A_212 : memref<3080x32xf32, #tpu.memory_space<vmem_shared>>) dst(%dma_wait3A : memref<3080x32xf32, #tpu.memory_space<hbm>>)
        tpu.yield
      }) : () -> ()
    } else {
    }
    %add3A_123 = arith.constant 4 : i32
    %add3A_124 = arith.addi %add3A_123, %arg0 : i32
    %mul3A_125 = arith.constant 3128 : i32
    %mul3A_126 = arith.muli %arg1, %mul3A_125 : i32
    %mul3A_127 = arith.constant 390 : i32
    %mul3A_128 = arith.muli %arg1, %mul3A_127 : i32
    %min3A_129 = arith.constant 10 : i32
    %min3A_130 = arith.minsi %arg1, %min3A_129 : i32
    %add3A_131 = arith.addi %mul3A_128, %min3A_130 : i32
    %lt3A_132 = arith.constant 10 : i32
    %lt3A_133 = arith.cmpi slt, %arg1, %lt3A_132 : i32
    %lt3A_134 = arith.constant 15 : i32
    %lt3A_135 = arith.cmpi slt, %arg1, %lt3A_134 : i32
    %convert_element_type3A_136 = arith.extui %lt3A_135 : i1 to i32
    %cond3A_137 = arith.constant 0 : i32
    %cond3A_138 = arith.cmpi ne, %convert_element_type3A_136, %cond3A_137 : i32
    scf.if %cond3A_138 {
      "tpu.region"() ({
        %run_scoped3A = tpu.sem_alloc : memref<!tpu.dma_semaphore, #tpu.memory_space<semaphore_mem>>
        %dma_start3A_206 = arith.constant 0 : i32
        %dma_start3A_207 = tpu.memref_slice %arg10[%mul3A_126, %dma_start3A_206] : memref<50000x32xf32, #tpu.memory_space<vmem_shared>> -> memref<3128x32xf32, #tpu.memory_space<vmem_shared>>
        %dma_start3A_208 = arith.constant 0 : i32
        %dma_start3A_209 = arith.constant 0 : i32
        %dma_start3A_210 = tpu.memref_slice %arg4[%arg0, %dma_start3A_208, %dma_start3A_209] : memref<4x51200x32xf32, #tpu.memory_space<hbm>> -> memref<1x51200x32xf32, #tpu.memory_space<hbm>>
        %dma_start3A_211 = tpu.memref_squeeze %dma_start3A_210 : memref<1x51200x32xf32, #tpu.memory_space<hbm>> -> memref<51200x32xf32, #tpu.memory_space<hbm>>
        %dma_start3A_212 = arith.constant 0 : i32
        %dma_start3A_213 = tpu.memref_slice %dma_start3A_211[%mul3A_126, %dma_start3A_212] : memref<51200x32xf32, #tpu.memory_space<hbm>> -> memref<3128x32xf32, #tpu.memory_space<hbm>>
        tpu.enqueue_dma source(%dma_start3A_213 : memref<3128x32xf32, #tpu.memory_space<hbm>>) target(%dma_start3A_207 : memref<3128x32xf32, #tpu.memory_space<vmem_shared>>) target_semaphore(%run_scoped3A : memref<!tpu.dma_semaphore, #tpu.memory_space<semaphore_mem>>)
        %dma_wait3A = arith.constant 0 : i32
        %dma_wait3A_214 = tpu.memref_slice %arg10[%mul3A_126, %dma_wait3A] : memref<50000x32xf32, #tpu.memory_space<vmem_shared>> -> memref<3128x32xf32, #tpu.memory_space<vmem_shared>>
        %dma_wait3A_215 = arith.constant 0 : i32
        %dma_wait3A_216 = arith.constant 0 : i32
        %dma_wait3A_217 = tpu.memref_slice %arg4[%arg0, %dma_wait3A_215, %dma_wait3A_216] : memref<4x51200x32xf32, #tpu.memory_space<hbm>> -> memref<1x51200x32xf32, #tpu.memory_space<hbm>>
        %dma_wait3A_218 = tpu.memref_squeeze %dma_wait3A_217 : memref<1x51200x32xf32, #tpu.memory_space<hbm>> -> memref<51200x32xf32, #tpu.memory_space<hbm>>
        %dma_wait3A_219 = arith.constant 0 : i32
        %dma_wait3A_220 = tpu.memref_slice %dma_wait3A_218[%mul3A_126, %dma_wait3A_219] : memref<51200x32xf32, #tpu.memory_space<hbm>> -> memref<3128x32xf32, #tpu.memory_space<hbm>>
        tpu.wait_dma2 semaphore(%run_scoped3A : memref<!tpu.dma_semaphore, #tpu.memory_space<semaphore_mem>>) src(%dma_wait3A_220 : memref<3128x32xf32, #tpu.memory_space<hbm>>) dst(%dma_wait3A_214 : memref<3128x32xf32, #tpu.memory_space<vmem_shared>>)
        tpu.yield
      }) : () -> ()
    } else {
    }
    %eq3A_139 = arith.constant 15 : i32
    %eq3A_140 = arith.cmpi eq, %arg1, %eq3A_139 : i32
    %convert_element_type3A_141 = arith.extui %eq3A_140 : i1 to i32
    %cond3A_142 = arith.constant 0 : i32
    %cond3A_143 = arith.cmpi ne, %convert_element_type3A_141, %cond3A_142 : i32
    scf.if %cond3A_143 {
      "tpu.region"() ({
        %run_scoped3A = tpu.sem_alloc : memref<!tpu.dma_semaphore, #tpu.memory_space<semaphore_mem>>
        %dma_start3A_206 = arith.constant 0 : i32
        %dma_start3A_207 = tpu.memref_slice %arg10[%mul3A_126, %dma_start3A_206] : memref<50000x32xf32, #tpu.memory_space<vmem_shared>> -> memref<3080x32xf32, #tpu.memory_space<vmem_shared>>
        %dma_start3A_208 = arith.constant 0 : i32
        %dma_start3A_209 = arith.constant 0 : i32
        %dma_start3A_210 = tpu.memref_slice %arg4[%arg0, %dma_start3A_208, %dma_start3A_209] : memref<4x51200x32xf32, #tpu.memory_space<hbm>> -> memref<1x51200x32xf32, #tpu.memory_space<hbm>>
        %dma_start3A_211 = tpu.memref_squeeze %dma_start3A_210 : memref<1x51200x32xf32, #tpu.memory_space<hbm>> -> memref<51200x32xf32, #tpu.memory_space<hbm>>
        %dma_start3A_212 = arith.constant 0 : i32
        %dma_start3A_213 = tpu.memref_slice %dma_start3A_211[%mul3A_126, %dma_start3A_212] : memref<51200x32xf32, #tpu.memory_space<hbm>> -> memref<3080x32xf32, #tpu.memory_space<hbm>>
        tpu.enqueue_dma source(%dma_start3A_213 : memref<3080x32xf32, #tpu.memory_space<hbm>>) target(%dma_start3A_207 : memref<3080x32xf32, #tpu.memory_space<vmem_shared>>) target_semaphore(%run_scoped3A : memref<!tpu.dma_semaphore, #tpu.memory_space<semaphore_mem>>)
        %dma_wait3A = arith.constant 0 : i32
        %dma_wait3A_214 = tpu.memref_slice %arg10[%mul3A_126, %dma_wait3A] : memref<50000x32xf32, #tpu.memory_space<vmem_shared>> -> memref<3080x32xf32, #tpu.memory_space<vmem_shared>>
        %dma_wait3A_215 = arith.constant 0 : i32
        %dma_wait3A_216 = arith.constant 0 : i32
        %dma_wait3A_217 = tpu.memref_slice %arg4[%arg0, %dma_wait3A_215, %dma_wait3A_216] : memref<4x51200x32xf32, #tpu.memory_space<hbm>> -> memref<1x51200x32xf32, #tpu.memory_space<hbm>>
        %dma_wait3A_218 = tpu.memref_squeeze %dma_wait3A_217 : memref<1x51200x32xf32, #tpu.memory_space<hbm>> -> memref<51200x32xf32, #tpu.memory_space<hbm>>
        %dma_wait3A_219 = arith.constant 0 : i32
        %dma_wait3A_220 = tpu.memref_slice %dma_wait3A_218[%mul3A_126, %dma_wait3A_219] : memref<51200x32xf32, #tpu.memory_space<hbm>> -> memref<3080x32xf32, #tpu.memory_space<hbm>>
        tpu.wait_dma2 semaphore(%run_scoped3A : memref<!tpu.dma_semaphore, #tpu.memory_space<semaphore_mem>>) src(%dma_wait3A_220 : memref<3080x32xf32, #tpu.memory_space<hbm>>) dst(%dma_wait3A_214 : memref<3080x32xf32, #tpu.memory_space<vmem_shared>>)
        tpu.yield
      }) : () -> ()
    } else {
    }
    %barrier3A_144 = arith.constant 0 : index
    tpu.barrier barrier_id(%barrier3A_144)
    %rem3A_145 = arith.constant 0 : i32
    %rem3A_146 = arith.constant 3 : i32
    %rem3A_147 = arith.remsi %rem3A_145, %rem3A_146 : i32
    %add3A_148 = arith.constant 0 : i32
    %add3A_149 = arith.addi %add3A_131, %add3A_148 : i32
    %mul3A_150 = arith.constant 128 : i32
    %mul3A_151 = arith.muli %add3A_149, %mul3A_150 : i32
    %dma_start3A_152 = arith.constant 1 : i32
    %dma_start3A_153 = arith.constant 0 : i32
    %dma_start3A_154 = tpu.memref_slice %arg11[%rem3A_147, %dma_start3A_153] : memref<3x384xi32, #tpu.memory_space<vmem>> -> memref<1x384xi32, #tpu.memory_space<vmem>>
    %dma_start3A_155 = tpu.memref_squeeze %dma_start3A_154 : memref<1x384xi32, #tpu.memory_space<vmem>> -> memref<384xi32, #tpu.memory_space<vmem>>
    %dma_start3A_156 = arith.constant 0 : i32
    %dma_start3A_157 = tpu.memref_slice %arg7[%dma_start3A_152, %dma_start3A_156] : memref<2x800000xi32, #tpu.memory_space<hbm>> -> memref<1x800000xi32, #tpu.memory_space<hbm>>
    %dma_start3A_158 = tpu.memref_squeeze %dma_start3A_157 : memref<1x800000xi32, #tpu.memory_space<hbm>> -> memref<800000xi32, #tpu.memory_space<hbm>>
    %dma_start3A_159 = tpu.memref_slice %dma_start3A_158[%mul3A_151] : memref<800000xi32, #tpu.memory_space<hbm>> -> memref<384xi32, #tpu.memory_space<hbm>>
    %dma_start3A_160 = arith.constant 0 : i32
    %dma_start3A_161 = tpu.memref_slice %arg11[%rem3A_147, %dma_start3A_160] : memref<3x384xi32, #tpu.memory_space<vmem>> -> memref<1x384xi32, #tpu.memory_space<vmem>>
    %dma_start3A_162 = tpu.memref_squeeze %dma_start3A_161 : memref<1x384xi32, #tpu.memory_space<vmem>> -> memref<384xi32, #tpu.memory_space<vmem>>
    %dma_start3A_163 = arith.constant 0 : i32
    %dma_start3A_164 = tpu.memref_slice %arg7[%dma_start3A_152, %dma_start3A_163] : memref<2x800000xi32, #tpu.memory_space<hbm>> -> memref<1x800000xi32, #tpu.memory_space<hbm>>
    %dma_start3A_165 = tpu.memref_squeeze %dma_start3A_164 : memref<1x800000xi32, #tpu.memory_space<hbm>> -> memref<800000xi32, #tpu.memory_space<hbm>>
    %dma_start3A_166 = tpu.memref_slice %dma_start3A_165[%mul3A_151] : memref<800000xi32, #tpu.memory_space<hbm>> -> memref<384xi32, #tpu.memory_space<hbm>>
    tpu.enqueue_dma source(%dma_start3A_166 : memref<384xi32, #tpu.memory_space<hbm>>) target(%dma_start3A_162 : memref<384xi32, #tpu.memory_space<vmem>>) target_semaphore(%arg14 : memref<!tpu.dma_semaphore, #tpu.memory_space<semaphore_mem>>)
    %dma_start3A_167 = arith.constant 0 : i32
    %dma_start3A_168 = arith.constant 0 : i32
    %dma_start3A_169 = tpu.memref_slice %arg12[%rem3A_147, %dma_start3A_168] : memref<3x384xi32, #tpu.memory_space<vmem>> -> memref<1x384xi32, #tpu.memory_space<vmem>>
    %dma_start3A_170 = tpu.memref_squeeze %dma_start3A_169 : memref<1x384xi32, #tpu.memory_space<vmem>> -> memref<384xi32, #tpu.memory_space<vmem>>
    %dma_start3A_171 = arith.constant 0 : i32
    %dma_start3A_172 = tpu.memref_slice %arg7[%dma_start3A_167, %dma_start3A_171] : memref<2x800000xi32, #tpu.memory_space<hbm>> -> memref<1x800000xi32, #tpu.memory_space<hbm>>
    %dma_start3A_173 = tpu.memref_squeeze %dma_start3A_172 : memref<1x800000xi32, #tpu.memory_space<hbm>> -> memref<800000xi32, #tpu.memory_space<hbm>>
    %dma_start3A_174 = tpu.memref_slice %dma_start3A_173[%mul3A_151] : memref<800000xi32, #tpu.memory_space<hbm>> -> memref<384xi32, #tpu.memory_space<hbm>>
    %dma_start3A_175 = arith.constant 0 : i32
    %dma_start3A_176 = tpu.memref_slice %arg12[%rem3A_147, %dma_start3A_175] : memref<3x384xi32, #tpu.memory_space<vmem>> -> memref<1x384xi32, #tpu.memory_space<vmem>>
    %dma_start3A_177 = tpu.memref_squeeze %dma_start3A_176 : memref<1x384xi32, #tpu.memory_space<vmem>> -> memref<384xi32, #tpu.memory_space<vmem>>
    %dma_start3A_178 = arith.constant 0 : i32
    %dma_start3A_179 = tpu.memref_slice %arg7[%dma_start3A_167, %dma_start3A_178] : memref<2x800000xi32, #tpu.memory_space<hbm>> -> memref<1x800000xi32, #tpu.memory_space<hbm>>
    %dma_start3A_180 = tpu.memref_squeeze %dma_start3A_179 : memref<1x800000xi32, #tpu.memory_space<hbm>> -> memref<800000xi32, #tpu.memory_space<hbm>>
    %dma_start3A_181 = tpu.memref_slice %dma_start3A_180[%mul3A_151] : memref<800000xi32, #tpu.memory_space<hbm>> -> memref<384xi32, #tpu.memory_space<hbm>>
    tpu.enqueue_dma source(%dma_start3A_181 : memref<384xi32, #tpu.memory_space<hbm>>) target(%dma_start3A_177 : memref<384xi32, #tpu.memory_space<vmem>>) target_semaphore(%arg14 : memref<!tpu.dma_semaphore, #tpu.memory_space<semaphore_mem>>)
    %scan3A_182 = arith.constant 0 : i32
    %scan3A_183 = arith.constant 1 : i32
    %scan3A_184 = arith.constant 0 : i32
    %scan3A_185 = arith.constant 0 : i32
    %scan3A_186 = arith.constant 132 : i32
    %scan3A_187 = arith.addi %scan3A_185, %scan3A_186 : i32
    %scan3A_188 = arith.constant 1 : i32
    scf.for %scan3A_206 = %scan3A_185 to %scan3A_187 step %scan3A_188  : i32 {
      %ge3A = arith.constant 2 : i32
      %ge3A_207 = arith.cmpi sge, %scan3A_206, %ge3A : i32
      %convert_element_type3A_208 = arith.extui %ge3A_207 : i1 to i32
      %cond3A_209 = arith.constant 0 : i32
      %cond3A_210 = arith.cmpi ne, %convert_element_type3A_208, %cond3A_209 : i32
      scf.if %cond3A_210 {
        %sub3A = arith.constant 2 : i32
        %sub3A_224 = arith.subi %scan3A_206, %sub3A : i32
        %lt3A_225 = arith.constant 130 : i32
        %lt3A_226 = arith.cmpi slt, %sub3A_224, %lt3A_225 : i32
        %convert_element_type3A_227 = arith.extui %lt3A_226 : i1 to i32
        %cond3A_228 = arith.constant 0 : i32
        %cond3A_229 = arith.cmpi ne, %convert_element_type3A_227, %cond3A_228 : i32
        scf.if %cond3A_229 {
          %sub3A_236 = arith.constant 2 : i32
          %sub3A_237 = arith.subi %scan3A_206, %sub3A_236 : i32
          %rem3A_238 = arith.constant 3 : i32
          %rem3A_239 = arith.remsi %sub3A_237, %rem3A_238 : i32
          %rem3A_240 = arith.constant 2 : i32
          %rem3A_241 = arith.remsi %sub3A_237, %rem3A_240 : i32
          %dma_wait3A = arith.constant 0 : i32
          %dma_wait3A_242 = arith.constant 0 : i32
          %dma_wait3A_243 = arith.constant 0 : i32
          %dma_wait3A_244 = tpu.memref_slice %arg13[%rem3A_241, %dma_wait3A, %dma_wait3A_242, %dma_wait3A_243] : memref<2x3x128x32xf32, #tpu.memory_space<vmem>> -> memref<1x1x128x32xf32, #tpu.memory_space<vmem>>
          %dma_wait3A_245 = tpu.memref_squeeze %dma_wait3A_244 : memref<1x1x128x32xf32, #tpu.memory_space<vmem>> -> memref<128x32xf32, #tpu.memory_space<vmem>>
          %dma_wait3A_246 = arith.constant 0 : i32
          %dma_wait3A_247 = tpu.memref_slice %arg12[%rem3A_239, %dma_wait3A_246] : memref<3x384xi32, #tpu.memory_space<vmem>> -> memref<1x128xi32, #tpu.memory_space<vmem>>
          %dma_wait3A_248 = tpu.memref_squeeze %dma_wait3A_247 : memref<1x128xi32, #tpu.memory_space<vmem>> -> memref<128xi32, #tpu.memory_space<vmem>>
          %dma_wait3A_249 = arith.constant 0 : i32
          %dma_wait3A_250 = arith.constant 0 : i32
          %dma_wait3A_251 = tpu.memref_slice %arg10[%dma_wait3A_249, %dma_wait3A_250] : memref<50000x32xf32, #tpu.memory_space<vmem_shared>> -> memref<50000x32xf32, #tpu.memory_space<vmem_shared>>
          tpu.wait_indirect_dma semaphore(%arg16 : memref<!tpu.dma_semaphore, #tpu.memory_space<semaphore_mem>>) src(%dma_wait3A_245 : memref<128x32xf32, #tpu.memory_space<vmem>>) dst(%dma_wait3A_251 : memref<50000x32xf32, #tpu.memory_space<vmem_shared>>)
          %dma_wait3A_252 = arith.constant 1 : i32
          %dma_wait3A_253 = arith.constant 0 : i32
          %dma_wait3A_254 = arith.constant 0 : i32
          %dma_wait3A_255 = tpu.memref_slice %arg13[%rem3A_241, %dma_wait3A_252, %dma_wait3A_253, %dma_wait3A_254] : memref<2x3x128x32xf32, #tpu.memory_space<vmem>> -> memref<1x1x128x32xf32, #tpu.memory_space<vmem>>
          %dma_wait3A_256 = tpu.memref_squeeze %dma_wait3A_255 : memref<1x1x128x32xf32, #tpu.memory_space<vmem>> -> memref<128x32xf32, #tpu.memory_space<vmem>>
          %dma_wait3A_257 = arith.constant 128 : i32
          %dma_wait3A_258 = tpu.memref_slice %arg12[%rem3A_239, %dma_wait3A_257] : memref<3x384xi32, #tpu.memory_space<vmem>> -> memref<1x128xi32, #tpu.memory_space<vmem>>
          %dma_wait3A_259 = tpu.memref_squeeze %dma_wait3A_258 : memref<1x128xi32, #tpu.memory_space<vmem>> -> memref<128xi32, #tpu.memory_space<vmem>>
          %dma_wait3A_260 = arith.constant 0 : i32
          %dma_wait3A_261 = arith.constant 0 : i32
          %dma_wait3A_262 = tpu.memref_slice %arg10[%dma_wait3A_260, %dma_wait3A_261] : memref<50000x32xf32, #tpu.memory_space<vmem_shared>> -> memref<50000x32xf32, #tpu.memory_space<vmem_shared>>
          tpu.wait_indirect_dma semaphore(%arg16 : memref<!tpu.dma_semaphore, #tpu.memory_space<semaphore_mem>>) src(%dma_wait3A_256 : memref<128x32xf32, #tpu.memory_space<vmem>>) dst(%dma_wait3A_262 : memref<50000x32xf32, #tpu.memory_space<vmem_shared>>)
          %dma_wait3A_263 = arith.constant 2 : i32
          %dma_wait3A_264 = arith.constant 0 : i32
          %dma_wait3A_265 = arith.constant 0 : i32
          %dma_wait3A_266 = tpu.memref_slice %arg13[%rem3A_241, %dma_wait3A_263, %dma_wait3A_264, %dma_wait3A_265] : memref<2x3x128x32xf32, #tpu.memory_space<vmem>> -> memref<1x1x128x32xf32, #tpu.memory_space<vmem>>
          %dma_wait3A_267 = tpu.memref_squeeze %dma_wait3A_266 : memref<1x1x128x32xf32, #tpu.memory_space<vmem>> -> memref<128x32xf32, #tpu.memory_space<vmem>>
          %dma_wait3A_268 = arith.constant 256 : i32
          %dma_wait3A_269 = tpu.memref_slice %arg12[%rem3A_239, %dma_wait3A_268] : memref<3x384xi32, #tpu.memory_space<vmem>> -> memref<1x128xi32, #tpu.memory_space<vmem>>
          %dma_wait3A_270 = tpu.memref_squeeze %dma_wait3A_269 : memref<1x128xi32, #tpu.memory_space<vmem>> -> memref<128xi32, #tpu.memory_space<vmem>>
          %dma_wait3A_271 = arith.constant 0 : i32
          %dma_wait3A_272 = arith.constant 0 : i32
          %dma_wait3A_273 = tpu.memref_slice %arg10[%dma_wait3A_271, %dma_wait3A_272] : memref<50000x32xf32, #tpu.memory_space<vmem_shared>> -> memref<50000x32xf32, #tpu.memory_space<vmem_shared>>
          tpu.wait_indirect_dma semaphore(%arg16 : memref<!tpu.dma_semaphore, #tpu.memory_space<semaphore_mem>>) src(%dma_wait3A_267 : memref<128x32xf32, #tpu.memory_space<vmem>>) dst(%dma_wait3A_273 : memref<50000x32xf32, #tpu.memory_space<vmem_shared>>)
        } else {
        }
        %eq3A_230 = arith.constant 130 : i32
        %eq3A_231 = arith.cmpi eq, %sub3A_224, %eq3A_230 : i32
        %and3A_232 = arith.andi %eq3A_231, %lt3A_133 : i1
        %convert_element_type3A_233 = arith.extui %and3A_232 : i1 to i32
        %cond3A_234 = arith.constant 0 : i32
        %cond3A_235 = arith.cmpi ne, %convert_element_type3A_233, %cond3A_234 : i32
        scf.if %cond3A_235 {
          %sub3A_236 = arith.constant 2 : i32
          %sub3A_237 = arith.subi %scan3A_206, %sub3A_236 : i32
          %rem3A_238 = arith.constant 3 : i32
          %rem3A_239 = arith.remsi %sub3A_237, %rem3A_238 : i32
          %rem3A_240 = arith.constant 2 : i32
          %rem3A_241 = arith.remsi %sub3A_237, %rem3A_240 : i32
          %dma_wait3A = arith.constant 0 : i32
          %dma_wait3A_242 = arith.constant 0 : i32
          %dma_wait3A_243 = arith.constant 0 : i32
          %dma_wait3A_244 = tpu.memref_slice %arg13[%rem3A_241, %dma_wait3A, %dma_wait3A_242, %dma_wait3A_243] : memref<2x3x128x32xf32, #tpu.memory_space<vmem>> -> memref<1x1x128x32xf32, #tpu.memory_space<vmem>>
          %dma_wait3A_245 = tpu.memref_squeeze %dma_wait3A_244 : memref<1x1x128x32xf32, #tpu.memory_space<vmem>> -> memref<128x32xf32, #tpu.memory_space<vmem>>
          %dma_wait3A_246 = arith.constant 0 : i32
          %dma_wait3A_247 = tpu.memref_slice %arg12[%rem3A_239, %dma_wait3A_246] : memref<3x384xi32, #tpu.memory_space<vmem>> -> memref<1x128xi32, #tpu.memory_space<vmem>>
          %dma_wait3A_248 = tpu.memref_squeeze %dma_wait3A_247 : memref<1x128xi32, #tpu.memory_space<vmem>> -> memref<128xi32, #tpu.memory_space<vmem>>
          %dma_wait3A_249 = arith.constant 0 : i32
          %dma_wait3A_250 = arith.constant 0 : i32
          %dma_wait3A_251 = tpu.memref_slice %arg10[%dma_wait3A_249, %dma_wait3A_250] : memref<50000x32xf32, #tpu.memory_space<vmem_shared>> -> memref<50000x32xf32, #tpu.memory_space<vmem_shared>>
          tpu.wait_indirect_dma semaphore(%arg16 : memref<!tpu.dma_semaphore, #tpu.memory_space<semaphore_mem>>) src(%dma_wait3A_245 : memref<128x32xf32, #tpu.memory_space<vmem>>) dst(%dma_wait3A_251 : memref<50000x32xf32, #tpu.memory_space<vmem_shared>>)
        } else {
        }
      } else {
      }
      %lt3A_211 = arith.constant 130 : i32
      %lt3A_212 = arith.cmpi slt, %scan3A_206, %lt3A_211 : i32
      %eq3A_213 = arith.constant 130 : i32
      %eq3A_214 = arith.cmpi eq, %scan3A_206, %eq3A_213 : i32
      %and3A_215 = arith.andi %eq3A_214, %lt3A_133 : i1
      %or3A = arith.ori %lt3A_212, %and3A_215 : i1
      %convert_element_type3A_216 = arith.extui %or3A : i1 to i32
      %cond3A_217 = arith.constant 0 : i32
      %cond3A_218 = arith.cmpi ne, %convert_element_type3A_216, %cond3A_217 : i32
      scf.if %cond3A_218 {
        %rem3A_224 = arith.constant 3 : i32
        %rem3A_225 = arith.remsi %scan3A_206, %rem3A_224 : i32
        %mul3A_226 = arith.constant 3 : i32
        %mul3A_227 = arith.muli %scan3A_206, %mul3A_226 : i32
        %add3A_228 = arith.addi %add3A_131, %mul3A_227 : i32
        %mul3A_229 = arith.constant 128 : i32
        %mul3A_230 = arith.muli %add3A_228, %mul3A_229 : i32
        %dma_wait3A = arith.constant 0 : i32
        %dma_wait3A_231 = tpu.memref_slice %arg11[%rem3A_225, %dma_wait3A] : memref<3x384xi32, #tpu.memory_space<vmem>> -> memref<1x384xi32, #tpu.memory_space<vmem>>
        %dma_wait3A_232 = tpu.memref_squeeze %dma_wait3A_231 : memref<1x384xi32, #tpu.memory_space<vmem>> -> memref<384xi32, #tpu.memory_space<vmem>>
        %dma_wait3A_233 = arith.constant 0 : i32
        %dma_wait3A_234 = tpu.memref_slice %arg7[%scan3A_183, %dma_wait3A_233] : memref<2x800000xi32, #tpu.memory_space<hbm>> -> memref<1x800000xi32, #tpu.memory_space<hbm>>
        %dma_wait3A_235 = tpu.memref_squeeze %dma_wait3A_234 : memref<1x800000xi32, #tpu.memory_space<hbm>> -> memref<800000xi32, #tpu.memory_space<hbm>>
        %dma_wait3A_236 = tpu.memref_slice %dma_wait3A_235[%mul3A_230] : memref<800000xi32, #tpu.memory_space<hbm>> -> memref<384xi32, #tpu.memory_space<hbm>>
        %dma_wait3A_237 = arith.constant 0 : i32
        %dma_wait3A_238 = tpu.memref_slice %arg11[%rem3A_225, %dma_wait3A_237] : memref<3x384xi32, #tpu.memory_space<vmem>> -> memref<1x384xi32, #tpu.memory_space<vmem>>
        %dma_wait3A_239 = tpu.memref_squeeze %dma_wait3A_238 : memref<1x384xi32, #tpu.memory_space<vmem>> -> memref<384xi32, #tpu.memory_space<vmem>>
        %dma_wait3A_240 = arith.constant 0 : i32
        %dma_wait3A_241 = tpu.memref_slice %arg7[%scan3A_183, %dma_wait3A_240] : memref<2x800000xi32, #tpu.memory_space<hbm>> -> memref<1x800000xi32, #tpu.memory_space<hbm>>
        %dma_wait3A_242 = tpu.memref_squeeze %dma_wait3A_241 : memref<1x800000xi32, #tpu.memory_space<hbm>> -> memref<800000xi32, #tpu.memory_space<hbm>>
        %dma_wait3A_243 = tpu.memref_slice %dma_wait3A_242[%mul3A_230] : memref<800000xi32, #tpu.memory_space<hbm>> -> memref<384xi32, #tpu.memory_space<hbm>>
        tpu.wait_dma2 semaphore(%arg14 : memref<!tpu.dma_semaphore, #tpu.memory_space<semaphore_mem>>) src(%dma_wait3A_243 : memref<384xi32, #tpu.memory_space<hbm>>) dst(%dma_wait3A_239 : memref<384xi32, #tpu.memory_space<vmem>>)
        %dma_wait3A_244 = arith.constant 0 : i32
        %dma_wait3A_245 = tpu.memref_slice %arg12[%rem3A_225, %dma_wait3A_244] : memref<3x384xi32, #tpu.memory_space<vmem>> -> memref<1x384xi32, #tpu.memory_space<vmem>>
        %dma_wait3A_246 = tpu.memref_squeeze %dma_wait3A_245 : memref<1x384xi32, #tpu.memory_space<vmem>> -> memref<384xi32, #tpu.memory_space<vmem>>
        %dma_wait3A_247 = arith.constant 0 : i32
        %dma_wait3A_248 = tpu.memref_slice %arg7[%scan3A_184, %dma_wait3A_247] : memref<2x800000xi32, #tpu.memory_space<hbm>> -> memref<1x800000xi32, #tpu.memory_space<hbm>>
        %dma_wait3A_249 = tpu.memref_squeeze %dma_wait3A_248 : memref<1x800000xi32, #tpu.memory_space<hbm>> -> memref<800000xi32, #tpu.memory_space<hbm>>
        %dma_wait3A_250 = tpu.memref_slice %dma_wait3A_249[%mul3A_230] : memref<800000xi32, #tpu.memory_space<hbm>> -> memref<384xi32, #tpu.memory_space<hbm>>
        %dma_wait3A_251 = arith.constant 0 : i32
        %dma_wait3A_252 = tpu.memref_slice %arg12[%rem3A_225, %dma_wait3A_251] : memref<3x384xi32, #tpu.memory_space<vmem>> -> memref<1x384xi32, #tpu.memory_space<vmem>>
        %dma_wait3A_253 = tpu.memref_squeeze %dma_wait3A_252 : memref<1x384xi32, #tpu.memory_space<vmem>> -> memref<384xi32, #tpu.memory_space<vmem>>
        %dma_wait3A_254 = arith.constant 0 : i32
        %dma_wait3A_255 = tpu.memref_slice %arg7[%scan3A_184, %dma_wait3A_254] : memref<2x800000xi32, #tpu.memory_space<hbm>> -> memref<1x800000xi32, #tpu.memory_space<hbm>>
        %dma_wait3A_256 = tpu.memref_squeeze %dma_wait3A_255 : memref<1x800000xi32, #tpu.memory_space<hbm>> -> memref<800000xi32, #tpu.memory_space<hbm>>
        %dma_wait3A_257 = tpu.memref_slice %dma_wait3A_256[%mul3A_230] : memref<800000xi32, #tpu.memory_space<hbm>> -> memref<384xi32, #tpu.memory_space<hbm>>
        tpu.wait_dma2 semaphore(%arg14 : memref<!tpu.dma_semaphore, #tpu.memory_space<semaphore_mem>>) src(%dma_wait3A_257 : memref<384xi32, #tpu.memory_space<hbm>>) dst(%dma_wait3A_253 : memref<384xi32, #tpu.memory_space<vmem>>)
        %add3A_258 = arith.constant 1 : i32
        %add3A_259 = arith.addi %scan3A_206, %add3A_258 : i32
        %lt3A_260 = arith.constant 130 : i32
        %lt3A_261 = arith.cmpi slt, %add3A_259, %lt3A_260 : i32
        %eq3A_262 = arith.constant 130 : i32
        %eq3A_263 = arith.cmpi eq, %add3A_259, %eq3A_262 : i32
        %and3A_264 = arith.andi %eq3A_263, %lt3A_133 : i1
        %or3A_265 = arith.ori %lt3A_261, %and3A_264 : i1
        %convert_element_type3A_266 = arith.extui %or3A_265 : i1 to i32
        %cond3A_267 = arith.constant 0 : i32
        %cond3A_268 = arith.cmpi ne, %convert_element_type3A_266, %cond3A_267 : i32
        scf.if %cond3A_268 {
          %add3A_280 = arith.constant 1 : i32
          %add3A_281 = arith.addi %scan3A_206, %add3A_280 : i32
          %rem3A_282 = arith.constant 3 : i32
          %rem3A_283 = arith.remsi %add3A_281, %rem3A_282 : i32
          %mul3A_284 = arith.constant 3 : i32
          %mul3A_285 = arith.muli %add3A_281, %mul3A_284 : i32
          %add3A_286 = arith.addi %add3A_131, %mul3A_285 : i32
          %mul3A_287 = arith.constant 128 : i32
          %mul3A_288 = arith.muli %add3A_286, %mul3A_287 : i32
          %dma_start3A_289 = arith.constant 0 : i32
          %dma_start3A_290 = tpu.memref_slice %arg11[%rem3A_283, %dma_start3A_289] : memref<3x384xi32, #tpu.memory_space<vmem>> -> memref<1x384xi32, #tpu.memory_space<vmem>>
          %dma_start3A_291 = tpu.memref_squeeze %dma_start3A_290 : memref<1x384xi32, #tpu.memory_space<vmem>> -> memref<384xi32, #tpu.memory_space<vmem>>
          %dma_start3A_292 = arith.constant 0 : i32
          %dma_start3A_293 = tpu.memref_slice %arg7[%scan3A_183, %dma_start3A_292] : memref<2x800000xi32, #tpu.memory_space<hbm>> -> memref<1x800000xi32, #tpu.memory_space<hbm>>
          %dma_start3A_294 = tpu.memref_squeeze %dma_start3A_293 : memref<1x800000xi32, #tpu.memory_space<hbm>> -> memref<800000xi32, #tpu.memory_space<hbm>>
          %dma_start3A_295 = tpu.memref_slice %dma_start3A_294[%mul3A_288] : memref<800000xi32, #tpu.memory_space<hbm>> -> memref<384xi32, #tpu.memory_space<hbm>>
          %dma_start3A_296 = arith.constant 0 : i32
          %dma_start3A_297 = tpu.memref_slice %arg11[%rem3A_283, %dma_start3A_296] : memref<3x384xi32, #tpu.memory_space<vmem>> -> memref<1x384xi32, #tpu.memory_space<vmem>>
          %dma_start3A_298 = tpu.memref_squeeze %dma_start3A_297 : memref<1x384xi32, #tpu.memory_space<vmem>> -> memref<384xi32, #tpu.memory_space<vmem>>
          %dma_start3A_299 = arith.constant 0 : i32
          %dma_start3A_300 = tpu.memref_slice %arg7[%scan3A_183, %dma_start3A_299] : memref<2x800000xi32, #tpu.memory_space<hbm>> -> memref<1x800000xi32, #tpu.memory_space<hbm>>
          %dma_start3A_301 = tpu.memref_squeeze %dma_start3A_300 : memref<1x800000xi32, #tpu.memory_space<hbm>> -> memref<800000xi32, #tpu.memory_space<hbm>>
          %dma_start3A_302 = tpu.memref_slice %dma_start3A_301[%mul3A_288] : memref<800000xi32, #tpu.memory_space<hbm>> -> memref<384xi32, #tpu.memory_space<hbm>>
          tpu.enqueue_dma source(%dma_start3A_302 : memref<384xi32, #tpu.memory_space<hbm>>) target(%dma_start3A_298 : memref<384xi32, #tpu.memory_space<vmem>>) target_semaphore(%arg14 : memref<!tpu.dma_semaphore, #tpu.memory_space<semaphore_mem>>)
          %dma_start3A_303 = arith.constant 0 : i32
          %dma_start3A_304 = tpu.memref_slice %arg12[%rem3A_283, %dma_start3A_303] : memref<3x384xi32, #tpu.memory_space<vmem>> -> memref<1x384xi32, #tpu.memory_space<vmem>>
          %dma_start3A_305 = tpu.memref_squeeze %dma_start3A_304 : memref<1x384xi32, #tpu.memory_space<vmem>> -> memref<384xi32, #tpu.memory_space<vmem>>
          %dma_start3A_306 = arith.constant 0 : i32
          %dma_start3A_307 = tpu.memref_slice %arg7[%scan3A_184, %dma_start3A_306] : memref<2x800000xi32, #tpu.memory_space<hbm>> -> memref<1x800000xi32, #tpu.memory_space<hbm>>
          %dma_start3A_308 = tpu.memref_squeeze %dma_start3A_307 : memref<1x800000xi32, #tpu.memory_space<hbm>> -> memref<800000xi32, #tpu.memory_space<hbm>>
          %dma_start3A_309 = tpu.memref_slice %dma_start3A_308[%mul3A_288] : memref<800000xi32, #tpu.memory_space<hbm>> -> memref<384xi32, #tpu.memory_space<hbm>>
          %dma_start3A_310 = arith.constant 0 : i32
          %dma_start3A_311 = tpu.memref_slice %arg12[%rem3A_283, %dma_start3A_310] : memref<3x384xi32, #tpu.memory_space<vmem>> -> memref<1x384xi32, #tpu.memory_space<vmem>>
          %dma_start3A_312 = tpu.memref_squeeze %dma_start3A_311 : memref<1x384xi32, #tpu.memory_space<vmem>> -> memref<384xi32, #tpu.memory_space<vmem>>
          %dma_start3A_313 = arith.constant 0 : i32
          %dma_start3A_314 = tpu.memref_slice %arg7[%scan3A_184, %dma_start3A_313] : memref<2x800000xi32, #tpu.memory_space<hbm>> -> memref<1x800000xi32, #tpu.memory_space<hbm>>
          %dma_start3A_315 = tpu.memref_squeeze %dma_start3A_314 : memref<1x800000xi32, #tpu.memory_space<hbm>> -> memref<800000xi32, #tpu.memory_space<hbm>>
          %dma_start3A_316 = tpu.memref_slice %dma_start3A_315[%mul3A_288] : memref<800000xi32, #tpu.memory_space<hbm>> -> memref<384xi32, #tpu.memory_space<hbm>>
          tpu.enqueue_dma source(%dma_start3A_316 : memref<384xi32, #tpu.memory_space<hbm>>) target(%dma_start3A_312 : memref<384xi32, #tpu.memory_space<vmem>>) target_semaphore(%arg14 : memref<!tpu.dma_semaphore, #tpu.memory_space<semaphore_mem>>)
        } else {
        }
        %lt3A_269 = arith.constant 130 : i32
        %lt3A_270 = arith.cmpi slt, %scan3A_206, %lt3A_269 : i32
        %convert_element_type3A_271 = arith.extui %lt3A_270 : i1 to i32
        %cond3A_272 = arith.constant 0 : i32
        %cond3A_273 = arith.cmpi ne, %convert_element_type3A_271, %cond3A_272 : i32
        scf.if %cond3A_273 {
          %rem3A_280 = arith.constant 3 : i32
          %rem3A_281 = arith.remsi %scan3A_206, %rem3A_280 : i32
          %rem3A_282 = arith.constant 2 : i32
          %rem3A_283 = arith.remsi %scan3A_206, %rem3A_282 : i32
          %dma_start3A_284 = arith.constant 0 : i32
          %dma_start3A_285 = arith.constant 0 : i32
          %dma_start3A_286 = arith.constant 0 : i32
          %dma_start3A_287 = tpu.memref_slice %arg13[%rem3A_283, %dma_start3A_284, %dma_start3A_285, %dma_start3A_286] : memref<2x3x128x32xf32, #tpu.memory_space<vmem>> -> memref<1x1x128x32xf32, #tpu.memory_space<vmem>>
          %dma_start3A_288 = tpu.memref_squeeze %dma_start3A_287 : memref<1x1x128x32xf32, #tpu.memory_space<vmem>> -> memref<128x32xf32, #tpu.memory_space<vmem>>
          %dma_start3A_289 = arith.constant 0 : i32
          %dma_start3A_290 = tpu.memref_slice %arg11[%rem3A_281, %dma_start3A_289] : memref<3x384xi32, #tpu.memory_space<vmem>> -> memref<1x128xi32, #tpu.memory_space<vmem>>
          %dma_start3A_291 = tpu.memref_squeeze %dma_start3A_290 : memref<1x128xi32, #tpu.memory_space<vmem>> -> memref<128xi32, #tpu.memory_space<vmem>>
          %dma_start3A_292 = arith.constant 0 : i32
          %dma_start3A_293 = arith.constant 0 : i32
          %dma_start3A_294 = tpu.memref_slice %arg2[%add3A_124, %dma_start3A_292, %dma_start3A_293] : memref<6x51200x32xf32, #tpu.memory_space<hbm>> -> memref<1x51200x32xf32, #tpu.memory_space<hbm>>
          %dma_start3A_295 = tpu.memref_squeeze %dma_start3A_294 : memref<1x51200x32xf32, #tpu.memory_space<hbm>> -> memref<51200x32xf32, #tpu.memory_space<hbm>>
          %dma_start3A_296 = arith.constant 0 : i32
          %dma_start3A_297 = arith.constant 0 : i32
          %dma_start3A_298 = tpu.memref_slice %dma_start3A_295[%dma_start3A_296, %dma_start3A_297] : memref<51200x32xf32, #tpu.memory_space<hbm>> -> memref<51200x32xf32, #tpu.memory_space<hbm>>
          tpu.enqueue_indirect_dma source(%dma_start3A_298 : memref<51200x32xf32, #tpu.memory_space<hbm>>) target(%dma_start3A_288 : memref<128x32xf32, #tpu.memory_space<vmem>>) offsets(%dma_start3A_291 : memref<128xi32, #tpu.memory_space<vmem>>) semaphore(%arg15 : memref<!tpu.dma_semaphore, #tpu.memory_space<semaphore_mem>>)
          %dma_start3A_299 = arith.constant 1 : i32
          %dma_start3A_300 = arith.constant 0 : i32
          %dma_start3A_301 = arith.constant 0 : i32
          %dma_start3A_302 = tpu.memref_slice %arg13[%rem3A_283, %dma_start3A_299, %dma_start3A_300, %dma_start3A_301] : memref<2x3x128x32xf32, #tpu.memory_space<vmem>> -> memref<1x1x128x32xf32, #tpu.memory_space<vmem>>
          %dma_start3A_303 = tpu.memref_squeeze %dma_start3A_302 : memref<1x1x128x32xf32, #tpu.memory_space<vmem>> -> memref<128x32xf32, #tpu.memory_space<vmem>>
          %dma_start3A_304 = arith.constant 128 : i32
          %dma_start3A_305 = tpu.memref_slice %arg11[%rem3A_281, %dma_start3A_304] : memref<3x384xi32, #tpu.memory_space<vmem>> -> memref<1x128xi32, #tpu.memory_space<vmem>>
          %dma_start3A_306 = tpu.memref_squeeze %dma_start3A_305 : memref<1x128xi32, #tpu.memory_space<vmem>> -> memref<128xi32, #tpu.memory_space<vmem>>
          %dma_start3A_307 = arith.constant 0 : i32
          %dma_start3A_308 = arith.constant 0 : i32
          %dma_start3A_309 = tpu.memref_slice %arg2[%add3A_124, %dma_start3A_307, %dma_start3A_308] : memref<6x51200x32xf32, #tpu.memory_space<hbm>> -> memref<1x51200x32xf32, #tpu.memory_space<hbm>>
          %dma_start3A_310 = tpu.memref_squeeze %dma_start3A_309 : memref<1x51200x32xf32, #tpu.memory_space<hbm>> -> memref<51200x32xf32, #tpu.memory_space<hbm>>
          %dma_start3A_311 = arith.constant 0 : i32
          %dma_start3A_312 = arith.constant 0 : i32
          %dma_start3A_313 = tpu.memref_slice %dma_start3A_310[%dma_start3A_311, %dma_start3A_312] : memref<51200x32xf32, #tpu.memory_space<hbm>> -> memref<51200x32xf32, #tpu.memory_space<hbm>>
          tpu.enqueue_indirect_dma source(%dma_start3A_313 : memref<51200x32xf32, #tpu.memory_space<hbm>>) target(%dma_start3A_303 : memref<128x32xf32, #tpu.memory_space<vmem>>) offsets(%dma_start3A_306 : memref<128xi32, #tpu.memory_space<vmem>>) semaphore(%arg15 : memref<!tpu.dma_semaphore, #tpu.memory_space<semaphore_mem>>)
          %dma_start3A_314 = arith.constant 2 : i32
          %dma_start3A_315 = arith.constant 0 : i32
          %dma_start3A_316 = arith.constant 0 : i32
          %dma_start3A_317 = tpu.memref_slice %arg13[%rem3A_283, %dma_start3A_314, %dma_start3A_315, %dma_start3A_316] : memref<2x3x128x32xf32, #tpu.memory_space<vmem>> -> memref<1x1x128x32xf32, #tpu.memory_space<vmem>>
          %dma_start3A_318 = tpu.memref_squeeze %dma_start3A_317 : memref<1x1x128x32xf32, #tpu.memory_space<vmem>> -> memref<128x32xf32, #tpu.memory_space<vmem>>
          %dma_start3A_319 = arith.constant 256 : i32
          %dma_start3A_320 = tpu.memref_slice %arg11[%rem3A_281, %dma_start3A_319] : memref<3x384xi32, #tpu.memory_space<vmem>> -> memref<1x128xi32, #tpu.memory_space<vmem>>
          %dma_start3A_321 = tpu.memref_squeeze %dma_start3A_320 : memref<1x128xi32, #tpu.memory_space<vmem>> -> memref<128xi32, #tpu.memory_space<vmem>>
          %dma_start3A_322 = arith.constant 0 : i32
          %dma_start3A_323 = arith.constant 0 : i32
          %dma_start3A_324 = tpu.memref_slice %arg2[%add3A_124, %dma_start3A_322, %dma_start3A_323] : memref<6x51200x32xf32, #tpu.memory_space<hbm>> -> memref<1x51200x32xf32, #tpu.memory_space<hbm>>
          %dma_start3A_325 = tpu.memref_squeeze %dma_start3A_324 : memref<1x51200x32xf32, #tpu.memory_space<hbm>> -> memref<51200x32xf32, #tpu.memory_space<hbm>>
          %dma_start3A_326 = arith.constant 0 : i32
          %dma_start3A_327 = arith.constant 0 : i32
          %dma_start3A_328 = tpu.memref_slice %dma_start3A_325[%dma_start3A_326, %dma_start3A_327] : memref<51200x32xf32, #tpu.memory_space<hbm>> -> memref<51200x32xf32, #tpu.memory_space<hbm>>
          tpu.enqueue_indirect_dma source(%dma_start3A_328 : memref<51200x32xf32, #tpu.memory_space<hbm>>) target(%dma_start3A_318 : memref<128x32xf32, #tpu.memory_space<vmem>>) offsets(%dma_start3A_321 : memref<128xi32, #tpu.memory_space<vmem>>) semaphore(%arg15 : memref<!tpu.dma_semaphore, #tpu.memory_space<semaphore_mem>>)
        } else {
        }
        %eq3A_274 = arith.constant 130 : i32
        %eq3A_275 = arith.cmpi eq, %scan3A_206, %eq3A_274 : i32
        %and3A_276 = arith.andi %eq3A_275, %lt3A_133 : i1
        %convert_element_type3A_277 = arith.extui %and3A_276 : i1 to i32
        %cond3A_278 = arith.constant 0 : i32
        %cond3A_279 = arith.cmpi ne, %convert_element_type3A_277, %cond3A_278 : i32
        scf.if %cond3A_279 {
          %rem3A_280 = arith.constant 3 : i32
          %rem3A_281 = arith.remsi %scan3A_206, %rem3A_280 : i32
          %rem3A_282 = arith.constant 2 : i32
          %rem3A_283 = arith.remsi %scan3A_206, %rem3A_282 : i32
          %dma_start3A_284 = arith.constant 0 : i32
          %dma_start3A_285 = arith.constant 0 : i32
          %dma_start3A_286 = arith.constant 0 : i32
          %dma_start3A_287 = tpu.memref_slice %arg13[%rem3A_283, %dma_start3A_284, %dma_start3A_285, %dma_start3A_286] : memref<2x3x128x32xf32, #tpu.memory_space<vmem>> -> memref<1x1x128x32xf32, #tpu.memory_space<vmem>>
          %dma_start3A_288 = tpu.memref_squeeze %dma_start3A_287 : memref<1x1x128x32xf32, #tpu.memory_space<vmem>> -> memref<128x32xf32, #tpu.memory_space<vmem>>
          %dma_start3A_289 = arith.constant 0 : i32
          %dma_start3A_290 = tpu.memref_slice %arg11[%rem3A_281, %dma_start3A_289] : memref<3x384xi32, #tpu.memory_space<vmem>> -> memref<1x128xi32, #tpu.memory_space<vmem>>
          %dma_start3A_291 = tpu.memref_squeeze %dma_start3A_290 : memref<1x128xi32, #tpu.memory_space<vmem>> -> memref<128xi32, #tpu.memory_space<vmem>>
          %dma_start3A_292 = arith.constant 0 : i32
          %dma_start3A_293 = arith.constant 0 : i32
          %dma_start3A_294 = tpu.memref_slice %arg2[%add3A_124, %dma_start3A_292, %dma_start3A_293] : memref<6x51200x32xf32, #tpu.memory_space<hbm>> -> memref<1x51200x32xf32, #tpu.memory_space<hbm>>
          %dma_start3A_295 = tpu.memref_squeeze %dma_start3A_294 : memref<1x51200x32xf32, #tpu.memory_space<hbm>> -> memref<51200x32xf32, #tpu.memory_space<hbm>>
          %dma_start3A_296 = arith.constant 0 : i32
          %dma_start3A_297 = arith.constant 0 : i32
          %dma_start3A_298 = tpu.memref_slice %dma_start3A_295[%dma_start3A_296, %dma_start3A_297] : memref<51200x32xf32, #tpu.memory_space<hbm>> -> memref<51200x32xf32, #tpu.memory_space<hbm>>
          tpu.enqueue_indirect_dma source(%dma_start3A_298 : memref<51200x32xf32, #tpu.memory_space<hbm>>) target(%dma_start3A_288 : memref<128x32xf32, #tpu.memory_space<vmem>>) offsets(%dma_start3A_291 : memref<128xi32, #tpu.memory_space<vmem>>) semaphore(%arg15 : memref<!tpu.dma_semaphore, #tpu.memory_space<semaphore_mem>>)
        } else {
        }
      } else {
      }
      %ge3A_219 = arith.constant 1 : i32
      %ge3A_220 = arith.cmpi sge, %scan3A_206, %ge3A_219 : i32
      %convert_element_type3A_221 = arith.extui %ge3A_220 : i1 to i32
      %cond3A_222 = arith.constant 0 : i32
      %cond3A_223 = arith.cmpi ne, %convert_element_type3A_221, %cond3A_222 : i32
      scf.if %cond3A_223 {
        %sub3A = arith.constant 1 : i32
        %sub3A_224 = arith.subi %scan3A_206, %sub3A : i32
        %lt3A_225 = arith.constant 130 : i32
        %lt3A_226 = arith.cmpi slt, %sub3A_224, %lt3A_225 : i32
        %convert_element_type3A_227 = arith.extui %lt3A_226 : i1 to i32
        %cond3A_228 = arith.constant 0 : i32
        %cond3A_229 = arith.cmpi ne, %convert_element_type3A_227, %cond3A_228 : i32
        scf.if %cond3A_229 {
          %sub3A_236 = arith.constant 1 : i32
          %sub3A_237 = arith.subi %scan3A_206, %sub3A_236 : i32
          %rem3A_238 = arith.constant 3 : i32
          %rem3A_239 = arith.remsi %sub3A_237, %rem3A_238 : i32
          %rem3A_240 = arith.constant 2 : i32
          %rem3A_241 = arith.remsi %sub3A_237, %rem3A_240 : i32
          %dma_wait3A = arith.constant 0 : i32
          %dma_wait3A_242 = arith.constant 0 : i32
          %dma_wait3A_243 = arith.constant 0 : i32
          %dma_wait3A_244 = tpu.memref_slice %arg13[%rem3A_241, %dma_wait3A, %dma_wait3A_242, %dma_wait3A_243] : memref<2x3x128x32xf32, #tpu.memory_space<vmem>> -> memref<1x1x128x32xf32, #tpu.memory_space<vmem>>
          %dma_wait3A_245 = tpu.memref_squeeze %dma_wait3A_244 : memref<1x1x128x32xf32, #tpu.memory_space<vmem>> -> memref<128x32xf32, #tpu.memory_space<vmem>>
          %dma_wait3A_246 = arith.constant 0 : i32
          %dma_wait3A_247 = tpu.memref_slice %arg11[%rem3A_239, %dma_wait3A_246] : memref<3x384xi32, #tpu.memory_space<vmem>> -> memref<1x128xi32, #tpu.memory_space<vmem>>
          %dma_wait3A_248 = tpu.memref_squeeze %dma_wait3A_247 : memref<1x128xi32, #tpu.memory_space<vmem>> -> memref<128xi32, #tpu.memory_space<vmem>>
          %dma_wait3A_249 = arith.constant 0 : i32
          %dma_wait3A_250 = arith.constant 0 : i32
          %dma_wait3A_251 = tpu.memref_slice %arg2[%add3A_124, %dma_wait3A_249, %dma_wait3A_250] : memref<6x51200x32xf32, #tpu.memory_space<hbm>> -> memref<1x51200x32xf32, #tpu.memory_space<hbm>>
          %dma_wait3A_252 = tpu.memref_squeeze %dma_wait3A_251 : memref<1x51200x32xf32, #tpu.memory_space<hbm>> -> memref<51200x32xf32, #tpu.memory_space<hbm>>
          %dma_wait3A_253 = arith.constant 0 : i32
          %dma_wait3A_254 = arith.constant 0 : i32
          %dma_wait3A_255 = tpu.memref_slice %dma_wait3A_252[%dma_wait3A_253, %dma_wait3A_254] : memref<51200x32xf32, #tpu.memory_space<hbm>> -> memref<51200x32xf32, #tpu.memory_space<hbm>>
          tpu.wait_indirect_dma semaphore(%arg15 : memref<!tpu.dma_semaphore, #tpu.memory_space<semaphore_mem>>) src(%dma_wait3A_255 : memref<51200x32xf32, #tpu.memory_space<hbm>>) dst(%dma_wait3A_245 : memref<128x32xf32, #tpu.memory_space<vmem>>)
          %dma_wait3A_256 = arith.constant 1 : i32
          %dma_wait3A_257 = arith.constant 0 : i32
          %dma_wait3A_258 = arith.constant 0 : i32
          %dma_wait3A_259 = tpu.memref_slice %arg13[%rem3A_241, %dma_wait3A_256, %dma_wait3A_257, %dma_wait3A_258] : memref<2x3x128x32xf32, #tpu.memory_space<vmem>> -> memref<1x1x128x32xf32, #tpu.memory_space<vmem>>
          %dma_wait3A_260 = tpu.memref_squeeze %dma_wait3A_259 : memref<1x1x128x32xf32, #tpu.memory_space<vmem>> -> memref<128x32xf32, #tpu.memory_space<vmem>>
          %dma_wait3A_261 = arith.constant 128 : i32
          %dma_wait3A_262 = tpu.memref_slice %arg11[%rem3A_239, %dma_wait3A_261] : memref<3x384xi32, #tpu.memory_space<vmem>> -> memref<1x128xi32, #tpu.memory_space<vmem>>
          %dma_wait3A_263 = tpu.memref_squeeze %dma_wait3A_262 : memref<1x128xi32, #tpu.memory_space<vmem>> -> memref<128xi32, #tpu.memory_space<vmem>>
          %dma_wait3A_264 = arith.constant 0 : i32
          %dma_wait3A_265 = arith.constant 0 : i32
          %dma_wait3A_266 = tpu.memref_slice %arg2[%add3A_124, %dma_wait3A_264, %dma_wait3A_265] : memref<6x51200x32xf32, #tpu.memory_space<hbm>> -> memref<1x51200x32xf32, #tpu.memory_space<hbm>>
          %dma_wait3A_267 = tpu.memref_squeeze %dma_wait3A_266 : memref<1x51200x32xf32, #tpu.memory_space<hbm>> -> memref<51200x32xf32, #tpu.memory_space<hbm>>
          %dma_wait3A_268 = arith.constant 0 : i32
          %dma_wait3A_269 = arith.constant 0 : i32
          %dma_wait3A_270 = tpu.memref_slice %dma_wait3A_267[%dma_wait3A_268, %dma_wait3A_269] : memref<51200x32xf32, #tpu.memory_space<hbm>> -> memref<51200x32xf32, #tpu.memory_space<hbm>>
          tpu.wait_indirect_dma semaphore(%arg15 : memref<!tpu.dma_semaphore, #tpu.memory_space<semaphore_mem>>) src(%dma_wait3A_270 : memref<51200x32xf32, #tpu.memory_space<hbm>>) dst(%dma_wait3A_260 : memref<128x32xf32, #tpu.memory_space<vmem>>)
          %dma_wait3A_271 = arith.constant 2 : i32
          %dma_wait3A_272 = arith.constant 0 : i32
          %dma_wait3A_273 = arith.constant 0 : i32
          %dma_wait3A_274 = tpu.memref_slice %arg13[%rem3A_241, %dma_wait3A_271, %dma_wait3A_272, %dma_wait3A_273] : memref<2x3x128x32xf32, #tpu.memory_space<vmem>> -> memref<1x1x128x32xf32, #tpu.memory_space<vmem>>
          %dma_wait3A_275 = tpu.memref_squeeze %dma_wait3A_274 : memref<1x1x128x32xf32, #tpu.memory_space<vmem>> -> memref<128x32xf32, #tpu.memory_space<vmem>>
          %dma_wait3A_276 = arith.constant 256 : i32
          %dma_wait3A_277 = tpu.memref_slice %arg11[%rem3A_239, %dma_wait3A_276] : memref<3x384xi32, #tpu.memory_space<vmem>> -> memref<1x128xi32, #tpu.memory_space<vmem>>
          %dma_wait3A_278 = tpu.memref_squeeze %dma_wait3A_277 : memref<1x128xi32, #tpu.memory_space<vmem>> -> memref<128xi32, #tpu.memory_space<vmem>>
          %dma_wait3A_279 = arith.constant 0 : i32
          %dma_wait3A_280 = arith.constant 0 : i32
          %dma_wait3A_281 = tpu.memref_slice %arg2[%add3A_124, %dma_wait3A_279, %dma_wait3A_280] : memref<6x51200x32xf32, #tpu.memory_space<hbm>> -> memref<1x51200x32xf32, #tpu.memory_space<hbm>>
          %dma_wait3A_282 = tpu.memref_squeeze %dma_wait3A_281 : memref<1x51200x32xf32, #tpu.memory_space<hbm>> -> memref<51200x32xf32, #tpu.memory_space<hbm>>
          %dma_wait3A_283 = arith.constant 0 : i32
          %dma_wait3A_284 = arith.constant 0 : i32
          %dma_wait3A_285 = tpu.memref_slice %dma_wait3A_282[%dma_wait3A_283, %dma_wait3A_284] : memref<51200x32xf32, #tpu.memory_space<hbm>> -> memref<51200x32xf32, #tpu.memory_space<hbm>>
          tpu.wait_indirect_dma semaphore(%arg15 : memref<!tpu.dma_semaphore, #tpu.memory_space<semaphore_mem>>) src(%dma_wait3A_285 : memref<51200x32xf32, #tpu.memory_space<hbm>>) dst(%dma_wait3A_275 : memref<128x32xf32, #tpu.memory_space<vmem>>)
          %dma_start3A_286 = arith.constant 0 : i32
          %dma_start3A_287 = arith.constant 0 : i32
          %dma_start3A_288 = arith.constant 0 : i32
          %dma_start3A_289 = tpu.memref_slice %arg13[%rem3A_241, %dma_start3A_286, %dma_start3A_287, %dma_start3A_288] : memref<2x3x128x32xf32, #tpu.memory_space<vmem>> -> memref<1x1x128x32xf32, #tpu.memory_space<vmem>>
          %dma_start3A_290 = tpu.memref_squeeze %dma_start3A_289 : memref<1x1x128x32xf32, #tpu.memory_space<vmem>> -> memref<128x32xf32, #tpu.memory_space<vmem>>
          %dma_start3A_291 = arith.constant 0 : i32
          %dma_start3A_292 = tpu.memref_slice %arg12[%rem3A_239, %dma_start3A_291] : memref<3x384xi32, #tpu.memory_space<vmem>> -> memref<1x128xi32, #tpu.memory_space<vmem>>
          %dma_start3A_293 = tpu.memref_squeeze %dma_start3A_292 : memref<1x128xi32, #tpu.memory_space<vmem>> -> memref<128xi32, #tpu.memory_space<vmem>>
          %dma_start3A_294 = arith.constant 0 : i32
          %dma_start3A_295 = arith.constant 0 : i32
          %dma_start3A_296 = tpu.memref_slice %arg10[%dma_start3A_294, %dma_start3A_295] : memref<50000x32xf32, #tpu.memory_space<vmem_shared>> -> memref<50000x32xf32, #tpu.memory_space<vmem_shared>>
          tpu.enqueue_indirect_dma source(%dma_start3A_290 : memref<128x32xf32, #tpu.memory_space<vmem>>) target(%dma_start3A_296 : memref<50000x32xf32, #tpu.memory_space<vmem_shared>>) offsets(%dma_start3A_293 : memref<128xi32, #tpu.memory_space<vmem>>) semaphore(%arg16 : memref<!tpu.dma_semaphore, #tpu.memory_space<semaphore_mem>>) {add = true}
          %dma_start3A_297 = arith.constant 1 : i32
          %dma_start3A_298 = arith.constant 0 : i32
          %dma_start3A_299 = arith.constant 0 : i32
          %dma_start3A_300 = tpu.memref_slice %arg13[%rem3A_241, %dma_start3A_297, %dma_start3A_298, %dma_start3A_299] : memref<2x3x128x32xf32, #tpu.memory_space<vmem>> -> memref<1x1x128x32xf32, #tpu.memory_space<vmem>>
          %dma_start3A_301 = tpu.memref_squeeze %dma_start3A_300 : memref<1x1x128x32xf32, #tpu.memory_space<vmem>> -> memref<128x32xf32, #tpu.memory_space<vmem>>
          %dma_start3A_302 = arith.constant 128 : i32
          %dma_start3A_303 = tpu.memref_slice %arg12[%rem3A_239, %dma_start3A_302] : memref<3x384xi32, #tpu.memory_space<vmem>> -> memref<1x128xi32, #tpu.memory_space<vmem>>
          %dma_start3A_304 = tpu.memref_squeeze %dma_start3A_303 : memref<1x128xi32, #tpu.memory_space<vmem>> -> memref<128xi32, #tpu.memory_space<vmem>>
          %dma_start3A_305 = arith.constant 0 : i32
          %dma_start3A_306 = arith.constant 0 : i32
          %dma_start3A_307 = tpu.memref_slice %arg10[%dma_start3A_305, %dma_start3A_306] : memref<50000x32xf32, #tpu.memory_space<vmem_shared>> -> memref<50000x32xf32, #tpu.memory_space<vmem_shared>>
          tpu.enqueue_indirect_dma source(%dma_start3A_301 : memref<128x32xf32, #tpu.memory_space<vmem>>) target(%dma_start3A_307 : memref<50000x32xf32, #tpu.memory_space<vmem_shared>>) offsets(%dma_start3A_304 : memref<128xi32, #tpu.memory_space<vmem>>) semaphore(%arg16 : memref<!tpu.dma_semaphore, #tpu.memory_space<semaphore_mem>>) {add = true}
          %dma_start3A_308 = arith.constant 2 : i32
          %dma_start3A_309 = arith.constant 0 : i32
          %dma_start3A_310 = arith.constant 0 : i32
          %dma_start3A_311 = tpu.memref_slice %arg13[%rem3A_241, %dma_start3A_308, %dma_start3A_309, %dma_start3A_310] : memref<2x3x128x32xf32, #tpu.memory_space<vmem>> -> memref<1x1x128x32xf32, #tpu.memory_space<vmem>>
          %dma_start3A_312 = tpu.memref_squeeze %dma_start3A_311 : memref<1x1x128x32xf32, #tpu.memory_space<vmem>> -> memref<128x32xf32, #tpu.memory_space<vmem>>
          %dma_start3A_313 = arith.constant 256 : i32
          %dma_start3A_314 = tpu.memref_slice %arg12[%rem3A_239, %dma_start3A_313] : memref<3x384xi32, #tpu.memory_space<vmem>> -> memref<1x128xi32, #tpu.memory_space<vmem>>
          %dma_start3A_315 = tpu.memref_squeeze %dma_start3A_314 : memref<1x128xi32, #tpu.memory_space<vmem>> -> memref<128xi32, #tpu.memory_space<vmem>>
          %dma_start3A_316 = arith.constant 0 : i32
          %dma_start3A_317 = arith.constant 0 : i32
          %dma_start3A_318 = tpu.memref_slice %arg10[%dma_start3A_316, %dma_start3A_317] : memref<50000x32xf32, #tpu.memory_space<vmem_shared>> -> memref<50000x32xf32, #tpu.memory_space<vmem_shared>>
          tpu.enqueue_indirect_dma source(%dma_start3A_312 : memref<128x32xf32, #tpu.memory_space<vmem>>) target(%dma_start3A_318 : memref<50000x32xf32, #tpu.memory_space<vmem_shared>>) offsets(%dma_start3A_315 : memref<128xi32, #tpu.memory_space<vmem>>) semaphore(%arg16 : memref<!tpu.dma_semaphore, #tpu.memory_space<semaphore_mem>>) {add = true}
        } else {
        }
        %eq3A_230 = arith.constant 130 : i32
        %eq3A_231 = arith.cmpi eq, %sub3A_224, %eq3A_230 : i32
        %and3A_232 = arith.andi %eq3A_231, %lt3A_133 : i1
        %convert_element_type3A_233 = arith.extui %and3A_232 : i1 to i32
        %cond3A_234 = arith.constant 0 : i32
        %cond3A_235 = arith.cmpi ne, %convert_element_type3A_233, %cond3A_234 : i32
        scf.if %cond3A_235 {
          %sub3A_236 = arith.constant 1 : i32
          %sub3A_237 = arith.subi %scan3A_206, %sub3A_236 : i32
          %rem3A_238 = arith.constant 3 : i32
          %rem3A_239 = arith.remsi %sub3A_237, %rem3A_238 : i32
          %rem3A_240 = arith.constant 2 : i32
          %rem3A_241 = arith.remsi %sub3A_237, %rem3A_240 : i32
          %dma_wait3A = arith.constant 0 : i32
          %dma_wait3A_242 = arith.constant 0 : i32
          %dma_wait3A_243 = arith.constant 0 : i32
          %dma_wait3A_244 = tpu.memref_slice %arg13[%rem3A_241, %dma_wait3A, %dma_wait3A_242, %dma_wait3A_243] : memref<2x3x128x32xf32, #tpu.memory_space<vmem>> -> memref<1x1x128x32xf32, #tpu.memory_space<vmem>>
          %dma_wait3A_245 = tpu.memref_squeeze %dma_wait3A_244 : memref<1x1x128x32xf32, #tpu.memory_space<vmem>> -> memref<128x32xf32, #tpu.memory_space<vmem>>
          %dma_wait3A_246 = arith.constant 0 : i32
          %dma_wait3A_247 = tpu.memref_slice %arg11[%rem3A_239, %dma_wait3A_246] : memref<3x384xi32, #tpu.memory_space<vmem>> -> memref<1x128xi32, #tpu.memory_space<vmem>>
          %dma_wait3A_248 = tpu.memref_squeeze %dma_wait3A_247 : memref<1x128xi32, #tpu.memory_space<vmem>> -> memref<128xi32, #tpu.memory_space<vmem>>
          %dma_wait3A_249 = arith.constant 0 : i32
          %dma_wait3A_250 = arith.constant 0 : i32
          %dma_wait3A_251 = tpu.memref_slice %arg2[%add3A_124, %dma_wait3A_249, %dma_wait3A_250] : memref<6x51200x32xf32, #tpu.memory_space<hbm>> -> memref<1x51200x32xf32, #tpu.memory_space<hbm>>
          %dma_wait3A_252 = tpu.memref_squeeze %dma_wait3A_251 : memref<1x51200x32xf32, #tpu.memory_space<hbm>> -> memref<51200x32xf32, #tpu.memory_space<hbm>>
          %dma_wait3A_253 = arith.constant 0 : i32
          %dma_wait3A_254 = arith.constant 0 : i32
          %dma_wait3A_255 = tpu.memref_slice %dma_wait3A_252[%dma_wait3A_253, %dma_wait3A_254] : memref<51200x32xf32, #tpu.memory_space<hbm>> -> memref<51200x32xf32, #tpu.memory_space<hbm>>
          tpu.wait_indirect_dma semaphore(%arg15 : memref<!tpu.dma_semaphore, #tpu.memory_space<semaphore_mem>>) src(%dma_wait3A_255 : memref<51200x32xf32, #tpu.memory_space<hbm>>) dst(%dma_wait3A_245 : memref<128x32xf32, #tpu.memory_space<vmem>>)
          %dma_start3A_256 = arith.constant 0 : i32
          %dma_start3A_257 = arith.constant 0 : i32
          %dma_start3A_258 = arith.constant 0 : i32
          %dma_start3A_259 = tpu.memref_slice %arg13[%rem3A_241, %dma_start3A_256, %dma_start3A_257, %dma_start3A_258] : memref<2x3x128x32xf32, #tpu.memory_space<vmem>> -> memref<1x1x128x32xf32, #tpu.memory_space<vmem>>
          %dma_start3A_260 = tpu.memref_squeeze %dma_start3A_259 : memref<1x1x128x32xf32, #tpu.memory_space<vmem>> -> memref<128x32xf32, #tpu.memory_space<vmem>>
          %dma_start3A_261 = arith.constant 0 : i32
          %dma_start3A_262 = tpu.memref_slice %arg12[%rem3A_239, %dma_start3A_261] : memref<3x384xi32, #tpu.memory_space<vmem>> -> memref<1x128xi32, #tpu.memory_space<vmem>>
          %dma_start3A_263 = tpu.memref_squeeze %dma_start3A_262 : memref<1x128xi32, #tpu.memory_space<vmem>> -> memref<128xi32, #tpu.memory_space<vmem>>
          %dma_start3A_264 = arith.constant 0 : i32
          %dma_start3A_265 = arith.constant 0 : i32
          %dma_start3A_266 = tpu.memref_slice %arg10[%dma_start3A_264, %dma_start3A_265] : memref<50000x32xf32, #tpu.memory_space<vmem_shared>> -> memref<50000x32xf32, #tpu.memory_space<vmem_shared>>
          tpu.enqueue_indirect_dma source(%dma_start3A_260 : memref<128x32xf32, #tpu.memory_space<vmem>>) target(%dma_start3A_266 : memref<50000x32xf32, #tpu.memory_space<vmem_shared>>) offsets(%dma_start3A_263 : memref<128xi32, #tpu.memory_space<vmem>>) semaphore(%arg16 : memref<!tpu.dma_semaphore, #tpu.memory_space<semaphore_mem>>) {add = true}
        } else {
        }
      } else {
      }
    }
    %scan3A_189 = arith.constant 132 : i32
    %and3A_190 = arith.constant true
    %and3A_191 = arith.andi %and3A_190, %lt3A_133 : i1
    %convert_element_type3A_192 = arith.extui %and3A_191 : i1 to i32
    %cond3A_193 = arith.constant 0 : i32
    %cond3A_194 = arith.cmpi ne, %convert_element_type3A_192, %cond3A_193 : i32
    scf.if %cond3A_194 {
      %rem3A_206 = arith.constant 130 : i32
      %rem3A_207 = arith.constant 3 : i32
      %rem3A_208 = arith.remsi %rem3A_206, %rem3A_207 : i32
      %rem3A_209 = arith.constant 130 : i32
      %rem3A_210 = arith.constant 2 : i32
      %rem3A_211 = arith.remsi %rem3A_209, %rem3A_210 : i32
      %dma_wait3A = arith.constant 0 : i32
      %dma_wait3A_212 = arith.constant 0 : i32
      %dma_wait3A_213 = arith.constant 0 : i32
      %dma_wait3A_214 = tpu.memref_slice %arg13[%rem3A_211, %dma_wait3A, %dma_wait3A_212, %dma_wait3A_213] : memref<2x3x128x32xf32, #tpu.memory_space<vmem>> -> memref<1x1x128x32xf32, #tpu.memory_space<vmem>>
      %dma_wait3A_215 = tpu.memref_squeeze %dma_wait3A_214 : memref<1x1x128x32xf32, #tpu.memory_space<vmem>> -> memref<128x32xf32, #tpu.memory_space<vmem>>
      %dma_wait3A_216 = arith.constant 0 : i32
      %dma_wait3A_217 = tpu.memref_slice %arg12[%rem3A_208, %dma_wait3A_216] : memref<3x384xi32, #tpu.memory_space<vmem>> -> memref<1x128xi32, #tpu.memory_space<vmem>>
      %dma_wait3A_218 = tpu.memref_squeeze %dma_wait3A_217 : memref<1x128xi32, #tpu.memory_space<vmem>> -> memref<128xi32, #tpu.memory_space<vmem>>
      %dma_wait3A_219 = arith.constant 0 : i32
      %dma_wait3A_220 = arith.constant 0 : i32
      %dma_wait3A_221 = tpu.memref_slice %arg10[%dma_wait3A_219, %dma_wait3A_220] : memref<50000x32xf32, #tpu.memory_space<vmem_shared>> -> memref<50000x32xf32, #tpu.memory_space<vmem_shared>>
      tpu.wait_indirect_dma semaphore(%arg16 : memref<!tpu.dma_semaphore, #tpu.memory_space<semaphore_mem>>) src(%dma_wait3A_215 : memref<128x32xf32, #tpu.memory_space<vmem>>) dst(%dma_wait3A_221 : memref<50000x32xf32, #tpu.memory_space<vmem_shared>>)
    } else {
    }
    %barrier3A_195 = arith.constant 0 : index
    tpu.barrier barrier_id(%barrier3A_195)
    %lt3A_196 = arith.constant 15 : i32
    %lt3A_197 = arith.cmpi slt, %arg1, %lt3A_196 : i32
    %convert_element_type3A_198 = arith.extui %lt3A_197 : i1 to i32
    %cond3A_199 = arith.constant 0 : i32
    %cond3A_200 = arith.cmpi ne, %convert_element_type3A_198, %cond3A_199 : i32
    scf.if %cond3A_200 {
      %mul3A_206 = arith.constant 32 : i32
      %mul3A_207 = arith.muli %arg0, %mul3A_206 : i32
      "tpu.region"() ({
        %run_scoped3A = tpu.sem_alloc : memref<!tpu.dma_semaphore, #tpu.memory_space<semaphore_mem>>
        %dma_start3A_208 = tpu.memref_slice %arg9[%mul3A_126, %mul3A_207] : memref<50000x64xf32, #tpu.memory_space<hbm>> -> memref<3128x32xf32, #tpu.memory_space<hbm>>
        %dma_start3A_209 = arith.constant 0 : i32
        %dma_start3A_210 = tpu.memref_slice %arg10[%mul3A_126, %dma_start3A_209] : memref<50000x32xf32, #tpu.memory_space<vmem_shared>> -> memref<3128x32xf32, #tpu.memory_space<vmem_shared>>
        tpu.enqueue_dma source(%dma_start3A_210 : memref<3128x32xf32, #tpu.memory_space<vmem_shared>>) target(%dma_start3A_208 : memref<3128x32xf32, #tpu.memory_space<hbm>>) target_semaphore(%run_scoped3A : memref<!tpu.dma_semaphore, #tpu.memory_space<semaphore_mem>>)
        %dma_wait3A = tpu.memref_slice %arg9[%mul3A_126, %mul3A_207] : memref<50000x64xf32, #tpu.memory_space<hbm>> -> memref<3128x32xf32, #tpu.memory_space<hbm>>
        %dma_wait3A_211 = arith.constant 0 : i32
        %dma_wait3A_212 = tpu.memref_slice %arg10[%mul3A_126, %dma_wait3A_211] : memref<50000x32xf32, #tpu.memory_space<vmem_shared>> -> memref<3128x32xf32, #tpu.memory_space<vmem_shared>>
        tpu.wait_dma2 semaphore(%run_scoped3A : memref<!tpu.dma_semaphore, #tpu.memory_space<semaphore_mem>>) src(%dma_wait3A_212 : memref<3128x32xf32, #tpu.memory_space<vmem_shared>>) dst(%dma_wait3A : memref<3128x32xf32, #tpu.memory_space<hbm>>)
        tpu.yield
      }) : () -> ()
    } else {
    }
    %eq3A_201 = arith.constant 15 : i32
    %eq3A_202 = arith.cmpi eq, %arg1, %eq3A_201 : i32
    %convert_element_type3A_203 = arith.extui %eq3A_202 : i1 to i32
    %cond3A_204 = arith.constant 0 : i32
    %cond3A_205 = arith.cmpi ne, %convert_element_type3A_203, %cond3A_204 : i32
    scf.if %cond3A_205 {
      %mul3A_206 = arith.constant 32 : i32
      %mul3A_207 = arith.muli %arg0, %mul3A_206 : i32
      "tpu.region"() ({
        %run_scoped3A = tpu.sem_alloc : memref<!tpu.dma_semaphore, #tpu.memory_space<semaphore_mem>>
        %dma_start3A_208 = tpu.memref_slice %arg9[%mul3A_126, %mul3A_207] : memref<50000x64xf32, #tpu.memory_space<hbm>> -> memref<3080x32xf32, #tpu.memory_space<hbm>>
        %dma_start3A_209 = arith.constant 0 : i32
        %dma_start3A_210 = tpu.memref_slice %arg10[%mul3A_126, %dma_start3A_209] : memref<50000x32xf32, #tpu.memory_space<vmem_shared>> -> memref<3080x32xf32, #tpu.memory_space<vmem_shared>>
        tpu.enqueue_dma source(%dma_start3A_210 : memref<3080x32xf32, #tpu.memory_space<vmem_shared>>) target(%dma_start3A_208 : memref<3080x32xf32, #tpu.memory_space<hbm>>) target_semaphore(%run_scoped3A : memref<!tpu.dma_semaphore, #tpu.memory_space<semaphore_mem>>)
        %dma_wait3A = tpu.memref_slice %arg9[%mul3A_126, %mul3A_207] : memref<50000x64xf32, #tpu.memory_space<hbm>> -> memref<3080x32xf32, #tpu.memory_space<hbm>>
        %dma_wait3A_211 = arith.constant 0 : i32
        %dma_wait3A_212 = tpu.memref_slice %arg10[%mul3A_126, %dma_wait3A_211] : memref<50000x32xf32, #tpu.memory_space<vmem_shared>> -> memref<3080x32xf32, #tpu.memory_space<vmem_shared>>
        tpu.wait_dma2 semaphore(%run_scoped3A : memref<!tpu.dma_semaphore, #tpu.memory_space<semaphore_mem>>) src(%dma_wait3A_212 : memref<3080x32xf32, #tpu.memory_space<vmem_shared>>) dst(%dma_wait3A : memref<3080x32xf32, #tpu.memory_space<hbm>>)
        tpu.yield
      }) : () -> ()
    } else {
    }
    return
  }
}

#map = affine_map<(d0, d1) -> (0, 0, 0)>
#map1 = affine_map<(d0, d1) -> (0, 0)>
module attributes {stable_mosaic.version = 14 : i64} {
  func.func @_sc_car_body(%arg0: i32, %arg1: i32, %arg2: memref<4x51200x32xf32, #tpu.memory_space<hbm>>, %arg3: memref<6x51200x32xf32, #tpu.memory_space<hbm>>, %arg4: memref<2x800000xi32, #tpu.memory_space<hbm>>, %arg5: memref<50000x64xf32, #tpu.memory_space<hbm>>, %arg6: memref<50000x32xf32, #tpu.memory_space<vmem_shared>>, %arg7: memref<3x384xi32, #tpu.memory_space<vmem>>, %arg8: memref<3x384xi32, #tpu.memory_space<vmem>>, %arg9: memref<2x3x128x32xf32, #tpu.memory_space<vmem>>, %arg10: memref<!tpu.dma_semaphore, #tpu.memory_space<semaphore_mem>>, %arg11: memref<!tpu.dma_semaphore, #tpu.memory_space<semaphore_mem>>, %arg12: memref<!tpu.dma_semaphore, #tpu.memory_space<semaphore_mem>>) attributes {dimension_semantics = [#tpu.dimension_semantics<core_parallel>, #tpu.dimension_semantics<subcore_parallel>], iteration_bounds = array<i64: 2, 16>, scalar_prefetch = 0 : i64, scratch_operands = 7 : i64, tpu.core_type = #tpu.core_type<sc_vector_subcore>, window_params = [{transform_indices = #map}, {transform_indices = #map}, {transform_indices = #map1}, {transform_indices = #map1}]} {
    %add3A = arith.constant 2 : i32
    %add3A_0 = arith.addi %add3A, %arg0 : i32
    %mul3A = arith.constant 3128 : i32
    %mul3A_1 = arith.muli %arg1, %mul3A : i32
    %mul3A_2 = arith.constant 390 : i32
    %mul3A_3 = arith.muli %arg1, %mul3A_2 : i32
    %min3A = arith.constant 10 : i32
    %min3A_4 = arith.minsi %arg1, %min3A : i32
    %add3A_5 = arith.addi %mul3A_3, %min3A_4 : i32
    %lt3A = arith.constant 10 : i32
    %lt3A_6 = arith.cmpi slt, %arg1, %lt3A : i32
    %lt3A_7 = arith.constant 15 : i32
    %lt3A_8 = arith.cmpi slt, %arg1, %lt3A_7 : i32
    %convert_element_type3A = arith.extui %lt3A_8 : i1 to i32
    %cond3A = arith.constant 0 : i32
    %cond3A_9 = arith.cmpi ne, %convert_element_type3A, %cond3A : i32
    scf.if %cond3A_9 {
      "tpu.region"() ({
        %run_scoped3A = tpu.sem_alloc : memref<!tpu.dma_semaphore, #tpu.memory_space<semaphore_mem>>
        %dma_start3A_71 = arith.constant 0 : i32
        %dma_start3A_72 = tpu.memref_slice %arg6[%mul3A_1, %dma_start3A_71] : memref<50000x32xf32, #tpu.memory_space<vmem_shared>> -> memref<3128x32xf32, #tpu.memory_space<vmem_shared>>
        %dma_start3A_73 = arith.constant 0 : i32
        %dma_start3A_74 = arith.constant 0 : i32
        %dma_start3A_75 = tpu.memref_slice %arg2[%arg0, %dma_start3A_73, %dma_start3A_74] : memref<4x51200x32xf32, #tpu.memory_space<hbm>> -> memref<1x51200x32xf32, #tpu.memory_space<hbm>>
        %dma_start3A_76 = tpu.memref_squeeze %dma_start3A_75 : memref<1x51200x32xf32, #tpu.memory_space<hbm>> -> memref<51200x32xf32, #tpu.memory_space<hbm>>
        %dma_start3A_77 = arith.constant 0 : i32
        %dma_start3A_78 = tpu.memref_slice %dma_start3A_76[%mul3A_1, %dma_start3A_77] : memref<51200x32xf32, #tpu.memory_space<hbm>> -> memref<3128x32xf32, #tpu.memory_space<hbm>>
        tpu.enqueue_dma source(%dma_start3A_78 : memref<3128x32xf32, #tpu.memory_space<hbm>>) target(%dma_start3A_72 : memref<3128x32xf32, #tpu.memory_space<vmem_shared>>) target_semaphore(%run_scoped3A : memref<!tpu.dma_semaphore, #tpu.memory_space<semaphore_mem>>)
        %dma_wait3A = arith.constant 0 : i32
        %dma_wait3A_79 = tpu.memref_slice %arg6[%mul3A_1, %dma_wait3A] : memref<50000x32xf32, #tpu.memory_space<vmem_shared>> -> memref<3128x32xf32, #tpu.memory_space<vmem_shared>>
        %dma_wait3A_80 = arith.constant 0 : i32
        %dma_wait3A_81 = arith.constant 0 : i32
        %dma_wait3A_82 = tpu.memref_slice %arg2[%arg0, %dma_wait3A_80, %dma_wait3A_81] : memref<4x51200x32xf32, #tpu.memory_space<hbm>> -> memref<1x51200x32xf32, #tpu.memory_space<hbm>>
        %dma_wait3A_83 = tpu.memref_squeeze %dma_wait3A_82 : memref<1x51200x32xf32, #tpu.memory_space<hbm>> -> memref<51200x32xf32, #tpu.memory_space<hbm>>
        %dma_wait3A_84 = arith.constant 0 : i32
        %dma_wait3A_85 = tpu.memref_slice %dma_wait3A_83[%mul3A_1, %dma_wait3A_84] : memref<51200x32xf32, #tpu.memory_space<hbm>> -> memref<3128x32xf32, #tpu.memory_space<hbm>>
        tpu.wait_dma2 semaphore(%run_scoped3A : memref<!tpu.dma_semaphore, #tpu.memory_space<semaphore_mem>>) src(%dma_wait3A_85 : memref<3128x32xf32, #tpu.memory_space<hbm>>) dst(%dma_wait3A_79 : memref<3128x32xf32, #tpu.memory_space<vmem_shared>>)
        tpu.yield
      }) : () -> ()
    } else {
    }
    %eq3A = arith.constant 15 : i32
    %eq3A_10 = arith.cmpi eq, %arg1, %eq3A : i32
    %convert_element_type3A_11 = arith.extui %eq3A_10 : i1 to i32
    %cond3A_12 = arith.constant 0 : i32
    %cond3A_13 = arith.cmpi ne, %convert_element_type3A_11, %cond3A_12 : i32
    scf.if %cond3A_13 {
      "tpu.region"() ({
        %run_scoped3A = tpu.sem_alloc : memref<!tpu.dma_semaphore, #tpu.memory_space<semaphore_mem>>
        %dma_start3A_71 = arith.constant 0 : i32
        %dma_start3A_72 = tpu.memref_slice %arg6[%mul3A_1, %dma_start3A_71] : memref<50000x32xf32, #tpu.memory_space<vmem_shared>> -> memref<3080x32xf32, #tpu.memory_space<vmem_shared>>
        %dma_start3A_73 = arith.constant 0 : i32
        %dma_start3A_74 = arith.constant 0 : i32
        %dma_start3A_75 = tpu.memref_slice %arg2[%arg0, %dma_start3A_73, %dma_start3A_74] : memref<4x51200x32xf32, #tpu.memory_space<hbm>> -> memref<1x51200x32xf32, #tpu.memory_space<hbm>>
        %dma_start3A_76 = tpu.memref_squeeze %dma_start3A_75 : memref<1x51200x32xf32, #tpu.memory_space<hbm>> -> memref<51200x32xf32, #tpu.memory_space<hbm>>
        %dma_start3A_77 = arith.constant 0 : i32
        %dma_start3A_78 = tpu.memref_slice %dma_start3A_76[%mul3A_1, %dma_start3A_77] : memref<51200x32xf32, #tpu.memory_space<hbm>> -> memref<3080x32xf32, #tpu.memory_space<hbm>>
        tpu.enqueue_dma source(%dma_start3A_78 : memref<3080x32xf32, #tpu.memory_space<hbm>>) target(%dma_start3A_72 : memref<3080x32xf32, #tpu.memory_space<vmem_shared>>) target_semaphore(%run_scoped3A : memref<!tpu.dma_semaphore, #tpu.memory_space<semaphore_mem>>)
        %dma_wait3A = arith.constant 0 : i32
        %dma_wait3A_79 = tpu.memref_slice %arg6[%mul3A_1, %dma_wait3A] : memref<50000x32xf32, #tpu.memory_space<vmem_shared>> -> memref<3080x32xf32, #tpu.memory_space<vmem_shared>>
        %dma_wait3A_80 = arith.constant 0 : i32
        %dma_wait3A_81 = arith.constant 0 : i32
        %dma_wait3A_82 = tpu.memref_slice %arg2[%arg0, %dma_wait3A_80, %dma_wait3A_81] : memref<4x51200x32xf32, #tpu.memory_space<hbm>> -> memref<1x51200x32xf32, #tpu.memory_space<hbm>>
        %dma_wait3A_83 = tpu.memref_squeeze %dma_wait3A_82 : memref<1x51200x32xf32, #tpu.memory_space<hbm>> -> memref<51200x32xf32, #tpu.memory_space<hbm>>
        %dma_wait3A_84 = arith.constant 0 : i32
        %dma_wait3A_85 = tpu.memref_slice %dma_wait3A_83[%mul3A_1, %dma_wait3A_84] : memref<51200x32xf32, #tpu.memory_space<hbm>> -> memref<3080x32xf32, #tpu.memory_space<hbm>>
        tpu.wait_dma2 semaphore(%run_scoped3A : memref<!tpu.dma_semaphore, #tpu.memory_space<semaphore_mem>>) src(%dma_wait3A_85 : memref<3080x32xf32, #tpu.memory_space<hbm>>) dst(%dma_wait3A_79 : memref<3080x32xf32, #tpu.memory_space<vmem_shared>>)
        tpu.yield
      }) : () -> ()
    } else {
    }
    %barrier3A = arith.constant 0 : index
    tpu.barrier barrier_id(%barrier3A)
    %rem3A = arith.constant 0 : i32
    %rem3A_14 = arith.constant 3 : i32
    %rem3A_15 = arith.remsi %rem3A, %rem3A_14 : i32
    %add3A_16 = arith.constant 0 : i32
    %add3A_17 = arith.addi %add3A_5, %add3A_16 : i32
    %mul3A_18 = arith.constant 128 : i32
    %mul3A_19 = arith.muli %add3A_17, %mul3A_18 : i32
    %dma_start3A = arith.constant 1 : i32
    %dma_start3A_20 = arith.constant 0 : i32
    %dma_start3A_21 = tpu.memref_slice %arg7[%rem3A_15, %dma_start3A_20] : memref<3x384xi32, #tpu.memory_space<vmem>> -> memref<1x384xi32, #tpu.memory_space<vmem>>
    %dma_start3A_22 = tpu.memref_squeeze %dma_start3A_21 : memref<1x384xi32, #tpu.memory_space<vmem>> -> memref<384xi32, #tpu.memory_space<vmem>>
    %dma_start3A_23 = arith.constant 0 : i32
    %dma_start3A_24 = tpu.memref_slice %arg4[%dma_start3A, %dma_start3A_23] : memref<2x800000xi32, #tpu.memory_space<hbm>> -> memref<1x800000xi32, #tpu.memory_space<hbm>>
    %dma_start3A_25 = tpu.memref_squeeze %dma_start3A_24 : memref<1x800000xi32, #tpu.memory_space<hbm>> -> memref<800000xi32, #tpu.memory_space<hbm>>
    %dma_start3A_26 = tpu.memref_slice %dma_start3A_25[%mul3A_19] : memref<800000xi32, #tpu.memory_space<hbm>> -> memref<384xi32, #tpu.memory_space<hbm>>
    %dma_start3A_27 = arith.constant 0 : i32
    %dma_start3A_28 = tpu.memref_slice %arg7[%rem3A_15, %dma_start3A_27] : memref<3x384xi32, #tpu.memory_space<vmem>> -> memref<1x384xi32, #tpu.memory_space<vmem>>
    %dma_start3A_29 = tpu.memref_squeeze %dma_start3A_28 : memref<1x384xi32, #tpu.memory_space<vmem>> -> memref<384xi32, #tpu.memory_space<vmem>>
    %dma_start3A_30 = arith.constant 0 : i32
    %dma_start3A_31 = tpu.memref_slice %arg4[%dma_start3A, %dma_start3A_30] : memref<2x800000xi32, #tpu.memory_space<hbm>> -> memref<1x800000xi32, #tpu.memory_space<hbm>>
    %dma_start3A_32 = tpu.memref_squeeze %dma_start3A_31 : memref<1x800000xi32, #tpu.memory_space<hbm>> -> memref<800000xi32, #tpu.memory_space<hbm>>
    %dma_start3A_33 = tpu.memref_slice %dma_start3A_32[%mul3A_19] : memref<800000xi32, #tpu.memory_space<hbm>> -> memref<384xi32, #tpu.memory_space<hbm>>
    tpu.enqueue_dma source(%dma_start3A_33 : memref<384xi32, #tpu.memory_space<hbm>>) target(%dma_start3A_29 : memref<384xi32, #tpu.memory_space<vmem>>) target_semaphore(%arg10 : memref<!tpu.dma_semaphore, #tpu.memory_space<semaphore_mem>>)
    %dma_start3A_34 = arith.constant 0 : i32
    %dma_start3A_35 = arith.constant 0 : i32
    %dma_start3A_36 = tpu.memref_slice %arg8[%rem3A_15, %dma_start3A_35] : memref<3x384xi32, #tpu.memory_space<vmem>> -> memref<1x384xi32, #tpu.memory_space<vmem>>
    %dma_start3A_37 = tpu.memref_squeeze %dma_start3A_36 : memref<1x384xi32, #tpu.memory_space<vmem>> -> memref<384xi32, #tpu.memory_space<vmem>>
    %dma_start3A_38 = arith.constant 0 : i32
    %dma_start3A_39 = tpu.memref_slice %arg4[%dma_start3A_34, %dma_start3A_38] : memref<2x800000xi32, #tpu.memory_space<hbm>> -> memref<1x800000xi32, #tpu.memory_space<hbm>>
    %dma_start3A_40 = tpu.memref_squeeze %dma_start3A_39 : memref<1x800000xi32, #tpu.memory_space<hbm>> -> memref<800000xi32, #tpu.memory_space<hbm>>
    %dma_start3A_41 = tpu.memref_slice %dma_start3A_40[%mul3A_19] : memref<800000xi32, #tpu.memory_space<hbm>> -> memref<384xi32, #tpu.memory_space<hbm>>
    %dma_start3A_42 = arith.constant 0 : i32
    %dma_start3A_43 = tpu.memref_slice %arg8[%rem3A_15, %dma_start3A_42] : memref<3x384xi32, #tpu.memory_space<vmem>> -> memref<1x384xi32, #tpu.memory_space<vmem>>
    %dma_start3A_44 = tpu.memref_squeeze %dma_start3A_43 : memref<1x384xi32, #tpu.memory_space<vmem>> -> memref<384xi32, #tpu.memory_space<vmem>>
    %dma_start3A_45 = arith.constant 0 : i32
    %dma_start3A_46 = tpu.memref_slice %arg4[%dma_start3A_34, %dma_start3A_45] : memref<2x800000xi32, #tpu.memory_space<hbm>> -> memref<1x800000xi32, #tpu.memory_space<hbm>>
    %dma_start3A_47 = tpu.memref_squeeze %dma_start3A_46 : memref<1x800000xi32, #tpu.memory_space<hbm>> -> memref<800000xi32, #tpu.memory_space<hbm>>
    %dma_start3A_48 = tpu.memref_slice %dma_start3A_47[%mul3A_19] : memref<800000xi32, #tpu.memory_space<hbm>> -> memref<384xi32, #tpu.memory_space<hbm>>
    tpu.enqueue_dma source(%dma_start3A_48 : memref<384xi32, #tpu.memory_space<hbm>>) target(%dma_start3A_44 : memref<384xi32, #tpu.memory_space<vmem>>) target_semaphore(%arg10 : memref<!tpu.dma_semaphore, #tpu.memory_space<semaphore_mem>>)
    %scan3A = arith.constant 0 : i32
    %scan3A_49 = arith.constant 1 : i32
    %scan3A_50 = arith.constant 0 : i32
    %scan3A_51 = arith.constant 0 : i32
    %scan3A_52 = arith.constant 132 : i32
    %scan3A_53 = arith.addi %scan3A_51, %scan3A_52 : i32
    %scan3A_54 = arith.constant 1 : i32
    scf.for %scan3A_71 = %scan3A_51 to %scan3A_53 step %scan3A_54  : i32 {
      %ge3A = arith.constant 2 : i32
      %ge3A_72 = arith.cmpi sge, %scan3A_71, %ge3A : i32
      %convert_element_type3A_73 = arith.extui %ge3A_72 : i1 to i32
      %cond3A_74 = arith.constant 0 : i32
      %cond3A_75 = arith.cmpi ne, %convert_element_type3A_73, %cond3A_74 : i32
      scf.if %cond3A_75 {
        %sub3A = arith.constant 2 : i32
        %sub3A_89 = arith.subi %scan3A_71, %sub3A : i32
        %lt3A_90 = arith.constant 130 : i32
        %lt3A_91 = arith.cmpi slt, %sub3A_89, %lt3A_90 : i32
        %convert_element_type3A_92 = arith.extui %lt3A_91 : i1 to i32
        %cond3A_93 = arith.constant 0 : i32
        %cond3A_94 = arith.cmpi ne, %convert_element_type3A_92, %cond3A_93 : i32
        scf.if %cond3A_94 {
          %sub3A_101 = arith.constant 2 : i32
          %sub3A_102 = arith.subi %scan3A_71, %sub3A_101 : i32
          %rem3A_103 = arith.constant 3 : i32
          %rem3A_104 = arith.remsi %sub3A_102, %rem3A_103 : i32
          %rem3A_105 = arith.constant 2 : i32
          %rem3A_106 = arith.remsi %sub3A_102, %rem3A_105 : i32
          %dma_wait3A = arith.constant 0 : i32
          %dma_wait3A_107 = arith.constant 0 : i32
          %dma_wait3A_108 = arith.constant 0 : i32
          %dma_wait3A_109 = tpu.memref_slice %arg9[%rem3A_106, %dma_wait3A, %dma_wait3A_107, %dma_wait3A_108] : memref<2x3x128x32xf32, #tpu.memory_space<vmem>> -> memref<1x1x128x32xf32, #tpu.memory_space<vmem>>
          %dma_wait3A_110 = tpu.memref_squeeze %dma_wait3A_109 : memref<1x1x128x32xf32, #tpu.memory_space<vmem>> -> memref<128x32xf32, #tpu.memory_space<vmem>>
          %dma_wait3A_111 = arith.constant 0 : i32
          %dma_wait3A_112 = tpu.memref_slice %arg8[%rem3A_104, %dma_wait3A_111] : memref<3x384xi32, #tpu.memory_space<vmem>> -> memref<1x128xi32, #tpu.memory_space<vmem>>
          %dma_wait3A_113 = tpu.memref_squeeze %dma_wait3A_112 : memref<1x128xi32, #tpu.memory_space<vmem>> -> memref<128xi32, #tpu.memory_space<vmem>>
          %dma_wait3A_114 = arith.constant 0 : i32
          %dma_wait3A_115 = arith.constant 0 : i32
          %dma_wait3A_116 = tpu.memref_slice %arg6[%dma_wait3A_114, %dma_wait3A_115] : memref<50000x32xf32, #tpu.memory_space<vmem_shared>> -> memref<50000x32xf32, #tpu.memory_space<vmem_shared>>
          tpu.wait_indirect_dma semaphore(%arg12 : memref<!tpu.dma_semaphore, #tpu.memory_space<semaphore_mem>>) src(%dma_wait3A_110 : memref<128x32xf32, #tpu.memory_space<vmem>>) dst(%dma_wait3A_116 : memref<50000x32xf32, #tpu.memory_space<vmem_shared>>)
          %dma_wait3A_117 = arith.constant 1 : i32
          %dma_wait3A_118 = arith.constant 0 : i32
          %dma_wait3A_119 = arith.constant 0 : i32
          %dma_wait3A_120 = tpu.memref_slice %arg9[%rem3A_106, %dma_wait3A_117, %dma_wait3A_118, %dma_wait3A_119] : memref<2x3x128x32xf32, #tpu.memory_space<vmem>> -> memref<1x1x128x32xf32, #tpu.memory_space<vmem>>
          %dma_wait3A_121 = tpu.memref_squeeze %dma_wait3A_120 : memref<1x1x128x32xf32, #tpu.memory_space<vmem>> -> memref<128x32xf32, #tpu.memory_space<vmem>>
          %dma_wait3A_122 = arith.constant 128 : i32
          %dma_wait3A_123 = tpu.memref_slice %arg8[%rem3A_104, %dma_wait3A_122] : memref<3x384xi32, #tpu.memory_space<vmem>> -> memref<1x128xi32, #tpu.memory_space<vmem>>
          %dma_wait3A_124 = tpu.memref_squeeze %dma_wait3A_123 : memref<1x128xi32, #tpu.memory_space<vmem>> -> memref<128xi32, #tpu.memory_space<vmem>>
          %dma_wait3A_125 = arith.constant 0 : i32
          %dma_wait3A_126 = arith.constant 0 : i32
          %dma_wait3A_127 = tpu.memref_slice %arg6[%dma_wait3A_125, %dma_wait3A_126] : memref<50000x32xf32, #tpu.memory_space<vmem_shared>> -> memref<50000x32xf32, #tpu.memory_space<vmem_shared>>
          tpu.wait_indirect_dma semaphore(%arg12 : memref<!tpu.dma_semaphore, #tpu.memory_space<semaphore_mem>>) src(%dma_wait3A_121 : memref<128x32xf32, #tpu.memory_space<vmem>>) dst(%dma_wait3A_127 : memref<50000x32xf32, #tpu.memory_space<vmem_shared>>)
          %dma_wait3A_128 = arith.constant 2 : i32
          %dma_wait3A_129 = arith.constant 0 : i32
          %dma_wait3A_130 = arith.constant 0 : i32
          %dma_wait3A_131 = tpu.memref_slice %arg9[%rem3A_106, %dma_wait3A_128, %dma_wait3A_129, %dma_wait3A_130] : memref<2x3x128x32xf32, #tpu.memory_space<vmem>> -> memref<1x1x128x32xf32, #tpu.memory_space<vmem>>
          %dma_wait3A_132 = tpu.memref_squeeze %dma_wait3A_131 : memref<1x1x128x32xf32, #tpu.memory_space<vmem>> -> memref<128x32xf32, #tpu.memory_space<vmem>>
          %dma_wait3A_133 = arith.constant 256 : i32
          %dma_wait3A_134 = tpu.memref_slice %arg8[%rem3A_104, %dma_wait3A_133] : memref<3x384xi32, #tpu.memory_space<vmem>> -> memref<1x128xi32, #tpu.memory_space<vmem>>
          %dma_wait3A_135 = tpu.memref_squeeze %dma_wait3A_134 : memref<1x128xi32, #tpu.memory_space<vmem>> -> memref<128xi32, #tpu.memory_space<vmem>>
          %dma_wait3A_136 = arith.constant 0 : i32
          %dma_wait3A_137 = arith.constant 0 : i32
          %dma_wait3A_138 = tpu.memref_slice %arg6[%dma_wait3A_136, %dma_wait3A_137] : memref<50000x32xf32, #tpu.memory_space<vmem_shared>> -> memref<50000x32xf32, #tpu.memory_space<vmem_shared>>
          tpu.wait_indirect_dma semaphore(%arg12 : memref<!tpu.dma_semaphore, #tpu.memory_space<semaphore_mem>>) src(%dma_wait3A_132 : memref<128x32xf32, #tpu.memory_space<vmem>>) dst(%dma_wait3A_138 : memref<50000x32xf32, #tpu.memory_space<vmem_shared>>)
        } else {
        }
        %eq3A_95 = arith.constant 130 : i32
        %eq3A_96 = arith.cmpi eq, %sub3A_89, %eq3A_95 : i32
        %and3A_97 = arith.andi %eq3A_96, %lt3A_6 : i1
        %convert_element_type3A_98 = arith.extui %and3A_97 : i1 to i32
        %cond3A_99 = arith.constant 0 : i32
        %cond3A_100 = arith.cmpi ne, %convert_element_type3A_98, %cond3A_99 : i32
        scf.if %cond3A_100 {
          %sub3A_101 = arith.constant 2 : i32
          %sub3A_102 = arith.subi %scan3A_71, %sub3A_101 : i32
          %rem3A_103 = arith.constant 3 : i32
          %rem3A_104 = arith.remsi %sub3A_102, %rem3A_103 : i32
          %rem3A_105 = arith.constant 2 : i32
          %rem3A_106 = arith.remsi %sub3A_102, %rem3A_105 : i32
          %dma_wait3A = arith.constant 0 : i32
          %dma_wait3A_107 = arith.constant 0 : i32
          %dma_wait3A_108 = arith.constant 0 : i32
          %dma_wait3A_109 = tpu.memref_slice %arg9[%rem3A_106, %dma_wait3A, %dma_wait3A_107, %dma_wait3A_108] : memref<2x3x128x32xf32, #tpu.memory_space<vmem>> -> memref<1x1x128x32xf32, #tpu.memory_space<vmem>>
          %dma_wait3A_110 = tpu.memref_squeeze %dma_wait3A_109 : memref<1x1x128x32xf32, #tpu.memory_space<vmem>> -> memref<128x32xf32, #tpu.memory_space<vmem>>
          %dma_wait3A_111 = arith.constant 0 : i32
          %dma_wait3A_112 = tpu.memref_slice %arg8[%rem3A_104, %dma_wait3A_111] : memref<3x384xi32, #tpu.memory_space<vmem>> -> memref<1x128xi32, #tpu.memory_space<vmem>>
          %dma_wait3A_113 = tpu.memref_squeeze %dma_wait3A_112 : memref<1x128xi32, #tpu.memory_space<vmem>> -> memref<128xi32, #tpu.memory_space<vmem>>
          %dma_wait3A_114 = arith.constant 0 : i32
          %dma_wait3A_115 = arith.constant 0 : i32
          %dma_wait3A_116 = tpu.memref_slice %arg6[%dma_wait3A_114, %dma_wait3A_115] : memref<50000x32xf32, #tpu.memory_space<vmem_shared>> -> memref<50000x32xf32, #tpu.memory_space<vmem_shared>>
          tpu.wait_indirect_dma semaphore(%arg12 : memref<!tpu.dma_semaphore, #tpu.memory_space<semaphore_mem>>) src(%dma_wait3A_110 : memref<128x32xf32, #tpu.memory_space<vmem>>) dst(%dma_wait3A_116 : memref<50000x32xf32, #tpu.memory_space<vmem_shared>>)
        } else {
        }
      } else {
      }
      %lt3A_76 = arith.constant 130 : i32
      %lt3A_77 = arith.cmpi slt, %scan3A_71, %lt3A_76 : i32
      %eq3A_78 = arith.constant 130 : i32
      %eq3A_79 = arith.cmpi eq, %scan3A_71, %eq3A_78 : i32
      %and3A_80 = arith.andi %eq3A_79, %lt3A_6 : i1
      %or3A = arith.ori %lt3A_77, %and3A_80 : i1
      %convert_element_type3A_81 = arith.extui %or3A : i1 to i32
      %cond3A_82 = arith.constant 0 : i32
      %cond3A_83 = arith.cmpi ne, %convert_element_type3A_81, %cond3A_82 : i32
      scf.if %cond3A_83 {
        %rem3A_89 = arith.constant 3 : i32
        %rem3A_90 = arith.remsi %scan3A_71, %rem3A_89 : i32
        %mul3A_91 = arith.constant 3 : i32
        %mul3A_92 = arith.muli %scan3A_71, %mul3A_91 : i32
        %add3A_93 = arith.addi %add3A_5, %mul3A_92 : i32
        %mul3A_94 = arith.constant 128 : i32
        %mul3A_95 = arith.muli %add3A_93, %mul3A_94 : i32
        %dma_wait3A = arith.constant 0 : i32
        %dma_wait3A_96 = tpu.memref_slice %arg7[%rem3A_90, %dma_wait3A] : memref<3x384xi32, #tpu.memory_space<vmem>> -> memref<1x384xi32, #tpu.memory_space<vmem>>
        %dma_wait3A_97 = tpu.memref_squeeze %dma_wait3A_96 : memref<1x384xi32, #tpu.memory_space<vmem>> -> memref<384xi32, #tpu.memory_space<vmem>>
        %dma_wait3A_98 = arith.constant 0 : i32
        %dma_wait3A_99 = tpu.memref_slice %arg4[%scan3A_49, %dma_wait3A_98] : memref<2x800000xi32, #tpu.memory_space<hbm>> -> memref<1x800000xi32, #tpu.memory_space<hbm>>
        %dma_wait3A_100 = tpu.memref_squeeze %dma_wait3A_99 : memref<1x800000xi32, #tpu.memory_space<hbm>> -> memref<800000xi32, #tpu.memory_space<hbm>>
        %dma_wait3A_101 = tpu.memref_slice %dma_wait3A_100[%mul3A_95] : memref<800000xi32, #tpu.memory_space<hbm>> -> memref<384xi32, #tpu.memory_space<hbm>>
        %dma_wait3A_102 = arith.constant 0 : i32
        %dma_wait3A_103 = tpu.memref_slice %arg7[%rem3A_90, %dma_wait3A_102] : memref<3x384xi32, #tpu.memory_space<vmem>> -> memref<1x384xi32, #tpu.memory_space<vmem>>
        %dma_wait3A_104 = tpu.memref_squeeze %dma_wait3A_103 : memref<1x384xi32, #tpu.memory_space<vmem>> -> memref<384xi32, #tpu.memory_space<vmem>>
        %dma_wait3A_105 = arith.constant 0 : i32
        %dma_wait3A_106 = tpu.memref_slice %arg4[%scan3A_49, %dma_wait3A_105] : memref<2x800000xi32, #tpu.memory_space<hbm>> -> memref<1x800000xi32, #tpu.memory_space<hbm>>
        %dma_wait3A_107 = tpu.memref_squeeze %dma_wait3A_106 : memref<1x800000xi32, #tpu.memory_space<hbm>> -> memref<800000xi32, #tpu.memory_space<hbm>>
        %dma_wait3A_108 = tpu.memref_slice %dma_wait3A_107[%mul3A_95] : memref<800000xi32, #tpu.memory_space<hbm>> -> memref<384xi32, #tpu.memory_space<hbm>>
        tpu.wait_dma2 semaphore(%arg10 : memref<!tpu.dma_semaphore, #tpu.memory_space<semaphore_mem>>) src(%dma_wait3A_108 : memref<384xi32, #tpu.memory_space<hbm>>) dst(%dma_wait3A_104 : memref<384xi32, #tpu.memory_space<vmem>>)
        %dma_wait3A_109 = arith.constant 0 : i32
        %dma_wait3A_110 = tpu.memref_slice %arg8[%rem3A_90, %dma_wait3A_109] : memref<3x384xi32, #tpu.memory_space<vmem>> -> memref<1x384xi32, #tpu.memory_space<vmem>>
        %dma_wait3A_111 = tpu.memref_squeeze %dma_wait3A_110 : memref<1x384xi32, #tpu.memory_space<vmem>> -> memref<384xi32, #tpu.memory_space<vmem>>
        %dma_wait3A_112 = arith.constant 0 : i32
        %dma_wait3A_113 = tpu.memref_slice %arg4[%scan3A_50, %dma_wait3A_112] : memref<2x800000xi32, #tpu.memory_space<hbm>> -> memref<1x800000xi32, #tpu.memory_space<hbm>>
        %dma_wait3A_114 = tpu.memref_squeeze %dma_wait3A_113 : memref<1x800000xi32, #tpu.memory_space<hbm>> -> memref<800000xi32, #tpu.memory_space<hbm>>
        %dma_wait3A_115 = tpu.memref_slice %dma_wait3A_114[%mul3A_95] : memref<800000xi32, #tpu.memory_space<hbm>> -> memref<384xi32, #tpu.memory_space<hbm>>
        %dma_wait3A_116 = arith.constant 0 : i32
        %dma_wait3A_117 = tpu.memref_slice %arg8[%rem3A_90, %dma_wait3A_116] : memref<3x384xi32, #tpu.memory_space<vmem>> -> memref<1x384xi32, #tpu.memory_space<vmem>>
        %dma_wait3A_118 = tpu.memref_squeeze %dma_wait3A_117 : memref<1x384xi32, #tpu.memory_space<vmem>> -> memref<384xi32, #tpu.memory_space<vmem>>
        %dma_wait3A_119 = arith.constant 0 : i32
        %dma_wait3A_120 = tpu.memref_slice %arg4[%scan3A_50, %dma_wait3A_119] : memref<2x800000xi32, #tpu.memory_space<hbm>> -> memref<1x800000xi32, #tpu.memory_space<hbm>>
        %dma_wait3A_121 = tpu.memref_squeeze %dma_wait3A_120 : memref<1x800000xi32, #tpu.memory_space<hbm>> -> memref<800000xi32, #tpu.memory_space<hbm>>
        %dma_wait3A_122 = tpu.memref_slice %dma_wait3A_121[%mul3A_95] : memref<800000xi32, #tpu.memory_space<hbm>> -> memref<384xi32, #tpu.memory_space<hbm>>
        tpu.wait_dma2 semaphore(%arg10 : memref<!tpu.dma_semaphore, #tpu.memory_space<semaphore_mem>>) src(%dma_wait3A_122 : memref<384xi32, #tpu.memory_space<hbm>>) dst(%dma_wait3A_118 : memref<384xi32, #tpu.memory_space<vmem>>)
        %add3A_123 = arith.constant 1 : i32
        %add3A_124 = arith.addi %scan3A_71, %add3A_123 : i32
        %lt3A_125 = arith.constant 130 : i32
        %lt3A_126 = arith.cmpi slt, %add3A_124, %lt3A_125 : i32
        %eq3A_127 = arith.constant 130 : i32
        %eq3A_128 = arith.cmpi eq, %add3A_124, %eq3A_127 : i32
        %and3A_129 = arith.andi %eq3A_128, %lt3A_6 : i1
        %or3A_130 = arith.ori %lt3A_126, %and3A_129 : i1
        %convert_element_type3A_131 = arith.extui %or3A_130 : i1 to i32
        %cond3A_132 = arith.constant 0 : i32
        %cond3A_133 = arith.cmpi ne, %convert_element_type3A_131, %cond3A_132 : i32
        scf.if %cond3A_133 {
          %add3A_145 = arith.constant 1 : i32
          %add3A_146 = arith.addi %scan3A_71, %add3A_145 : i32
          %rem3A_147 = arith.constant 3 : i32
          %rem3A_148 = arith.remsi %add3A_146, %rem3A_147 : i32
          %mul3A_149 = arith.constant 3 : i32
          %mul3A_150 = arith.muli %add3A_146, %mul3A_149 : i32
          %add3A_151 = arith.addi %add3A_5, %mul3A_150 : i32
          %mul3A_152 = arith.constant 128 : i32
          %mul3A_153 = arith.muli %add3A_151, %mul3A_152 : i32
          %dma_start3A_154 = arith.constant 0 : i32
          %dma_start3A_155 = tpu.memref_slice %arg7[%rem3A_148, %dma_start3A_154] : memref<3x384xi32, #tpu.memory_space<vmem>> -> memref<1x384xi32, #tpu.memory_space<vmem>>
          %dma_start3A_156 = tpu.memref_squeeze %dma_start3A_155 : memref<1x384xi32, #tpu.memory_space<vmem>> -> memref<384xi32, #tpu.memory_space<vmem>>
          %dma_start3A_157 = arith.constant 0 : i32
          %dma_start3A_158 = tpu.memref_slice %arg4[%scan3A_49, %dma_start3A_157] : memref<2x800000xi32, #tpu.memory_space<hbm>> -> memref<1x800000xi32, #tpu.memory_space<hbm>>
          %dma_start3A_159 = tpu.memref_squeeze %dma_start3A_158 : memref<1x800000xi32, #tpu.memory_space<hbm>> -> memref<800000xi32, #tpu.memory_space<hbm>>
          %dma_start3A_160 = tpu.memref_slice %dma_start3A_159[%mul3A_153] : memref<800000xi32, #tpu.memory_space<hbm>> -> memref<384xi32, #tpu.memory_space<hbm>>
          %dma_start3A_161 = arith.constant 0 : i32
          %dma_start3A_162 = tpu.memref_slice %arg7[%rem3A_148, %dma_start3A_161] : memref<3x384xi32, #tpu.memory_space<vmem>> -> memref<1x384xi32, #tpu.memory_space<vmem>>
          %dma_start3A_163 = tpu.memref_squeeze %dma_start3A_162 : memref<1x384xi32, #tpu.memory_space<vmem>> -> memref<384xi32, #tpu.memory_space<vmem>>
          %dma_start3A_164 = arith.constant 0 : i32
          %dma_start3A_165 = tpu.memref_slice %arg4[%scan3A_49, %dma_start3A_164] : memref<2x800000xi32, #tpu.memory_space<hbm>> -> memref<1x800000xi32, #tpu.memory_space<hbm>>
          %dma_start3A_166 = tpu.memref_squeeze %dma_start3A_165 : memref<1x800000xi32, #tpu.memory_space<hbm>> -> memref<800000xi32, #tpu.memory_space<hbm>>
          %dma_start3A_167 = tpu.memref_slice %dma_start3A_166[%mul3A_153] : memref<800000xi32, #tpu.memory_space<hbm>> -> memref<384xi32, #tpu.memory_space<hbm>>
          tpu.enqueue_dma source(%dma_start3A_167 : memref<384xi32, #tpu.memory_space<hbm>>) target(%dma_start3A_163 : memref<384xi32, #tpu.memory_space<vmem>>) target_semaphore(%arg10 : memref<!tpu.dma_semaphore, #tpu.memory_space<semaphore_mem>>)
          %dma_start3A_168 = arith.constant 0 : i32
          %dma_start3A_169 = tpu.memref_slice %arg8[%rem3A_148, %dma_start3A_168] : memref<3x384xi32, #tpu.memory_space<vmem>> -> memref<1x384xi32, #tpu.memory_space<vmem>>
          %dma_start3A_170 = tpu.memref_squeeze %dma_start3A_169 : memref<1x384xi32, #tpu.memory_space<vmem>> -> memref<384xi32, #tpu.memory_space<vmem>>
          %dma_start3A_171 = arith.constant 0 : i32
          %dma_start3A_172 = tpu.memref_slice %arg4[%scan3A_50, %dma_start3A_171] : memref<2x800000xi32, #tpu.memory_space<hbm>> -> memref<1x800000xi32, #tpu.memory_space<hbm>>
          %dma_start3A_173 = tpu.memref_squeeze %dma_start3A_172 : memref<1x800000xi32, #tpu.memory_space<hbm>> -> memref<800000xi32, #tpu.memory_space<hbm>>
          %dma_start3A_174 = tpu.memref_slice %dma_start3A_173[%mul3A_153] : memref<800000xi32, #tpu.memory_space<hbm>> -> memref<384xi32, #tpu.memory_space<hbm>>
          %dma_start3A_175 = arith.constant 0 : i32
          %dma_start3A_176 = tpu.memref_slice %arg8[%rem3A_148, %dma_start3A_175] : memref<3x384xi32, #tpu.memory_space<vmem>> -> memref<1x384xi32, #tpu.memory_space<vmem>>
          %dma_start3A_177 = tpu.memref_squeeze %dma_start3A_176 : memref<1x384xi32, #tpu.memory_space<vmem>> -> memref<384xi32, #tpu.memory_space<vmem>>
          %dma_start3A_178 = arith.constant 0 : i32
          %dma_start3A_179 = tpu.memref_slice %arg4[%scan3A_50, %dma_start3A_178] : memref<2x800000xi32, #tpu.memory_space<hbm>> -> memref<1x800000xi32, #tpu.memory_space<hbm>>
          %dma_start3A_180 = tpu.memref_squeeze %dma_start3A_179 : memref<1x800000xi32, #tpu.memory_space<hbm>> -> memref<800000xi32, #tpu.memory_space<hbm>>
          %dma_start3A_181 = tpu.memref_slice %dma_start3A_180[%mul3A_153] : memref<800000xi32, #tpu.memory_space<hbm>> -> memref<384xi32, #tpu.memory_space<hbm>>
          tpu.enqueue_dma source(%dma_start3A_181 : memref<384xi32, #tpu.memory_space<hbm>>) target(%dma_start3A_177 : memref<384xi32, #tpu.memory_space<vmem>>) target_semaphore(%arg10 : memref<!tpu.dma_semaphore, #tpu.memory_space<semaphore_mem>>)
        } else {
        }
        %lt3A_134 = arith.constant 130 : i32
        %lt3A_135 = arith.cmpi slt, %scan3A_71, %lt3A_134 : i32
        %convert_element_type3A_136 = arith.extui %lt3A_135 : i1 to i32
        %cond3A_137 = arith.constant 0 : i32
        %cond3A_138 = arith.cmpi ne, %convert_element_type3A_136, %cond3A_137 : i32
        scf.if %cond3A_138 {
          %rem3A_145 = arith.constant 3 : i32
          %rem3A_146 = arith.remsi %scan3A_71, %rem3A_145 : i32
          %rem3A_147 = arith.constant 2 : i32
          %rem3A_148 = arith.remsi %scan3A_71, %rem3A_147 : i32
          %dma_start3A_149 = arith.constant 0 : i32
          %dma_start3A_150 = arith.constant 0 : i32
          %dma_start3A_151 = arith.constant 0 : i32
          %dma_start3A_152 = tpu.memref_slice %arg9[%rem3A_148, %dma_start3A_149, %dma_start3A_150, %dma_start3A_151] : memref<2x3x128x32xf32, #tpu.memory_space<vmem>> -> memref<1x1x128x32xf32, #tpu.memory_space<vmem>>
          %dma_start3A_153 = tpu.memref_squeeze %dma_start3A_152 : memref<1x1x128x32xf32, #tpu.memory_space<vmem>> -> memref<128x32xf32, #tpu.memory_space<vmem>>
          %dma_start3A_154 = arith.constant 0 : i32
          %dma_start3A_155 = tpu.memref_slice %arg7[%rem3A_146, %dma_start3A_154] : memref<3x384xi32, #tpu.memory_space<vmem>> -> memref<1x128xi32, #tpu.memory_space<vmem>>
          %dma_start3A_156 = tpu.memref_squeeze %dma_start3A_155 : memref<1x128xi32, #tpu.memory_space<vmem>> -> memref<128xi32, #tpu.memory_space<vmem>>
          %dma_start3A_157 = arith.constant 0 : i32
          %dma_start3A_158 = arith.constant 0 : i32
          %dma_start3A_159 = tpu.memref_slice %arg3[%add3A_0, %dma_start3A_157, %dma_start3A_158] : memref<6x51200x32xf32, #tpu.memory_space<hbm>> -> memref<1x51200x32xf32, #tpu.memory_space<hbm>>
          %dma_start3A_160 = tpu.memref_squeeze %dma_start3A_159 : memref<1x51200x32xf32, #tpu.memory_space<hbm>> -> memref<51200x32xf32, #tpu.memory_space<hbm>>
          %dma_start3A_161 = arith.constant 0 : i32
          %dma_start3A_162 = arith.constant 0 : i32
          %dma_start3A_163 = tpu.memref_slice %dma_start3A_160[%dma_start3A_161, %dma_start3A_162] : memref<51200x32xf32, #tpu.memory_space<hbm>> -> memref<51200x32xf32, #tpu.memory_space<hbm>>
          tpu.enqueue_indirect_dma source(%dma_start3A_163 : memref<51200x32xf32, #tpu.memory_space<hbm>>) target(%dma_start3A_153 : memref<128x32xf32, #tpu.memory_space<vmem>>) offsets(%dma_start3A_156 : memref<128xi32, #tpu.memory_space<vmem>>) semaphore(%arg11 : memref<!tpu.dma_semaphore, #tpu.memory_space<semaphore_mem>>)
          %dma_start3A_164 = arith.constant 1 : i32
          %dma_start3A_165 = arith.constant 0 : i32
          %dma_start3A_166 = arith.constant 0 : i32
          %dma_start3A_167 = tpu.memref_slice %arg9[%rem3A_148, %dma_start3A_164, %dma_start3A_165, %dma_start3A_166] : memref<2x3x128x32xf32, #tpu.memory_space<vmem>> -> memref<1x1x128x32xf32, #tpu.memory_space<vmem>>
          %dma_start3A_168 = tpu.memref_squeeze %dma_start3A_167 : memref<1x1x128x32xf32, #tpu.memory_space<vmem>> -> memref<128x32xf32, #tpu.memory_space<vmem>>
          %dma_start3A_169 = arith.constant 128 : i32
          %dma_start3A_170 = tpu.memref_slice %arg7[%rem3A_146, %dma_start3A_169] : memref<3x384xi32, #tpu.memory_space<vmem>> -> memref<1x128xi32, #tpu.memory_space<vmem>>
          %dma_start3A_171 = tpu.memref_squeeze %dma_start3A_170 : memref<1x128xi32, #tpu.memory_space<vmem>> -> memref<128xi32, #tpu.memory_space<vmem>>
          %dma_start3A_172 = arith.constant 0 : i32
          %dma_start3A_173 = arith.constant 0 : i32
          %dma_start3A_174 = tpu.memref_slice %arg3[%add3A_0, %dma_start3A_172, %dma_start3A_173] : memref<6x51200x32xf32, #tpu.memory_space<hbm>> -> memref<1x51200x32xf32, #tpu.memory_space<hbm>>
          %dma_start3A_175 = tpu.memref_squeeze %dma_start3A_174 : memref<1x51200x32xf32, #tpu.memory_space<hbm>> -> memref<51200x32xf32, #tpu.memory_space<hbm>>
          %dma_start3A_176 = arith.constant 0 : i32
          %dma_start3A_177 = arith.constant 0 : i32
          %dma_start3A_178 = tpu.memref_slice %dma_start3A_175[%dma_start3A_176, %dma_start3A_177] : memref<51200x32xf32, #tpu.memory_space<hbm>> -> memref<51200x32xf32, #tpu.memory_space<hbm>>
          tpu.enqueue_indirect_dma source(%dma_start3A_178 : memref<51200x32xf32, #tpu.memory_space<hbm>>) target(%dma_start3A_168 : memref<128x32xf32, #tpu.memory_space<vmem>>) offsets(%dma_start3A_171 : memref<128xi32, #tpu.memory_space<vmem>>) semaphore(%arg11 : memref<!tpu.dma_semaphore, #tpu.memory_space<semaphore_mem>>)
          %dma_start3A_179 = arith.constant 2 : i32
          %dma_start3A_180 = arith.constant 0 : i32
          %dma_start3A_181 = arith.constant 0 : i32
          %dma_start3A_182 = tpu.memref_slice %arg9[%rem3A_148, %dma_start3A_179, %dma_start3A_180, %dma_start3A_181] : memref<2x3x128x32xf32, #tpu.memory_space<vmem>> -> memref<1x1x128x32xf32, #tpu.memory_space<vmem>>
          %dma_start3A_183 = tpu.memref_squeeze %dma_start3A_182 : memref<1x1x128x32xf32, #tpu.memory_space<vmem>> -> memref<128x32xf32, #tpu.memory_space<vmem>>
          %dma_start3A_184 = arith.constant 256 : i32
          %dma_start3A_185 = tpu.memref_slice %arg7[%rem3A_146, %dma_start3A_184] : memref<3x384xi32, #tpu.memory_space<vmem>> -> memref<1x128xi32, #tpu.memory_space<vmem>>
          %dma_start3A_186 = tpu.memref_squeeze %dma_start3A_185 : memref<1x128xi32, #tpu.memory_space<vmem>> -> memref<128xi32, #tpu.memory_space<vmem>>
          %dma_start3A_187 = arith.constant 0 : i32
          %dma_start3A_188 = arith.constant 0 : i32
          %dma_start3A_189 = tpu.memref_slice %arg3[%add3A_0, %dma_start3A_187, %dma_start3A_188] : memref<6x51200x32xf32, #tpu.memory_space<hbm>> -> memref<1x51200x32xf32, #tpu.memory_space<hbm>>
          %dma_start3A_190 = tpu.memref_squeeze %dma_start3A_189 : memref<1x51200x32xf32, #tpu.memory_space<hbm>> -> memref<51200x32xf32, #tpu.memory_space<hbm>>
          %dma_start3A_191 = arith.constant 0 : i32
          %dma_start3A_192 = arith.constant 0 : i32
          %dma_start3A_193 = tpu.memref_slice %dma_start3A_190[%dma_start3A_191, %dma_start3A_192] : memref<51200x32xf32, #tpu.memory_space<hbm>> -> memref<51200x32xf32, #tpu.memory_space<hbm>>
          tpu.enqueue_indirect_dma source(%dma_start3A_193 : memref<51200x32xf32, #tpu.memory_space<hbm>>) target(%dma_start3A_183 : memref<128x32xf32, #tpu.memory_space<vmem>>) offsets(%dma_start3A_186 : memref<128xi32, #tpu.memory_space<vmem>>) semaphore(%arg11 : memref<!tpu.dma_semaphore, #tpu.memory_space<semaphore_mem>>)
        } else {
        }
        %eq3A_139 = arith.constant 130 : i32
        %eq3A_140 = arith.cmpi eq, %scan3A_71, %eq3A_139 : i32
        %and3A_141 = arith.andi %eq3A_140, %lt3A_6 : i1
        %convert_element_type3A_142 = arith.extui %and3A_141 : i1 to i32
        %cond3A_143 = arith.constant 0 : i32
        %cond3A_144 = arith.cmpi ne, %convert_element_type3A_142, %cond3A_143 : i32
        scf.if %cond3A_144 {
          %rem3A_145 = arith.constant 3 : i32
          %rem3A_146 = arith.remsi %scan3A_71, %rem3A_145 : i32
          %rem3A_147 = arith.constant 2 : i32
          %rem3A_148 = arith.remsi %scan3A_71, %rem3A_147 : i32
          %dma_start3A_149 = arith.constant 0 : i32
          %dma_start3A_150 = arith.constant 0 : i32
          %dma_start3A_151 = arith.constant 0 : i32
          %dma_start3A_152 = tpu.memref_slice %arg9[%rem3A_148, %dma_start3A_149, %dma_start3A_150, %dma_start3A_151] : memref<2x3x128x32xf32, #tpu.memory_space<vmem>> -> memref<1x1x128x32xf32, #tpu.memory_space<vmem>>
          %dma_start3A_153 = tpu.memref_squeeze %dma_start3A_152 : memref<1x1x128x32xf32, #tpu.memory_space<vmem>> -> memref<128x32xf32, #tpu.memory_space<vmem>>
          %dma_start3A_154 = arith.constant 0 : i32
          %dma_start3A_155 = tpu.memref_slice %arg7[%rem3A_146, %dma_start3A_154] : memref<3x384xi32, #tpu.memory_space<vmem>> -> memref<1x128xi32, #tpu.memory_space<vmem>>
          %dma_start3A_156 = tpu.memref_squeeze %dma_start3A_155 : memref<1x128xi32, #tpu.memory_space<vmem>> -> memref<128xi32, #tpu.memory_space<vmem>>
          %dma_start3A_157 = arith.constant 0 : i32
          %dma_start3A_158 = arith.constant 0 : i32
          %dma_start3A_159 = tpu.memref_slice %arg3[%add3A_0, %dma_start3A_157, %dma_start3A_158] : memref<6x51200x32xf32, #tpu.memory_space<hbm>> -> memref<1x51200x32xf32, #tpu.memory_space<hbm>>
          %dma_start3A_160 = tpu.memref_squeeze %dma_start3A_159 : memref<1x51200x32xf32, #tpu.memory_space<hbm>> -> memref<51200x32xf32, #tpu.memory_space<hbm>>
          %dma_start3A_161 = arith.constant 0 : i32
          %dma_start3A_162 = arith.constant 0 : i32
          %dma_start3A_163 = tpu.memref_slice %dma_start3A_160[%dma_start3A_161, %dma_start3A_162] : memref<51200x32xf32, #tpu.memory_space<hbm>> -> memref<51200x32xf32, #tpu.memory_space<hbm>>
          tpu.enqueue_indirect_dma source(%dma_start3A_163 : memref<51200x32xf32, #tpu.memory_space<hbm>>) target(%dma_start3A_153 : memref<128x32xf32, #tpu.memory_space<vmem>>) offsets(%dma_start3A_156 : memref<128xi32, #tpu.memory_space<vmem>>) semaphore(%arg11 : memref<!tpu.dma_semaphore, #tpu.memory_space<semaphore_mem>>)
        } else {
        }
      } else {
      }
      %ge3A_84 = arith.constant 1 : i32
      %ge3A_85 = arith.cmpi sge, %scan3A_71, %ge3A_84 : i32
      %convert_element_type3A_86 = arith.extui %ge3A_85 : i1 to i32
      %cond3A_87 = arith.constant 0 : i32
      %cond3A_88 = arith.cmpi ne, %convert_element_type3A_86, %cond3A_87 : i32
      scf.if %cond3A_88 {
        %sub3A = arith.constant 1 : i32
        %sub3A_89 = arith.subi %scan3A_71, %sub3A : i32
        %lt3A_90 = arith.constant 130 : i32
        %lt3A_91 = arith.cmpi slt, %sub3A_89, %lt3A_90 : i32
        %convert_element_type3A_92 = arith.extui %lt3A_91 : i1 to i32
        %cond3A_93 = arith.constant 0 : i32
        %cond3A_94 = arith.cmpi ne, %convert_element_type3A_92, %cond3A_93 : i32
        scf.if %cond3A_94 {
          %sub3A_101 = arith.constant 1 : i32
          %sub3A_102 = arith.subi %scan3A_71, %sub3A_101 : i32
          %rem3A_103 = arith.constant 3 : i32
          %rem3A_104 = arith.remsi %sub3A_102, %rem3A_103 : i32
          %rem3A_105 = arith.constant 2 : i32
          %rem3A_106 = arith.remsi %sub3A_102, %rem3A_105 : i32
          %dma_wait3A = arith.constant 0 : i32
          %dma_wait3A_107 = arith.constant 0 : i32
          %dma_wait3A_108 = arith.constant 0 : i32
          %dma_wait3A_109 = tpu.memref_slice %arg9[%rem3A_106, %dma_wait3A, %dma_wait3A_107, %dma_wait3A_108] : memref<2x3x128x32xf32, #tpu.memory_space<vmem>> -> memref<1x1x128x32xf32, #tpu.memory_space<vmem>>
          %dma_wait3A_110 = tpu.memref_squeeze %dma_wait3A_109 : memref<1x1x128x32xf32, #tpu.memory_space<vmem>> -> memref<128x32xf32, #tpu.memory_space<vmem>>
          %dma_wait3A_111 = arith.constant 0 : i32
          %dma_wait3A_112 = tpu.memref_slice %arg7[%rem3A_104, %dma_wait3A_111] : memref<3x384xi32, #tpu.memory_space<vmem>> -> memref<1x128xi32, #tpu.memory_space<vmem>>
          %dma_wait3A_113 = tpu.memref_squeeze %dma_wait3A_112 : memref<1x128xi32, #tpu.memory_space<vmem>> -> memref<128xi32, #tpu.memory_space<vmem>>
          %dma_wait3A_114 = arith.constant 0 : i32
          %dma_wait3A_115 = arith.constant 0 : i32
          %dma_wait3A_116 = tpu.memref_slice %arg3[%add3A_0, %dma_wait3A_114, %dma_wait3A_115] : memref<6x51200x32xf32, #tpu.memory_space<hbm>> -> memref<1x51200x32xf32, #tpu.memory_space<hbm>>
          %dma_wait3A_117 = tpu.memref_squeeze %dma_wait3A_116 : memref<1x51200x32xf32, #tpu.memory_space<hbm>> -> memref<51200x32xf32, #tpu.memory_space<hbm>>
          %dma_wait3A_118 = arith.constant 0 : i32
          %dma_wait3A_119 = arith.constant 0 : i32
          %dma_wait3A_120 = tpu.memref_slice %dma_wait3A_117[%dma_wait3A_118, %dma_wait3A_119] : memref<51200x32xf32, #tpu.memory_space<hbm>> -> memref<51200x32xf32, #tpu.memory_space<hbm>>
          tpu.wait_indirect_dma semaphore(%arg11 : memref<!tpu.dma_semaphore, #tpu.memory_space<semaphore_mem>>) src(%dma_wait3A_120 : memref<51200x32xf32, #tpu.memory_space<hbm>>) dst(%dma_wait3A_110 : memref<128x32xf32, #tpu.memory_space<vmem>>)
          %dma_wait3A_121 = arith.constant 1 : i32
          %dma_wait3A_122 = arith.constant 0 : i32
          %dma_wait3A_123 = arith.constant 0 : i32
          %dma_wait3A_124 = tpu.memref_slice %arg9[%rem3A_106, %dma_wait3A_121, %dma_wait3A_122, %dma_wait3A_123] : memref<2x3x128x32xf32, #tpu.memory_space<vmem>> -> memref<1x1x128x32xf32, #tpu.memory_space<vmem>>
          %dma_wait3A_125 = tpu.memref_squeeze %dma_wait3A_124 : memref<1x1x128x32xf32, #tpu.memory_space<vmem>> -> memref<128x32xf32, #tpu.memory_space<vmem>>
          %dma_wait3A_126 = arith.constant 128 : i32
          %dma_wait3A_127 = tpu.memref_slice %arg7[%rem3A_104, %dma_wait3A_126] : memref<3x384xi32, #tpu.memory_space<vmem>> -> memref<1x128xi32, #tpu.memory_space<vmem>>
          %dma_wait3A_128 = tpu.memref_squeeze %dma_wait3A_127 : memref<1x128xi32, #tpu.memory_space<vmem>> -> memref<128xi32, #tpu.memory_space<vmem>>
          %dma_wait3A_129 = arith.constant 0 : i32
          %dma_wait3A_130 = arith.constant 0 : i32
          %dma_wait3A_131 = tpu.memref_slice %arg3[%add3A_0, %dma_wait3A_129, %dma_wait3A_130] : memref<6x51200x32xf32, #tpu.memory_space<hbm>> -> memref<1x51200x32xf32, #tpu.memory_space<hbm>>
          %dma_wait3A_132 = tpu.memref_squeeze %dma_wait3A_131 : memref<1x51200x32xf32, #tpu.memory_space<hbm>> -> memref<51200x32xf32, #tpu.memory_space<hbm>>
          %dma_wait3A_133 = arith.constant 0 : i32
          %dma_wait3A_134 = arith.constant 0 : i32
          %dma_wait3A_135 = tpu.memref_slice %dma_wait3A_132[%dma_wait3A_133, %dma_wait3A_134] : memref<51200x32xf32, #tpu.memory_space<hbm>> -> memref<51200x32xf32, #tpu.memory_space<hbm>>
          tpu.wait_indirect_dma semaphore(%arg11 : memref<!tpu.dma_semaphore, #tpu.memory_space<semaphore_mem>>) src(%dma_wait3A_135 : memref<51200x32xf32, #tpu.memory_space<hbm>>) dst(%dma_wait3A_125 : memref<128x32xf32, #tpu.memory_space<vmem>>)
          %dma_wait3A_136 = arith.constant 2 : i32
          %dma_wait3A_137 = arith.constant 0 : i32
          %dma_wait3A_138 = arith.constant 0 : i32
          %dma_wait3A_139 = tpu.memref_slice %arg9[%rem3A_106, %dma_wait3A_136, %dma_wait3A_137, %dma_wait3A_138] : memref<2x3x128x32xf32, #tpu.memory_space<vmem>> -> memref<1x1x128x32xf32, #tpu.memory_space<vmem>>
          %dma_wait3A_140 = tpu.memref_squeeze %dma_wait3A_139 : memref<1x1x128x32xf32, #tpu.memory_space<vmem>> -> memref<128x32xf32, #tpu.memory_space<vmem>>
          %dma_wait3A_141 = arith.constant 256 : i32
          %dma_wait3A_142 = tpu.memref_slice %arg7[%rem3A_104, %dma_wait3A_141] : memref<3x384xi32, #tpu.memory_space<vmem>> -> memref<1x128xi32, #tpu.memory_space<vmem>>
          %dma_wait3A_143 = tpu.memref_squeeze %dma_wait3A_142 : memref<1x128xi32, #tpu.memory_space<vmem>> -> memref<128xi32, #tpu.memory_space<vmem>>
          %dma_wait3A_144 = arith.constant 0 : i32
          %dma_wait3A_145 = arith.constant 0 : i32
          %dma_wait3A_146 = tpu.memref_slice %arg3[%add3A_0, %dma_wait3A_144, %dma_wait3A_145] : memref<6x51200x32xf32, #tpu.memory_space<hbm>> -> memref<1x51200x32xf32, #tpu.memory_space<hbm>>
          %dma_wait3A_147 = tpu.memref_squeeze %dma_wait3A_146 : memref<1x51200x32xf32, #tpu.memory_space<hbm>> -> memref<51200x32xf32, #tpu.memory_space<hbm>>
          %dma_wait3A_148 = arith.constant 0 : i32
          %dma_wait3A_149 = arith.constant 0 : i32
          %dma_wait3A_150 = tpu.memref_slice %dma_wait3A_147[%dma_wait3A_148, %dma_wait3A_149] : memref<51200x32xf32, #tpu.memory_space<hbm>> -> memref<51200x32xf32, #tpu.memory_space<hbm>>
          tpu.wait_indirect_dma semaphore(%arg11 : memref<!tpu.dma_semaphore, #tpu.memory_space<semaphore_mem>>) src(%dma_wait3A_150 : memref<51200x32xf32, #tpu.memory_space<hbm>>) dst(%dma_wait3A_140 : memref<128x32xf32, #tpu.memory_space<vmem>>)
          %dma_start3A_151 = arith.constant 0 : i32
          %dma_start3A_152 = arith.constant 0 : i32
          %dma_start3A_153 = arith.constant 0 : i32
          %dma_start3A_154 = tpu.memref_slice %arg9[%rem3A_106, %dma_start3A_151, %dma_start3A_152, %dma_start3A_153] : memref<2x3x128x32xf32, #tpu.memory_space<vmem>> -> memref<1x1x128x32xf32, #tpu.memory_space<vmem>>
          %dma_start3A_155 = tpu.memref_squeeze %dma_start3A_154 : memref<1x1x128x32xf32, #tpu.memory_space<vmem>> -> memref<128x32xf32, #tpu.memory_space<vmem>>
          %dma_start3A_156 = arith.constant 0 : i32
          %dma_start3A_157 = tpu.memref_slice %arg8[%rem3A_104, %dma_start3A_156] : memref<3x384xi32, #tpu.memory_space<vmem>> -> memref<1x128xi32, #tpu.memory_space<vmem>>
          %dma_start3A_158 = tpu.memref_squeeze %dma_start3A_157 : memref<1x128xi32, #tpu.memory_space<vmem>> -> memref<128xi32, #tpu.memory_space<vmem>>
          %dma_start3A_159 = arith.constant 0 : i32
          %dma_start3A_160 = arith.constant 0 : i32
          %dma_start3A_161 = tpu.memref_slice %arg6[%dma_start3A_159, %dma_start3A_160] : memref<50000x32xf32, #tpu.memory_space<vmem_shared>> -> memref<50000x32xf32, #tpu.memory_space<vmem_shared>>
          tpu.enqueue_indirect_dma source(%dma_start3A_155 : memref<128x32xf32, #tpu.memory_space<vmem>>) target(%dma_start3A_161 : memref<50000x32xf32, #tpu.memory_space<vmem_shared>>) offsets(%dma_start3A_158 : memref<128xi32, #tpu.memory_space<vmem>>) semaphore(%arg12 : memref<!tpu.dma_semaphore, #tpu.memory_space<semaphore_mem>>) {add = true}
          %dma_start3A_162 = arith.constant 1 : i32
          %dma_start3A_163 = arith.constant 0 : i32
          %dma_start3A_164 = arith.constant 0 : i32
          %dma_start3A_165 = tpu.memref_slice %arg9[%rem3A_106, %dma_start3A_162, %dma_start3A_163, %dma_start3A_164] : memref<2x3x128x32xf32, #tpu.memory_space<vmem>> -> memref<1x1x128x32xf32, #tpu.memory_space<vmem>>
          %dma_start3A_166 = tpu.memref_squeeze %dma_start3A_165 : memref<1x1x128x32xf32, #tpu.memory_space<vmem>> -> memref<128x32xf32, #tpu.memory_space<vmem>>
          %dma_start3A_167 = arith.constant 128 : i32
          %dma_start3A_168 = tpu.memref_slice %arg8[%rem3A_104, %dma_start3A_167] : memref<3x384xi32, #tpu.memory_space<vmem>> -> memref<1x128xi32, #tpu.memory_space<vmem>>
          %dma_start3A_169 = tpu.memref_squeeze %dma_start3A_168 : memref<1x128xi32, #tpu.memory_space<vmem>> -> memref<128xi32, #tpu.memory_space<vmem>>
          %dma_start3A_170 = arith.constant 0 : i32
          %dma_start3A_171 = arith.constant 0 : i32
          %dma_start3A_172 = tpu.memref_slice %arg6[%dma_start3A_170, %dma_start3A_171] : memref<50000x32xf32, #tpu.memory_space<vmem_shared>> -> memref<50000x32xf32, #tpu.memory_space<vmem_shared>>
          tpu.enqueue_indirect_dma source(%dma_start3A_166 : memref<128x32xf32, #tpu.memory_space<vmem>>) target(%dma_start3A_172 : memref<50000x32xf32, #tpu.memory_space<vmem_shared>>) offsets(%dma_start3A_169 : memref<128xi32, #tpu.memory_space<vmem>>) semaphore(%arg12 : memref<!tpu.dma_semaphore, #tpu.memory_space<semaphore_mem>>) {add = true}
          %dma_start3A_173 = arith.constant 2 : i32
          %dma_start3A_174 = arith.constant 0 : i32
          %dma_start3A_175 = arith.constant 0 : i32
          %dma_start3A_176 = tpu.memref_slice %arg9[%rem3A_106, %dma_start3A_173, %dma_start3A_174, %dma_start3A_175] : memref<2x3x128x32xf32, #tpu.memory_space<vmem>> -> memref<1x1x128x32xf32, #tpu.memory_space<vmem>>
          %dma_start3A_177 = tpu.memref_squeeze %dma_start3A_176 : memref<1x1x128x32xf32, #tpu.memory_space<vmem>> -> memref<128x32xf32, #tpu.memory_space<vmem>>
          %dma_start3A_178 = arith.constant 256 : i32
          %dma_start3A_179 = tpu.memref_slice %arg8[%rem3A_104, %dma_start3A_178] : memref<3x384xi32, #tpu.memory_space<vmem>> -> memref<1x128xi32, #tpu.memory_space<vmem>>
          %dma_start3A_180 = tpu.memref_squeeze %dma_start3A_179 : memref<1x128xi32, #tpu.memory_space<vmem>> -> memref<128xi32, #tpu.memory_space<vmem>>
          %dma_start3A_181 = arith.constant 0 : i32
          %dma_start3A_182 = arith.constant 0 : i32
          %dma_start3A_183 = tpu.memref_slice %arg6[%dma_start3A_181, %dma_start3A_182] : memref<50000x32xf32, #tpu.memory_space<vmem_shared>> -> memref<50000x32xf32, #tpu.memory_space<vmem_shared>>
          tpu.enqueue_indirect_dma source(%dma_start3A_177 : memref<128x32xf32, #tpu.memory_space<vmem>>) target(%dma_start3A_183 : memref<50000x32xf32, #tpu.memory_space<vmem_shared>>) offsets(%dma_start3A_180 : memref<128xi32, #tpu.memory_space<vmem>>) semaphore(%arg12 : memref<!tpu.dma_semaphore, #tpu.memory_space<semaphore_mem>>) {add = true}
        } else {
        }
        %eq3A_95 = arith.constant 130 : i32
        %eq3A_96 = arith.cmpi eq, %sub3A_89, %eq3A_95 : i32
        %and3A_97 = arith.andi %eq3A_96, %lt3A_6 : i1
        %convert_element_type3A_98 = arith.extui %and3A_97 : i1 to i32
        %cond3A_99 = arith.constant 0 : i32
        %cond3A_100 = arith.cmpi ne, %convert_element_type3A_98, %cond3A_99 : i32
        scf.if %cond3A_100 {
          %sub3A_101 = arith.constant 1 : i32
          %sub3A_102 = arith.subi %scan3A_71, %sub3A_101 : i32
          %rem3A_103 = arith.constant 3 : i32
          %rem3A_104 = arith.remsi %sub3A_102, %rem3A_103 : i32
          %rem3A_105 = arith.constant 2 : i32
          %rem3A_106 = arith.remsi %sub3A_102, %rem3A_105 : i32
          %dma_wait3A = arith.constant 0 : i32
          %dma_wait3A_107 = arith.constant 0 : i32
          %dma_wait3A_108 = arith.constant 0 : i32
          %dma_wait3A_109 = tpu.memref_slice %arg9[%rem3A_106, %dma_wait3A, %dma_wait3A_107, %dma_wait3A_108] : memref<2x3x128x32xf32, #tpu.memory_space<vmem>> -> memref<1x1x128x32xf32, #tpu.memory_space<vmem>>
          %dma_wait3A_110 = tpu.memref_squeeze %dma_wait3A_109 : memref<1x1x128x32xf32, #tpu.memory_space<vmem>> -> memref<128x32xf32, #tpu.memory_space<vmem>>
          %dma_wait3A_111 = arith.constant 0 : i32
          %dma_wait3A_112 = tpu.memref_slice %arg7[%rem3A_104, %dma_wait3A_111] : memref<3x384xi32, #tpu.memory_space<vmem>> -> memref<1x128xi32, #tpu.memory_space<vmem>>
          %dma_wait3A_113 = tpu.memref_squeeze %dma_wait3A_112 : memref<1x128xi32, #tpu.memory_space<vmem>> -> memref<128xi32, #tpu.memory_space<vmem>>
          %dma_wait3A_114 = arith.constant 0 : i32
          %dma_wait3A_115 = arith.constant 0 : i32
          %dma_wait3A_116 = tpu.memref_slice %arg3[%add3A_0, %dma_wait3A_114, %dma_wait3A_115] : memref<6x51200x32xf32, #tpu.memory_space<hbm>> -> memref<1x51200x32xf32, #tpu.memory_space<hbm>>
          %dma_wait3A_117 = tpu.memref_squeeze %dma_wait3A_116 : memref<1x51200x32xf32, #tpu.memory_space<hbm>> -> memref<51200x32xf32, #tpu.memory_space<hbm>>
          %dma_wait3A_118 = arith.constant 0 : i32
          %dma_wait3A_119 = arith.constant 0 : i32
          %dma_wait3A_120 = tpu.memref_slice %dma_wait3A_117[%dma_wait3A_118, %dma_wait3A_119] : memref<51200x32xf32, #tpu.memory_space<hbm>> -> memref<51200x32xf32, #tpu.memory_space<hbm>>
          tpu.wait_indirect_dma semaphore(%arg11 : memref<!tpu.dma_semaphore, #tpu.memory_space<semaphore_mem>>) src(%dma_wait3A_120 : memref<51200x32xf32, #tpu.memory_space<hbm>>) dst(%dma_wait3A_110 : memref<128x32xf32, #tpu.memory_space<vmem>>)
          %dma_start3A_121 = arith.constant 0 : i32
          %dma_start3A_122 = arith.constant 0 : i32
          %dma_start3A_123 = arith.constant 0 : i32
          %dma_start3A_124 = tpu.memref_slice %arg9[%rem3A_106, %dma_start3A_121, %dma_start3A_122, %dma_start3A_123] : memref<2x3x128x32xf32, #tpu.memory_space<vmem>> -> memref<1x1x128x32xf32, #tpu.memory_space<vmem>>
          %dma_start3A_125 = tpu.memref_squeeze %dma_start3A_124 : memref<1x1x128x32xf32, #tpu.memory_space<vmem>> -> memref<128x32xf32, #tpu.memory_space<vmem>>
          %dma_start3A_126 = arith.constant 0 : i32
          %dma_start3A_127 = tpu.memref_slice %arg8[%rem3A_104, %dma_start3A_126] : memref<3x384xi32, #tpu.memory_space<vmem>> -> memref<1x128xi32, #tpu.memory_space<vmem>>
          %dma_start3A_128 = tpu.memref_squeeze %dma_start3A_127 : memref<1x128xi32, #tpu.memory_space<vmem>> -> memref<128xi32, #tpu.memory_space<vmem>>
          %dma_start3A_129 = arith.constant 0 : i32
          %dma_start3A_130 = arith.constant 0 : i32
          %dma_start3A_131 = tpu.memref_slice %arg6[%dma_start3A_129, %dma_start3A_130] : memref<50000x32xf32, #tpu.memory_space<vmem_shared>> -> memref<50000x32xf32, #tpu.memory_space<vmem_shared>>
          tpu.enqueue_indirect_dma source(%dma_start3A_125 : memref<128x32xf32, #tpu.memory_space<vmem>>) target(%dma_start3A_131 : memref<50000x32xf32, #tpu.memory_space<vmem_shared>>) offsets(%dma_start3A_128 : memref<128xi32, #tpu.memory_space<vmem>>) semaphore(%arg12 : memref<!tpu.dma_semaphore, #tpu.memory_space<semaphore_mem>>) {add = true}
        } else {
        }
      } else {
      }
    }
    %scan3A_55 = arith.constant 132 : i32
    %and3A = arith.constant true
    %and3A_56 = arith.andi %and3A, %lt3A_6 : i1
    %convert_element_type3A_57 = arith.extui %and3A_56 : i1 to i32
    %cond3A_58 = arith.constant 0 : i32
    %cond3A_59 = arith.cmpi ne, %convert_element_type3A_57, %cond3A_58 : i32
    scf.if %cond3A_59 {
      %rem3A_71 = arith.constant 130 : i32
      %rem3A_72 = arith.constant 3 : i32
      %rem3A_73 = arith.remsi %rem3A_71, %rem3A_72 : i32
      %rem3A_74 = arith.constant 130 : i32
      %rem3A_75 = arith.constant 2 : i32
      %rem3A_76 = arith.remsi %rem3A_74, %rem3A_75 : i32
      %dma_wait3A = arith.constant 0 : i32
      %dma_wait3A_77 = arith.constant 0 : i32
      %dma_wait3A_78 = arith.constant 0 : i32
      %dma_wait3A_79 = tpu.memref_slice %arg9[%rem3A_76, %dma_wait3A, %dma_wait3A_77, %dma_wait3A_78] : memref<2x3x128x32xf32, #tpu.memory_space<vmem>> -> memref<1x1x128x32xf32, #tpu.memory_space<vmem>>
      %dma_wait3A_80 = tpu.memref_squeeze %dma_wait3A_79 : memref<1x1x128x32xf32, #tpu.memory_space<vmem>> -> memref<128x32xf32, #tpu.memory_space<vmem>>
      %dma_wait3A_81 = arith.constant 0 : i32
      %dma_wait3A_82 = tpu.memref_slice %arg8[%rem3A_73, %dma_wait3A_81] : memref<3x384xi32, #tpu.memory_space<vmem>> -> memref<1x128xi32, #tpu.memory_space<vmem>>
      %dma_wait3A_83 = tpu.memref_squeeze %dma_wait3A_82 : memref<1x128xi32, #tpu.memory_space<vmem>> -> memref<128xi32, #tpu.memory_space<vmem>>
      %dma_wait3A_84 = arith.constant 0 : i32
      %dma_wait3A_85 = arith.constant 0 : i32
      %dma_wait3A_86 = tpu.memref_slice %arg6[%dma_wait3A_84, %dma_wait3A_85] : memref<50000x32xf32, #tpu.memory_space<vmem_shared>> -> memref<50000x32xf32, #tpu.memory_space<vmem_shared>>
      tpu.wait_indirect_dma semaphore(%arg12 : memref<!tpu.dma_semaphore, #tpu.memory_space<semaphore_mem>>) src(%dma_wait3A_80 : memref<128x32xf32, #tpu.memory_space<vmem>>) dst(%dma_wait3A_86 : memref<50000x32xf32, #tpu.memory_space<vmem_shared>>)
    } else {
    }
    %barrier3A_60 = arith.constant 0 : index
    tpu.barrier barrier_id(%barrier3A_60)
    %lt3A_61 = arith.constant 15 : i32
    %lt3A_62 = arith.cmpi slt, %arg1, %lt3A_61 : i32
    %convert_element_type3A_63 = arith.extui %lt3A_62 : i1 to i32
    %cond3A_64 = arith.constant 0 : i32
    %cond3A_65 = arith.cmpi ne, %convert_element_type3A_63, %cond3A_64 : i32
    scf.if %cond3A_65 {
      %mul3A_71 = arith.constant 32 : i32
      %mul3A_72 = arith.muli %arg0, %mul3A_71 : i32
      "tpu.region"() ({
        %run_scoped3A = tpu.sem_alloc : memref<!tpu.dma_semaphore, #tpu.memory_space<semaphore_mem>>
        %dma_start3A_73 = tpu.memref_slice %arg5[%mul3A_1, %mul3A_72] : memref<50000x64xf32, #tpu.memory_space<hbm>> -> memref<3128x32xf32, #tpu.memory_space<hbm>>
        %dma_start3A_74 = arith.constant 0 : i32
        %dma_start3A_75 = tpu.memref_slice %arg6[%mul3A_1, %dma_start3A_74] : memref<50000x32xf32, #tpu.memory_space<vmem_shared>> -> memref<3128x32xf32, #tpu.memory_space<vmem_shared>>
        tpu.enqueue_dma source(%dma_start3A_75 : memref<3128x32xf32, #tpu.memory_space<vmem_shared>>) target(%dma_start3A_73 : memref<3128x32xf32, #tpu.memory_space<hbm>>) target_semaphore(%run_scoped3A : memref<!tpu.dma_semaphore, #tpu.memory_space<semaphore_mem>>)
        %dma_wait3A = tpu.memref_slice %arg5[%mul3A_1, %mul3A_72] : memref<50000x64xf32, #tpu.memory_space<hbm>> -> memref<3128x32xf32, #tpu.memory_space<hbm>>
        %dma_wait3A_76 = arith.constant 0 : i32
        %dma_wait3A_77 = tpu.memref_slice %arg6[%mul3A_1, %dma_wait3A_76] : memref<50000x32xf32, #tpu.memory_space<vmem_shared>> -> memref<3128x32xf32, #tpu.memory_space<vmem_shared>>
        tpu.wait_dma2 semaphore(%run_scoped3A : memref<!tpu.dma_semaphore, #tpu.memory_space<semaphore_mem>>) src(%dma_wait3A_77 : memref<3128x32xf32, #tpu.memory_space<vmem_shared>>) dst(%dma_wait3A : memref<3128x32xf32, #tpu.memory_space<hbm>>)
        tpu.yield
      }) : () -> ()
    } else {
    }
    %eq3A_66 = arith.constant 15 : i32
    %eq3A_67 = arith.cmpi eq, %arg1, %eq3A_66 : i32
    %convert_element_type3A_68 = arith.extui %eq3A_67 : i1 to i32
    %cond3A_69 = arith.constant 0 : i32
    %cond3A_70 = arith.cmpi ne, %convert_element_type3A_68, %cond3A_69 : i32
    scf.if %cond3A_70 {
      %mul3A_71 = arith.constant 32 : i32
      %mul3A_72 = arith.muli %arg0, %mul3A_71 : i32
      "tpu.region"() ({
        %run_scoped3A = tpu.sem_alloc : memref<!tpu.dma_semaphore, #tpu.memory_space<semaphore_mem>>
        %dma_start3A_73 = tpu.memref_slice %arg5[%mul3A_1, %mul3A_72] : memref<50000x64xf32, #tpu.memory_space<hbm>> -> memref<3080x32xf32, #tpu.memory_space<hbm>>
        %dma_start3A_74 = arith.constant 0 : i32
        %dma_start3A_75 = tpu.memref_slice %arg6[%mul3A_1, %dma_start3A_74] : memref<50000x32xf32, #tpu.memory_space<vmem_shared>> -> memref<3080x32xf32, #tpu.memory_space<vmem_shared>>
        tpu.enqueue_dma source(%dma_start3A_75 : memref<3080x32xf32, #tpu.memory_space<vmem_shared>>) target(%dma_start3A_73 : memref<3080x32xf32, #tpu.memory_space<hbm>>) target_semaphore(%run_scoped3A : memref<!tpu.dma_semaphore, #tpu.memory_space<semaphore_mem>>)
        %dma_wait3A = tpu.memref_slice %arg5[%mul3A_1, %mul3A_72] : memref<50000x64xf32, #tpu.memory_space<hbm>> -> memref<3080x32xf32, #tpu.memory_space<hbm>>
        %dma_wait3A_76 = arith.constant 0 : i32
        %dma_wait3A_77 = tpu.memref_slice %arg6[%mul3A_1, %dma_wait3A_76] : memref<50000x32xf32, #tpu.memory_space<vmem_shared>> -> memref<3080x32xf32, #tpu.memory_space<vmem_shared>>
        tpu.wait_dma2 semaphore(%run_scoped3A : memref<!tpu.dma_semaphore, #tpu.memory_space<semaphore_mem>>) src(%dma_wait3A_77 : memref<3080x32xf32, #tpu.memory_space<vmem_shared>>) dst(%dma_wait3A : memref<3080x32xf32, #tpu.memory_space<hbm>>)
        tpu.yield
      }) : () -> ()
    } else {
    }
    return
  }
}

module attributes {stable_mosaic.version = 14 : i64} {
  func.func @_tc_body(%arg0: i32, %arg1: memref<800x256xf32, #tpu.memory_space<vmem>>, %arg2: memref<256x512xf32, #tpu.memory_space<vmem>>, %arg3: memref<1x512xf32, #tpu.memory_space<vmem>>, %arg4: memref<4x800x128xf32, #tpu.memory_space<vmem>>) attributes {dimension_semantics = [#tpu.dimension_semantics<arbitrary>], iteration_bounds = array<i64: 16>, scalar_prefetch = 0 : i64, scratch_operands = 0 : i64, tpu.core_type = #tpu.core_type<tc>, window_params = [{transform_indices = @transform_0, window_bounds = array<i64: 800, 256>}, {pipeline_mode = #tpu.pipeline_mode<synchronous>, transform_indices = @transform_1, window_bounds = array<i64: 256, 512>}, {pipeline_mode = #tpu.pipeline_mode<synchronous>, transform_indices = @transform_2, window_bounds = array<i64: 1, 512>}, {transform_indices = @transform_3, window_bounds = array<i64: 4, 800, 128>}]} {
    %get3A = arith.constant 0 : index
    %get3A_0 = arith.constant 0 : index
    %get3A_1 = vector.load %arg1[%get3A, %get3A_0] : memref<800x256xf32, #tpu.memory_space<vmem>>, vector<800x256xf32>
    %get3A_2 = arith.constant 0 : index
    %get3A_3 = arith.constant 0 : index
    %get3A_4 = vector.load %arg2[%get3A_2, %get3A_3] : memref<256x512xf32, #tpu.memory_space<vmem>>, vector<256x512xf32>
    %dot_general3A = arith.constant dense<0.000000e+00> : vector<800x512xf32>
    %dot_general3A_5 = tpu.matmul %get3A_1, %get3A_4, %dot_general3A {dimension_numbers = #tpu.dot_dimension_numbers<[1], [0], [0], [1], [0, 0, 1, 1], [], []>, transpose_lhs_hint = false} : vector<800x256xf32>, vector<256x512xf32>, vector<800x512xf32> -> vector<800x512xf32>
    %get3A_6 = arith.constant 0 : index
    %get3A_7 = arith.constant 0 : index
    %get3A_8 = vector.load %arg3[%get3A_6, %get3A_7] : memref<1x512xf32, #tpu.memory_space<vmem>>, vector<1x512xf32>
    %add3A = vector.broadcast %get3A_8 : vector<1x512xf32> to vector<800x512xf32>
    %add3A_9 = arith.addf %dot_general3A_5, %add3A : vector<800x512xf32>
    %slice3A = vector.extract_strided_slice %add3A_9 {offsets = [0, 0], sizes = [800, 128], strides = [1, 1]} : vector<800x512xf32> to vector<800x128xf32>
    %swap3A = arith.constant 0 : index
    %swap3A_10 = arith.constant 0 : index
    %swap3A_11 = arith.constant 0 : index
    %swap3A_12 = vector.load %arg4[%swap3A, %swap3A_10, %swap3A_11] : memref<4x800x128xf32, #tpu.memory_space<vmem>>, vector<1x800x128xf32>
    %swap3A_13 = vector.shape_cast %swap3A_12 : vector<1x800x128xf32> to vector<800x128xf32>
    %swap3A_14 = vector.shape_cast %slice3A : vector<800x128xf32> to vector<1x800x128xf32>
    tpu.vector_store %arg4[%swap3A, %swap3A_10, %swap3A_11], %swap3A_14 {strides = array<i32>} : memref<4x800x128xf32, #tpu.memory_space<vmem>>, vector<1x800x128xf32>,
    %slice3A_15 = vector.extract_strided_slice %add3A_9 {offsets = [0, 128], sizes = [800, 128], strides = [1, 1]} : vector<800x512xf32> to vector<800x128xf32>
    %swap3A_16 = arith.constant 1 : index
    %swap3A_17 = arith.constant 0 : index
    %swap3A_18 = arith.constant 0 : index
    %swap3A_19 = vector.load %arg4[%swap3A_16, %swap3A_17, %swap3A_18] : memref<4x800x128xf32, #tpu.memory_space<vmem>>, vector<1x800x128xf32>
    %swap3A_20 = vector.shape_cast %swap3A_19 : vector<1x800x128xf32> to vector<800x128xf32>
    %swap3A_21 = vector.shape_cast %slice3A_15 : vector<800x128xf32> to vector<1x800x128xf32>
    tpu.vector_store %arg4[%swap3A_16, %swap3A_17, %swap3A_18], %swap3A_21 {strides = array<i32>} : memref<4x800x128xf32, #tpu.memory_space<vmem>>, vector<1x800x128xf32>,
    %slice3A_22 = vector.extract_strided_slice %add3A_9 {offsets = [0, 256], sizes = [800, 128], strides = [1, 1]} : vector<800x512xf32> to vector<800x128xf32>
    %swap3A_23 = arith.constant 2 : index
    %swap3A_24 = arith.constant 0 : index
    %swap3A_25 = arith.constant 0 : index
    %swap3A_26 = vector.load %arg4[%swap3A_23, %swap3A_24, %swap3A_25] : memref<4x800x128xf32, #tpu.memory_space<vmem>>, vector<1x800x128xf32>
    %swap3A_27 = vector.shape_cast %swap3A_26 : vector<1x800x128xf32> to vector<800x128xf32>
    %swap3A_28 = vector.shape_cast %slice3A_22 : vector<800x128xf32> to vector<1x800x128xf32>
    tpu.vector_store %arg4[%swap3A_23, %swap3A_24, %swap3A_25], %swap3A_28 {strides = array<i32>} : memref<4x800x128xf32, #tpu.memory_space<vmem>>, vector<1x800x128xf32>,
    %slice3A_29 = vector.extract_strided_slice %add3A_9 {offsets = [0, 384], sizes = [800, 128], strides = [1, 1]} : vector<800x512xf32> to vector<800x128xf32>
    %swap3A_30 = arith.constant 3 : index
    %swap3A_31 = arith.constant 0 : index
    %swap3A_32 = arith.constant 0 : index
    %swap3A_33 = vector.load %arg4[%swap3A_30, %swap3A_31, %swap3A_32] : memref<4x800x128xf32, #tpu.memory_space<vmem>>, vector<1x800x128xf32>
    %swap3A_34 = vector.shape_cast %swap3A_33 : vector<1x800x128xf32> to vector<800x128xf32>
    %swap3A_35 = vector.shape_cast %slice3A_29 : vector<800x128xf32> to vector<1x800x128xf32>
    tpu.vector_store %arg4[%swap3A_30, %swap3A_31, %swap3A_32], %swap3A_35 {strides = array<i32>} : memref<4x800x128xf32, #tpu.memory_space<vmem>>, vector<1x800x128xf32>,
    return
  }
  func.func @transform_0(%arg0: i32) -> (i32, i32) {
    %c0_i32 = arith.constant 0 : i32
    %c0_i32_0 = arith.constant 0 : i32
    return %arg0, %c0_i32 : i32, i32
  }
  func.func @transform_1(%arg0: i32) -> (i32, i32) {
    %c0_i32 = arith.constant 0 : i32
    %c0_i32_0 = arith.constant 0 : i32
    %c0_i32_1 = arith.constant 0 : i32
    return %c0_i32, %c0_i32_0 : i32, i32
  }
  func.func @transform_2(%arg0: i32) -> (i32, i32) {
    %c0_i32 = arith.constant 0 : i32
    %c0_i32_0 = arith.constant 0 : i32
    %c0_i32_1 = arith.constant 0 : i32
    return %c0_i32, %c0_i32_0 : i32, i32
  }
  func.func @transform_3(%arg0: i32) -> (i32, i32, i32) {
    %c0_i32 = arith.constant 0 : i32
    %c0_i32_0 = arith.constant 0 : i32
    %c0_i32_1 = arith.constant 0 : i32
    return %c0_i32, %arg0, %c0_i32_0 : i32, i32, i32
  }
}

module attributes {stable_mosaic.version = 14 : i64} {
  func.func @_tc_body(%arg0: i32, %arg1: memref<800x256xf32, #tpu.memory_space<vmem>>, %arg2: memref<256x768xf32, #tpu.memory_space<vmem>>, %arg3: memref<1x768xf32, #tpu.memory_space<vmem>>, %arg4: memref<6x800x128xf32, #tpu.memory_space<vmem>>) attributes {dimension_semantics = [#tpu.dimension_semantics<arbitrary>], iteration_bounds = array<i64: 16>, scalar_prefetch = 0 : i64, scratch_operands = 0 : i64, tpu.core_type = #tpu.core_type<tc>, window_params = [{transform_indices = @transform_0, window_bounds = array<i64: 800, 256>}, {pipeline_mode = #tpu.pipeline_mode<synchronous>, transform_indices = @transform_1, window_bounds = array<i64: 256, 768>}, {pipeline_mode = #tpu.pipeline_mode<synchronous>, transform_indices = @transform_2, window_bounds = array<i64: 1, 768>}, {transform_indices = @transform_3, window_bounds = array<i64: 6, 800, 128>}]} {
    %get3A = arith.constant 0 : index
    %get3A_0 = arith.constant 0 : index
    %get3A_1 = vector.load %arg1[%get3A, %get3A_0] : memref<800x256xf32, #tpu.memory_space<vmem>>, vector<800x256xf32>
    %get3A_2 = arith.constant 0 : index
    %get3A_3 = arith.constant 0 : index
    %get3A_4 = vector.load %arg2[%get3A_2, %get3A_3] : memref<256x768xf32, #tpu.memory_space<vmem>>, vector<256x768xf32>
    %dot_general3A = arith.constant dense<0.000000e+00> : vector<800x768xf32>
    %dot_general3A_5 = tpu.matmul %get3A_1, %get3A_4, %dot_general3A {dimension_numbers = #tpu.dot_dimension_numbers<[1], [0], [0], [1], [0, 0, 1, 1], [], []>, transpose_lhs_hint = false} : vector<800x256xf32>, vector<256x768xf32>, vector<800x768xf32> -> vector<800x768xf32>
    %get3A_6 = arith.constant 0 : index
    %get3A_7 = arith.constant 0 : index
    %get3A_8 = vector.load %arg3[%get3A_6, %get3A_7] : memref<1x768xf32, #tpu.memory_space<vmem>>, vector<1x768xf32>
    %add3A = vector.broadcast %get3A_8 : vector<1x768xf32> to vector<800x768xf32>
    %add3A_9 = arith.addf %dot_general3A_5, %add3A : vector<800x768xf32>
    %slice3A = vector.extract_strided_slice %add3A_9 {offsets = [0, 0], sizes = [800, 128], strides = [1, 1]} : vector<800x768xf32> to vector<800x128xf32>
    %swap3A = arith.constant 0 : index
    %swap3A_10 = arith.constant 0 : index
    %swap3A_11 = arith.constant 0 : index
    %swap3A_12 = vector.load %arg4[%swap3A, %swap3A_10, %swap3A_11] : memref<6x800x128xf32, #tpu.memory_space<vmem>>, vector<1x800x128xf32>
    %swap3A_13 = vector.shape_cast %swap3A_12 : vector<1x800x128xf32> to vector<800x128xf32>
    %swap3A_14 = vector.shape_cast %slice3A : vector<800x128xf32> to vector<1x800x128xf32>
    tpu.vector_store %arg4[%swap3A, %swap3A_10, %swap3A_11], %swap3A_14 {strides = array<i32>} : memref<6x800x128xf32, #tpu.memory_space<vmem>>, vector<1x800x128xf32>,
    %slice3A_15 = vector.extract_strided_slice %add3A_9 {offsets = [0, 128], sizes = [800, 128], strides = [1, 1]} : vector<800x768xf32> to vector<800x128xf32>
    %swap3A_16 = arith.constant 1 : index
    %swap3A_17 = arith.constant 0 : index
    %swap3A_18 = arith.constant 0 : index
    %swap3A_19 = vector.load %arg4[%swap3A_16, %swap3A_17, %swap3A_18] : memref<6x800x128xf32, #tpu.memory_space<vmem>>, vector<1x800x128xf32>
    %swap3A_20 = vector.shape_cast %swap3A_19 : vector<1x800x128xf32> to vector<800x128xf32>
    %swap3A_21 = vector.shape_cast %slice3A_15 : vector<800x128xf32> to vector<1x800x128xf32>
    tpu.vector_store %arg4[%swap3A_16, %swap3A_17, %swap3A_18], %swap3A_21 {strides = array<i32>} : memref<6x800x128xf32, #tpu.memory_space<vmem>>, vector<1x800x128xf32>,
    %slice3A_22 = vector.extract_strided_slice %add3A_9 {offsets = [0, 256], sizes = [800, 128], strides = [1, 1]} : vector<800x768xf32> to vector<800x128xf32>
    %swap3A_23 = arith.constant 2 : index
    %swap3A_24 = arith.constant 0 : index
    %swap3A_25 = arith.constant 0 : index
    %swap3A_26 = vector.load %arg4[%swap3A_23, %swap3A_24, %swap3A_25] : memref<6x800x128xf32, #tpu.memory_space<vmem>>, vector<1x800x128xf32>
    %swap3A_27 = vector.shape_cast %swap3A_26 : vector<1x800x128xf32> to vector<800x128xf32>
    %swap3A_28 = vector.shape_cast %slice3A_22 : vector<800x128xf32> to vector<1x800x128xf32>
    tpu.vector_store %arg4[%swap3A_23, %swap3A_24, %swap3A_25], %swap3A_28 {strides = array<i32>} : memref<6x800x128xf32, #tpu.memory_space<vmem>>, vector<1x800x128xf32>,
    %slice3A_29 = vector.extract_strided_slice %add3A_9 {offsets = [0, 384], sizes = [800, 128], strides = [1, 1]} : vector<800x768xf32> to vector<800x128xf32>
    %swap3A_30 = arith.constant 3 : index
    %swap3A_31 = arith.constant 0 : index
    %swap3A_32 = arith.constant 0 : index
    %swap3A_33 = vector.load %arg4[%swap3A_30, %swap3A_31, %swap3A_32] : memref<6x800x128xf32, #tpu.memory_space<vmem>>, vector<1x800x128xf32>
    %swap3A_34 = vector.shape_cast %swap3A_33 : vector<1x800x128xf32> to vector<800x128xf32>
    %swap3A_35 = vector.shape_cast %slice3A_29 : vector<800x128xf32> to vector<1x800x128xf32>
    tpu.vector_store %arg4[%swap3A_30, %swap3A_31, %swap3A_32], %swap3A_35 {strides = array<i32>} : memref<6x800x128xf32, #tpu.memory_space<vmem>>, vector<1x800x128xf32>,
    %slice3A_36 = vector.extract_strided_slice %add3A_9 {offsets = [0, 512], sizes = [800, 128], strides = [1, 1]} : vector<800x768xf32> to vector<800x128xf32>
    %swap3A_37 = arith.constant 4 : index
    %swap3A_38 = arith.constant 0 : index
    %swap3A_39 = arith.constant 0 : index
    %swap3A_40 = vector.load %arg4[%swap3A_37, %swap3A_38, %swap3A_39] : memref<6x800x128xf32, #tpu.memory_space<vmem>>, vector<1x800x128xf32>
    %swap3A_41 = vector.shape_cast %swap3A_40 : vector<1x800x128xf32> to vector<800x128xf32>
    %swap3A_42 = vector.shape_cast %slice3A_36 : vector<800x128xf32> to vector<1x800x128xf32>
    tpu.vector_store %arg4[%swap3A_37, %swap3A_38, %swap3A_39], %swap3A_42 {strides = array<i32>} : memref<6x800x128xf32, #tpu.memory_space<vmem>>, vector<1x800x128xf32>,
    %slice3A_43 = vector.extract_strided_slice %add3A_9 {offsets = [0, 640], sizes = [800, 128], strides = [1, 1]} : vector<800x768xf32> to vector<800x128xf32>
    %swap3A_44 = arith.constant 5 : index
    %swap3A_45 = arith.constant 0 : index
    %swap3A_46 = arith.constant 0 : index
    %swap3A_47 = vector.load %arg4[%swap3A_44, %swap3A_45, %swap3A_46] : memref<6x800x128xf32, #tpu.memory_space<vmem>>, vector<1x800x128xf32>
    %swap3A_48 = vector.shape_cast %swap3A_47 : vector<1x800x128xf32> to vector<800x128xf32>
    %swap3A_49 = vector.shape_cast %slice3A_43 : vector<800x128xf32> to vector<1x800x128xf32>
    tpu.vector_store %arg4[%swap3A_44, %swap3A_45, %swap3A_46], %swap3A_49 {strides = array<i32>} : memref<6x800x128xf32, #tpu.memory_space<vmem>>, vector<1x800x128xf32>,
    return
  }
  func.func @transform_0(%arg0: i32) -> (i32, i32) {
    %c0_i32 = arith.constant 0 : i32
    %c0_i32_0 = arith.constant 0 : i32
    return %arg0, %c0_i32 : i32, i32
  }
  func.func @transform_1(%arg0: i32) -> (i32, i32) {
    %c0_i32 = arith.constant 0 : i32
    %c0_i32_0 = arith.constant 0 : i32
    %c0_i32_1 = arith.constant 0 : i32
    return %c0_i32, %c0_i32_0 : i32, i32
  }
  func.func @transform_2(%arg0: i32) -> (i32, i32) {
    %c0_i32 = arith.constant 0 : i32
    %c0_i32_0 = arith.constant 0 : i32
    %c0_i32_1 = arith.constant 0 : i32
    return %c0_i32, %c0_i32_0 : i32, i32
  }
  func.func @transform_3(%arg0: i32) -> (i32, i32, i32) {
    %c0_i32 = arith.constant 0 : i32
    %c0_i32_0 = arith.constant 0 : i32
    %c0_i32_1 = arith.constant 0 : i32
    return %c0_i32, %arg0, %c0_i32_0 : i32, i32, i32
  }
}

</mosaic_0001>

<sc_bundles>
// kernel: kernel.10.cloned.1.call-start
scs
__scs_entry_jumppad:
0x0: {  	(pc) =	sbr.rel $0x88, $3  }
0x1: {  	(tag) =	ssettag $0x0;
	lr =	simm.s32 $0x1  }
0x2: {  	[smem:$0x3F90] =	sst lr;
	_ =	strace $0xD0000000  }
0x3: {  	_ = 	snop  }
0x4: {  	_ = 	snop  }
0x5: {  	_ = 	snop  }
0x6: {  	_ = 	snop  }
0x7: {  	_ = 	snop  }
__scs_overlays_trampoline_lowered:
0x8: {  	[smem:$0x3F9F] =	sst s0  }
0x9: {  	[smem:$0x3FA0] =	sst s1  }
0xa: {  	[smem:$0x3FA1] =	sst s2  }
0xb: {  	[smem:$0x3FA2] =	sst s3  }
0xc: {  	[smem:$0x3FA3] =	sst s4  }
0xd: {  	[smem:$0x3FA4] =	sst s5  }
0xe: {  	[smem:$0x3FA5] =	sst s6  }
0xf: {  	[smem:$0x3FA6] =	sst s7  }
0x10: {  	[smem:$0x3FA7] =	sst s8  }
0x11: {  	[smem:$0x3FA8] =	sst s9;
	s0 =	simm.s32 @!p0 $0x0  }
0x12: {  	s1 =	sld [smem:$0x3F8E];
	s0 =	simm.s32 @p0 $0x1  }
0x13: {  	[smem:$0x3FA9] =	sst s0;
	s0 =	simm.s32 @!p1 $0x0  }
0x14: {  	s2 =	sld [smem:$0x3F8D];
	s0 =	simm.s32 @p1 $0x1  }
0x15: {  	[smem:$0x3FAA] =	sst s0;
	s0 =	simm.s32 @!p2 $0x0  }
0x16: {  	s3 =	sld [smem:$0x3FDB];
	s0 =	simm.s32 @p2 $0x1  }
0x17: {  	s4 =	simm.s32 $0x1BF5;
	[smem:$0x3FAC] =	sst s0  }
0x18: {  	s0 =	sld [smem:$0x3F8F];
	_ =	swait.ge [sflag:s4], $0x0  }
0x19: {  	s7 =	sld [smem:$0x3F90]  }
0x1a: {  	s8 =	sadd.s32 $0xFFFFE003, lr  }
0x1b: {  	s9 =	sadd.s32 $0xFFFFFEF7, lr;
	s5 =	simm.s32 $0xFFFFFFFF;
	p2 =	slt.u32 s8, $0xFFFFF086  }
0x1c: {  	p1 =	slt.u32 s9, $0xF7A;
	s5 =	simm.s32 @!p2 $0x0  }
0x1d: {  	s5 =	simm.s32 @p1 $0x1;
	p0 =	seq.s32 s7, s2  }
0x1e: {  	s7 =	smul.u32 @!p0 $0xF7A, s2;
	p2 =	seq.s32 @!p0 s5, $0x0  }
0x1f: {  	s9 =	smul.u32 $0xF7A, s1;
	s8 =	simm.s32 @!p0 $0x1BF5;
	p2 =	por !p2, p0  }
0x20: {  	[sflag:s8] =	ssyncset.s32 @!p0 $0xFFFFF086;
	s6 =	sadd.s32 @!p0 s3, s7;
	s7 =	simm.s32 @!p0 $0x108  }
0x21: {  	s3 =	sadd.s32 s3, s9;
	s6 =	sadd.s32 @!p0 $0x88, s6;
	s7 =	simm.s32 @p2 $0x1082  }
0x22: {  	[simem:s7], [sflag:s8] =	dma.local @!p0 [hbm:s6], $0xF7A  }
0x23: {  	s9 =	sor.u32 $0xD0000000, s2;
	s6 =	simm.s32 $0x108;
	_ =	swait.ge @!p0 [sflag:s8], $0x0  }
0x24: {  	s3 =	sadd.s32 $0x88, s3;
	s6 =	simm.s32 @!p1 $0x1082;
	[sflag:s4] =	ssyncset.s32 $0xFFFFF086  }
0x25: {  	[simem:s6], [sflag:s4] =	dma.local [hbm:s3], $0xF7A  }
0x26: {  	[smem:$0x3F90] =	sst s1;
	(tag) =	ssettag s2;
	_ =	strace s9  }
0x27: {  	s1 =	sld [smem:$0x3FA0]  }
0x28: {  	s2 =	sld [smem:$0x3FA1]  }
0x29: {  	s4 =	sld [smem:$0x3FA3]  }
0x2a: {  	p0 =	seq.s32 s5, $0x0;
	s5 =	sld [smem:$0x3FA4]  }
0x2b: {  	s6 =	sld [smem:$0x3FA5]  }
0x2c: {  	s7 =	sld [smem:$0x3FA6]  }
0x2d: {  	s3 =	simm.s32 $0x108;
	s8 =	sld [smem:$0x3FA7]  }
0x2e: {  	s3 =	simm.s32 @!p0 $0x1082;
	s9 =	sld [smem:$0x3FA8]  }
0x2f: {  	lr =	sadd.s32 s0, s3;
	s0 =	sld [smem:$0x3F9F]  }
0x30: {  	s3 =	sld [smem:$0x3FA2]  }
0x31: {  	[smem:$0x3FAB] =	sst s10  }
0x32: {  	s10 =	sld [smem:$0x3FA9];
	_ =	sdelay $0x3  }
0x33: {  	p0 =	seq.s32 s10, $0x1;
	s10 =	sld [smem:$0x3FAB];
	_ =	sdelay $0x3  }
0x34: {  	[smem:$0x3FAB] =	sst s10  }
0x35: {  	s10 =	sld [smem:$0x3FAA];
	_ =	sdelay $0x3  }
0x36: {  	p1 =	seq.s32 s10, $0x1;
	s10 =	sld [smem:$0x3FAB];
	_ =	sdelay $0x3  }
0x37: {  	[smem:$0x3FAB] =	sst s10  }
0x38: {  	s10 =	sld [smem:$0x3FAC]  }
0x39: {  	_ = 	snop;
	(pc) =	sbr.ind lr, $3  }
0x3a: {  	_ = 	snop  }
0x3b: {  	_ = 	snop  }
0x3c: {  	p2 =	seq.s32 s10, $0x1;
	s10 =	sld [smem:$0x3FAB]  }
0x3d: {  	_ =	shalt  }
0x3e: {  	_ =	shalt  }
0x3f: {  	_ =	shalt  }
0x40: {  	_ =	shalt  }
0x41: {  	_ =	shalt  }
0x42: {  	_ =	shalt  }
0x43: {  	_ =	shalt  }
0x44: {  	_ =	shalt  }
0x45: {  	_ =	shalt  }
0x46: {  	_ =	shalt  }
0x47: {  	_ =	shalt  }
0x48: {  	_ =	shalt  }
0x49: {  	_ =	shalt  }
0x4a: {  	_ =	shalt  }
0x4b: {  	_ =	shalt  }
0x4c: {  	_ =	shalt  }
0x4d: {  	_ =	shalt  }
0x4e: {  	_ =	shalt  }
0x4f: {  	_ =	shalt  }
0x50: {  	_ =	shalt  }
0x51: {  	_ =	shalt  }
0x52: {  	_ =	shalt  }
0x53: {  	_ =	shalt  }
0x54: {  	_ =	shalt  }
0x55: {  	_ =	shalt  }
0x56: {  	_ =	shalt  }
0x57: {  	_ =	shalt  }
0x58: {  	_ =	shalt  }
0x59: {  	_ =	shalt  }
0x5a: {  	_ =	shalt  }
0x5b: {  	_ =	shalt  }
0x5c: {  	_ =	shalt  }
0x5d: {  	_ =	shalt  }
0x5e: {  	_ =	shalt  }
0x5f: {  	_ =	shalt  }
0x60: {  	_ =	shalt  }
0x61: {  	_ =	shalt  }
0x62: {  	_ =	shalt  }
0x63: {  	_ =	shalt  }
0x64: {  	_ =	shalt  }
0x65: {  	_ =	shalt  }
0x66: {  	_ =	shalt  }
0x67: {  	_ =	shalt  }
0x68: {  	_ =	shalt  }
0x69: {  	_ =	shalt  }
0x6a: {  	_ =	shalt  }
0x6b: {  	_ =	shalt  }
0x6c: {  	_ =	shalt  }
0x6d: {  	_ =	shalt  }
0x6e: {  	_ =	shalt  }
0x6f: {  	_ =	shalt  }
0x70: {  	_ =	shalt  }
0x71: {  	_ =	shalt  }
0x72: {  	_ =	shalt  }
0x73: {  	_ =	shalt  }
0x74: {  	_ =	shalt  }
0x75: {  	_ =	shalt  }
0x76: {  	_ =	shalt  }
0x77: {  	_ =	shalt  }
0x78: {  	_ =	shalt  }
0x79: {  	_ =	shalt  }
0x7a: {  	_ =	shalt  }
0x7b: {  	_ =	shalt  }
0x7c: {  	_ =	shalt  }
0x7d: {  	_ =	shalt  }
0x7e: {  	_ =	shalt  }
0x7f: {  	_ =	shalt  }
0x80: {  	_ =	shalt  }
0x81: {  	_ =	shalt  }
0x82: {  	_ =	shalt  }
0x83: {  	_ =	shalt  }
0x84: {  	_ =	shalt  }
0x85: {  	_ =	shalt  }
0x86: {  	_ =	shalt  }
0x87: {  	_ =	shalt  }
.Lfunc_end0:
.L_simem_size_0:
called_computation.1_lowered:
.L_overlay_start_0:
0x88: {  	s2 =	sld [smem:$0x3FD9]  }
0x89: {  	s3 =	sld [smem:$0x3FFE];
	_ =	sdelay $0x1  }
0x8a: {  	s1 =	srdreg.scid  }
0x8b: {  	s0 =	sand.u32 $0x1, s1  }
0x8c: {  	s14 =	sshll.u32 s0, $0xA;
	s2 =	sadd.s32 s3, s2  }
0x8d: {  	s2 =	sadd.s32 s2, s14  }
0x8e: {  	[smem:$0x3FB7] =	sst s2  }
0x8f: {  	_ = 	snop  }
0x90: {  	s2 =	sld [smem:$0x3FD0];
	_ =	sdelay $0x2  }
0x91: {  	s15 =	simm.s32 $0xB;
	s4 =	simm.s32 $0x10  }
0x92: {  	[smem:s4], [sflag:s15] =	dma.local [hbm:s2], $0x1  }
0x93: {  	_ =	swait.eq [sflag:s15], $0x1  }
0x94: {  	[sflag:s15] =	ssyncset.done $0x0  }
0x95: {  	s16 =	sld [smem:$0x10];
	[sflag:s15] =	ssyncadd.s32 $0xFFFFFFFF  }
0x96: {  	s17 =	sld [smem:$0x12];
	(tm) =	ssettm $0x1  }
0x97: {  	s18 =	sld [smem:$0x3FFB];
	_ =	sdelay $0x3  }
0x98: {  	_ =	strace s18  }
0x99: {  	s4 =	sld [smem:$0x3FFC];
	_ =	sdelay $0x3  }
0x9a: {  	_ =	strace s4  }
0x9b: {  	s4 =	sld [smem:$0x3FFD];
	_ =	sdelay $0x3  }
0x9c: {  	_ =	strace s4  }
0x9d: {  	_ =	strace $0x8FFFFFFF  }
0x9e: {  	s19 =	sld [smem:$0x3FDB];
	_ =	sdelay $0x1  }
0x9f: {  	s5 =	simm.s32 $_scs_section_size  }
0xa0: {  	s6 =	simm.s32 $_size__tile_overlayer_lowered;
	s7 =	simm.s32 $_tile_overlayer_lowered  }
0xa1: {  	s22 =	simm.s32 $0x1BFF;
	s21 =	sshll.u32 s7, $0x1;
	s4 =	sadd.s32 s5, s19  }
0xa2: {  	s8 =	simm.s32 $0x0;
	s20 =	sshll.u32 s6, $0x1;
	s6 =	sadd.s32 s21, s4  }
0xa3: {  	[timem:s8], [sflag:s22] =	dma.local [hbm:s6], s20  }
0xa4: {  	_ =	swait.ge [sflag:s22], s20  }
0xa5: {  	s5 =	ssub.s32 $0x0, s20;
	[sflag:s22] =	ssyncset.done $0x0  }
0xa6: {  	[sflag:s22] =	ssyncadd.s32 s5;
	_ =	sdelay $0x1  }
0xa7: {  	s23 =	simm.s32 $0x1B8B  }
0xa8: {  	_ =	swait.ge [sflag:s23], $0x1  }
0xa9: {  	[sflag:s23] =	ssyncset.done $0x0  }
0xaa: {  	s25 =	simm.s32 $0x1B8E;
	s24 =	sld [smem:$0x3FFE];
	[sflag:s23] =	ssyncadd.s32 $0xFFFFFFFF  }
0xab: {  	s26 =	simm.s32 $execute0_lowered;
	[smem:$0x3FD2] =	sst s25  }
0xac: {  	s6 =	sshll.u32 s26, $0x1;
	_ =	strace $0x80000046;
	[dreg:$0x1] =	wrdreg $0xFFFFFFFF  }
0xad: {  	s28 =	simm.s32 $_size_execute0_lowered;
	s4 =	sadd.s32 s4, s6;
	[dreg:$0x0] =	wrdreg $0x0  }
0xae: {  	s6 =	sshll.u32 s28, $0x1;
	[dreg:$0x2] =	wrdreg s4  }
0xaf: {  	[dreg:$0x3] =	wrdreg s6  }
0xb0: {  	[dreg:$0x4] =	wrdreg $0xC0  }
0xb1: {  	_ =	task [dreg:s8], $0x5FFFF  }
0xb2: {  	[dreg:$0x1] =	wrdreg $0xFFFFFFFF  }
0xb3: {  	[dreg:$0x0] =	wrdreg $0x60  }
0xb4: {  	[dreg:$0x2] =	wrdreg s24  }
0xb5: {  	[dreg:$0x3] =	wrdreg s16  }
0xb6: {  	[dreg:$0x4] =	wrdreg s17  }
0xb7: {  	[dreg:$0x5] =	wrdreg $0x0  }
0xb8: {  	[dreg:$0x6] =	wrdreg $0xA  }
0xb9: {  	_ =	task.clear_ibuf [dreg:s8], $0x7FFFF;
	_ =	strace $0x90000046  }
0xba: {  	s29 =	simm.s32 $0xA;
	_ =	strace $0x80000048  }
0xbb: {  	_ =	swait.ge [sflag:s29], $0x1  }
0xbc: {  	[sflag:s29] =	ssyncadd.s32 $0xFFFFFFFF  }
0xbd: {  	_ =	strace $0x90000048  }
0xbe: {  	_ =	sfence  }
0xbf: {  	s30 =	sld [smem:$0x0];
	_ =	sdelay $0x2  }
0xc0: {  	s31 =	sshll.u32 s1, $0xD;
	s1 =	sshrl.u32 s1, $0x2  }
0xc1: {  	s3 =	sand.u32 $0x4000, s31;
	s1 =	sadd.s32 s1, s30  }
0xc2: {  	s0 =	sor.u32 s3, s0;
	s1 =	sshll.u32 s1, $0x11  }
0xc3: {  	s0 =	sor.u32 s1, s0  }
0xc4: {  	s0 =	sadd.s32 $0x8F2B, s0  }
0xc5: {  	[sflag:s0] =	ssyncadd.remote.s32 $0x1  }
0xc6: {  	_ =	sfence.sel $0xFFFF  }
0xc7: {  	[dreg:$0x0] =	wrdreg $0xFFFFFFFF;
	(pc) =	sbr.abs _section_cstart, $3  }
0xc8: {  	[dreg:$0x1] =	wrdreg $0xFFFFFFFF  }
0xc9: {  	_ =	task.clear_ibuf [dreg:s8], $0x2FFFF;
	_ =	strace $0x9FFFFFFF  }
0xca: {  	(tm) =	ssettm $0x7FFFFFFF  }
0xcb: {  	_ =	shalt  }
tec
execute0_lowered:
.L_overlay_start_1:
0x0: {  	(tag) =	ssettag $0x1  }
0x1: {  	s0 =	rddreg [dreg:$0x0]  }
0x2: {  	s5 =	rddreg [dreg:$0x1]  }
0x3: {  	s11 =	rddreg [dreg:$0x2];
	s2 =	srdreg.scid  }
0x4: {  	s1 =	rddreg [dreg:$0x3];
	s3 =	stileid.u32;
	s10 =	sand.u32 $0x1, s2  }
0x5: {  	s2 =	simm.s32 $0x0;
	s15 =	sadd.s32 $0x190200, s0;
	s6 =	smul.u32 $0x186, s3  }
0x6: {  	s18 =	sadd.s32 $0x97400, s0;
	s19 =	sadd.s32 $0x66600, s0;
	s9 =	smul.u32 $0x18700, s3  }
0x7: {  	s16 =	sadd.s32 $0x2600, s0;
	s17 =	smin.u32 s3, $0xA;
	s25 =	smul.u32 $0x61C00, s3  }
0x8: {  	s29 =	smul.u32 $0x1860, s3;
	p0 =	seq.s32 s3, $0xF;
	p1 =	slt.u32 s3, $0xA  }
0x9: {  	s30 =	sadd.s32 $0x16E900, s1;
	s12 =	smul.u32 $0x32000, s10;
	[smem:$0x7FF] =	sst s2  }
0xa: {  	s4 =	ssub.s32 $0x2, s10;
	s23 =	sshll.u32 s10, $0x5;
	s24 =	sshll.u32 s10, $0x2  }
0xb: {  	_ =	strace $0x80000047;
	s7 =	sshrl.u32 s4, $0x1;
	s31 =	sadd.s32 s17, s6  }
0xc: {  	s22 =	sshrl.u32 s9, $0x3;
	s6 =	sadd.s32 $0x186A0, s5;
	s26 =	sadd.s32 s24, s16  }
0xd: {  	s13 =	sadd.s32 s12, s0;
	s14 =	sadd.s32 $0x64000, s12;
	s20 =	ssub.s32 s4, s7  }
0xe: {  	s4 =	sadd.s32 s9, s1;
	[dreg:$0x5] =	wrdreg s22;
	s7 =	sshll.u32 s31, $0x4  }
0xf: {  	s9 =	sadd.s32 $0xAFAA0, s0;
	s12 =	sadd.s32 s15, s12;
	s31 =	sshll.u32 s17, $0x4  }
0x10: {  	s8 =	sadd.s32 s14, s0;
	s21 =	sadd.s32 s22, s13;
	s22 =	smul.u32 $0x30E00, s3  }
0x11: {  	s10 =	sadd.s32 s15, s14;
	[dreg:$0x6] =	wrdreg s12;
	s15 =	sadd.s32 $0x5BA40, s26  }
0x12: {  	s17 =	sadd.s32 $0x320200, s13;
	s20 =	smax.u32 s20, $0x1;
	[dreg:$0xb] =	wrdreg s15  }
0x13: {  	s26 =	sadd.s32 s18, s7;
	s12 =	simm.s32 $0x2;
	[dreg:$0xc] =	wrdreg s20  }
0x14: {  	s8 =	sadd.s32 $0xC8200, s8;
	[dreg:$0x11] =	wrdreg s26;
	s22 =	sor.u32 s23, s22  }
0x15: {  	s23 =	sadd.s32 s24, s11;
	s24 =	sadd.s32 s5, s7;
	s22 =	sshrl.u32 s22, $0x3  }
0x16: {  	s14 =	sadd.s32 $0x5BA40, s23;
	s23 =	sadd.s32 $0x285F20, s13;
	[dreg:$0xf] =	wrdreg s24  }
0x17: {  	s13 =	simm.s32 $0x3;
	s11 =	sadd.s32 s11, s22;
	[dreg:$0x9] =	wrdreg s14  }
0x18: {  	s28 =	sadd.s32 s16, s22;
	s16 =	sadd.s32 $0x7ECA0, s0;
	[dreg:$0xe] =	wrdreg s23  }
0x19: {  	s14 =	sadd.s32 s31, s29;
	s22 =	sadd.s32 $0x258200, s21;
	[dreg:$0x7] =	wrdreg s11  }
0x1a: {  	s29 =	sadd.s32 s19, s7;
	s0 =	simm.s32 @!p0 $0x0;
	[dreg:$0x8] =	wrdreg s28  }
0x1b: {  	s11 =	sshrl.u32 s25, $0x2;
	[dreg:$0xd] =	wrdreg s22;
	s22 =	sadd.s32 $0x30, s14  }
0x1c: {  	[dreg:$0x13] =	wrdreg s29;
	s0 =	simm.s32 @p0 $0x1;
	p0 =	sgt.u32 s3, $0x9  }
0x1d: {  	s14 =	simm.s32 $0x80;
	s11 =	sadd.s32 s11, s1;
	[smem:$0x7FC] =	sst s0  }
.Ltmp0:
0x1e: {  	s25 =	sadd.s32 s5, s22;
	[dreg:$0xa] =	wrdreg s11;
	(pc) =	sbr.rel .LBB2_1-.Ltmp0, $4  }
0x1f: {  	s28 =	sadd.s32 s18, s22;
	s31 =	sadd.s32 s19, s22;
	[dreg:$0x10] =	wrdreg s25  }
0x20: {  	s0 =	simm.s32 @!p0 $0x0;
	s18 =	simm.s32 $0x18FA0;
	[dreg:$0x12] =	wrdreg s28  }
0x21: {  	s19 =	simm.s32 $0x0;
	[dreg:$0x14] =	wrdreg s31;
	s0 =	simm.s32 @p0 $0x1  }
0x22: {  	s11 =	simm.s32 $0x4;
	[smem:$0x7FD] =	sst s0;
	s0 =	simm.s32 $0x1  }
.LBB2_42:
0x23: {  	s5 =	sshrl.u32 s30, $0x3  }
0x24: {  	s15 =	rddreg [dreg:$0xb];
	s20 =	simm.s32 $0x8;
	s21 =	simm.s32 $0x1FC4  }
0x25: {  	[hbm:s15@s20], [sflag:s21] =	dma.strided [spmem:s5@s11], $0x3020, s0, $0x4   }
0x26: {  	_ =	swait.ge [sflag:s11], $0x3020  }
0x27: {  	[sflag:s11] =	ssyncset.done $0x0  }
0x28: {  	[sflag:s11] =	ssyncadd.s32 $0xFFFFCFE0  }
.LBB2_43:
0x29: {  	s19 =	sadd.s32 $0x1, s19;
	s5 =	rddreg [dreg:$0xc]  }
0x2a: {  	p0 =	sne.s32 s19, s5  }
.Ltmp1:
0x2b: {  	_ = 	snop;
	(pc) =	sbr.rel @!p0 .LBB2_44-.Ltmp1, $1  }
0x2c: {  	_ =	sdelay $0x3  }
.LBB2_1:
0x2d: {  	s5 =	sld [smem:$0x7FC];
	_ =	sdelay $0x2  }
0x2e: {  	p0 =	seq.s32 s5, $0x1  }
0x2f: {  	s5 =	rddreg [dreg:$0xe];
	s20 =	sshrl.u32 @p0 s30, $0x3;
	s21 =	simm.s32 @p0 $0x1FC4  }
0x30: {  	[spmem:s20], [sflag:s21] =	dma.local @p0 [hbm:s5], $0x3020  }
0x31: {  	s20 =	simm.s32 @p0 $0x4  }
0x32: {  	_ =	swait.ge @p0 [sflag:s20], $0x3020  }
0x33: {  	s21 =	sshll.u32 @!p0 s3, $0x6;
	[sflag:s20] =	ssyncset.done @p0 $0x0;
	s5 =	rddreg [dreg:$0xd]  }
0x34: {  	[sflag:s20] =	ssyncadd.s32 @p0 $0xFFFFCFE0;
	s20 =	sor.u32 @!p0 $0x1C04, s21;
	s21 =	sshrl.u32 @!p0 s4, $0x3  }
0x35: {  	[spmem:s21], [sflag:s20] =	dma.local @!p0 [hbm:s5], $0x30E0  }
0x36: {  	s20 =	simm.s32 @!p0 $0x4  }
0x37: {  	_ =	swait.ge @!p0 [sflag:s20], $0x30E0  }
0x38: {  	[sflag:s20] =	ssyncset.done @!p0 $0x0  }
0x39: {  	[sflag:s20] =	ssyncadd.s32 @!p0 $0xFFFFCF20  }
0x3a: {  	s26 =	sadd.s32 s7, s6;
	s29 =	simm.s32 $0x186A0;
	[bflag:$0x0] =	sbarrier.arrive $0xFFFF  }
0x3b: {  	[tilespmem:s29], [sflag:$0x1] =	stream.linear.gather [hbm4b:s26+s2], $0x180, $0x38;
	[tilespmem:$0x1EFA0] =	vst v63  }
0x3c: {  	s23 =	simm.s32 $0xFFFFFFFF;
	s28 =	simm.s32 $0x0;
	s31 =	rddreg [dreg:$0xf]  }
0x3d: {  	s21 =	sadd.s32 s6, s22;
	s20 =	simm.s32 $0x18B20;
	s24 =	rddreg [dreg:$0x10]  }
0x3e: {  	[tilespmem:s20], [sflag:$0x1] =	stream.linear.gather [hbm4b:s31+s2], $0x180, $0x38;
	[tilespmem:$0x1EFA0] =	vst v63  }
.LBB2_2:
0x3f: {  	p3 =	slt.u32 s28, $0x2  }
0x40: {  	s25 =	simm.s32 @!p3 $0x3  }
0x41: {  	p2 =	slt.u32 @!p3 s3, $0xA;
	p4 =	seq.s32 @!p3 s28, $0x82;
	_ =	swait.ge @!p3 [sflag:s25], $0x1000  }
0x42: {  	p6 =	slt.u32 @!p3 s28, $0x82;
	p2 =	por @!p3 !p2, !p4;
	[sflag:s25] =	ssyncset.done @!p3 $0x0  }
0x43: {  	p5 =	por p3, p6;
	p4 =	por @!p3 !p2, !p2;
	[sflag:s25] =	ssyncadd.s32 @!p3 $0xFFFFF000  }
0x44: {  	p2 =	por p5, p4;
	_ =	swait.ge @!p3 [sflag:s25], $0x1000  }
.Ltmp2:
0x45: {  	[sflag:s25] =	ssyncset.done @!p3 $0x0;
	(pc) =	sbr.rel @p2 .LBB2_3-.Ltmp2, $4  }
0x46: {  	[sflag:s25] =	ssyncadd.s32 @!p3 $0xFFFFF000  }
0x47: {  	_ =	swait.ge @!p3 [sflag:s25], $0x1000  }
0x48: {  	[sflag:s25] =	ssyncset.done @!p3 $0x0  }
0x49: {  	[sflag:s25] =	ssyncadd.s32 @!p3 $0xFFFFF000  }
0x4a: {  	p0 =	seq.s32 s28, $0x83  }
.Ltmp3:
0x4b: {  	_ = 	snop;
	(pc) =	sbr.rel @!p0 .LBB2_6-.Ltmp3, $4  }
.Ltmp4:
0x4c: {  	_ = 	snop;
	(pc) =	sbr.rel @p0 .LBB2_7-.Ltmp4, $4  }
0x4d: {  	_ = 	snop  }
0x4e: {  	_ = 	snop  }
0x4f: {  	_ = 	snop  }
0x50: {  	_ = 	snop  }
.LBB2_3:
0x51: {  	p2 =	seq.s32 s28, $0x81  }
0x52: {  	p2 =	por !p1, !p2  }
0x53: {  	p0 =	slt.u32 s28, $0x81;
	p2 =	por !p2, !p2  }
0x54: {  	p0 =	por p0, p2  }
0x55: {  	s25 =	sadd.s32 @p0 $0x1, s28  }
0x56: {  	s5 =	smul.u32 @p0 $0xAB, s25;
	_ =	sdelay $0x1  }
0x57: {  	s5 =	sshrl.u32 @p0 s5, $0x9  }
0x58: {  	s5 =	sand.u32 @p0 $0x7F, s5  }
0x59: {  	s5 =	smul.u32 @p0 $0x3, s5  }
0x5a: {  	_ =	swait.ge [sflag:s0], $0x180  }
0x5b: {  	[sflag:s0] =	ssyncset.done $0x0;
	s5 =	ssub.s32 @p0 s25, s5  }
0x5c: {  	[sflag:s0] =	ssyncadd.s32 $0xFFFFFE80;
	s5 =	sand.u32 @p0 $0xFF, s5  }
0x5d: {  	_ =	swait.ge [sflag:s0], $0x180;
	s5 =	smul.u32 @p0 $0x180, s5  }
0x5e: {  	[sflag:s0] =	ssyncset.done $0x0  }
0x5f: {  	[sflag:s0] =	ssyncadd.s32 $0xFFFFFE80;
	s25 =	sadd.s32 @p0 $0x186A0, s5  }
0x60: {  	[tilespmem:s25], [sflag:$0x1] =	stream.linear.gather @p0 [hbm4b:s21+s2], $0x180, $0x38;
	[tilespmem:$0x1EFA0] =	vst v63  }
0x61: {  	s31 =	smul.u32 $0xAB, s28;
	s5 =	sadd.s32 @p0 $0x18B20, s5  }
0x62: {  	[tilespmem:s5], [sflag:$0x1] =	stream.linear.gather @p0 [hbm4b:s24+s2], $0x180, $0x38;
	[tilespmem:$0x1EFA0] =	vst v63  }
0x63: {  	s5 =	sshrl.u32 s31, $0x9  }
0x64: {  	s5 =	sand.u32 $0x7F, s5  }
0x65: {  	p2 =	por $0x1, $0x1;
	s5 =	smul.u32 $0x3, s5  }
0x66: {  	p2 =	por @!p3 p6, p6  }
0x67: {  	p2 =	por @!p5 p6, p6;
	s5 =	ssub.s32 s28, s5  }
0x68: {  	s25 =	sand.u32 $0xFF, s5;
	s5 =	sand.u32 @p2 $0x1, s28  }
0x69: {  	s26 =	smul.u32 @p2 $0x600, s25;
	p0 =	seq.s32 @p2 s5, $0x1  }
0x6a: {  	s31 =	simm.s32 @p2 $0x80;
	s5 =	simm.s32 @p2 $0x3000;
	p0 =	por !p0, !p2  }
0x6b: {  	s26 =	sshrl.u32 @p2 s26, $0x2;
	s5 =	simm.s32 @p0 $0x0;
	p0 =	por $0x0, $0x0  }
0x6c: {  	s29 =	sadd.s32 @p2 $0x186A0, s26;
	s15 =	sor.u32 @p2 $0x18FA0, s5;
	p0 =	por @!p3 p4, p4  }
0x6d: {  	[tilespmem:s15], [sflag:$0x2] =	stream.indirect.gather @p2 [hbm4b:s8+s31], $0x20, s29, s31, $0xb8;
	[tilespmem:$0x1EFA0] =	vst v63  }
0x6e: {  	p0 =	por @!p5 p4, p4  }
.Ltmp5:
0x6f: {  	_ = 	snop;
	(pc) =	sbr.rel @!p0 .LBB2_9-.Ltmp5, $4  }
0x70: {  	s15 =	sadd.s32 @p2 $0x19FA0, s5;
	s29 =	sadd.s32 @p2 $0x18720, s26  }
0x71: {  	[tilespmem:s15], [sflag:$0x2] =	stream.indirect.gather @p2 [hbm4b:s8+s31], $0x20, s29, s31, $0xb8;
	[tilespmem:$0x1EFA0] =	vst v63  }
0x72: {  	s5 =	sadd.s32 @p2 $0x1AFA0, s5;
	s15 =	sadd.s32 @p2 $0x187A0, s26  }
0x73: {  	[tilespmem:s5], [sflag:$0x2] =	stream.indirect.gather @p2 [hbm4b:s8+s31], $0x20, s15, s31, $0xb8;
	[tilespmem:$0x1EFA0] =	vst v63  }
0x74: {  	s5 =	smul.u32 $0x600, s25  }
.Ltmp6:
0x75: {  	_ = 	snop;
	(pc) =	sbr.rel .LBB2_6-.Ltmp6, $4  }
0x76: {  	_ = 	snop  }
0x77: {  	s5 =	sshrl.u32 s5, $0x2  }
0x78: {  	s5 =	sadd.s32 $0x186A0, s5  }
0x79: {  	[tilespmem:s18], [sflag:$0x2] =	stream.indirect.gather [hbm4b:s8+s14], $0x20, s5, s14, $0xb8;
	[tilespmem:$0x1EFA0] =	vst v63  }
.LBB2_9:
0x7a: {  	p0 =	seq.s32 s28, $0x0  }
.Ltmp7:
0x7b: {  	_ = 	snop;
	(pc) =	sbr.rel @p0 .LBB2_10-.Ltmp7, $1  }
0x7c: {  	_ =	sdelay $0x3  }
.LBB2_6:
0x7d: {  	_ =	swait.ge [sflag:s12], $0x1000  }
0x7e: {  	s5 =	smulhi.u32 $0xAAAAAAAB, s23;
	[sflag:s12] =	ssyncset.done $0x0  }
0x7f: {  	[sflag:s12] =	ssyncadd.s32 $0xFFFFF000  }
0x80: {  	s5 =	sshrl.u32 s5, $0x1;
	_ =	swait.ge [sflag:s12], $0x1000  }
0x81: {  	s15 =	sand.u32 $0x1, s28;
	s5 =	smul.u32 $0xFFFFEE00, s5;
	[sflag:s12] =	ssyncset.done $0x0  }
0x82: {  	p0 =	seq.s32 s15, $0x1;
	[sflag:s12] =	ssyncadd.s32 $0xFFFFF000  }
0x83: {  	s15 =	simm.s32 $0x0;
	s5 =	sshra.s32 s5, $0x2;
	_ =	swait.ge [sflag:s12], $0x1000  }
0x84: {  	s15 =	simm.s32 @!p0 $0x3000;
	s5 =	sadd.s32 s5, s20;
	[sflag:s12] =	ssyncset.done $0x0  }
0x85: {  	s25 =	sor.u32 $0x18FA0, s15;
	s26 =	sadd.s32 $0xFFFFFE80, s5;
	[sflag:s12] =	ssyncadd.s32 $0xFFFFF000  }
0x86: {  	[spmem:s1] =	stream.indirect.scatter.add.f32 [tilespmem:s25], [sflag:$0x3], $0x20, s26, s14, $0xb8;
	[tilespmem:$0x1EFA0] =	vst v63  }
0x87: {  	s29 =	sadd.s32 $0x19FA0, s15;
	s31 =	sadd.s32 $0xFFFFFF00, s5  }
0x88: {  	[spmem:s1] =	stream.indirect.scatter.add.f32 [tilespmem:s29], [sflag:$0x3], $0x20, s31, s14, $0xb8;
	[tilespmem:$0x1EFA0] =	vst v63  }
0x89: {  	s15 =	sadd.s32 $0x1AFA0, s15;
	s5 =	sadd.s32 $0xFFFFFF80, s5  }
0x8a: {  	[spmem:s1] =	stream.indirect.scatter.add.f32 [tilespmem:s15], [sflag:$0x3], $0x20, s5, s14, $0xb8;
	[tilespmem:$0x1EFA0] =	vst v63  }
.LBB2_10:
0x8b: {  	s28 =	sadd.s32 $0x1, s28  }
0x8c: {  	p0 =	sne.s32 s28, $0x84  }
.Ltmp8:
0x8d: {  	_ = 	snop;
	(pc) =	sbr.rel @p0 .LBB2_2-.Ltmp8, $3  }
0x8e: {  	_ =	sdelay $0x1  }
0x8f: {  	s24 =	sadd.s32 $0x30, s24  }
0x90: {  	s21 =	sadd.s32 $0x30, s21;
	s20 =	sadd.s32 $0x180, s20;
	s23 =	sadd.s32 $0x1, s23  }
0x91: {  	s5 =	sld [smem:$0x7FD];
	_ =	sdelay $0x2  }
0x92: {  	p0 =	seq.s32 s5, $0x1  }
.Ltmp9:
0x93: {  	_ = 	snop;
	(pc) =	sbr.rel @p0 .LBB2_13-.Ltmp9, $4  }
.Ltmp10:
0x94: {  	_ = 	snop;
	(pc) =	sbr.rel @!p0 .LBB2_12-.Ltmp10, $4  }
0x95: {  	_ = 	snop  }
0x96: {  	_ = 	snop  }
0x97: {  	_ = 	snop  }
0x98: {  	_ = 	snop  }
.LBB2_7:
0x99: {  	s5 =	sld [smem:$0x7FD];
	_ =	sdelay $0x2  }
0x9a: {  	p0 =	seq.s32 s5, $0x1  }
.Ltmp11:
0x9b: {  	_ = 	snop;
	(pc) =	sbr.rel @p0 .LBB2_13-.Ltmp11, $1  }
0x9c: {  	_ =	sdelay $0x3  }
0x9d: {  	_ =	swait.ge [sflag:s12], $0x1000  }
0x9e: {  	[sflag:s12] =	ssyncset.done $0x0  }
0x9f: {  	s5 =	simm.s32 $0x18CA0;
	[sflag:s12] =	ssyncadd.s32 $0xFFFFF000  }
0xa0: {  	[spmem:s1] =	stream.indirect.scatter.add.f32 [tilespmem:s18], [sflag:$0x3], $0x20, s5, s14, $0xb8;
	[tilespmem:$0x1EFA0] =	vst v63  }
.LBB2_12:
0xa1: {  	_ =	swait.ge [sflag:s13], $0x1000  }
0xa2: {  	[sflag:s13] =	ssyncset.done $0x0  }
0xa3: {  	[sflag:s13] =	ssyncadd.s32 $0xFFFFF000  }
.LBB2_13:
0xa4: {  	s5 =	sadd.s32 s7, s9;
	s20 =	simm.s32 $0x0  }
0xa5: {  	s15 =	simm.s32 $0x186A0;
	s21 =	simm.s32 $0x18B20;
	s31 =	rddreg [dreg:$0x11]  }
0xa6: {  	[tilespmem:s15], [sflag:$0x1] =	stream.linear.gather [hbm4b:s5+s20], $0x180, $0x38;
	[tilespmem:$0x1EFA0] =	vst v63  }
0xa7: {  	s23 =	sadd.s32 s9, s22;
	s24 =	simm.s32 $0xFFFFFFFF;
	s28 =	rddreg [dreg:$0x12]  }
0xa8: {  	[tilespmem:s21], [sflag:$0x1] =	stream.linear.gather [hbm4b:s31+s20], $0x180, $0x38;
	[tilespmem:$0x1EFA0] =	vst v63  }
.LBB2_14:
0xa9: {  	p3 =	slt.u32 s20, $0x2  }
0xaa: {  	s5 =	simm.s32 @!p3 $0x3  }
0xab: {  	p0 =	slt.u32 @!p3 s3, $0xA;
	p2 =	seq.s32 @!p3 s20, $0x82;
	_ =	swait.ge @!p3 [sflag:s5], $0x1000  }
0xac: {  	p6 =	slt.u32 @!p3 s20, $0x82;
	p0 =	por @!p3 !p0, !p2;
	[sflag:s5] =	ssyncset.done @!p3 $0x0  }
0xad: {  	p5 =	por p3, p6;
	p4 =	por @!p3 !p0, !p0;
	[sflag:s5] =	ssyncadd.s32 @!p3 $0xFFFFF000  }
0xae: {  	p0 =	por p5, p4;
	_ =	swait.ge @!p3 [sflag:s5], $0x1000  }
.Ltmp12:
0xaf: {  	[sflag:s5] =	ssyncset.done @!p3 $0x0;
	(pc) =	sbr.rel @p0 .LBB2_15-.Ltmp12, $4  }
0xb0: {  	[sflag:s5] =	ssyncadd.s32 @!p3 $0xFFFFF000  }
0xb1: {  	_ =	swait.ge @!p3 [sflag:s5], $0x1000  }
0xb2: {  	[sflag:s5] =	ssyncset.done @!p3 $0x0  }
0xb3: {  	[sflag:s5] =	ssyncadd.s32 @!p3 $0xFFFFF000  }
0xb4: {  	p0 =	seq.s32 s20, $0x83  }
.Ltmp13:
0xb5: {  	_ = 	snop;
	(pc) =	sbr.rel @!p0 .LBB2_18-.Ltmp13, $4  }
.Ltmp14:
0xb6: {  	_ = 	snop;
	(pc) =	sbr.rel @p0 .LBB2_19-.Ltmp14, $4  }
0xb7: {  	_ = 	snop  }
0xb8: {  	_ = 	snop  }
0xb9: {  	_ = 	snop  }
0xba: {  	_ = 	snop  }
.LBB2_15:
0xbb: {  	p0 =	seq.s32 s20, $0x81  }
0xbc: {  	p0 =	por !p1, !p0  }
0xbd: {  	p2 =	slt.u32 s20, $0x81;
	p0 =	por !p0, !p0  }
0xbe: {  	p0 =	por p2, p0  }
0xbf: {  	s5 =	sadd.s32 @p0 $0x1, s20  }
0xc0: {  	s15 =	smul.u32 @p0 $0xAB, s5;
	_ =	sdelay $0x1  }
0xc1: {  	s15 =	sshrl.u32 @p0 s15, $0x9  }
0xc2: {  	s15 =	sand.u32 @p0 $0x7F, s15  }
0xc3: {  	s15 =	smul.u32 @p0 $0x3, s15  }
0xc4: {  	_ =	swait.ge [sflag:s0], $0x180  }
0xc5: {  	[sflag:s0] =	ssyncset.done $0x0;
	s5 =	ssub.s32 @p0 s5, s15  }
0xc6: {  	[sflag:s0] =	ssyncadd.s32 $0xFFFFFE80;
	s5 =	sand.u32 @p0 $0xFF, s5  }
0xc7: {  	_ =	swait.ge [sflag:s0], $0x180;
	s5 =	smul.u32 @p0 $0x180, s5  }
0xc8: {  	[sflag:s0] =	ssyncset.done $0x0  }
0xc9: {  	[sflag:s0] =	ssyncadd.s32 $0xFFFFFE80;
	s15 =	sadd.s32 @p0 $0x186A0, s5  }
0xca: {  	[tilespmem:s15], [sflag:$0x1] =	stream.linear.gather @p0 [hbm4b:s23+s2], $0x180, $0x38;
	[tilespmem:$0x1EFA0] =	vst v63  }
0xcb: {  	s31 =	smul.u32 $0xAB, s20;
	s5 =	sadd.s32 @p0 $0x18B20, s5  }
0xcc: {  	[tilespmem:s5], [sflag:$0x1] =	stream.linear.gather @p0 [hbm4b:s28+s2], $0x180, $0x38;
	[tilespmem:$0x1EFA0] =	vst v63  }
0xcd: {  	s5 =	sshrl.u32 s31, $0x9  }
0xce: {  	s5 =	sand.u32 $0x7F, s5  }
0xcf: {  	p2 =	por $0x1, $0x1;
	s5 =	smul.u32 $0x3, s5  }
0xd0: {  	p2 =	por @!p3 p6, p6  }
0xd1: {  	p2 =	por @!p5 p6, p6;
	s5 =	ssub.s32 s20, s5  }
0xd2: {  	s25 =	sand.u32 $0xFF, s5;
	s5 =	sand.u32 @p2 $0x1, s20  }
0xd3: {  	s15 =	smul.u32 @p2 $0x600, s25;
	p0 =	seq.s32 @p2 s5, $0x1  }
0xd4: {  	s31 =	simm.s32 @p2 $0x80;
	s5 =	simm.s32 @p2 $0x3000;
	p0 =	por !p0, !p2  }
0xd5: {  	s15 =	sshrl.u32 @p2 s15, $0x2;
	s5 =	simm.s32 @p0 $0x0;
	p0 =	por $0x0, $0x0  }
0xd6: {  	s26 =	sadd.s32 @p2 $0x186A0, s15;
	s29 =	sor.u32 @p2 $0x18FA0, s5;
	p0 =	por @!p3 p4, p4  }
0xd7: {  	[tilespmem:s29], [sflag:$0x2] =	stream.indirect.gather @p2 [hbm4b:s10+s31], $0x20, s26, s31, $0xb8;
	[tilespmem:$0x1EFA0] =	vst v63  }
0xd8: {  	p0 =	por @!p5 p4, p4  }
.Ltmp15:
0xd9: {  	_ = 	snop;
	(pc) =	sbr.rel @!p0 .LBB2_21-.Ltmp15, $4  }
0xda: {  	s26 =	sadd.s32 @p2 $0x19FA0, s5;
	s29 =	sadd.s32 @p2 $0x18720, s15  }
0xdb: {  	[tilespmem:s26], [sflag:$0x2] =	stream.indirect.gather @p2 [hbm4b:s10+s31], $0x20, s29, s31, $0xb8;
	[tilespmem:$0x1EFA0] =	vst v63  }
0xdc: {  	s5 =	sadd.s32 @p2 $0x1AFA0, s5;
	s15 =	sadd.s32 @p2 $0x187A0, s15  }
0xdd: {  	[tilespmem:s5], [sflag:$0x2] =	stream.indirect.gather @p2 [hbm4b:s10+s31], $0x20, s15, s31, $0xb8;
	[tilespmem:$0x1EFA0] =	vst v63  }
0xde: {  	s5 =	smul.u32 $0x600, s25  }
.Ltmp16:
0xdf: {  	_ = 	snop;
	(pc) =	sbr.rel .LBB2_18-.Ltmp16, $4  }
0xe0: {  	_ = 	snop  }
0xe1: {  	s5 =	sshrl.u32 s5, $0x2  }
0xe2: {  	s5 =	sadd.s32 $0x186A0, s5  }
0xe3: {  	[tilespmem:s18], [sflag:$0x2] =	stream.indirect.gather [hbm4b:s10+s14], $0x20, s5, s14, $0xb8;
	[tilespmem:$0x1EFA0] =	vst v63  }
.LBB2_21:
0xe4: {  	p0 =	seq.s32 s20, $0x0  }
.Ltmp17:
0xe5: {  	_ = 	snop;
	(pc) =	sbr.rel @p0 .LBB2_22-.Ltmp17, $1  }
0xe6: {  	_ =	sdelay $0x3  }
.LBB2_18:
0xe7: {  	_ =	swait.ge [sflag:s12], $0x1000  }
0xe8: {  	s5 =	smulhi.u32 $0xAAAAAAAB, s24;
	[sflag:s12] =	ssyncset.done $0x0  }
0xe9: {  	[sflag:s12] =	ssyncadd.s32 $0xFFFFF000  }
0xea: {  	s5 =	sshrl.u32 s5, $0x1;
	_ =	swait.ge [sflag:s12], $0x1000  }
0xeb: {  	s15 =	sand.u32 $0x1, s20;
	s5 =	smul.u32 $0xFFFFEE00, s5;
	[sflag:s12] =	ssyncset.done $0x0  }
0xec: {  	p0 =	seq.s32 s15, $0x1;
	[sflag:s12] =	ssyncadd.s32 $0xFFFFF000  }
0xed: {  	s15 =	simm.s32 $0x0;
	s5 =	sshra.s32 s5, $0x2;
	_ =	swait.ge [sflag:s12], $0x1000  }
0xee: {  	s15 =	simm.s32 @!p0 $0x3000;
	s5 =	sadd.s32 s5, s21;
	[sflag:s12] =	ssyncset.done $0x0  }
0xef: {  	s25 =	sor.u32 $0x18FA0, s15;
	s26 =	sadd.s32 $0xFFFFFE80, s5;
	[sflag:s12] =	ssyncadd.s32 $0xFFFFF000  }
0xf0: {  	[spmem:s1] =	stream.indirect.scatter.add.f32 [tilespmem:s25], [sflag:$0x3], $0x20, s26, s14, $0xb8;
	[tilespmem:$0x1EFA0] =	vst v63  }
0xf1: {  	s29 =	sadd.s32 $0x19FA0, s15;
	s31 =	sadd.s32 $0xFFFFFF00, s5  }
0xf2: {  	[spmem:s1] =	stream.indirect.scatter.add.f32 [tilespmem:s29], [sflag:$0x3], $0x20, s31, s14, $0xb8;
	[tilespmem:$0x1EFA0] =	vst v63  }
0xf3: {  	s15 =	sadd.s32 $0x1AFA0, s15;
	s5 =	sadd.s32 $0xFFFFFF80, s5  }
0xf4: {  	[spmem:s1] =	stream.indirect.scatter.add.f32 [tilespmem:s15], [sflag:$0x3], $0x20, s5, s14, $0xb8;
	[tilespmem:$0x1EFA0] =	vst v63  }
.LBB2_22:
0xf5: {  	s20 =	sadd.s32 $0x1, s20  }
0xf6: {  	p0 =	sne.s32 s20, $0x84  }
.Ltmp18:
0xf7: {  	_ = 	snop;
	(pc) =	sbr.rel @p0 .LBB2_14-.Ltmp18, $3  }
0xf8: {  	_ =	sdelay $0x1  }
0xf9: {  	s28 =	sadd.s32 $0x30, s28  }
0xfa: {  	s23 =	sadd.s32 $0x30, s23;
	s21 =	sadd.s32 $0x180, s21;
	s24 =	sadd.s32 $0x1, s24  }
0xfb: {  	s5 =	sld [smem:$0x7FD];
	_ =	sdelay $0x2  }
0xfc: {  	p0 =	seq.s32 s5, $0x1  }
.Ltmp19:
0xfd: {  	_ = 	snop;
	(pc) =	sbr.rel @p0 .LBB2_25-.Ltmp19, $4  }
.Ltmp20:
0xfe: {  	_ = 	snop;
	(pc) =	sbr.rel @!p0 .LBB2_24-.Ltmp20, $4  }
0xff: {  	_ = 	snop  }
0x100: {  	_ = 	snop  }
0x101: {  	_ = 	snop  }
0x102: {  	_ = 	snop  }
.LBB2_19:
0x103: {  	s5 =	sld [smem:$0x7FD];
	_ =	sdelay $0x2  }
0x104: {  	p0 =	seq.s32 s5, $0x1  }
.Ltmp21:
0x105: {  	_ = 	snop;
	(pc) =	sbr.rel @p0 .LBB2_25-.Ltmp21, $1  }
0x106: {  	_ =	sdelay $0x3  }
0x107: {  	_ =	swait.ge [sflag:s12], $0x1000  }
0x108: {  	[sflag:s12] =	ssyncset.done $0x0  }
0x109: {  	s5 =	simm.s32 $0x18CA0;
	[sflag:s12] =	ssyncadd.s32 $0xFFFFF000  }
0x10a: {  	[spmem:s1] =	stream.indirect.scatter.add.f32 [tilespmem:s18], [sflag:$0x3], $0x20, s5, s14, $0xb8;
	[tilespmem:$0x1EFA0] =	vst v63  }
.LBB2_24:
.Ltmp22:
0x10b: {  	_ =	swait.ge [sflag:s13], $0x1000;
	(pc) =	sbr.rel .LBB2_26-.Ltmp22, $3  }
0x10c: {  	[sflag:s13] =	ssyncset.done $0x0  }
0x10d: {  	[sflag:s13] =	ssyncadd.s32 $0xFFFFF000  }
0x10e: {  	[bflag:$0x0] =	sbarrier.arrive $0xFFFF;
	_ =	sdelay $0x1  }
.LBB2_25:
0x10f: {  	[bflag:$0x0] =	sbarrier.arrive $0xFFFF  }
0x110: {  	s5 =	sld [smem:$0x7FC];
	_ =	sdelay $0x2  }
0x111: {  	p0 =	seq.s32 s5, $0x1  }
.Ltmp23:
0x112: {  	_ = 	snop;
	(pc) =	sbr.rel @!p0 .LBB2_26-.Ltmp23, $1  }
0x113: {  	_ =	sdelay $0x3  }
0x114: {  	s5 =	sshrl.u32 s30, $0x3  }
0x115: {  	s15 =	rddreg [dreg:$0x9];
	s20 =	simm.s32 $0x8;
	s21 =	simm.s32 $0x1FC4  }
0x116: {  	[hbm:s15@s20], [sflag:s21] =	dma.strided [spmem:s5@s11], $0x3020, s0, $0x4   }
0x117: {  	_ =	swait.ge [sflag:s11], $0x3020  }
0x118: {  	[sflag:s11] =	ssyncset.done $0x0;
	s31 =	rddreg [dreg:$0x6]  }
.Ltmp24:
0x119: {  	[sflag:s11] =	ssyncadd.s32 $0xFFFFCFE0;
	s15 =	sadd.s32 $0x2DD20, s31;
	(pc) =	sbr.rel .LBB2_28-.Ltmp24, $4  }
0x11a: {  	[spmem:s5], [sflag:s21] =	dma.local [hbm:s15], $0x3020  }
0x11b: {  	_ =	swait.ge [sflag:s11], $0x3020  }
0x11c: {  	[sflag:s11] =	ssyncset.done $0x0  }
0x11d: {  	[sflag:s11] =	ssyncadd.s32 $0xFFFFCFE0  }
.LBB2_26:
0x11e: {  	s15 =	rddreg [dreg:$0xa]  }
0x11f: {  	s5 =	sshll.u32 s3, $0x6;
	s20 =	rddreg [dreg:$0x7]  }
0x120: {  	s21 =	simm.s32 $0x8;
	s5 =	sor.u32 $0x1C04, s5;
	s15 =	sshrl.u32 s15, $0x3  }
0x121: {  	[hbm:s20@s21], [sflag:s5] =	dma.strided [spmem:s15@s11], $0x30E0, s0, $0x4   }
0x122: {  	_ =	swait.ge [sflag:s11], $0x30E0  }
0x123: {  	s28 =	rddreg [dreg:$0x5]  }
0x124: {  	[sflag:s11] =	ssyncset.done $0x0;
	s29 =	rddreg [dreg:$0x6]  }
0x125: {  	s31 =	sshrl.u32 s4, $0x3;
	[sflag:s11] =	ssyncadd.s32 $0xFFFFCF20;
	s15 =	sadd.s32 s28, s29  }
0x126: {  	[spmem:s31], [sflag:s5] =	dma.local [hbm:s15], $0x30E0  }
0x127: {  	_ =	swait.ge [sflag:s11], $0x30E0  }
0x128: {  	[sflag:s11] =	ssyncset.done $0x0  }
0x129: {  	[sflag:s11] =	ssyncadd.s32 $0xFFFFCF20  }
.LBB2_28:
0x12a: {  	[bflag:$0x0] =	sbarrier.arrive $0xFFFF  }
0x12b: {  	s5 =	sadd.s32 s7, s16;
	s20 =	simm.s32 $0x0;
	s15 =	simm.s32 $0x186A0  }
0x12c: {  	[tilespmem:s15], [sflag:$0x1] =	stream.linear.gather [hbm4b:s5+s20], $0x180, $0x38;
	[tilespmem:$0x1EFA0] =	vst v63  }
0x12d: {  	s21 =	simm.s32 $0x18B20;
	s31 =	rddreg [dreg:$0x13]  }
0x12e: {  	s23 =	sadd.s32 s16, s22;
	s24 =	simm.s32 $0xFFFFFFFF;
	s28 =	rddreg [dreg:$0x14]  }
0x12f: {  	[tilespmem:s21], [sflag:$0x1] =	stream.linear.gather [hbm4b:s31+s20], $0x180, $0x38;
	[tilespmem:$0x1EFA0] =	vst v63  }
.LBB2_29:
0x130: {  	p3 =	slt.u32 s20, $0x2  }
0x131: {  	s5 =	simm.s32 @!p3 $0x3  }
0x132: {  	p0 =	slt.u32 @!p3 s3, $0xA;
	p2 =	seq.s32 @!p3 s20, $0x82;
	_ =	swait.ge @!p3 [sflag:s5], $0x1000  }
0x133: {  	p6 =	slt.u32 @!p3 s20, $0x82;
	p0 =	por @!p3 !p0, !p2;
	[sflag:s5] =	ssyncset.done @!p3 $0x0  }
0x134: {  	p5 =	por p3, p6;
	p4 =	por @!p3 !p0, !p0;
	[sflag:s5] =	ssyncadd.s32 @!p3 $0xFFFFF000  }
0x135: {  	p0 =	por p5, p4;
	_ =	swait.ge @!p3 [sflag:s5], $0x1000  }
.Ltmp25:
0x136: {  	[sflag:s5] =	ssyncset.done @!p3 $0x0;
	(pc) =	sbr.rel @p0 .LBB2_30-.Ltmp25, $4  }
0x137: {  	[sflag:s5] =	ssyncadd.s32 @!p3 $0xFFFFF000  }
0x138: {  	_ =	swait.ge @!p3 [sflag:s5], $0x1000  }
0x139: {  	[sflag:s5] =	ssyncset.done @!p3 $0x0  }
0x13a: {  	[sflag:s5] =	ssyncadd.s32 @!p3 $0xFFFFF000  }
0x13b: {  	p0 =	seq.s32 s20, $0x83  }
.Ltmp26:
0x13c: {  	_ = 	snop;
	(pc) =	sbr.rel @!p0 .LBB2_33-.Ltmp26, $4  }
.Ltmp27:
0x13d: {  	_ = 	snop;
	(pc) =	sbr.rel @p0 .LBB2_34-.Ltmp27, $4  }
0x13e: {  	_ = 	snop  }
0x13f: {  	_ = 	snop  }
0x140: {  	_ = 	snop  }
0x141: {  	_ = 	snop  }
.LBB2_30:
0x142: {  	p0 =	seq.s32 s20, $0x81  }
0x143: {  	p0 =	por !p1, !p0  }
0x144: {  	p2 =	slt.u32 s20, $0x81;
	p0 =	por !p0, !p0  }
0x145: {  	p0 =	por p2, p0  }
0x146: {  	s5 =	sadd.s32 @p0 $0x1, s20  }
0x147: {  	s15 =	smul.u32 @p0 $0xAB, s5;
	_ =	sdelay $0x1  }
0x148: {  	s15 =	sshrl.u32 @p0 s15, $0x9  }
0x149: {  	s15 =	sand.u32 @p0 $0x7F, s15  }
0x14a: {  	s15 =	smul.u32 @p0 $0x3, s15  }
0x14b: {  	_ =	swait.ge [sflag:s0], $0x180  }
0x14c: {  	[sflag:s0] =	ssyncset.done $0x0;
	s5 =	ssub.s32 @p0 s5, s15  }
0x14d: {  	[sflag:s0] =	ssyncadd.s32 $0xFFFFFE80;
	s5 =	sand.u32 @p0 $0xFF, s5  }
0x14e: {  	_ =	swait.ge [sflag:s0], $0x180;
	s5 =	smul.u32 @p0 $0x180, s5  }
0x14f: {  	[sflag:s0] =	ssyncset.done $0x0  }
0x150: {  	[sflag:s0] =	ssyncadd.s32 $0xFFFFFE80;
	s15 =	sadd.s32 @p0 $0x186A0, s5  }
0x151: {  	[tilespmem:s15], [sflag:$0x1] =	stream.linear.gather @p0 [hbm4b:s23+s2], $0x180, $0x38;
	[tilespmem:$0x1EFA0] =	vst v63  }
0x152: {  	s31 =	smul.u32 $0xAB, s20;
	s5 =	sadd.s32 @p0 $0x18B20, s5  }
0x153: {  	[tilespmem:s5], [sflag:$0x1] =	stream.linear.gather @p0 [hbm4b:s28+s2], $0x180, $0x38;
	[tilespmem:$0x1EFA0] =	vst v63  }
0x154: {  	s5 =	sshrl.u32 s31, $0x9  }
0x155: {  	s5 =	sand.u32 $0x7F, s5  }
0x156: {  	p2 =	por $0x1, $0x1;
	s5 =	smul.u32 $0x3, s5  }
0x157: {  	p2 =	por @!p3 p6, p6  }
0x158: {  	p2 =	por @!p5 p6, p6;
	s5 =	ssub.s32 s20, s5  }
0x159: {  	s25 =	sand.u32 $0xFF, s5;
	s5 =	sand.u32 @p2 $0x1, s20  }
0x15a: {  	s15 =	smul.u32 @p2 $0x600, s25;
	p0 =	seq.s32 @p2 s5, $0x1  }
0x15b: {  	s31 =	simm.s32 @p2 $0x80;
	s5 =	simm.s32 @p2 $0x3000;
	p0 =	por !p0, !p2  }
0x15c: {  	s15 =	sshrl.u32 @p2 s15, $0x2;
	s5 =	simm.s32 @p0 $0x0;
	p0 =	por $0x0, $0x0  }
0x15d: {  	s26 =	sadd.s32 @p2 $0x186A0, s15;
	s29 =	sor.u32 @p2 $0x18FA0, s5;
	p0 =	por @!p3 p4, p4  }
0x15e: {  	[tilespmem:s29], [sflag:$0x2] =	stream.indirect.gather @p2 [hbm4b:s17+s31], $0x20, s26, s31, $0xb8;
	[tilespmem:$0x1EFA0] =	vst v63  }
0x15f: {  	p0 =	por @!p5 p4, p4  }
.Ltmp28:
0x160: {  	_ = 	snop;
	(pc) =	sbr.rel @!p0 .LBB2_36-.Ltmp28, $4  }
0x161: {  	s26 =	sadd.s32 @p2 $0x19FA0, s5;
	s29 =	sadd.s32 @p2 $0x18720, s15  }
0x162: {  	[tilespmem:s26], [sflag:$0x2] =	stream.indirect.gather @p2 [hbm4b:s17+s31], $0x20, s29, s31, $0xb8;
	[tilespmem:$0x1EFA0] =	vst v63  }
0x163: {  	s5 =	sadd.s32 @p2 $0x1AFA0, s5;
	s15 =	sadd.s32 @p2 $0x187A0, s15  }
0x164: {  	[tilespmem:s5], [sflag:$0x2] =	stream.indirect.gather @p2 [hbm4b:s17+s31], $0x20, s15, s31, $0xb8;
	[tilespmem:$0x1EFA0] =	vst v63  }
0x165: {  	s5 =	smul.u32 $0x600, s25  }
.Ltmp29:
0x166: {  	_ = 	snop;
	(pc) =	sbr.rel .LBB2_33-.Ltmp29, $4  }
0x167: {  	_ = 	snop  }
0x168: {  	s5 =	sshrl.u32 s5, $0x2  }
0x169: {  	s5 =	sadd.s32 $0x186A0, s5  }
0x16a: {  	[tilespmem:s18], [sflag:$0x2] =	stream.indirect.gather [hbm4b:s17+s14], $0x20, s5, s14, $0xb8;
	[tilespmem:$0x1EFA0] =	vst v63  }
.LBB2_36:
0x16b: {  	p0 =	seq.s32 s20, $0x0  }
.Ltmp30:
0x16c: {  	_ = 	snop;
	(pc) =	sbr.rel @p0 .LBB2_37-.Ltmp30, $1  }
0x16d: {  	_ =	sdelay $0x3  }
.LBB2_33:
0x16e: {  	_ =	swait.ge [sflag:s12], $0x1000  }
0x16f: {  	s5 =	smulhi.u32 $0xAAAAAAAB, s24;
	[sflag:s12] =	ssyncset.done $0x0  }
0x170: {  	[sflag:s12] =	ssyncadd.s32 $0xFFFFF000  }
0x171: {  	s5 =	sshrl.u32 s5, $0x1;
	_ =	swait.ge [sflag:s12], $0x1000  }
0x172: {  	s15 =	sand.u32 $0x1, s20;
	s5 =	smul.u32 $0xFFFFEE00, s5;
	[sflag:s12] =	ssyncset.done $0x0  }
0x173: {  	p0 =	seq.s32 s15, $0x1;
	[sflag:s12] =	ssyncadd.s32 $0xFFFFF000  }
0x174: {  	s15 =	simm.s32 $0x0;
	s5 =	sshra.s32 s5, $0x2;
	_ =	swait.ge [sflag:s12], $0x1000  }
0x175: {  	s15 =	simm.s32 @!p0 $0x3000;
	s5 =	sadd.s32 s5, s21;
	[sflag:s12] =	ssyncset.done $0x0  }
0x176: {  	s25 =	sor.u32 $0x18FA0, s15;
	s26 =	sadd.s32 $0xFFFFFE80, s5;
	[sflag:s12] =	ssyncadd.s32 $0xFFFFF000  }
0x177: {  	[spmem:s1] =	stream.indirect.scatter.add.f32 [tilespmem:s25], [sflag:$0x3], $0x20, s26, s14, $0xb8;
	[tilespmem:$0x1EFA0] =	vst v63  }
0x178: {  	s29 =	sadd.s32 $0x19FA0, s15;
	s31 =	sadd.s32 $0xFFFFFF00, s5  }
0x179: {  	[spmem:s1] =	stream.indirect.scatter.add.f32 [tilespmem:s29], [sflag:$0x3], $0x20, s31, s14, $0xb8;
	[tilespmem:$0x1EFA0] =	vst v63  }
0x17a: {  	s15 =	sadd.s32 $0x1AFA0, s15;
	s5 =	sadd.s32 $0xFFFFFF80, s5  }
0x17b: {  	[spmem:s1] =	stream.indirect.scatter.add.f32 [tilespmem:s15], [sflag:$0x3], $0x20, s5, s14, $0xb8;
	[tilespmem:$0x1EFA0] =	vst v63  }
.LBB2_37:
0x17c: {  	s20 =	sadd.s32 $0x1, s20  }
0x17d: {  	p0 =	sne.s32 s20, $0x84  }
.Ltmp31:
0x17e: {  	_ = 	snop;
	(pc) =	sbr.rel @p0 .LBB2_29-.Ltmp31, $3  }
0x17f: {  	_ =	sdelay $0x1  }
0x180: {  	s28 =	sadd.s32 $0x30, s28  }
0x181: {  	s23 =	sadd.s32 $0x30, s23;
	s21 =	sadd.s32 $0x180, s21;
	s24 =	sadd.s32 $0x1, s24  }
0x182: {  	s5 =	sld [smem:$0x7FD];
	_ =	sdelay $0x2  }
0x183: {  	p0 =	seq.s32 s5, $0x1  }
.Ltmp32:
0x184: {  	_ = 	snop;
	(pc) =	sbr.rel @p0 .LBB2_40-.Ltmp32, $4  }
.Ltmp33:
0x185: {  	_ = 	snop;
	(pc) =	sbr.rel @!p0 .LBB2_39-.Ltmp33, $4  }
0x186: {  	_ = 	snop  }
0x187: {  	_ = 	snop  }
0x188: {  	_ = 	snop  }
0x189: {  	_ = 	snop  }
.LBB2_34:
0x18a: {  	s5 =	sld [smem:$0x7FD];
	_ =	sdelay $0x2  }
0x18b: {  	p0 =	seq.s32 s5, $0x1  }
.Ltmp34:
0x18c: {  	_ = 	snop;
	(pc) =	sbr.rel @p0 .LBB2_40-.Ltmp34, $1  }
0x18d: {  	_ =	sdelay $0x3  }
0x18e: {  	_ =	swait.ge [sflag:s12], $0x1000  }
0x18f: {  	[sflag:s12] =	ssyncset.done $0x0  }
0x190: {  	s5 =	simm.s32 $0x18CA0;
	[sflag:s12] =	ssyncadd.s32 $0xFFFFF000  }
0x191: {  	[spmem:s1] =	stream.indirect.scatter.add.f32 [tilespmem:s18], [sflag:$0x3], $0x20, s5, s14, $0xb8;
	[tilespmem:$0x1EFA0] =	vst v63  }
.LBB2_39:
.Ltmp35:
0x192: {  	_ =	swait.ge [sflag:s13], $0x1000;
	(pc) =	sbr.rel .LBB2_41-.Ltmp35, $3  }
0x193: {  	[sflag:s13] =	ssyncset.done $0x0  }
0x194: {  	[sflag:s13] =	ssyncadd.s32 $0xFFFFF000  }
0x195: {  	[bflag:$0x0] =	sbarrier.arrive $0xFFFF;
	_ =	sdelay $0x1  }
.LBB2_40:
0x196: {  	[bflag:$0x0] =	sbarrier.arrive $0xFFFF  }
0x197: {  	s5 =	sld [smem:$0x7FC];
	_ =	sdelay $0x2  }
0x198: {  	p0 =	seq.s32 s5, $0x1  }
.Ltmp36:
0x199: {  	_ = 	snop;
	(pc) =	sbr.rel @p0 .LBB2_42-.Ltmp36, $1  }
0x19a: {  	_ =	sdelay $0x3  }
.LBB2_41:
0x19b: {  	s15 =	rddreg [dreg:$0xa]  }
0x19c: {  	s5 =	sshll.u32 s3, $0x6;
	s20 =	rddreg [dreg:$0x8];
	s21 =	simm.s32 $0x8  }
.Ltmp37:
0x19d: {  	s5 =	sor.u32 $0x1C04, s5;
	s15 =	sshrl.u32 s15, $0x3;
	(pc) =	sbr.rel .LBB2_43-.Ltmp37, $4  }
0x19e: {  	[hbm:s20@s21], [sflag:s5] =	dma.strided [spmem:s15@s11], $0x30E0, s0, $0x4   }
0x19f: {  	_ =	swait.ge [sflag:s11], $0x30E0  }
0x1a0: {  	[sflag:s11] =	ssyncset.done $0x0  }
0x1a1: {  	[sflag:s11] =	ssyncadd.s32 $0xFFFFCF20  }
.LBB2_44:
0x1a2: {  	_ =	sfence.sel $0x180000  }
0x1a3: {  	[bflag:$0x0] =	sbarrier.arrive $0xFFFF  }
0x1a4: {  	_ =	strace $0x90000047  }
0x1a5: {  	[bflag:$0x2] =	sbarrier.arrive $0xFFFF  }
0x1a6: {  	p0 =	sne.s32 s3, $0x0;
	s0 =	rddreg [dreg:$0x4]  }
0x1a7: {  	s0 =	sadd.s32 @!p0 $0x100000, s0  }
0x1a8: {  	[sflag:s0] =	ssyncadd.tile.s32 @!p0 $0x1;
	_ =	shalt  }
.Lfunc_end2:
_tile_overlayer_lowered:
.L_overlay_start_2:
0x1a9: {  	(tag) =	ssettag $0x2  }
0x1aa: {  	s0 =	rddreg [dreg:$0x0];
	s2 =	stileid.u32  }
0x1ab: {  	s1 =	rddreg [dreg:$0x1];
	p0 =	sne.s32 s2, $0x0  }
0x1ac: {  	s3 =	rddreg [dreg:$0x2];
	[bflag:$0x3] =	sbarrier.arrive $0xFFFF;
	s2 =	simm.s32 @!p0 $0x1C04  }
0x1ad: {  	[timem:s3], [sflag:s2] =	dma.local @!p0 [hbm:s0], s1  }
0x1ae: {  	s0 =	simm.s32 @!p0 $0x4  }
0x1af: {  	_ =	swait.ge @!p0 [sflag:s0], s1  }
0x1b0: {  	s1 =	ssub.s32 @!p0 $0x0, s1;
	[sflag:s0] =	ssyncset.done @!p0 $0x0  }
0x1b1: {  	[sflag:s0] =	ssyncadd.s32 @!p0 s1  }
0x1b2: {  	[bflag:$0x3] =	sbarrier.arrive $0xFFFF  }
0x1b3: {  	_ =	shalt  }

// kernel: kernel.7.cloned.1.call-start
scs
__scs_entry_jumppad:
0x0: {  	(pc) =	sbr.rel $0x88, $3  }
0x1: {  	(tag) =	ssettag $0x0;
	lr =	simm.s32 $0x1  }
0x2: {  	[smem:$0x3F90] =	sst lr;
	_ =	strace $0xD0000000  }
0x3: {  	_ = 	snop  }
0x4: {  	_ = 	snop  }
0x5: {  	_ = 	snop  }
0x6: {  	_ = 	snop  }
0x7: {  	_ = 	snop  }
__scs_overlays_trampoline_lowered:
0x8: {  	[smem:$0x3F9F] =	sst s0  }
0x9: {  	[smem:$0x3FA0] =	sst s1  }
0xa: {  	[smem:$0x3FA1] =	sst s2  }
0xb: {  	[smem:$0x3FA2] =	sst s3  }
0xc: {  	[smem:$0x3FA3] =	sst s4  }
0xd: {  	[smem:$0x3FA4] =	sst s5  }
0xe: {  	[smem:$0x3FA5] =	sst s6  }
0xf: {  	[smem:$0x3FA6] =	sst s7  }
0x10: {  	[smem:$0x3FA7] =	sst s8  }
0x11: {  	[smem:$0x3FA8] =	sst s9;
	s0 =	simm.s32 @!p0 $0x0  }
0x12: {  	s1 =	sld [smem:$0x3F8E];
	s0 =	simm.s32 @p0 $0x1  }
0x13: {  	[smem:$0x3FA9] =	sst s0;
	s0 =	simm.s32 @!p1 $0x0  }
0x14: {  	s2 =	sld [smem:$0x3F8D];
	s0 =	simm.s32 @p1 $0x1  }
0x15: {  	[smem:$0x3FAA] =	sst s0;
	s0 =	simm.s32 @!p2 $0x0  }
0x16: {  	s3 =	sld [smem:$0x3FDB];
	s0 =	simm.s32 @p2 $0x1  }
0x17: {  	s4 =	simm.s32 $0x1BF5;
	[smem:$0x3FAC] =	sst s0  }
0x18: {  	s0 =	sld [smem:$0x3F8F];
	_ =	swait.ge [sflag:s4], $0x0  }
0x19: {  	s7 =	sld [smem:$0x3F90]  }
0x1a: {  	s8 =	sadd.s32 $0xFFFFE003, lr  }
0x1b: {  	s9 =	sadd.s32 $0xFFFFFEF7, lr;
	s5 =	simm.s32 $0xFFFFFFFF;
	p2 =	slt.u32 s8, $0xFFFFF086  }
0x1c: {  	p1 =	slt.u32 s9, $0xF7A;
	s5 =	simm.s32 @!p2 $0x0  }
0x1d: {  	s5 =	simm.s32 @p1 $0x1;
	p0 =	seq.s32 s7, s2  }
0x1e: {  	s7 =	smul.u32 @!p0 $0xF7A, s2;
	p2 =	seq.s32 @!p0 s5, $0x0  }
0x1f: {  	s9 =	smul.u32 $0xF7A, s1;
	s8 =	simm.s32 @!p0 $0x1BF5;
	p2 =	por !p2, p0  }
0x20: {  	[sflag:s8] =	ssyncset.s32 @!p0 $0xFFFFF086;
	s6 =	sadd.s32 @!p0 s3, s7;
	s7 =	simm.s32 @!p0 $0x108  }
0x21: {  	s3 =	sadd.s32 s3, s9;
	s6 =	sadd.s32 @!p0 $0x88, s6;
	s7 =	simm.s32 @p2 $0x1082  }
0x22: {  	[simem:s7], [sflag:s8] =	dma.local @!p0 [hbm:s6], $0xF7A  }
0x23: {  	s9 =	sor.u32 $0xD0000000, s2;
	s6 =	simm.s32 $0x108;
	_ =	swait.ge @!p0 [sflag:s8], $0x0  }
0x24: {  	s3 =	sadd.s32 $0x88, s3;
	s6 =	simm.s32 @!p1 $0x1082;
	[sflag:s4] =	ssyncset.s32 $0xFFFFF086  }
0x25: {  	[simem:s6], [sflag:s4] =	dma.local [hbm:s3], $0xF7A  }
0x26: {  	[smem:$0x3F90] =	sst s1;
	(tag) =	ssettag s2;
	_ =	strace s9  }
0x27: {  	s1 =	sld [smem:$0x3FA0]  }
0x28: {  	s2 =	sld [smem:$0x3FA1]  }
0x29: {  	s4 =	sld [smem:$0x3FA3]  }
0x2a: {  	p0 =	seq.s32 s5, $0x0;
	s5 =	sld [smem:$0x3FA4]  }
0x2b: {  	s6 =	sld [smem:$0x3FA5]  }
0x2c: {  	s7 =	sld [smem:$0x3FA6]  }
0x2d: {  	s3 =	simm.s32 $0x108;
	s8 =	sld [smem:$0x3FA7]  }
0x2e: {  	s3 =	simm.s32 @!p0 $0x1082;
	s9 =	sld [smem:$0x3FA8]  }
0x2f: {  	lr =	sadd.s32 s0, s3;
	s0 =	sld [smem:$0x3F9F]  }
0x30: {  	s3 =	sld [smem:$0x3FA2]  }
0x31: {  	[smem:$0x3FAB] =	sst s10  }
0x32: {  	s10 =	sld [smem:$0x3FA9];
	_ =	sdelay $0x3  }
0x33: {  	p0 =	seq.s32 s10, $0x1;
	s10 =	sld [smem:$0x3FAB];
	_ =	sdelay $0x3  }
0x34: {  	[smem:$0x3FAB] =	sst s10  }
0x35: {  	s10 =	sld [smem:$0x3FAA];
	_ =	sdelay $0x3  }
0x36: {  	p1 =	seq.s32 s10, $0x1;
	s10 =	sld [smem:$0x3FAB];
	_ =	sdelay $0x3  }
0x37: {  	[smem:$0x3FAB] =	sst s10  }
0x38: {  	s10 =	sld [smem:$0x3FAC]  }
0x39: {  	_ = 	snop;
	(pc) =	sbr.ind lr, $3  }
0x3a: {  	_ = 	snop  }
0x3b: {  	_ = 	snop  }
0x3c: {  	p2 =	seq.s32 s10, $0x1;
	s10 =	sld [smem:$0x3FAB]  }
0x3d: {  	_ =	shalt  }
0x3e: {  	_ =	shalt  }
0x3f: {  	_ =	shalt  }
0x40: {  	_ =	shalt  }
0x41: {  	_ =	shalt  }
0x42: {  	_ =	shalt  }
0x43: {  	_ =	shalt  }
0x44: {  	_ =	shalt  }
0x45: {  	_ =	shalt  }
0x46: {  	_ =	shalt  }
0x47: {  	_ =	shalt  }
0x48: {  	_ =	shalt  }
0x49: {  	_ =	shalt  }
0x4a: {  	_ =	shalt  }
0x4b: {  	_ =	shalt  }
0x4c: {  	_ =	shalt  }
0x4d: {  	_ =	shalt  }
0x4e: {  	_ =	shalt  }
0x4f: {  	_ =	shalt  }
0x50: {  	_ =	shalt  }
0x51: {  	_ =	shalt  }
0x52: {  	_ =	shalt  }
0x53: {  	_ =	shalt  }
0x54: {  	_ =	shalt  }
0x55: {  	_ =	shalt  }
0x56: {  	_ =	shalt  }
0x57: {  	_ =	shalt  }
0x58: {  	_ =	shalt  }
0x59: {  	_ =	shalt  }
0x5a: {  	_ =	shalt  }
0x5b: {  	_ =	shalt  }
0x5c: {  	_ =	shalt  }
0x5d: {  	_ =	shalt  }
0x5e: {  	_ =	shalt  }
0x5f: {  	_ =	shalt  }
0x60: {  	_ =	shalt  }
0x61: {  	_ =	shalt  }
0x62: {  	_ =	shalt  }
0x63: {  	_ =	shalt  }
0x64: {  	_ =	shalt  }
0x65: {  	_ =	shalt  }
0x66: {  	_ =	shalt  }
0x67: {  	_ =	shalt  }
0x68: {  	_ =	shalt  }
0x69: {  	_ =	shalt  }
0x6a: {  	_ =	shalt  }
0x6b: {  	_ =	shalt  }
0x6c: {  	_ =	shalt  }
0x6d: {  	_ =	shalt  }
0x6e: {  	_ =	shalt  }
0x6f: {  	_ =	shalt  }
0x70: {  	_ =	shalt  }
0x71: {  	_ =	shalt  }
0x72: {  	_ =	shalt  }
0x73: {  	_ =	shalt  }
0x74: {  	_ =	shalt  }
0x75: {  	_ =	shalt  }
0x76: {  	_ =	shalt  }
0x77: {  	_ =	shalt  }
0x78: {  	_ =	shalt  }
0x79: {  	_ =	shalt  }
0x7a: {  	_ =	shalt  }
0x7b: {  	_ =	shalt  }
0x7c: {  	_ =	shalt  }
0x7d: {  	_ =	shalt  }
0x7e: {  	_ =	shalt  }
0x7f: {  	_ =	shalt  }
0x80: {  	_ =	shalt  }
0x81: {  	_ =	shalt  }
0x82: {  	_ =	shalt  }
0x83: {  	_ =	shalt  }
0x84: {  	_ =	shalt  }
0x85: {  	_ =	shalt  }
0x86: {  	_ =	shalt  }
0x87: {  	_ =	shalt  }
.Lfunc_end0:
.L_simem_size_0:
called_computation_lowered:
.L_overlay_start_0:
0x88: {  	s2 =	sld [smem:$0x3FD9]  }
0x89: {  	s3 =	sld [smem:$0x3FFE];
	_ =	sdelay $0x1  }
0x8a: {  	s1 =	srdreg.scid  }
0x8b: {  	s0 =	sand.u32 $0x1, s1  }
0x8c: {  	s15 =	sshll.u32 s0, $0xA;
	s2 =	sadd.s32 s3, s2  }
0x8d: {  	s2 =	sadd.s32 s2, s15  }
0x8e: {  	[smem:$0x3FB7] =	sst s2  }
0x8f: {  	_ = 	snop  }
0x90: {  	s2 =	sld [smem:$0x3FD0];
	_ =	sdelay $0x2  }
0x91: {  	s16 =	simm.s32 $0xB;
	s4 =	simm.s32 $0x10  }
0x92: {  	[smem:s4], [sflag:s16] =	dma.local [hbm:s2], $0x1  }
0x93: {  	_ =	swait.eq [sflag:s16], $0x1  }
0x94: {  	[sflag:s16] =	ssyncset.done $0x0  }
0x95: {  	[sflag:s16] =	ssyncadd.s32 $0xFFFFFFFF  }
0x96: {  	s17 =	sld [smem:$0x11];
	(tm) =	ssettm $0x1  }
0x97: {  	s18 =	sld [smem:$0x3FFB];
	_ =	sdelay $0x3  }
0x98: {  	_ =	strace s18  }
0x99: {  	s2 =	sld [smem:$0x3FFC];
	_ =	sdelay $0x3  }
0x9a: {  	_ =	strace s2  }
0x9b: {  	s2 =	sld [smem:$0x3FFD];
	_ =	sdelay $0x3  }
0x9c: {  	_ =	strace s2  }
0x9d: {  	_ =	strace $0x8FFFFFFF  }
0x9e: {  	s19 =	sld [smem:$0x3FDB];
	_ =	sdelay $0x1  }
0x9f: {  	s20 =	simm.s32 $_scs_section_size  }
0xa0: {  	s5 =	simm.s32 $_size__tile_overlayer_lowered;
	s6 =	simm.s32 $_tile_overlayer_lowered  }
0xa1: {  	s7 =	simm.s32 $0x1BFF;
	s21 =	sshll.u32 s6, $0x1;
	s4 =	sadd.s32 s20, s19  }
0xa2: {  	s22 =	simm.s32 $0x0;
	s5 =	sshll.u32 s5, $0x1;
	s6 =	sadd.s32 s21, s4  }
0xa3: {  	[timem:s22], [sflag:s7] =	dma.local [hbm:s6], s5  }
0xa4: {  	_ =	swait.ge [sflag:s7], s5  }
0xa5: {  	s5 =	ssub.s32 $0x0, s5;
	[sflag:s7] =	ssyncset.done $0x0  }
0xa6: {  	[sflag:s7] =	ssyncadd.s32 s5;
	_ =	sdelay $0x1  }
0xa7: {  	s23 =	simm.s32 $0x1B8B  }
0xa8: {  	_ =	swait.ge [sflag:s23], $0x1  }
0xa9: {  	[sflag:s23] =	ssyncset.done $0x0  }
0xaa: {  	[sflag:s23] =	ssyncadd.s32 $0xFFFFFFFF  }
0xab: {  	s5 =	sld [smem:$0x0]  }
0xac: {  	s6 =	sand.u32 $0xFFFFFFFE, s1  }
0xad: {  	p0 =	sne.s32 s1, s6  }
0xae: {  	s6 =	sshll.u32 @p0 s6, $0xE  }
0xaf: {  	s6 =	sadd.s32 @p0 $0x11B8D, s6;
	s7 =	sshll.u32 @p0 s5, $0x11  }
0xb0: {  	s6 =	sor.u32 @p0 s7, s6  }
0xb1: {  	[sflag:s6] =	ssyncadd.remote.s32 @p0 $0x1;
	_ =	sdelay $0x1  }
0xb2: {  	s6 =	simm.s32 @p0 $0x1B8D  }
0xb3: {  	_ =	swait.eq @p0 [sflag:s6], $0x1  }
0xb4: {  	[sflag:s6] =	ssyncadd.s32 @p0 $0xFFFFFFFF  }
0xb5: {  	s7 =	sshll.u32 @!p0 s1, $0xE  }
0xb6: {  	s7 =	sor.u32 @!p0 $0x4000, s7;
	s6 =	simm.s32 @!p0 $0x1B8D  }
0xb7: {  	s5 =	sshll.u32 @!p0 s5, $0x11;
	s7 =	sadd.s32 @!p0 $0x11B8D, s7;
	_ =	swait.eq @!p0 [sflag:s6], $0x1  }
0xb8: {  	s5 =	sor.u32 @!p0 s5, s7;
	[sflag:s6] =	ssyncadd.s32 @!p0 $0xFFFFFFFF  }
0xb9: {  	s25 =	simm.s32 $0x1B8E;
	s24 =	sld [smem:$0x3FFE];
	[sflag:s5] =	ssyncadd.remote.s32 @!p0 $0x1  }
0xba: {  	s26 =	simm.s32 $execute0_lowered;
	[smem:$0x3FD2] =	sst s25  }
0xbb: {  	s6 =	sshll.u32 s26, $0x1;
	_ =	strace $0x80000049;
	[dreg:$0x1] =	wrdreg $0xFFFFFFFF  }
0xbc: {  	s28 =	simm.s32 $_size_execute0_lowered;
	s4 =	sadd.s32 s4, s6;
	[dreg:$0x0] =	wrdreg $0x0  }
0xbd: {  	s6 =	sshll.u32 s28, $0x1;
	[dreg:$0x2] =	wrdreg s4  }
0xbe: {  	[dreg:$0x3] =	wrdreg s6  }
0xbf: {  	[dreg:$0x4] =	wrdreg $0xC0  }
0xc0: {  	_ =	task [dreg:s22], $0x5FFFF  }
0xc1: {  	[dreg:$0x1] =	wrdreg $0xFFFFFFFF  }
0xc2: {  	[dreg:$0x0] =	wrdreg $0x60  }
0xc3: {  	[dreg:$0x2] =	wrdreg s24  }
0xc4: {  	[dreg:$0x3] =	wrdreg s17  }
0xc5: {  	[dreg:$0x4] =	wrdreg $0x0  }
0xc6: {  	[dreg:$0x5] =	wrdreg $0x9  }
0xc7: {  	_ =	task.clear_ibuf [dreg:s22], $0x6FFFF;
	_ =	strace $0x90000049  }
0xc8: {  	s29 =	simm.s32 $0x9;
	_ =	strace $0x8000004B  }
0xc9: {  	_ =	swait.ge [sflag:s29], $0x1  }
0xca: {  	[sflag:s29] =	ssyncadd.s32 $0xFFFFFFFF  }
0xcb: {  	_ =	strace $0x9000004B  }
0xcc: {  	_ =	sfence  }
0xcd: {  	s30 =	sld [smem:$0x0];
	_ =	sdelay $0x2  }
0xce: {  	s31 =	sshll.u32 s1, $0xD;
	s1 =	sshrl.u32 s1, $0x2  }
0xcf: {  	s4 =	sand.u32 $0x4000, s31;
	s1 =	sadd.s32 s1, s30  }
0xd0: {  	s0 =	sor.u32 s4, s0;
	s1 =	sshll.u32 s1, $0x11  }
0xd1: {  	s0 =	sor.u32 s1, s0  }
0xd2: {  	s0 =	sadd.s32 $0x8F2B, s0  }
0xd3: {  	[sflag:s0] =	ssyncadd.remote.s32 $0x1  }
0xd4: {  	_ =	sfence.sel $0xFFFF  }
0xd5: {  	[dreg:$0x0] =	wrdreg $0xFFFFFFFF;
	(pc) =	sbr.abs _section_cstart, $3  }
0xd6: {  	[dreg:$0x1] =	wrdreg $0xFFFFFFFF  }
0xd7: {  	_ =	task.clear_ibuf [dreg:s22], $0x2FFFF;
	_ =	strace $0x9FFFFFFF  }
0xd8: {  	(tm) =	ssettm $0x7FFFFFFF  }
0xd9: {  	_ =	shalt  }
tec
execute0_lowered:
.L_overlay_start_1:
0x0: {  	(tag) =	ssettag $0x1  }
0x1: {  	s0 =	rddreg [dreg:$0x0]  }
0x2: {  	s4 =	rddreg [dreg:$0x1]  }
0x3: {  	s1 =	rddreg [dreg:$0x2];
	s3 =	srdreg.scid;
	s2 =	simm.s32 $0x0  }
0x4: {  	s6 =	sand.u32 $0x1, s3;
	[smem:$0x7FF] =	sst s2  }
0x5: {  	s3 =	stileid.u32;
	s12 =	sadd.s32 $0x384200, s0;
	s5 =	smul.u32 $0x32000, s6  }
0x6: {  	s30 =	simm.s32 $0x0;
	_ =	strace $0x8000004A;
	s8 =	smul.u32 $0x18700, s3  }
0x7: {  	s17 =	ssub.s32 $0x2, s6;
	s10 =	smul.u32 $0x186, s3;
	s11 =	smin.u32 s3, $0xA  }
0x8: {  	s19 =	sshll.u32 s6, $0x2;
	s20 =	smul.u32 $0x30E00, s3;
	s14 =	sshll.u32 s6, $0x5  }
0x9: {  	s23 =	smul.u32 $0x1860, s3;
	p0 =	seq.s32 s3, $0xF;
	s9 =	sshrl.u32 s17, $0x1  }
0xa: {  	p1 =	slt.u32 s3, $0xA;
	s7 =	sadd.s32 s5, s0;
	s9 =	ssub.s32 s17, s9  }
0xb: {  	s18 =	sshrl.u32 s8, $0x3;
	s10 =	sadd.s32 s11, s10;
	s15 =	sadd.s32 s8, s1  }
0xc: {  	s0 =	sadd.s32 $0x39C8A0, s0;
	s8 =	sadd.s32 s19, s4;
	s17 =	smul.u32 $0x61C00, s3  }
0xd: {  	s21 =	sor.u32 s14, s20;
	s11 =	sshll.u32 s11, $0x4;
	s19 =	simm.s32 $0x1  }
0xe: {  	s20 =	simm.s32 $0x80;
	s13 =	sadd.s32 s18, s7;
	s18 =	sadd.s32 $0x16E900, s1  }
0xf: {  	s16 =	sshll.u32 s10, $0x4;
	s6 =	sadd.s32 $0x2BC200, s7;
	s8 =	sadd.s32 $0x5BA40, s8  }
0x10: {  	s9 =	smax.u32 s9, $0x1;
	s25 =	sadd.s32 s11, s23;
	s11 =	sadd.s32 $0xF5F20, s7  }
0x11: {  	s15 =	sshrl.u32 @!p0 s15, $0x3;
	s5 =	sadd.s32 s12, s16;
	[dreg:$0x5] =	wrdreg s8  }
0x12: {  	s8 =	sshrl.u32 s21, $0x3;
	s22 =	sshrl.u32 s17, $0x2;
	s10 =	sadd.s32 $0xC8200, s13  }
0x13: {  	s26 =	sadd.s32 $0x30, s25;
	[dreg:$0x4] =	wrdreg s18;
	s13 =	sshrl.u32 @p0 s18, $0x3  }
0x14: {  	s16 =	sadd.s32 s16, s0;
	s21 =	simm.s32 $0x18FA0;
	s4 =	sadd.s32 s4, s8  }
0x15: {  	s24 =	sadd.s32 s22, s1;
	s28 =	sadd.s32 s12, s26;
	s12 =	sshll.u32 @!p0 s3, $0x6  }
.Ltmp0:
0x16: {  	s29 =	sadd.s32 s0, s26;
	s0 =	simm.s32 @!p1 $0x0;
	(pc) =	sbr.rel .LBB2_1-.Ltmp0, $4  }
0x17: {  	[dreg:$0x6] =	wrdreg s4;
	s0 =	simm.s32 @p1 $0x1;
	p1 =	sgt.u32 s3, $0x9  }
0x18: {  	s31 =	sshrl.u32 s24, $0x3;
	[smem:$0x7FC] =	sst s0;
	s0 =	simm.s32 @!p1 $0x0  }
0x19: {  	s22 =	simm.s32 $0x2;
	[dreg:$0x7] =	wrdreg s31;
	s0 =	simm.s32 @p1 $0x1  }
0x1a: {  	s26 =	simm.s32 $0x4;
	s14 =	sor.u32 @!p0 $0x1C04, s12;
	[smem:$0x7FD] =	sst s0  }
.LBB2_15:
0x1b: {  	s0 =	rddreg [dreg:$0x4]  }
0x1c: {  	s4 =	rddreg [dreg:$0x5]  }
0x1d: {  	s7 =	simm.s32 $0x8;
	s8 =	simm.s32 $0x1FC4;
	s0 =	sshrl.u32 s0, $0x3  }
0x1e: {  	[hbm:s4@s7], [sflag:s8] =	dma.strided [spmem:s0@s26], $0x3020, s19, $0x4   }
0x1f: {  	_ =	swait.ge [sflag:s26], $0x3020  }
0x20: {  	[sflag:s26] =	ssyncset.done $0x0  }
0x21: {  	[sflag:s26] =	ssyncadd.s32 $0xFFFFCFE0  }
.LBB2_16:
0x22: {  	s30 =	sadd.s32 $0x1, s30  }
0x23: {  	p1 =	sne.s32 s30, s9  }
.Ltmp1:
0x24: {  	_ = 	snop;
	(pc) =	sbr.rel @!p1 .LBB2_17-.Ltmp1, $1  }
0x25: {  	_ =	sdelay $0x3  }
.LBB2_1:
0x26: {  	s0 =	simm.s32 @p0 $0x1FC4  }
0x27: {  	[spmem:s13], [sflag:s0] =	dma.local @p0 [hbm:s11], $0x3020  }
0x28: {  	s0 =	simm.s32 @p0 $0x4  }
0x29: {  	_ =	swait.ge @p0 [sflag:s0], $0x3020  }
0x2a: {  	[sflag:s0] =	ssyncset.done @p0 $0x0  }
0x2b: {  	[sflag:s0] =	ssyncadd.s32 @p0 $0xFFFFCFE0;
	s0 =	simm.s32 @!p0 $0x4  }
0x2c: {  	[spmem:s15], [sflag:s14] =	dma.local @!p0 [hbm:s10], $0x30E0  }
0x2d: {  	_ =	swait.ge @!p0 [sflag:s0], $0x30E0  }
0x2e: {  	[sflag:s0] =	ssyncset.done @!p0 $0x0  }
0x2f: {  	s25 =	simm.s32 $0x186A0;
	[sflag:s0] =	ssyncadd.s32 @!p0 $0xFFFFCF20  }
0x30: {  	s31 =	simm.s32 $0x18B20;
	s18 =	smov.u32 s29;
	[bflag:$0x0] =	sbarrier.arrive $0xFFFF  }
0x31: {  	[tilespmem:s25], [sflag:$0x1] =	stream.linear.gather [hbm4b:s16+s2], $0x180, $0x38;
	[tilespmem:$0x1EFA0] =	vst v63  }
0x32: {  	s12 =	smov.u32 s28;
	s7 =	simm.s32 $0x0;
	s0 =	simm.s32 $0xFFFFFFFF  }
0x33: {  	[tilespmem:s31], [sflag:$0x1] =	stream.linear.gather [hbm4b:s5+s2], $0x180, $0x38;
	[tilespmem:$0x1EFA0] =	vst v63  }
.LBB2_2:
0x34: {  	p3 =	slt.u32 s7, $0x2  }
0x35: {  	s4 =	simm.s32 @!p3 $0x3  }
0x36: {  	p2 =	slt.u32 @!p3 s3, $0xA;
	p4 =	seq.s32 @!p3 s7, $0x82;
	_ =	swait.ge @!p3 [sflag:s4], $0x1000  }
0x37: {  	p6 =	slt.u32 @!p3 s7, $0x82;
	p2 =	por @!p3 !p2, !p4;
	[sflag:s4] =	ssyncset.done @!p3 $0x0  }
0x38: {  	p5 =	por p3, p6;
	p4 =	por @!p3 !p2, !p2;
	[sflag:s4] =	ssyncadd.s32 @!p3 $0xFFFFF000  }
0x39: {  	p2 =	por p5, p4;
	_ =	swait.ge @!p3 [sflag:s4], $0x1000  }
.Ltmp2:
0x3a: {  	[sflag:s4] =	ssyncset.done @!p3 $0x0;
	(pc) =	sbr.rel @p2 .LBB2_3-.Ltmp2, $4  }
0x3b: {  	[sflag:s4] =	ssyncadd.s32 @!p3 $0xFFFFF000  }
0x3c: {  	_ =	swait.ge @!p3 [sflag:s4], $0x1000  }
0x3d: {  	[sflag:s4] =	ssyncset.done @!p3 $0x0  }
0x3e: {  	[sflag:s4] =	ssyncadd.s32 @!p3 $0xFFFFF000  }
0x3f: {  	p1 =	seq.s32 s7, $0x83  }
.Ltmp3:
0x40: {  	_ = 	snop;
	(pc) =	sbr.rel @!p1 .LBB2_6-.Ltmp3, $4  }
.Ltmp4:
0x41: {  	_ = 	snop;
	(pc) =	sbr.rel @p1 .LBB2_7-.Ltmp4, $4  }
0x42: {  	_ = 	snop  }
0x43: {  	_ = 	snop  }
0x44: {  	_ = 	snop  }
0x45: {  	_ = 	snop  }
.LBB2_3:
0x46: {  	_ =	swait.ge [sflag:s19], $0x180  }
0x47: {  	s4 =	sld [smem:$0x7FC];
	_ =	sdelay $0x2  }
0x48: {  	p2 =	seq.s32 s7, $0x81;
	p1 =	seq.s32 s4, $0x1  }
0x49: {  	p2 =	por !p1, !p2  }
0x4a: {  	p1 =	slt.u32 s7, $0x81;
	p2 =	por !p2, !p2  }
0x4b: {  	p1 =	por p1, p2  }
0x4c: {  	s4 =	sadd.s32 @p1 $0x1, s7  }
0x4d: {  	s17 =	smul.u32 @p1 $0xAB, s4;
	_ =	sdelay $0x1  }
0x4e: {  	s17 =	sshrl.u32 @p1 s17, $0x9  }
0x4f: {  	s17 =	sand.u32 @p1 $0x7F, s17  }
0x50: {  	s17 =	smul.u32 @p1 $0x3, s17;
	_ =	sdelay $0x1  }
0x51: {  	[sflag:s19] =	ssyncset.done $0x0;
	s4 =	ssub.s32 @p1 s4, s17  }
0x52: {  	[sflag:s19] =	ssyncadd.s32 $0xFFFFFE80;
	s4 =	sand.u32 @p1 $0xFF, s4  }
0x53: {  	_ =	swait.ge [sflag:s19], $0x180;
	s4 =	smul.u32 @p1 $0x180, s4  }
0x54: {  	[sflag:s19] =	ssyncset.done $0x0  }
0x55: {  	[sflag:s19] =	ssyncadd.s32 $0xFFFFFE80;
	s17 =	sadd.s32 @p1 $0x186A0, s4  }
0x56: {  	[tilespmem:s17], [sflag:$0x1] =	stream.linear.gather @p1 [hbm4b:s18+s2], $0x180, $0x38;
	[tilespmem:$0x1EFA0] =	vst v63  }
0x57: {  	s25 =	smul.u32 $0xAB, s7;
	s4 =	sadd.s32 @p1 $0x18B20, s4  }
0x58: {  	[tilespmem:s4], [sflag:$0x1] =	stream.linear.gather @p1 [hbm4b:s12+s2], $0x180, $0x38;
	[tilespmem:$0x1EFA0] =	vst v63  }
0x59: {  	s4 =	sshrl.u32 s25, $0x9  }
0x5a: {  	p2 =	por $0x1, $0x1;
	s4 =	sand.u32 $0x7F, s4  }
0x5b: {  	p2 =	por @!p3 p6, p6;
	s4 =	smul.u32 $0x3, s4  }
0x5c: {  	p2 =	por @!p5 p6, p6  }
0x5d: {  	s17 =	sand.u32 @p2 $0x1, s7;
	s4 =	ssub.s32 s7, s4  }
0x5e: {  	p1 =	seq.s32 @p2 s17, $0x1;
	s4 =	sand.u32 $0xFF, s4  }
0x5f: {  	s17 =	simm.s32 @p2 $0x3000;
	p1 =	por !p1, !p2;
	s25 =	smul.u32 @p2 $0x600, s4  }
0x60: {  	s17 =	simm.s32 @p1 $0x0;
	p1 =	por $0x0, $0x0  }
0x61: {  	s24 =	simm.s32 @p2 $0x80;
	p1 =	por @!p3 p4, p4;
	s25 =	sshrl.u32 @p2 s25, $0x2  }
0x62: {  	s23 =	sor.u32 @p2 $0x18FA0, s17;
	p1 =	por @!p5 p4, p4;
	s8 =	sadd.s32 @p2 $0x186A0, s25  }
0x63: {  	[tilespmem:s23], [sflag:$0x2] =	stream.indirect.gather @p2 [hbm4b:s6+s24], $0x20, s8, s24, $0xb8;
	[tilespmem:$0x1EFA0] =	vst v63  }
.Ltmp5:
0x64: {  	_ = 	snop;
	(pc) =	sbr.rel @!p1 .LBB2_9-.Ltmp5, $4  }
0x65: {  	s8 =	sadd.s32 @p2 $0x19FA0, s17;
	s23 =	sadd.s32 @p2 $0x18720, s25  }
0x66: {  	[tilespmem:s8], [sflag:$0x2] =	stream.indirect.gather @p2 [hbm4b:s6+s24], $0x20, s23, s24, $0xb8;
	[tilespmem:$0x1EFA0] =	vst v63  }
0x67: {  	s8 =	sadd.s32 @p2 $0x1AFA0, s17;
	s17 =	sadd.s32 @p2 $0x187A0, s25  }
0x68: {  	[tilespmem:s8], [sflag:$0x2] =	stream.indirect.gather @p2 [hbm4b:s6+s24], $0x20, s17, s24, $0xb8;
	[tilespmem:$0x1EFA0] =	vst v63  }
0x69: {  	s4 =	smul.u32 $0x600, s4  }
.Ltmp6:
0x6a: {  	_ = 	snop;
	(pc) =	sbr.rel .LBB2_6-.Ltmp6, $4  }
0x6b: {  	_ = 	snop  }
0x6c: {  	s4 =	sshrl.u32 s4, $0x2  }
0x6d: {  	s4 =	sadd.s32 $0x186A0, s4  }
0x6e: {  	[tilespmem:s21], [sflag:$0x2] =	stream.indirect.gather [hbm4b:s6+s20], $0x20, s4, s20, $0xb8;
	[tilespmem:$0x1EFA0] =	vst v63  }
.LBB2_9:
0x6f: {  	p1 =	seq.s32 s7, $0x0  }
.Ltmp7:
0x70: {  	_ = 	snop;
	(pc) =	sbr.rel @p1 .LBB2_10-.Ltmp7, $1  }
0x71: {  	_ =	sdelay $0x3  }
.LBB2_6:
0x72: {  	_ =	swait.ge [sflag:s22], $0x1000  }
0x73: {  	s4 =	smulhi.u32 $0xAAAAAAAB, s0;
	[sflag:s22] =	ssyncset.done $0x0  }
0x74: {  	[sflag:s22] =	ssyncadd.s32 $0xFFFFF000  }
0x75: {  	s4 =	sshrl.u32 s4, $0x1;
	_ =	swait.ge [sflag:s22], $0x1000  }
0x76: {  	s8 =	sand.u32 $0x1, s7;
	s4 =	smul.u32 $0xFFFFEE00, s4;
	[sflag:s22] =	ssyncset.done $0x0  }
0x77: {  	p1 =	seq.s32 s8, $0x1;
	[sflag:s22] =	ssyncadd.s32 $0xFFFFF000  }
0x78: {  	s8 =	simm.s32 $0x0;
	s4 =	sshra.s32 s4, $0x2;
	_ =	swait.ge [sflag:s22], $0x1000  }
0x79: {  	s8 =	simm.s32 @!p1 $0x3000;
	s4 =	sadd.s32 s4, s31;
	[sflag:s22] =	ssyncset.done $0x0  }
0x7a: {  	s17 =	sor.u32 $0x18FA0, s8;
	s23 =	sadd.s32 $0xFFFFFE80, s4;
	[sflag:s22] =	ssyncadd.s32 $0xFFFFF000  }
0x7b: {  	[spmem:s1] =	stream.indirect.scatter.add.f32 [tilespmem:s17], [sflag:$0x3], $0x20, s23, s20, $0xb8;
	[tilespmem:$0x1EFA0] =	vst v63  }
0x7c: {  	s24 =	sadd.s32 $0x19FA0, s8;
	s25 =	sadd.s32 $0xFFFFFF00, s4  }
0x7d: {  	[spmem:s1] =	stream.indirect.scatter.add.f32 [tilespmem:s24], [sflag:$0x3], $0x20, s25, s20, $0xb8;
	[tilespmem:$0x1EFA0] =	vst v63  }
0x7e: {  	s8 =	sadd.s32 $0x1AFA0, s8;
	s4 =	sadd.s32 $0xFFFFFF80, s4  }
0x7f: {  	[spmem:s1] =	stream.indirect.scatter.add.f32 [tilespmem:s8], [sflag:$0x3], $0x20, s4, s20, $0xb8;
	[tilespmem:$0x1EFA0] =	vst v63  }
.LBB2_10:
0x80: {  	s7 =	sadd.s32 $0x1, s7  }
0x81: {  	p1 =	sne.s32 s7, $0x84  }
.Ltmp8:
0x82: {  	_ = 	snop;
	(pc) =	sbr.rel @p1 .LBB2_2-.Ltmp8, $3  }
0x83: {  	_ =	sdelay $0x1  }
0x84: {  	s12 =	sadd.s32 $0x30, s12  }
0x85: {  	s18 =	sadd.s32 $0x30, s18;
	s31 =	sadd.s32 $0x180, s31;
	s0 =	sadd.s32 $0x1, s0  }
0x86: {  	s0 =	sld [smem:$0x7FD];
	_ =	sdelay $0x2  }
0x87: {  	p1 =	seq.s32 s0, $0x1  }
.Ltmp9:
0x88: {  	_ = 	snop;
	(pc) =	sbr.rel @p1 .LBB2_13-.Ltmp9, $4  }
.Ltmp10:
0x89: {  	_ = 	snop;
	(pc) =	sbr.rel @!p1 .LBB2_12-.Ltmp10, $4  }
0x8a: {  	_ = 	snop  }
0x8b: {  	_ = 	snop  }
0x8c: {  	_ = 	snop  }
0x8d: {  	_ = 	snop  }
.LBB2_7:
0x8e: {  	s0 =	sld [smem:$0x7FD];
	_ =	sdelay $0x2  }
0x8f: {  	p1 =	seq.s32 s0, $0x1  }
.Ltmp11:
0x90: {  	_ = 	snop;
	(pc) =	sbr.rel @p1 .LBB2_13-.Ltmp11, $1  }
0x91: {  	_ =	sdelay $0x3  }
0x92: {  	_ =	swait.ge [sflag:s22], $0x1000  }
0x93: {  	[sflag:s22] =	ssyncset.done $0x0  }
0x94: {  	s0 =	simm.s32 $0x18CA0;
	[sflag:s22] =	ssyncadd.s32 $0xFFFFF000  }
0x95: {  	[spmem:s1] =	stream.indirect.scatter.add.f32 [tilespmem:s21], [sflag:$0x3], $0x20, s0, s20, $0xb8;
	[tilespmem:$0x1EFA0] =	vst v63  }
.LBB2_12:
0x96: {  	s0 =	simm.s32 $0x3  }
.Ltmp12:
0x97: {  	_ =	swait.ge [sflag:s0], $0x1000;
	(pc) =	sbr.rel .LBB2_14-.Ltmp12, $3  }
0x98: {  	[sflag:s0] =	ssyncset.done $0x0  }
0x99: {  	[sflag:s0] =	ssyncadd.s32 $0xFFFFF000  }
0x9a: {  	[bflag:$0x0] =	sbarrier.arrive $0xFFFF;
	_ =	sdelay $0x1  }
.LBB2_13:
.Ltmp13:
0x9b: {  	(pc) =	sbr.rel @p0 .LBB2_15-.Ltmp13, $2  }
0x9c: {  	_ =	sdelay $0x1  }
0x9d: {  	[bflag:$0x0] =	sbarrier.arrive $0xFFFF;
	_ =	sdelay $0x1  }
.LBB2_14:
0x9e: {  	s4 =	rddreg [dreg:$0x6]  }
0x9f: {  	s0 =	sshll.u32 s3, $0x6;
	s7 =	rddreg [dreg:$0x7]  }
.Ltmp14:
0xa0: {  	s8 =	simm.s32 $0x8;
	s0 =	sor.u32 $0x1C04, s0;
	(pc) =	sbr.rel .LBB2_16-.Ltmp14, $4  }
0xa1: {  	[hbm:s4@s8], [sflag:s0] =	dma.strided [spmem:s7@s26], $0x30E0, s19, $0x4   }
0xa2: {  	_ =	swait.ge [sflag:s26], $0x30E0  }
0xa3: {  	[sflag:s26] =	ssyncset.done $0x0  }
0xa4: {  	[sflag:s26] =	ssyncadd.s32 $0xFFFFCF20  }
.LBB2_17:
0xa5: {  	_ =	sfence.sel $0x180000  }
0xa6: {  	[bflag:$0x0] =	sbarrier.arrive $0xFFFF  }
0xa7: {  	_ =	strace $0x9000004A  }
0xa8: {  	[bflag:$0x2] =	sbarrier.arrive $0xFFFF  }
0xa9: {  	p0 =	sne.s32 s3, $0x0;
	s0 =	rddreg [dreg:$0x3]  }
0xaa: {  	s0 =	sadd.s32 @!p0 $0x100000, s0  }
0xab: {  	[sflag:s0] =	ssyncadd.tile.s32 @!p0 $0x1;
	_ =	shalt  }
.Lfunc_end2:
_tile_overlayer_lowered:
.L_overlay_start_2:
0xac: {  	(tag) =	ssettag $0x2  }
0xad: {  	s0 =	rddreg [dreg:$0x0];
	s2 =	stileid.u32  }
0xae: {  	s1 =	rddreg [dreg:$0x1];
	p0 =	sne.s32 s2, $0x0  }
0xaf: {  	s3 =	rddreg [dreg:$0x2];
	[bflag:$0x3] =	sbarrier.arrive $0xFFFF;
	s2 =	simm.s32 @!p0 $0x1C04  }
0xb0: {  	[timem:s3], [sflag:s2] =	dma.local @!p0 [hbm:s0], s1  }
0xb1: {  	s0 =	simm.s32 @!p0 $0x4  }
0xb2: {  	_ =	swait.ge @!p0 [sflag:s0], s1  }
0xb3: {  	s1 =	ssub.s32 @!p0 $0x0, s1;
	[sflag:s0] =	ssyncset.done @!p0 $0x0  }
0xb4: {  	[sflag:s0] =	ssyncadd.s32 @!p0 s1  }
0xb5: {  	[bflag:$0x3] =	sbarrier.arrive $0xFFFF  }
0xb6: {  	_ =	shalt  }

</sc_bundles>
